<compile_context>
chip_gen: v7x
topology: tpu7x:2x2x1
jax: 0.10.2.dev20260603
libtpu: 0.0.44.dev20260713+nightly
codegen_flags: <defaults>
</compile_context>

<pallas_src>
import functools

import jax
import jax.numpy as jnp
from jax import lax
from jax.experimental import pallas as pl
from jax.experimental.pallas import tpu as pltpu
from jax.experimental.pallas import tpu_sc as plsc

B = 8
F = 128
H = 50
W = 50
SEGS = ((0, 13), (13, 13), (26, 12), (38, 12))


def _expand_segment(traw_v, tab_v, seg_off, seg_len):
    def body(p, carry):
        for kk in range(F // 16):
            v = traw_v[p, pl.ds(kk * 16, 16)]
            for r in range(B):
                tab_v[p, r, pl.ds(kk * 16, 16)] = v
        return carry

    lax.fori_loop(seg_off, seg_off + seg_len, body, 0)


def _half_program(tbl_hbm, out_hbm, traw_v, tab_v, sem, sem_out, s, half):
    pltpu.async_copy(tbl_hbm, traw_v, sem).wait()

    def dst(k, seg_off, seg_len):
        if half == 0:
            return out_hbm.at[k, pl.ds(seg_off, seg_len), 0]
        return out_hbm.at[pl.ds(seg_off, seg_len), k, 1]

    copies = []
    for seg_off, seg_len in SEGS:
        _expand_segment(traw_v, tab_v, seg_off, seg_len)
        src = tab_v.at[pl.ds(seg_off, seg_len)]
        for i in range(3):
            copies.append(
                pltpu.async_copy(src, dst(s + 16 * i, seg_off, seg_len), sem_out)
            )

        @pl.when(s < 2)
        def _():
            pltpu.async_copy(src, dst(48 + s, seg_off, seg_len), sem_out).wait()

    for c in copies:
        c.wait()


def _pos_body(row_hbm, col_hbm, out_hbm, traw_v, tab_v, sem, sem_out):
    h = lax.axis_index("c")
    s = lax.axis_index("s")

    @pl.when(h == 0)
    def _():
        _half_program(row_hbm, out_hbm, traw_v, tab_v, sem, sem_out, s, 0)

    @pl.when(h == 1)
    def _():
        _half_program(col_hbm, out_hbm, traw_v, tab_v, sem, sem_out, s, 1)


@jax.jit
def _build_pos(row_embed, col_embed):
    mesh = plsc.VectorSubcoreMesh(core_axis_name="c", subcore_axis_name="s")
    k = functools.partial(
        pl.kernel,
        mesh=mesh,
        compiler_params=pltpu.CompilerParams(needs_layout_passes=False),
        out_type=jax.ShapeDtypeStruct((H, W, 2, B, F), jnp.float32),
        scratch_types=[
            pltpu.VMEM((H, F), jnp.float32),
            pltpu.VMEM((H, B, F), jnp.float32),
            pltpu.SemaphoreType.DMA,
            pltpu.SemaphoreType.DMA,
        ],
    )(_pos_body)
    return k(row_embed, col_embed)


def kernel(uv_feat, row_embed, col_embed):
    tiles = _build_pos(row_embed, col_embed)
    out = tiles.transpose(3, 2, 4, 0, 1)
    return out.reshape(B, 2 * F, H, W)

# --- scband reference (transcript-rebuilt; emitter-appended) ---
"""Pipeline reference for scband-position-embedding-learned-24601572671997 (READ-ONLY COPY).

The authoritative reference and input builder live on the scoring server;
editing this copy changes nothing except your own understanding.
"""

import jax, jax.numpy as jnp
import numpy as np

H_TAB = 50
W_TAB = 50
NUM_POS_FEATS = 128

def setup_inputs(seed: int = 0) -> dict:
    key = jax.random.key(seed)
    k1, k2, k3 = jax.random.split(key, 3)
    uv_feat = jax.random.normal(k1, (8, 256, 50, 50), dtype=jnp.float32)
    # nn.init.uniform_ defaults to U[0,1)
    col_embed = jax.random.uniform(k2, (H_TAB, NUM_POS_FEATS), dtype=jnp.float32)
    row_embed = jax.random.uniform(k3, (W_TAB, NUM_POS_FEATS), dtype=jnp.float32)
    return {"uv_feat": uv_feat, "row_embed": row_embed, "col_embed": col_embed}

def reference(uv_feat, row_embed, col_embed):
    b = uv_feat.shape[0]
    h, w = uv_feat.shape[-2], uv_feat.shape[-1]
    i = jnp.arange(w)
    j = jnp.arange(h)
    x_emb = jnp.take(row_embed, i, axis=0)  # [w, F]
    y_emb = jnp.take(col_embed, j, axis=0)  # [h, F]
    xe = jnp.tile(x_emb[None, :, :], (h, 1, 1))      # [h, w, F]
    ye = jnp.tile(y_emb[:, None, :], (1, w, 1))      # [h, w, F]
    pos = jnp.concatenate([xe, ye], axis=-1)          # [h, w, 2F]
    pos = jnp.transpose(pos, (2, 0, 1))               # [2F, h, w]
    pos = jnp.tile(pos[None, :, :, :], (b, 1, 1, 1))  # [b, 2F, h, w]
    return pos

if __name__ == "__main__":
    import jax
    _d = setup_inputs()
    print(jax.jit(kernel)(*tuple(_d.values())))

</pallas_src>

<mosaic_0001>
#map = affine_map<(d0, d1) -> (0, 0)>
#map1 = affine_map<(d0, d1) -> (0, 0, 0, 0, 0)>
module attributes {stable_mosaic.version = 14 : i64} {
  func.func @_pos_body(%arg0: i32, %arg1: i32, %arg2: memref<50x128xf32, #tpu.memory_space<hbm>>, %arg3: memref<50x128xf32, #tpu.memory_space<hbm>>, %arg4: memref<50x50x2x8x128xf32, #tpu.memory_space<hbm>>, %arg5: memref<50x128xf32, #tpu.memory_space<vmem>>, %arg6: memref<50x8x128xf32, #tpu.memory_space<vmem>>, %arg7: memref<!tpu.dma_semaphore, #tpu.memory_space<semaphore_mem>>, %arg8: memref<!tpu.dma_semaphore, #tpu.memory_space<semaphore_mem>>) attributes {dimension_semantics = [#tpu.dimension_semantics<core_parallel>, #tpu.dimension_semantics<subcore_parallel>], iteration_bounds = array<i64: 2, 16>, scalar_prefetch = 0 : i64, scratch_operands = 4 : i64, tpu.core_type = #tpu.core_type<sc_vector_subcore>, window_params = [{transform_indices = #map}, {transform_indices = #map}, {transform_indices = #map1}]} {
    %eq3A = arith.constant 0 : i32
    %eq3A_0 = arith.cmpi eq, %arg0, %eq3A : i32
    %convert_element_type3A = arith.extui %eq3A_0 : i1 to i32
    %cond3A = arith.constant 0 : i32
    %cond3A_1 = arith.cmpi ne, %convert_element_type3A, %cond3A : i32
    scf.if %cond3A_1 {
      tpu.enqueue_dma source(%arg2 : memref<50x128xf32, #tpu.memory_space<hbm>>) target(%arg5 : memref<50x128xf32, #tpu.memory_space<vmem>>) target_semaphore(%arg7 : memref<!tpu.dma_semaphore, #tpu.memory_space<semaphore_mem>>)
      tpu.wait_dma2 semaphore(%arg7 : memref<!tpu.dma_semaphore, #tpu.memory_space<semaphore_mem>>) src(%arg2 : memref<50x128xf32, #tpu.memory_space<hbm>>) dst(%arg5 : memref<50x128xf32, #tpu.memory_space<vmem>>)
      %scan3A = arith.constant 0 : i32
      %scan3A_7 = arith.constant 0 : i32
      %scan3A_8 = arith.constant 13 : i32
      %scan3A_9 = arith.addi %scan3A_7, %scan3A_8 : i32
      %scan3A_10 = arith.constant 1 : i32
      scf.for %scan3A_526 = %scan3A_7 to %scan3A_9 step %scan3A_10  : i32 {
        %get3A = arith.index_cast %scan3A_526 : i32 to index
        %get3A_527 = arith.constant 0 : index
        %get3A_528 = tpu.vector_load %arg5[%get3A, %get3A_527] {strides = array<i32>} : memref<50x128xf32, #tpu.memory_space<vmem>>, vector<16xf32>,
        %swap3A = arith.constant 0 : i32
        %swap3A_529 = arith.index_cast %scan3A_526 : i32 to index
        %swap3A_530 = arith.index_cast %swap3A : i32 to index
        %swap3A_531 = arith.constant 0 : index
        %swap3A_532 = tpu.vector_load %arg6[%swap3A_529, %swap3A_530, %swap3A_531] {strides = array<i32>} : memref<50x8x128xf32, #tpu.memory_space<vmem>>, vector<16xf32>,
        tpu.vector_store %arg6[%swap3A_529, %swap3A_530, %swap3A_531], %get3A_528 {strides = array<i32>} : memref<50x8x128xf32, #tpu.memory_space<vmem>>, vector<16xf32>,
        %swap3A_533 = arith.constant 1 : i32
        %swap3A_534 = arith.index_cast %scan3A_526 : i32 to index
        %swap3A_535 = arith.index_cast %swap3A_533 : i32 to index
        %swap3A_536 = arith.constant 0 : index
        %swap3A_537 = tpu.vector_load %arg6[%swap3A_534, %swap3A_535, %swap3A_536] {strides = array<i32>} : memref<50x8x128xf32, #tpu.memory_space<vmem>>, vector<16xf32>,
        tpu.vector_store %arg6[%swap3A_534, %swap3A_535, %swap3A_536], %get3A_528 {strides = array<i32>} : memref<50x8x128xf32, #tpu.memory_space<vmem>>, vector<16xf32>,
        %swap3A_538 = arith.constant 2 : i32
        %swap3A_539 = arith.index_cast %scan3A_526 : i32 to index
        %swap3A_540 = arith.index_cast %swap3A_538 : i32 to index
        %swap3A_541 = arith.constant 0 : index
        %swap3A_542 = tpu.vector_load %arg6[%swap3A_539, %swap3A_540, %swap3A_541] {strides = array<i32>} : memref<50x8x128xf32, #tpu.memory_space<vmem>>, vector<16xf32>,
        tpu.vector_store %arg6[%swap3A_539, %swap3A_540, %swap3A_541], %get3A_528 {strides = array<i32>} : memref<50x8x128xf32, #tpu.memory_space<vmem>>, vector<16xf32>,
        %swap3A_543 = arith.constant 3 : i32
        %swap3A_544 = arith.index_cast %scan3A_526 : i32 to index
        %swap3A_545 = arith.index_cast %swap3A_543 : i32 to index
        %swap3A_546 = arith.constant 0 : index
        %swap3A_547 = tpu.vector_load %arg6[%swap3A_544, %swap3A_545, %swap3A_546] {strides = array<i32>} : memref<50x8x128xf32, #tpu.memory_space<vmem>>, vector<16xf32>,
        tpu.vector_store %arg6[%swap3A_544, %swap3A_545, %swap3A_546], %get3A_528 {strides = array<i32>} : memref<50x8x128xf32, #tpu.memory_space<vmem>>, vector<16xf32>,
        %swap3A_548 = arith.constant 4 : i32
        %swap3A_549 = arith.index_cast %scan3A_526 : i32 to index
        %swap3A_550 = arith.index_cast %swap3A_548 : i32 to index
        %swap3A_551 = arith.constant 0 : index
        %swap3A_552 = tpu.vector_load %arg6[%swap3A_549, %swap3A_550, %swap3A_551] {strides = array<i32>} : memref<50x8x128xf32, #tpu.memory_space<vmem>>, vector<16xf32>,
        tpu.vector_store %arg6[%swap3A_549, %swap3A_550, %swap3A_551], %get3A_528 {strides = array<i32>} : memref<50x8x128xf32, #tpu.memory_space<vmem>>, vector<16xf32>,
        %swap3A_553 = arith.constant 5 : i32
        %swap3A_554 = arith.index_cast %scan3A_526 : i32 to index
        %swap3A_555 = arith.index_cast %swap3A_553 : i32 to index
        %swap3A_556 = arith.constant 0 : index
        %swap3A_557 = tpu.vector_load %arg6[%swap3A_554, %swap3A_555, %swap3A_556] {strides = array<i32>} : memref<50x8x128xf32, #tpu.memory_space<vmem>>, vector<16xf32>,
        tpu.vector_store %arg6[%swap3A_554, %swap3A_555, %swap3A_556], %get3A_528 {strides = array<i32>} : memref<50x8x128xf32, #tpu.memory_space<vmem>>, vector<16xf32>,
        %swap3A_558 = arith.constant 6 : i32
        %swap3A_559 = arith.index_cast %scan3A_526 : i32 to index
        %swap3A_560 = arith.index_cast %swap3A_558 : i32 to index
        %swap3A_561 = arith.constant 0 : index
        %swap3A_562 = tpu.vector_load %arg6[%swap3A_559, %swap3A_560, %swap3A_561] {strides = array<i32>} : memref<50x8x128xf32, #tpu.memory_space<vmem>>, vector<16xf32>,
        tpu.vector_store %arg6[%swap3A_559, %swap3A_560, %swap3A_561], %get3A_528 {strides = array<i32>} : memref<50x8x128xf32, #tpu.memory_space<vmem>>, vector<16xf32>,
        %swap3A_563 = arith.constant 7 : i32
        %swap3A_564 = arith.index_cast %scan3A_526 : i32 to index
        %swap3A_565 = arith.index_cast %swap3A_563 : i32 to index
        %swap3A_566 = arith.constant 0 : index
        %swap3A_567 = tpu.vector_load %arg6[%swap3A_564, %swap3A_565, %swap3A_566] {strides = array<i32>} : memref<50x8x128xf32, #tpu.memory_space<vmem>>, vector<16xf32>,
        tpu.vector_store %arg6[%swap3A_564, %swap3A_565, %swap3A_566], %get3A_528 {strides = array<i32>} : memref<50x8x128xf32, #tpu.memory_space<vmem>>, vector<16xf32>,
        %get3A_568 = arith.index_cast %scan3A_526 : i32 to index
        %get3A_569 = arith.constant 16 : index
        %get3A_570 = tpu.vector_load %arg5[%get3A_568, %get3A_569] {strides = array<i32>} : memref<50x128xf32, #tpu.memory_space<vmem>>, vector<16xf32>,
        %swap3A_571 = arith.constant 0 : i32
        %swap3A_572 = arith.index_cast %scan3A_526 : i32 to index
        %swap3A_573 = arith.index_cast %swap3A_571 : i32 to index
        %swap3A_574 = arith.constant 16 : index
        %swap3A_575 = tpu.vector_load %arg6[%swap3A_572, %swap3A_573, %swap3A_574] {strides = array<i32>} : memref<50x8x128xf32, #tpu.memory_space<vmem>>, vector<16xf32>,
        tpu.vector_store %arg6[%swap3A_572, %swap3A_573, %swap3A_574], %get3A_570 {strides = array<i32>} : memref<50x8x128xf32, #tpu.memory_space<vmem>>, vector<16xf32>,
        %swap3A_576 = arith.constant 1 : i32
        %swap3A_577 = arith.index_cast %scan3A_526 : i32 to index
        %swap3A_578 = arith.index_cast %swap3A_576 : i32 to index
        %swap3A_579 = arith.constant 16 : index
        %swap3A_580 = tpu.vector_load %arg6[%swap3A_577, %swap3A_578, %swap3A_579] {strides = array<i32>} : memref<50x8x128xf32, #tpu.memory_space<vmem>>, vector<16xf32>,
        tpu.vector_store %arg6[%swap3A_577, %swap3A_578, %swap3A_579], %get3A_570 {strides = array<i32>} : memref<50x8x128xf32, #tpu.memory_space<vmem>>, vector<16xf32>,
        %swap3A_581 = arith.constant 2 : i32
        %swap3A_582 = arith.index_cast %scan3A_526 : i32 to index
        %swap3A_583 = arith.index_cast %swap3A_581 : i32 to index
        %swap3A_584 = arith.constant 16 : index
        %swap3A_585 = tpu.vector_load %arg6[%swap3A_582, %swap3A_583, %swap3A_584] {strides = array<i32>} : memref<50x8x128xf32, #tpu.memory_space<vmem>>, vector<16xf32>,
        tpu.vector_store %arg6[%swap3A_582, %swap3A_583, %swap3A_584], %get3A_570 {strides = array<i32>} : memref<50x8x128xf32, #tpu.memory_space<vmem>>, vector<16xf32>,
        %swap3A_586 = arith.constant 3 : i32
        %swap3A_587 = arith.index_cast %scan3A_526 : i32 to index
        %swap3A_588 = arith.index_cast %swap3A_586 : i32 to index
        %swap3A_589 = arith.constant 16 : index
        %swap3A_590 = tpu.vector_load %arg6[%swap3A_587, %swap3A_588, %swap3A_589] {strides = array<i32>} : memref<50x8x128xf32, #tpu.memory_space<vmem>>, vector<16xf32>,
        tpu.vector_store %arg6[%swap3A_587, %swap3A_588, %swap3A_589], %get3A_570 {strides = array<i32>} : memref<50x8x128xf32, #tpu.memory_space<vmem>>, vector<16xf32>,
        %swap3A_591 = arith.constant 4 : i32
        %swap3A_592 = arith.index_cast %scan3A_526 : i32 to index
        %swap3A_593 = arith.index_cast %swap3A_591 : i32 to index
        %swap3A_594 = arith.constant 16 : index
        %swap3A_595 = tpu.vector_load %arg6[%swap3A_592, %swap3A_593, %swap3A_594] {strides = array<i32>} : memref<50x8x128xf32, #tpu.memory_space<vmem>>, vector<16xf32>,
        tpu.vector_store %arg6[%swap3A_592, %swap3A_593, %swap3A_594], %get3A_570 {strides = array<i32>} : memref<50x8x128xf32, #tpu.memory_space<vmem>>, vector<16xf32>,
        %swap3A_596 = arith.constant 5 : i32
        %swap3A_597 = arith.index_cast %scan3A_526 : i32 to index
        %swap3A_598 = arith.index_cast %swap3A_596 : i32 to index
        %swap3A_599 = arith.constant 16 : index
        %swap3A_600 = tpu.vector_load %arg6[%swap3A_597, %swap3A_598, %swap3A_599] {strides = array<i32>} : memref<50x8x128xf32, #tpu.memory_space<vmem>>, vector<16xf32>,
        tpu.vector_store %arg6[%swap3A_597, %swap3A_598, %swap3A_599], %get3A_570 {strides = array<i32>} : memref<50x8x128xf32, #tpu.memory_space<vmem>>, vector<16xf32>,
        %swap3A_601 = arith.constant 6 : i32
        %swap3A_602 = arith.index_cast %scan3A_526 : i32 to index
        %swap3A_603 = arith.index_cast %swap3A_601 : i32 to index
        %swap3A_604 = arith.constant 16 : index
        %swap3A_605 = tpu.vector_load %arg6[%swap3A_602, %swap3A_603, %swap3A_604] {strides = array<i32>} : memref<50x8x128xf32, #tpu.memory_space<vmem>>, vector<16xf32>,
        tpu.vector_store %arg6[%swap3A_602, %swap3A_603, %swap3A_604], %get3A_570 {strides = array<i32>} : memref<50x8x128xf32, #tpu.memory_space<vmem>>, vector<16xf32>,
        %swap3A_606 = arith.constant 7 : i32
        %swap3A_607 = arith.index_cast %scan3A_526 : i32 to index
        %swap3A_608 = arith.index_cast %swap3A_606 : i32 to index
        %swap3A_609 = arith.constant 16 : index
        %swap3A_610 = tpu.vector_load %arg6[%swap3A_607, %swap3A_608, %swap3A_609] {strides = array<i32>} : memref<50x8x128xf32, #tpu.memory_space<vmem>>, vector<16xf32>,
        tpu.vector_store %arg6[%swap3A_607, %swap3A_608, %swap3A_609], %get3A_570 {strides = array<i32>} : memref<50x8x128xf32, #tpu.memory_space<vmem>>, vector<16xf32>,
        %get3A_611 = arith.index_cast %scan3A_526 : i32 to index
        %get3A_612 = arith.constant 32 : index
        %get3A_613 = tpu.vector_load %arg5[%get3A_611, %get3A_612] {strides = array<i32>} : memref<50x128xf32, #tpu.memory_space<vmem>>, vector<16xf32>,
        %swap3A_614 = arith.constant 0 : i32
        %swap3A_615 = arith.index_cast %scan3A_526 : i32 to index
        %swap3A_616 = arith.index_cast %swap3A_614 : i32 to index
        %swap3A_617 = arith.constant 32 : index
        %swap3A_618 = tpu.vector_load %arg6[%swap3A_615, %swap3A_616, %swap3A_617] {strides = array<i32>} : memref<50x8x128xf32, #tpu.memory_space<vmem>>, vector<16xf32>,
        tpu.vector_store %arg6[%swap3A_615, %swap3A_616, %swap3A_617], %get3A_613 {strides = array<i32>} : memref<50x8x128xf32, #tpu.memory_space<vmem>>, vector<16xf32>,
        %swap3A_619 = arith.constant 1 : i32
        %swap3A_620 = arith.index_cast %scan3A_526 : i32 to index
        %swap3A_621 = arith.index_cast %swap3A_619 : i32 to index
        %swap3A_622 = arith.constant 32 : index
        %swap3A_623 = tpu.vector_load %arg6[%swap3A_620, %swap3A_621, %swap3A_622] {strides = array<i32>} : memref<50x8x128xf32, #tpu.memory_space<vmem>>, vector<16xf32>,
        tpu.vector_store %arg6[%swap3A_620, %swap3A_621, %swap3A_622], %get3A_613 {strides = array<i32>} : memref<50x8x128xf32, #tpu.memory_space<vmem>>, vector<16xf32>,
        %swap3A_624 = arith.constant 2 : i32
        %swap3A_625 = arith.index_cast %scan3A_526 : i32 to index
        %swap3A_626 = arith.index_cast %swap3A_624 : i32 to index
        %swap3A_627 = arith.constant 32 : index
        %swap3A_628 = tpu.vector_load %arg6[%swap3A_625, %swap3A_626, %swap3A_627] {strides = array<i32>} : memref<50x8x128xf32, #tpu.memory_space<vmem>>, vector<16xf32>,
        tpu.vector_store %arg6[%swap3A_625, %swap3A_626, %swap3A_627], %get3A_613 {strides = array<i32>} : memref<50x8x128xf32, #tpu.memory_space<vmem>>, vector<16xf32>,
        %swap3A_629 = arith.constant 3 : i32
        %swap3A_630 = arith.index_cast %scan3A_526 : i32 to index
        %swap3A_631 = arith.index_cast %swap3A_629 : i32 to index
        %swap3A_632 = arith.constant 32 : index
        %swap3A_633 = tpu.vector_load %arg6[%swap3A_630, %swap3A_631, %swap3A_632] {strides = array<i32>} : memref<50x8x128xf32, #tpu.memory_space<vmem>>, vector<16xf32>,
        tpu.vector_store %arg6[%swap3A_630, %swap3A_631, %swap3A_632], %get3A_613 {strides = array<i32>} : memref<50x8x128xf32, #tpu.memory_space<vmem>>, vector<16xf32>,
        %swap3A_634 = arith.constant 4 : i32
        %swap3A_635 = arith.index_cast %scan3A_526 : i32 to index
        %swap3A_636 = arith.index_cast %swap3A_634 : i32 to index
        %swap3A_637 = arith.constant 32 : index
        %swap3A_638 = tpu.vector_load %arg6[%swap3A_635, %swap3A_636, %swap3A_637] {strides = array<i32>} : memref<50x8x128xf32, #tpu.memory_space<vmem>>, vector<16xf32>,
        tpu.vector_store %arg6[%swap3A_635, %swap3A_636, %swap3A_637], %get3A_613 {strides = array<i32>} : memref<50x8x128xf32, #tpu.memory_space<vmem>>, vector<16xf32>,
        %swap3A_639 = arith.constant 5 : i32
        %swap3A_640 = arith.index_cast %scan3A_526 : i32 to index
        %swap3A_641 = arith.index_cast %swap3A_639 : i32 to index
        %swap3A_642 = arith.constant 32 : index
        %swap3A_643 = tpu.vector_load %arg6[%swap3A_640, %swap3A_641, %swap3A_642] {strides = array<i32>} : memref<50x8x128xf32, #tpu.memory_space<vmem>>, vector<16xf32>,
        tpu.vector_store %arg6[%swap3A_640, %swap3A_641, %swap3A_642], %get3A_613 {strides = array<i32>} : memref<50x8x128xf32, #tpu.memory_space<vmem>>, vector<16xf32>,
        %swap3A_644 = arith.constant 6 : i32
        %swap3A_645 = arith.index_cast %scan3A_526 : i32 to index
        %swap3A_646 = arith.index_cast %swap3A_644 : i32 to index
        %swap3A_647 = arith.constant 32 : index
        %swap3A_648 = tpu.vector_load %arg6[%swap3A_645, %swap3A_646, %swap3A_647] {strides = array<i32>} : memref<50x8x128xf32, #tpu.memory_space<vmem>>, vector<16xf32>,
        tpu.vector_store %arg6[%swap3A_645, %swap3A_646, %swap3A_647], %get3A_613 {strides = array<i32>} : memref<50x8x128xf32, #tpu.memory_space<vmem>>, vector<16xf32>,
        %swap3A_649 = arith.constant 7 : i32
        %swap3A_650 = arith.index_cast %scan3A_526 : i32 to index
        %swap3A_651 = arith.index_cast %swap3A_649 : i32 to index
        %swap3A_652 = arith.constant 32 : index
        %swap3A_653 = tpu.vector_load %arg6[%swap3A_650, %swap3A_651, %swap3A_652] {strides = array<i32>} : memref<50x8x128xf32, #tpu.memory_space<vmem>>, vector<16xf32>,
        tpu.vector_store %arg6[%swap3A_650, %swap3A_651, %swap3A_652], %get3A_613 {strides = array<i32>} : memref<50x8x128xf32, #tpu.memory_space<vmem>>, vector<16xf32>,
        %get3A_654 = arith.index_cast %scan3A_526 : i32 to index
        %get3A_655 = arith.constant 48 : index
        %get3A_656 = tpu.vector_load %arg5[%get3A_654, %get3A_655] {strides = array<i32>} : memref<50x128xf32, #tpu.memory_space<vmem>>, vector<16xf32>,
        %swap3A_657 = arith.constant 0 : i32
        %swap3A_658 = arith.index_cast %scan3A_526 : i32 to index
        %swap3A_659 = arith.index_cast %swap3A_657 : i32 to index
        %swap3A_660 = arith.constant 48 : index
        %swap3A_661 = tpu.vector_load %arg6[%swap3A_658, %swap3A_659, %swap3A_660] {strides = array<i32>} : memref<50x8x128xf32, #tpu.memory_space<vmem>>, vector<16xf32>,
        tpu.vector_store %arg6[%swap3A_658, %swap3A_659, %swap3A_660], %get3A_656 {strides = array<i32>} : memref<50x8x128xf32, #tpu.memory_space<vmem>>, vector<16xf32>,
        %swap3A_662 = arith.constant 1 : i32
        %swap3A_663 = arith.index_cast %scan3A_526 : i32 to index
        %swap3A_664 = arith.index_cast %swap3A_662 : i32 to index
        %swap3A_665 = arith.constant 48 : index
        %swap3A_666 = tpu.vector_load %arg6[%swap3A_663, %swap3A_664, %swap3A_665] {strides = array<i32>} : memref<50x8x128xf32, #tpu.memory_space<vmem>>, vector<16xf32>,
        tpu.vector_store %arg6[%swap3A_663, %swap3A_664, %swap3A_665], %get3A_656 {strides = array<i32>} : memref<50x8x128xf32, #tpu.memory_space<vmem>>, vector<16xf32>,
        %swap3A_667 = arith.constant 2 : i32
        %swap3A_668 = arith.index_cast %scan3A_526 : i32 to index
        %swap3A_669 = arith.index_cast %swap3A_667 : i32 to index
        %swap3A_670 = arith.constant 48 : index
        %swap3A_671 = tpu.vector_load %arg6[%swap3A_668, %swap3A_669, %swap3A_670] {strides = array<i32>} : memref<50x8x128xf32, #tpu.memory_space<vmem>>, vector<16xf32>,
        tpu.vector_store %arg6[%swap3A_668, %swap3A_669, %swap3A_670], %get3A_656 {strides = array<i32>} : memref<50x8x128xf32, #tpu.memory_space<vmem>>, vector<16xf32>,
        %swap3A_672 = arith.constant 3 : i32
        %swap3A_673 = arith.index_cast %scan3A_526 : i32 to index
        %swap3A_674 = arith.index_cast %swap3A_672 : i32 to index
        %swap3A_675 = arith.constant 48 : index
        %swap3A_676 = tpu.vector_load %arg6[%swap3A_673, %swap3A_674, %swap3A_675] {strides = array<i32>} : memref<50x8x128xf32, #tpu.memory_space<vmem>>, vector<16xf32>,
        tpu.vector_store %arg6[%swap3A_673, %swap3A_674, %swap3A_675], %get3A_656 {strides = array<i32>} : memref<50x8x128xf32, #tpu.memory_space<vmem>>, vector<16xf32>,
        %swap3A_677 = arith.constant 4 : i32
        %swap3A_678 = arith.index_cast %scan3A_526 : i32 to index
        %swap3A_679 = arith.index_cast %swap3A_677 : i32 to index
        %swap3A_680 = arith.constant 48 : index
        %swap3A_681 = tpu.vector_load %arg6[%swap3A_678, %swap3A_679, %swap3A_680] {strides = array<i32>} : memref<50x8x128xf32, #tpu.memory_space<vmem>>, vector<16xf32>,
        tpu.vector_store %arg6[%swap3A_678, %swap3A_679, %swap3A_680], %get3A_656 {strides = array<i32>} : memref<50x8x128xf32, #tpu.memory_space<vmem>>, vector<16xf32>,
        %swap3A_682 = arith.constant 5 : i32
        %swap3A_683 = arith.index_cast %scan3A_526 : i32 to index
        %swap3A_684 = arith.index_cast %swap3A_682 : i32 to index
        %swap3A_685 = arith.constant 48 : index
        %swap3A_686 = tpu.vector_load %arg6[%swap3A_683, %swap3A_684, %swap3A_685] {strides = array<i32>} : memref<50x8x128xf32, #tpu.memory_space<vmem>>, vector<16xf32>,
        tpu.vector_store %arg6[%swap3A_683, %swap3A_684, %swap3A_685], %get3A_656 {strides = array<i32>} : memref<50x8x128xf32, #tpu.memory_space<vmem>>, vector<16xf32>,
        %swap3A_687 = arith.constant 6 : i32
        %swap3A_688 = arith.index_cast %scan3A_526 : i32 to index
        %swap3A_689 = arith.index_cast %swap3A_687 : i32 to index
        %swap3A_690 = arith.constant 48 : index
        %swap3A_691 = tpu.vector_load %arg6[%swap3A_688, %swap3A_689, %swap3A_690] {strides = array<i32>} : memref<50x8x128xf32, #tpu.memory_space<vmem>>, vector<16xf32>,
        tpu.vector_store %arg6[%swap3A_688, %swap3A_689, %swap3A_690], %get3A_656 {strides = array<i32>} : memref<50x8x128xf32, #tpu.memory_space<vmem>>, vector<16xf32>,
        %swap3A_692 = arith.constant 7 : i32
        %swap3A_693 = arith.index_cast %scan3A_526 : i32 to index
        %swap3A_694 = arith.index_cast %swap3A_692 : i32 to index
        %swap3A_695 = arith.constant 48 : index
        %swap3A_696 = tpu.vector_load %arg6[%swap3A_693, %swap3A_694, %swap3A_695] {strides = array<i32>} : memref<50x8x128xf32, #tpu.memory_space<vmem>>, vector<16xf32>,
        tpu.vector_store %arg6[%swap3A_693, %swap3A_694, %swap3A_695], %get3A_656 {strides = array<i32>} : memref<50x8x128xf32, #tpu.memory_space<vmem>>, vector<16xf32>,
        %get3A_697 = arith.index_cast %scan3A_526 : i32 to index
        %get3A_698 = arith.constant 64 : index
        %get3A_699 = tpu.vector_load %arg5[%get3A_697, %get3A_698] {strides = array<i32>} : memref<50x128xf32, #tpu.memory_space<vmem>>, vector<16xf32>,
        %swap3A_700 = arith.constant 0 : i32
        %swap3A_701 = arith.index_cast %scan3A_526 : i32 to index
        %swap3A_702 = arith.index_cast %swap3A_700 : i32 to index
        %swap3A_703 = arith.constant 64 : index
        %swap3A_704 = tpu.vector_load %arg6[%swap3A_701, %swap3A_702, %swap3A_703] {strides = array<i32>} : memref<50x8x128xf32, #tpu.memory_space<vmem>>, vector<16xf32>,
        tpu.vector_store %arg6[%swap3A_701, %swap3A_702, %swap3A_703], %get3A_699 {strides = array<i32>} : memref<50x8x128xf32, #tpu.memory_space<vmem>>, vector<16xf32>,
        %swap3A_705 = arith.constant 1 : i32
        %swap3A_706 = arith.index_cast %scan3A_526 : i32 to index
        %swap3A_707 = arith.index_cast %swap3A_705 : i32 to index
        %swap3A_708 = arith.constant 64 : index
        %swap3A_709 = tpu.vector_load %arg6[%swap3A_706, %swap3A_707, %swap3A_708] {strides = array<i32>} : memref<50x8x128xf32, #tpu.memory_space<vmem>>, vector<16xf32>,
        tpu.vector_store %arg6[%swap3A_706, %swap3A_707, %swap3A_708], %get3A_699 {strides = array<i32>} : memref<50x8x128xf32, #tpu.memory_space<vmem>>, vector<16xf32>,
        %swap3A_710 = arith.constant 2 : i32
        %swap3A_711 = arith.index_cast %scan3A_526 : i32 to index
        %swap3A_712 = arith.index_cast %swap3A_710 : i32 to index
        %swap3A_713 = arith.constant 64 : index
        %swap3A_714 = tpu.vector_load %arg6[%swap3A_711, %swap3A_712, %swap3A_713] {strides = array<i32>} : memref<50x8x128xf32, #tpu.memory_space<vmem>>, vector<16xf32>,
        tpu.vector_store %arg6[%swap3A_711, %swap3A_712, %swap3A_713], %get3A_699 {strides = array<i32>} : memref<50x8x128xf32, #tpu.memory_space<vmem>>, vector<16xf32>,
        %swap3A_715 = arith.constant 3 : i32
        %swap3A_716 = arith.index_cast %scan3A_526 : i32 to index
        %swap3A_717 = arith.index_cast %swap3A_715 : i32 to index
        %swap3A_718 = arith.constant 64 : index
        %swap3A_719 = tpu.vector_load %arg6[%swap3A_716, %swap3A_717, %swap3A_718] {strides = array<i32>} : memref<50x8x128xf32, #tpu.memory_space<vmem>>, vector<16xf32>,
        tpu.vector_store %arg6[%swap3A_716, %swap3A_717, %swap3A_718], %get3A_699 {strides = array<i32>} : memref<50x8x128xf32, #tpu.memory_space<vmem>>, vector<16xf32>,
        %swap3A_720 = arith.constant 4 : i32
        %swap3A_721 = arith.index_cast %scan3A_526 : i32 to index
        %swap3A_722 = arith.index_cast %swap3A_720 : i32 to index
        %swap3A_723 = arith.constant 64 : index
        %swap3A_724 = tpu.vector_load %arg6[%swap3A_721, %swap3A_722, %swap3A_723] {strides = array<i32>} : memref<50x8x128xf32, #tpu.memory_space<vmem>>, vector<16xf32>,
        tpu.vector_store %arg6[%swap3A_721, %swap3A_722, %swap3A_723], %get3A_699 {strides = array<i32>} : memref<50x8x128xf32, #tpu.memory_space<vmem>>, vector<16xf32>,
        %swap3A_725 = arith.constant 5 : i32
        %swap3A_726 = arith.index_cast %scan3A_526 : i32 to index
        %swap3A_727 = arith.index_cast %swap3A_725 : i32 to index
        %swap3A_728 = arith.constant 64 : index
        %swap3A_729 = tpu.vector_load %arg6[%swap3A_726, %swap3A_727, %swap3A_728] {strides = array<i32>} : memref<50x8x128xf32, #tpu.memory_space<vmem>>, vector<16xf32>,
        tpu.vector_store %arg6[%swap3A_726, %swap3A_727, %swap3A_728], %get3A_699 {strides = array<i32>} : memref<50x8x128xf32, #tpu.memory_space<vmem>>, vector<16xf32>,
        %swap3A_730 = arith.constant 6 : i32
        %swap3A_731 = arith.index_cast %scan3A_526 : i32 to index
        %swap3A_732 = arith.index_cast %swap3A_730 : i32 to index
        %swap3A_733 = arith.constant 64 : index
        %swap3A_734 = tpu.vector_load %arg6[%swap3A_731, %swap3A_732, %swap3A_733] {strides = array<i32>} : memref<50x8x128xf32, #tpu.memory_space<vmem>>, vector<16xf32>,
        tpu.vector_store %arg6[%swap3A_731, %swap3A_732, %swap3A_733], %get3A_699 {strides = array<i32>} : memref<50x8x128xf32, #tpu.memory_space<vmem>>, vector<16xf32>,
        %swap3A_735 = arith.constant 7 : i32
        %swap3A_736 = arith.index_cast %scan3A_526 : i32 to index
        %swap3A_737 = arith.index_cast %swap3A_735 : i32 to index
        %swap3A_738 = arith.constant 64 : index
        %swap3A_739 = tpu.vector_load %arg6[%swap3A_736, %swap3A_737, %swap3A_738] {strides = array<i32>} : memref<50x8x128xf32, #tpu.memory_space<vmem>>, vector<16xf32>,
        tpu.vector_store %arg6[%swap3A_736, %swap3A_737, %swap3A_738], %get3A_699 {strides = array<i32>} : memref<50x8x128xf32, #tpu.memory_space<vmem>>, vector<16xf32>,
        %get3A_740 = arith.index_cast %scan3A_526 : i32 to index
        %get3A_741 = arith.constant 80 : index
        %get3A_742 = tpu.vector_load %arg5[%get3A_740, %get3A_741] {strides = array<i32>} : memref<50x128xf32, #tpu.memory_space<vmem>>, vector<16xf32>,
        %swap3A_743 = arith.constant 0 : i32
        %swap3A_744 = arith.index_cast %scan3A_526 : i32 to index
        %swap3A_745 = arith.index_cast %swap3A_743 : i32 to index
        %swap3A_746 = arith.constant 80 : index
        %swap3A_747 = tpu.vector_load %arg6[%swap3A_744, %swap3A_745, %swap3A_746] {strides = array<i32>} : memref<50x8x128xf32, #tpu.memory_space<vmem>>, vector<16xf32>,
        tpu.vector_store %arg6[%swap3A_744, %swap3A_745, %swap3A_746], %get3A_742 {strides = array<i32>} : memref<50x8x128xf32, #tpu.memory_space<vmem>>, vector<16xf32>,
        %swap3A_748 = arith.constant 1 : i32
        %swap3A_749 = arith.index_cast %scan3A_526 : i32 to index
        %swap3A_750 = arith.index_cast %swap3A_748 : i32 to index
        %swap3A_751 = arith.constant 80 : index
        %swap3A_752 = tpu.vector_load %arg6[%swap3A_749, %swap3A_750, %swap3A_751] {strides = array<i32>} : memref<50x8x128xf32, #tpu.memory_space<vmem>>, vector<16xf32>,
        tpu.vector_store %arg6[%swap3A_749, %swap3A_750, %swap3A_751], %get3A_742 {strides = array<i32>} : memref<50x8x128xf32, #tpu.memory_space<vmem>>, vector<16xf32>,
        %swap3A_753 = arith.constant 2 : i32
        %swap3A_754 = arith.index_cast %scan3A_526 : i32 to index
        %swap3A_755 = arith.index_cast %swap3A_753 : i32 to index
        %swap3A_756 = arith.constant 80 : index
        %swap3A_757 = tpu.vector_load %arg6[%swap3A_754, %swap3A_755, %swap3A_756] {strides = array<i32>} : memref<50x8x128xf32, #tpu.memory_space<vmem>>, vector<16xf32>,
        tpu.vector_store %arg6[%swap3A_754, %swap3A_755, %swap3A_756], %get3A_742 {strides = array<i32>} : memref<50x8x128xf32, #tpu.memory_space<vmem>>, vector<16xf32>,
        %swap3A_758 = arith.constant 3 : i32
        %swap3A_759 = arith.index_cast %scan3A_526 : i32 to index
        %swap3A_760 = arith.index_cast %swap3A_758 : i32 to index
        %swap3A_761 = arith.constant 80 : index
        %swap3A_762 = tpu.vector_load %arg6[%swap3A_759, %swap3A_760, %swap3A_761] {strides = array<i32>} : memref<50x8x128xf32, #tpu.memory_space<vmem>>, vector<16xf32>,
        tpu.vector_store %arg6[%swap3A_759, %swap3A_760, %swap3A_761], %get3A_742 {strides = array<i32>} : memref<50x8x128xf32, #tpu.memory_space<vmem>>, vector<16xf32>,
        %swap3A_763 = arith.constant 4 : i32
        %swap3A_764 = arith.index_cast %scan3A_526 : i32 to index
        %swap3A_765 = arith.index_cast %swap3A_763 : i32 to index
        %swap3A_766 = arith.constant 80 : index
        %swap3A_767 = tpu.vector_load %arg6[%swap3A_764, %swap3A_765, %swap3A_766] {strides = array<i32>} : memref<50x8x128xf32, #tpu.memory_space<vmem>>, vector<16xf32>,
        tpu.vector_store %arg6[%swap3A_764, %swap3A_765, %swap3A_766], %get3A_742 {strides = array<i32>} : memref<50x8x128xf32, #tpu.memory_space<vmem>>, vector<16xf32>,
        %swap3A_768 = arith.constant 5 : i32
        %swap3A_769 = arith.index_cast %scan3A_526 : i32 to index
        %swap3A_770 = arith.index_cast %swap3A_768 : i32 to index
        %swap3A_771 = arith.constant 80 : index
        %swap3A_772 = tpu.vector_load %arg6[%swap3A_769, %swap3A_770, %swap3A_771] {strides = array<i32>} : memref<50x8x128xf32, #tpu.memory_space<vmem>>, vector<16xf32>,
        tpu.vector_store %arg6[%swap3A_769, %swap3A_770, %swap3A_771], %get3A_742 {strides = array<i32>} : memref<50x8x128xf32, #tpu.memory_space<vmem>>, vector<16xf32>,
        %swap3A_773 = arith.constant 6 : i32
        %swap3A_774 = arith.index_cast %scan3A_526 : i32 to index
        %swap3A_775 = arith.index_cast %swap3A_773 : i32 to index
        %swap3A_776 = arith.constant 80 : index
        %swap3A_777 = tpu.vector_load %arg6[%swap3A_774, %swap3A_775, %swap3A_776] {strides = array<i32>} : memref<50x8x128xf32, #tpu.memory_space<vmem>>, vector<16xf32>,
        tpu.vector_store %arg6[%swap3A_774, %swap3A_775, %swap3A_776], %get3A_742 {strides = array<i32>} : memref<50x8x128xf32, #tpu.memory_space<vmem>>, vector<16xf32>,
        %swap3A_778 = arith.constant 7 : i32
        %swap3A_779 = arith.index_cast %scan3A_526 : i32 to index
        %swap3A_780 = arith.index_cast %swap3A_778 : i32 to index
        %swap3A_781 = arith.constant 80 : index
        %swap3A_782 = tpu.vector_load %arg6[%swap3A_779, %swap3A_780, %swap3A_781] {strides = array<i32>} : memref<50x8x128xf32, #tpu.memory_space<vmem>>, vector<16xf32>,
        tpu.vector_store %arg6[%swap3A_779, %swap3A_780, %swap3A_781], %get3A_742 {strides = array<i32>} : memref<50x8x128xf32, #tpu.memory_space<vmem>>, vector<16xf32>,
        %get3A_783 = arith.index_cast %scan3A_526 : i32 to index
        %get3A_784 = arith.constant 96 : index
        %get3A_785 = tpu.vector_load %arg5[%get3A_783, %get3A_784] {strides = array<i32>} : memref<50x128xf32, #tpu.memory_space<vmem>>, vector<16xf32>,
        %swap3A_786 = arith.constant 0 : i32
        %swap3A_787 = arith.index_cast %scan3A_526 : i32 to index
        %swap3A_788 = arith.index_cast %swap3A_786 : i32 to index
        %swap3A_789 = arith.constant 96 : index
        %swap3A_790 = tpu.vector_load %arg6[%swap3A_787, %swap3A_788, %swap3A_789] {strides = array<i32>} : memref<50x8x128xf32, #tpu.memory_space<vmem>>, vector<16xf32>,
        tpu.vector_store %arg6[%swap3A_787, %swap3A_788, %swap3A_789], %get3A_785 {strides = array<i32>} : memref<50x8x128xf32, #tpu.memory_space<vmem>>, vector<16xf32>,
        %swap3A_791 = arith.constant 1 : i32
        %swap3A_792 = arith.index_cast %scan3A_526 : i32 to index
        %swap3A_793 = arith.index_cast %swap3A_791 : i32 to index
        %swap3A_794 = arith.constant 96 : index
        %swap3A_795 = tpu.vector_load %arg6[%swap3A_792, %swap3A_793, %swap3A_794] {strides = array<i32>} : memref<50x8x128xf32, #tpu.memory_space<vmem>>, vector<16xf32>,
        tpu.vector_store %arg6[%swap3A_792, %swap3A_793, %swap3A_794], %get3A_785 {strides = array<i32>} : memref<50x8x128xf32, #tpu.memory_space<vmem>>, vector<16xf32>,
        %swap3A_796 = arith.constant 2 : i32
        %swap3A_797 = arith.index_cast %scan3A_526 : i32 to index
        %swap3A_798 = arith.index_cast %swap3A_796 : i32 to index
        %swap3A_799 = arith.constant 96 : index
        %swap3A_800 = tpu.vector_load %arg6[%swap3A_797, %swap3A_798, %swap3A_799] {strides = array<i32>} : memref<50x8x128xf32, #tpu.memory_space<vmem>>, vector<16xf32>,
        tpu.vector_store %arg6[%swap3A_797, %swap3A_798, %swap3A_799], %get3A_785 {strides = array<i32>} : memref<50x8x128xf32, #tpu.memory_space<vmem>>, vector<16xf32>,
        %swap3A_801 = arith.constant 3 : i32
        %swap3A_802 = arith.index_cast %scan3A_526 : i32 to index
        %swap3A_803 = arith.index_cast %swap3A_801 : i32 to index
        %swap3A_804 = arith.constant 96 : index
        %swap3A_805 = tpu.vector_load %arg6[%swap3A_802, %swap3A_803, %swap3A_804] {strides = array<i32>} : memref<50x8x128xf32, #tpu.memory_space<vmem>>, vector<16xf32>,
        tpu.vector_store %arg6[%swap3A_802, %swap3A_803, %swap3A_804], %get3A_785 {strides = array<i32>} : memref<50x8x128xf32, #tpu.memory_space<vmem>>, vector<16xf32>,
        %swap3A_806 = arith.constant 4 : i32
        %swap3A_807 = arith.index_cast %scan3A_526 : i32 to index
        %swap3A_808 = arith.index_cast %swap3A_806 : i32 to index
        %swap3A_809 = arith.constant 96 : index
        %swap3A_810 = tpu.vector_load %arg6[%swap3A_807, %swap3A_808, %swap3A_809] {strides = array<i32>} : memref<50x8x128xf32, #tpu.memory_space<vmem>>, vector<16xf32>,
        tpu.vector_store %arg6[%swap3A_807, %swap3A_808, %swap3A_809], %get3A_785 {strides = array<i32>} : memref<50x8x128xf32, #tpu.memory_space<vmem>>, vector<16xf32>,
        %swap3A_811 = arith.constant 5 : i32
        %swap3A_812 = arith.index_cast %scan3A_526 : i32 to index
        %swap3A_813 = arith.index_cast %swap3A_811 : i32 to index
        %swap3A_814 = arith.constant 96 : index
        %swap3A_815 = tpu.vector_load %arg6[%swap3A_812, %swap3A_813, %swap3A_814] {strides = array<i32>} : memref<50x8x128xf32, #tpu.memory_space<vmem>>, vector<16xf32>,
        tpu.vector_store %arg6[%swap3A_812, %swap3A_813, %swap3A_814], %get3A_785 {strides = array<i32>} : memref<50x8x128xf32, #tpu.memory_space<vmem>>, vector<16xf32>,
        %swap3A_816 = arith.constant 6 : i32
        %swap3A_817 = arith.index_cast %scan3A_526 : i32 to index
        %swap3A_818 = arith.index_cast %swap3A_816 : i32 to index
        %swap3A_819 = arith.constant 96 : index
        %swap3A_820 = tpu.vector_load %arg6[%swap3A_817, %swap3A_818, %swap3A_819] {strides = array<i32>} : memref<50x8x128xf32, #tpu.memory_space<vmem>>, vector<16xf32>,
        tpu.vector_store %arg6[%swap3A_817, %swap3A_818, %swap3A_819], %get3A_785 {strides = array<i32>} : memref<50x8x128xf32, #tpu.memory_space<vmem>>, vector<16xf32>,
        %swap3A_821 = arith.constant 7 : i32
        %swap3A_822 = arith.index_cast %scan3A_526 : i32 to index
        %swap3A_823 = arith.index_cast %swap3A_821 : i32 to index
        %swap3A_824 = arith.constant 96 : index
        %swap3A_825 = tpu.vector_load %arg6[%swap3A_822, %swap3A_823, %swap3A_824] {strides = array<i32>} : memref<50x8x128xf32, #tpu.memory_space<vmem>>, vector<16xf32>,
        tpu.vector_store %arg6[%swap3A_822, %swap3A_823, %swap3A_824], %get3A_785 {strides = array<i32>} : memref<50x8x128xf32, #tpu.memory_space<vmem>>, vector<16xf32>,
        %get3A_826 = arith.index_cast %scan3A_526 : i32 to index
        %get3A_827 = arith.constant 112 : index
        %get3A_828 = tpu.vector_load %arg5[%get3A_826, %get3A_827] {strides = array<i32>} : memref<50x128xf32, #tpu.memory_space<vmem>>, vector<16xf32>,
        %swap3A_829 = arith.constant 0 : i32
        %swap3A_830 = arith.index_cast %scan3A_526 : i32 to index
        %swap3A_831 = arith.index_cast %swap3A_829 : i32 to index
        %swap3A_832 = arith.constant 112 : index
        %swap3A_833 = tpu.vector_load %arg6[%swap3A_830, %swap3A_831, %swap3A_832] {strides = array<i32>} : memref<50x8x128xf32, #tpu.memory_space<vmem>>, vector<16xf32>,
        tpu.vector_store %arg6[%swap3A_830, %swap3A_831, %swap3A_832], %get3A_828 {strides = array<i32>} : memref<50x8x128xf32, #tpu.memory_space<vmem>>, vector<16xf32>,
        %swap3A_834 = arith.constant 1 : i32
        %swap3A_835 = arith.index_cast %scan3A_526 : i32 to index
        %swap3A_836 = arith.index_cast %swap3A_834 : i32 to index
        %swap3A_837 = arith.constant 112 : index
        %swap3A_838 = tpu.vector_load %arg6[%swap3A_835, %swap3A_836, %swap3A_837] {strides = array<i32>} : memref<50x8x128xf32, #tpu.memory_space<vmem>>, vector<16xf32>,
        tpu.vector_store %arg6[%swap3A_835, %swap3A_836, %swap3A_837], %get3A_828 {strides = array<i32>} : memref<50x8x128xf32, #tpu.memory_space<vmem>>, vector<16xf32>,
        %swap3A_839 = arith.constant 2 : i32
        %swap3A_840 = arith.index_cast %scan3A_526 : i32 to index
        %swap3A_841 = arith.index_cast %swap3A_839 : i32 to index
        %swap3A_842 = arith.constant 112 : index
        %swap3A_843 = tpu.vector_load %arg6[%swap3A_840, %swap3A_841, %swap3A_842] {strides = array<i32>} : memref<50x8x128xf32, #tpu.memory_space<vmem>>, vector<16xf32>,
        tpu.vector_store %arg6[%swap3A_840, %swap3A_841, %swap3A_842], %get3A_828 {strides = array<i32>} : memref<50x8x128xf32, #tpu.memory_space<vmem>>, vector<16xf32>,
        %swap3A_844 = arith.constant 3 : i32
        %swap3A_845 = arith.index_cast %scan3A_526 : i32 to index
        %swap3A_846 = arith.index_cast %swap3A_844 : i32 to index
        %swap3A_847 = arith.constant 112 : index
        %swap3A_848 = tpu.vector_load %arg6[%swap3A_845, %swap3A_846, %swap3A_847] {strides = array<i32>} : memref<50x8x128xf32, #tpu.memory_space<vmem>>, vector<16xf32>,
        tpu.vector_store %arg6[%swap3A_845, %swap3A_846, %swap3A_847], %get3A_828 {strides = array<i32>} : memref<50x8x128xf32, #tpu.memory_space<vmem>>, vector<16xf32>,
        %swap3A_849 = arith.constant 4 : i32
        %swap3A_850 = arith.index_cast %scan3A_526 : i32 to index
        %swap3A_851 = arith.index_cast %swap3A_849 : i32 to index
        %swap3A_852 = arith.constant 112 : index
        %swap3A_853 = tpu.vector_load %arg6[%swap3A_850, %swap3A_851, %swap3A_852] {strides = array<i32>} : memref<50x8x128xf32, #tpu.memory_space<vmem>>, vector<16xf32>,
        tpu.vector_store %arg6[%swap3A_850, %swap3A_851, %swap3A_852], %get3A_828 {strides = array<i32>} : memref<50x8x128xf32, #tpu.memory_space<vmem>>, vector<16xf32>,
        %swap3A_854 = arith.constant 5 : i32
        %swap3A_855 = arith.index_cast %scan3A_526 : i32 to index
        %swap3A_856 = arith.index_cast %swap3A_854 : i32 to index
        %swap3A_857 = arith.constant 112 : index
        %swap3A_858 = tpu.vector_load %arg6[%swap3A_855, %swap3A_856, %swap3A_857] {strides = array<i32>} : memref<50x8x128xf32, #tpu.memory_space<vmem>>, vector<16xf32>,
        tpu.vector_store %arg6[%swap3A_855, %swap3A_856, %swap3A_857], %get3A_828 {strides = array<i32>} : memref<50x8x128xf32, #tpu.memory_space<vmem>>, vector<16xf32>,
        %swap3A_859 = arith.constant 6 : i32
        %swap3A_860 = arith.index_cast %scan3A_526 : i32 to index
        %swap3A_861 = arith.index_cast %swap3A_859 : i32 to index
        %swap3A_862 = arith.constant 112 : index
        %swap3A_863 = tpu.vector_load %arg6[%swap3A_860, %swap3A_861, %swap3A_862] {strides = array<i32>} : memref<50x8x128xf32, #tpu.memory_space<vmem>>, vector<16xf32>,
        tpu.vector_store %arg6[%swap3A_860, %swap3A_861, %swap3A_862], %get3A_828 {strides = array<i32>} : memref<50x8x128xf32, #tpu.memory_space<vmem>>, vector<16xf32>,
        %swap3A_864 = arith.constant 7 : i32
        %swap3A_865 = arith.index_cast %scan3A_526 : i32 to index
        %swap3A_866 = arith.index_cast %swap3A_864 : i32 to index
        %swap3A_867 = arith.constant 112 : index
        %swap3A_868 = tpu.vector_load %arg6[%swap3A_865, %swap3A_866, %swap3A_867] {strides = array<i32>} : memref<50x8x128xf32, #tpu.memory_space<vmem>>, vector<16xf32>,
        tpu.vector_store %arg6[%swap3A_865, %swap3A_866, %swap3A_867], %get3A_828 {strides = array<i32>} : memref<50x8x128xf32, #tpu.memory_space<vmem>>, vector<16xf32>,
      }
      %scan3A_11 = arith.constant 13 : i32
      %add3A = arith.constant 0 : i32
      %add3A_12 = arith.addi %arg1, %add3A : i32
      %dma_start3A = arith.constant 0 : i32
      %dma_start3A_13 = arith.constant 0 : i32
      %dma_start3A_14 = arith.constant 0 : i32
      %dma_start3A_15 = arith.constant 0 : i32
      %dma_start3A_16 = tpu.memref_slice %arg6[%dma_start3A_13, %dma_start3A_14, %dma_start3A_15] : memref<50x8x128xf32, #tpu.memory_space<vmem>> -> memref<13x8x128xf32, #tpu.memory_space<vmem>>
      %dma_start3A_17 = arith.constant 0 : i32
      %dma_start3A_18 = arith.constant 0 : i32
      %dma_start3A_19 = arith.constant 0 : i32
      %dma_start3A_20 = tpu.memref_slice %arg4[%add3A_12, %dma_start3A_17, %dma_start3A, %dma_start3A_18, %dma_start3A_19] : memref<50x50x2x8x128xf32, #tpu.memory_space<hbm>> -> memref<1x13x1x8x128xf32, #tpu.memory_space<hbm>>
      %dma_start3A_21 = tpu.memref_squeeze %dma_start3A_20 : memref<1x13x1x8x128xf32, #tpu.memory_space<hbm>> -> memref<13x8x128xf32, #tpu.memory_space<hbm>>
      %dma_start3A_22 = arith.constant 0 : i32
      %dma_start3A_23 = arith.constant 0 : i32
      %dma_start3A_24 = arith.constant 0 : i32
      %dma_start3A_25 = tpu.memref_slice %arg4[%add3A_12, %dma_start3A_22, %dma_start3A, %dma_start3A_23, %dma_start3A_24] : memref<50x50x2x8x128xf32, #tpu.memory_space<hbm>> -> memref<1x13x1x8x128xf32, #tpu.memory_space<hbm>>
      %dma_start3A_26 = tpu.memref_squeeze %dma_start3A_25 : memref<1x13x1x8x128xf32, #tpu.memory_space<hbm>> -> memref<13x8x128xf32, #tpu.memory_space<hbm>>
      %dma_start3A_27 = arith.constant 0 : i32
      %dma_start3A_28 = arith.constant 0 : i32
      %dma_start3A_29 = arith.constant 0 : i32
      %dma_start3A_30 = tpu.memref_slice %arg6[%dma_start3A_27, %dma_start3A_28, %dma_start3A_29] : memref<50x8x128xf32, #tpu.memory_space<vmem>> -> memref<13x8x128xf32, #tpu.memory_space<vmem>>
      tpu.enqueue_dma source(%dma_start3A_30 : memref<13x8x128xf32, #tpu.memory_space<vmem>>) target(%dma_start3A_26 : memref<13x8x128xf32, #tpu.memory_space<hbm>>) target_semaphore(%arg8 : memref<!tpu.dma_semaphore, #tpu.memory_space<semaphore_mem>>)
      %add3A_31 = arith.constant 16 : i32
      %add3A_32 = arith.addi %arg1, %add3A_31 : i32
      %dma_start3A_33 = arith.constant 0 : i32
      %dma_start3A_34 = arith.constant 0 : i32
      %dma_start3A_35 = arith.constant 0 : i32
      %dma_start3A_36 = arith.constant 0 : i32
      %dma_start3A_37 = tpu.memref_slice %arg6[%dma_start3A_34, %dma_start3A_35, %dma_start3A_36] : memref<50x8x128xf32, #tpu.memory_space<vmem>> -> memref<13x8x128xf32, #tpu.memory_space<vmem>>
      %dma_start3A_38 = arith.constant 0 : i32
      %dma_start3A_39 = arith.constant 0 : i32
      %dma_start3A_40 = arith.constant 0 : i32
      %dma_start3A_41 = tpu.memref_slice %arg4[%add3A_32, %dma_start3A_38, %dma_start3A_33, %dma_start3A_39, %dma_start3A_40] : memref<50x50x2x8x128xf32, #tpu.memory_space<hbm>> -> memref<1x13x1x8x128xf32, #tpu.memory_space<hbm>>
      %dma_start3A_42 = tpu.memref_squeeze %dma_start3A_41 : memref<1x13x1x8x128xf32, #tpu.memory_space<hbm>> -> memref<13x8x128xf32, #tpu.memory_space<hbm>>
      %dma_start3A_43 = arith.constant 0 : i32
      %dma_start3A_44 = arith.constant 0 : i32
      %dma_start3A_45 = arith.constant 0 : i32
      %dma_start3A_46 = tpu.memref_slice %arg4[%add3A_32, %dma_start3A_43, %dma_start3A_33, %dma_start3A_44, %dma_start3A_45] : memref<50x50x2x8x128xf32, #tpu.memory_space<hbm>> -> memref<1x13x1x8x128xf32, #tpu.memory_space<hbm>>
      %dma_start3A_47 = tpu.memref_squeeze %dma_start3A_46 : memref<1x13x1x8x128xf32, #tpu.memory_space<hbm>> -> memref<13x8x128xf32, #tpu.memory_space<hbm>>
      %dma_start3A_48 = arith.constant 0 : i32
      %dma_start3A_49 = arith.constant 0 : i32
      %dma_start3A_50 = arith.constant 0 : i32
      %dma_start3A_51 = tpu.memref_slice %arg6[%dma_start3A_48, %dma_start3A_49, %dma_start3A_50] : memref<50x8x128xf32, #tpu.memory_space<vmem>> -> memref<13x8x128xf32, #tpu.memory_space<vmem>>
      tpu.enqueue_dma source(%dma_start3A_51 : memref<13x8x128xf32, #tpu.memory_space<vmem>>) target(%dma_start3A_47 : memref<13x8x128xf32, #tpu.memory_space<hbm>>) target_semaphore(%arg8 : memref<!tpu.dma_semaphore, #tpu.memory_space<semaphore_mem>>)
      %add3A_52 = arith.constant 32 : i32
      %add3A_53 = arith.addi %arg1, %add3A_52 : i32
      %dma_start3A_54 = arith.constant 0 : i32
      %dma_start3A_55 = arith.constant 0 : i32
      %dma_start3A_56 = arith.constant 0 : i32
      %dma_start3A_57 = arith.constant 0 : i32
      %dma_start3A_58 = tpu.memref_slice %arg6[%dma_start3A_55, %dma_start3A_56, %dma_start3A_57] : memref<50x8x128xf32, #tpu.memory_space<vmem>> -> memref<13x8x128xf32, #tpu.memory_space<vmem>>
      %dma_start3A_59 = arith.constant 0 : i32
      %dma_start3A_60 = arith.constant 0 : i32
      %dma_start3A_61 = arith.constant 0 : i32
      %dma_start3A_62 = tpu.memref_slice %arg4[%add3A_53, %dma_start3A_59, %dma_start3A_54, %dma_start3A_60, %dma_start3A_61] : memref<50x50x2x8x128xf32, #tpu.memory_space<hbm>> -> memref<1x13x1x8x128xf32, #tpu.memory_space<hbm>>
      %dma_start3A_63 = tpu.memref_squeeze %dma_start3A_62 : memref<1x13x1x8x128xf32, #tpu.memory_space<hbm>> -> memref<13x8x128xf32, #tpu.memory_space<hbm>>
      %dma_start3A_64 = arith.constant 0 : i32
      %dma_start3A_65 = arith.constant 0 : i32
      %dma_start3A_66 = arith.constant 0 : i32
      %dma_start3A_67 = tpu.memref_slice %arg4[%add3A_53, %dma_start3A_64, %dma_start3A_54, %dma_start3A_65, %dma_start3A_66] : memref<50x50x2x8x128xf32, #tpu.memory_space<hbm>> -> memref<1x13x1x8x128xf32, #tpu.memory_space<hbm>>
      %dma_start3A_68 = tpu.memref_squeeze %dma_start3A_67 : memref<1x13x1x8x128xf32, #tpu.memory_space<hbm>> -> memref<13x8x128xf32, #tpu.memory_space<hbm>>
      %dma_start3A_69 = arith.constant 0 : i32
      %dma_start3A_70 = arith.constant 0 : i32
      %dma_start3A_71 = arith.constant 0 : i32
      %dma_start3A_72 = tpu.memref_slice %arg6[%dma_start3A_69, %dma_start3A_70, %dma_start3A_71] : memref<50x8x128xf32, #tpu.memory_space<vmem>> -> memref<13x8x128xf32, #tpu.memory_space<vmem>>
      tpu.enqueue_dma source(%dma_start3A_72 : memref<13x8x128xf32, #tpu.memory_space<vmem>>) target(%dma_start3A_68 : memref<13x8x128xf32, #tpu.memory_space<hbm>>) target_semaphore(%arg8 : memref<!tpu.dma_semaphore, #tpu.memory_space<semaphore_mem>>)
      %lt3A = arith.constant 2 : i32
      %lt3A_73 = arith.cmpi slt, %arg1, %lt3A : i32
      %convert_element_type3A_74 = arith.extui %lt3A_73 : i1 to i32
      %cond3A_75 = arith.constant 0 : i32
      %cond3A_76 = arith.cmpi ne, %convert_element_type3A_74, %cond3A_75 : i32
      scf.if %cond3A_76 {
        %add3A_526 = arith.constant 48 : i32
        %add3A_527 = arith.addi %add3A_526, %arg1 : i32
        %dma_start3A_528 = arith.constant 0 : i32
        %dma_start3A_529 = arith.constant 0 : i32
        %dma_start3A_530 = arith.constant 0 : i32
        %dma_start3A_531 = arith.constant 0 : i32
        %dma_start3A_532 = tpu.memref_slice %arg6[%dma_start3A_529, %dma_start3A_530, %dma_start3A_531] : memref<50x8x128xf32, #tpu.memory_space<vmem>> -> memref<13x8x128xf32, #tpu.memory_space<vmem>>
        %dma_start3A_533 = arith.constant 0 : i32
        %dma_start3A_534 = arith.constant 0 : i32
        %dma_start3A_535 = arith.constant 0 : i32
        %dma_start3A_536 = tpu.memref_slice %arg4[%add3A_527, %dma_start3A_533, %dma_start3A_528, %dma_start3A_534, %dma_start3A_535] : memref<50x50x2x8x128xf32, #tpu.memory_space<hbm>> -> memref<1x13x1x8x128xf32, #tpu.memory_space<hbm>>
        %dma_start3A_537 = tpu.memref_squeeze %dma_start3A_536 : memref<1x13x1x8x128xf32, #tpu.memory_space<hbm>> -> memref<13x8x128xf32, #tpu.memory_space<hbm>>
        %dma_start3A_538 = arith.constant 0 : i32
        %dma_start3A_539 = arith.constant 0 : i32
        %dma_start3A_540 = arith.constant 0 : i32
        %dma_start3A_541 = tpu.memref_slice %arg4[%add3A_527, %dma_start3A_538, %dma_start3A_528, %dma_start3A_539, %dma_start3A_540] : memref<50x50x2x8x128xf32, #tpu.memory_space<hbm>> -> memref<1x13x1x8x128xf32, #tpu.memory_space<hbm>>
        %dma_start3A_542 = tpu.memref_squeeze %dma_start3A_541 : memref<1x13x1x8x128xf32, #tpu.memory_space<hbm>> -> memref<13x8x128xf32, #tpu.memory_space<hbm>>
        %dma_start3A_543 = arith.constant 0 : i32
        %dma_start3A_544 = arith.constant 0 : i32
        %dma_start3A_545 = arith.constant 0 : i32
        %dma_start3A_546 = tpu.memref_slice %arg6[%dma_start3A_543, %dma_start3A_544, %dma_start3A_545] : memref<50x8x128xf32, #tpu.memory_space<vmem>> -> memref<13x8x128xf32, #tpu.memory_space<vmem>>
        tpu.enqueue_dma source(%dma_start3A_546 : memref<13x8x128xf32, #tpu.memory_space<vmem>>) target(%dma_start3A_542 : memref<13x8x128xf32, #tpu.memory_space<hbm>>) target_semaphore(%arg8 : memref<!tpu.dma_semaphore, #tpu.memory_space<semaphore_mem>>)
        %dma_wait3A_547 = arith.constant 0 : i32
        %dma_wait3A_548 = arith.constant 0 : i32
        %dma_wait3A_549 = arith.constant 0 : i32
        %dma_wait3A_550 = arith.constant 0 : i32
        %dma_wait3A_551 = tpu.memref_slice %arg6[%dma_wait3A_548, %dma_wait3A_549, %dma_wait3A_550] : memref<50x8x128xf32, #tpu.memory_space<vmem>> -> memref<13x8x128xf32, #tpu.memory_space<vmem>>
        %dma_wait3A_552 = arith.constant 0 : i32
        %dma_wait3A_553 = arith.constant 0 : i32
        %dma_wait3A_554 = arith.constant 0 : i32
        %dma_wait3A_555 = tpu.memref_slice %arg4[%add3A_527, %dma_wait3A_552, %dma_wait3A_547, %dma_wait3A_553, %dma_wait3A_554] : memref<50x50x2x8x128xf32, #tpu.memory_space<hbm>> -> memref<1x13x1x8x128xf32, #tpu.memory_space<hbm>>
        %dma_wait3A_556 = tpu.memref_squeeze %dma_wait3A_555 : memref<1x13x1x8x128xf32, #tpu.memory_space<hbm>> -> memref<13x8x128xf32, #tpu.memory_space<hbm>>
        %dma_wait3A_557 = arith.constant 0 : i32
        %dma_wait3A_558 = arith.constant 0 : i32
        %dma_wait3A_559 = arith.constant 0 : i32
        %dma_wait3A_560 = tpu.memref_slice %arg4[%add3A_527, %dma_wait3A_557, %dma_wait3A_547, %dma_wait3A_558, %dma_wait3A_559] : memref<50x50x2x8x128xf32, #tpu.memory_space<hbm>> -> memref<1x13x1x8x128xf32, #tpu.memory_space<hbm>>
        %dma_wait3A_561 = tpu.memref_squeeze %dma_wait3A_560 : memref<1x13x1x8x128xf32, #tpu.memory_space<hbm>> -> memref<13x8x128xf32, #tpu.memory_space<hbm>>
        %dma_wait3A_562 = arith.constant 0 : i32
        %dma_wait3A_563 = arith.constant 0 : i32
        %dma_wait3A_564 = arith.constant 0 : i32
        %dma_wait3A_565 = tpu.memref_slice %arg6[%dma_wait3A_562, %dma_wait3A_563, %dma_wait3A_564] : memref<50x8x128xf32, #tpu.memory_space<vmem>> -> memref<13x8x128xf32, #tpu.memory_space<vmem>>
        tpu.wait_dma2 semaphore(%arg8 : memref<!tpu.dma_semaphore, #tpu.memory_space<semaphore_mem>>) src(%dma_wait3A_565 : memref<13x8x128xf32, #tpu.memory_space<vmem>>) dst(%dma_wait3A_561 : memref<13x8x128xf32, #tpu.memory_space<hbm>>)
      } else {
      }
      %scan3A_77 = arith.constant 0 : i32
      %scan3A_78 = arith.constant 13 : i32
      %scan3A_79 = arith.constant 13 : i32
      %scan3A_80 = arith.addi %scan3A_78, %scan3A_79 : i32
      %scan3A_81 = arith.constant 1 : i32
      scf.for %scan3A_526 = %scan3A_78 to %scan3A_80 step %scan3A_81  : i32 {
        %get3A = arith.index_cast %scan3A_526 : i32 to index
        %get3A_527 = arith.constant 0 : index
        %get3A_528 = tpu.vector_load %arg5[%get3A, %get3A_527] {strides = array<i32>} : memref<50x128xf32, #tpu.memory_space<vmem>>, vector<16xf32>,
        %swap3A = arith.constant 0 : i32
        %swap3A_529 = arith.index_cast %scan3A_526 : i32 to index
        %swap3A_530 = arith.index_cast %swap3A : i32 to index
        %swap3A_531 = arith.constant 0 : index
        %swap3A_532 = tpu.vector_load %arg6[%swap3A_529, %swap3A_530, %swap3A_531] {strides = array<i32>} : memref<50x8x128xf32, #tpu.memory_space<vmem>>, vector<16xf32>,
        tpu.vector_store %arg6[%swap3A_529, %swap3A_530, %swap3A_531], %get3A_528 {strides = array<i32>} : memref<50x8x128xf32, #tpu.memory_space<vmem>>, vector<16xf32>,
        %swap3A_533 = arith.constant 1 : i32
        %swap3A_534 = arith.index_cast %scan3A_526 : i32 to index
        %swap3A_535 = arith.index_cast %swap3A_533 : i32 to index
        %swap3A_536 = arith.constant 0 : index
        %swap3A_537 = tpu.vector_load %arg6[%swap3A_534, %swap3A_535, %swap3A_536] {strides = array<i32>} : memref<50x8x128xf32, #tpu.memory_space<vmem>>, vector<16xf32>,
        tpu.vector_store %arg6[%swap3A_534, %swap3A_535, %swap3A_536], %get3A_528 {strides = array<i32>} : memref<50x8x128xf32, #tpu.memory_space<vmem>>, vector<16xf32>,
        %swap3A_538 = arith.constant 2 : i32
        %swap3A_539 = arith.index_cast %scan3A_526 : i32 to index
        %swap3A_540 = arith.index_cast %swap3A_538 : i32 to index
        %swap3A_541 = arith.constant 0 : index
        %swap3A_542 = tpu.vector_load %arg6[%swap3A_539, %swap3A_540, %swap3A_541] {strides = array<i32>} : memref<50x8x128xf32, #tpu.memory_space<vmem>>, vector<16xf32>,
        tpu.vector_store %arg6[%swap3A_539, %swap3A_540, %swap3A_541], %get3A_528 {strides = array<i32>} : memref<50x8x128xf32, #tpu.memory_space<vmem>>, vector<16xf32>,
        %swap3A_543 = arith.constant 3 : i32
        %swap3A_544 = arith.index_cast %scan3A_526 : i32 to index
        %swap3A_545 = arith.index_cast %swap3A_543 : i32 to index
        %swap3A_546 = arith.constant 0 : index
        %swap3A_547 = tpu.vector_load %arg6[%swap3A_544, %swap3A_545, %swap3A_546] {strides = array<i32>} : memref<50x8x128xf32, #tpu.memory_space<vmem>>, vector<16xf32>,
        tpu.vector_store %arg6[%swap3A_544, %swap3A_545, %swap3A_546], %get3A_528 {strides = array<i32>} : memref<50x8x128xf32, #tpu.memory_space<vmem>>, vector<16xf32>,
        %swap3A_548 = arith.constant 4 : i32
        %swap3A_549 = arith.index_cast %scan3A_526 : i32 to index
        %swap3A_550 = arith.index_cast %swap3A_548 : i32 to index
        %swap3A_551 = arith.constant 0 : index
        %swap3A_552 = tpu.vector_load %arg6[%swap3A_549, %swap3A_550, %swap3A_551] {strides = array<i32>} : memref<50x8x128xf32, #tpu.memory_space<vmem>>, vector<16xf32>,
        tpu.vector_store %arg6[%swap3A_549, %swap3A_550, %swap3A_551], %get3A_528 {strides = array<i32>} : memref<50x8x128xf32, #tpu.memory_space<vmem>>, vector<16xf32>,
        %swap3A_553 = arith.constant 5 : i32
        %swap3A_554 = arith.index_cast %scan3A_526 : i32 to index
        %swap3A_555 = arith.index_cast %swap3A_553 : i32 to index
        %swap3A_556 = arith.constant 0 : index
        %swap3A_557 = tpu.vector_load %arg6[%swap3A_554, %swap3A_555, %swap3A_556] {strides = array<i32>} : memref<50x8x128xf32, #tpu.memory_space<vmem>>, vector<16xf32>,
        tpu.vector_store %arg6[%swap3A_554, %swap3A_555, %swap3A_556], %get3A_528 {strides = array<i32>} : memref<50x8x128xf32, #tpu.memory_space<vmem>>, vector<16xf32>,
        %swap3A_558 = arith.constant 6 : i32
        %swap3A_559 = arith.index_cast %scan3A_526 : i32 to index
        %swap3A_560 = arith.index_cast %swap3A_558 : i32 to index
        %swap3A_561 = arith.constant 0 : index
        %swap3A_562 = tpu.vector_load %arg6[%swap3A_559, %swap3A_560, %swap3A_561] {strides = array<i32>} : memref<50x8x128xf32, #tpu.memory_space<vmem>>, vector<16xf32>,
        tpu.vector_store %arg6[%swap3A_559, %swap3A_560, %swap3A_561], %get3A_528 {strides = array<i32>} : memref<50x8x128xf32, #tpu.memory_space<vmem>>, vector<16xf32>,
        %swap3A_563 = arith.constant 7 : i32
        %swap3A_564 = arith.index_cast %scan3A_526 : i32 to index
        %swap3A_565 = arith.index_cast %swap3A_563 : i32 to index
        %swap3A_566 = arith.constant 0 : index
        %swap3A_567 = tpu.vector_load %arg6[%swap3A_564, %swap3A_565, %swap3A_566] {strides = array<i32>} : memref<50x8x128xf32, #tpu.memory_space<vmem>>, vector<16xf32>,
        tpu.vector_store %arg6[%swap3A_564, %swap3A_565, %swap3A_566], %get3A_528 {strides = array<i32>} : memref<50x8x128xf32, #tpu.memory_space<vmem>>, vector<16xf32>,
        %get3A_568 = arith.index_cast %scan3A_526 : i32 to index
        %get3A_569 = arith.constant 16 : index
        %get3A_570 = tpu.vector_load %arg5[%get3A_568, %get3A_569] {strides = array<i32>} : memref<50x128xf32, #tpu.memory_space<vmem>>, vector<16xf32>,
        %swap3A_571 = arith.constant 0 : i32
        %swap3A_572 = arith.index_cast %scan3A_526 : i32 to index
        %swap3A_573 = arith.index_cast %swap3A_571 : i32 to index
        %swap3A_574 = arith.constant 16 : index
        %swap3A_575 = tpu.vector_load %arg6[%swap3A_572, %swap3A_573, %swap3A_574] {strides = array<i32>} : memref<50x8x128xf32, #tpu.memory_space<vmem>>, vector<16xf32>,
        tpu.vector_store %arg6[%swap3A_572, %swap3A_573, %swap3A_574], %get3A_570 {strides = array<i32>} : memref<50x8x128xf32, #tpu.memory_space<vmem>>, vector<16xf32>,
        %swap3A_576 = arith.constant 1 : i32
        %swap3A_577 = arith.index_cast %scan3A_526 : i32 to index
        %swap3A_578 = arith.index_cast %swap3A_576 : i32 to index
        %swap3A_579 = arith.constant 16 : index
        %swap3A_580 = tpu.vector_load %arg6[%swap3A_577, %swap3A_578, %swap3A_579] {strides = array<i32>} : memref<50x8x128xf32, #tpu.memory_space<vmem>>, vector<16xf32>,
        tpu.vector_store %arg6[%swap3A_577, %swap3A_578, %swap3A_579], %get3A_570 {strides = array<i32>} : memref<50x8x128xf32, #tpu.memory_space<vmem>>, vector<16xf32>,
        %swap3A_581 = arith.constant 2 : i32
        %swap3A_582 = arith.index_cast %scan3A_526 : i32 to index
        %swap3A_583 = arith.index_cast %swap3A_581 : i32 to index
        %swap3A_584 = arith.constant 16 : index
        %swap3A_585 = tpu.vector_load %arg6[%swap3A_582, %swap3A_583, %swap3A_584] {strides = array<i32>} : memref<50x8x128xf32, #tpu.memory_space<vmem>>, vector<16xf32>,
        tpu.vector_store %arg6[%swap3A_582, %swap3A_583, %swap3A_584], %get3A_570 {strides = array<i32>} : memref<50x8x128xf32, #tpu.memory_space<vmem>>, vector<16xf32>,
        %swap3A_586 = arith.constant 3 : i32
        %swap3A_587 = arith.index_cast %scan3A_526 : i32 to index
        %swap3A_588 = arith.index_cast %swap3A_586 : i32 to index
        %swap3A_589 = arith.constant 16 : index
        %swap3A_590 = tpu.vector_load %arg6[%swap3A_587, %swap3A_588, %swap3A_589] {strides = array<i32>} : memref<50x8x128xf32, #tpu.memory_space<vmem>>, vector<16xf32>,
        tpu.vector_store %arg6[%swap3A_587, %swap3A_588, %swap3A_589], %get3A_570 {strides = array<i32>} : memref<50x8x128xf32, #tpu.memory_space<vmem>>, vector<16xf32>,
        %swap3A_591 = arith.constant 4 : i32
        %swap3A_592 = arith.index_cast %scan3A_526 : i32 to index
        %swap3A_593 = arith.index_cast %swap3A_591 : i32 to index
        %swap3A_594 = arith.constant 16 : index
        %swap3A_595 = tpu.vector_load %arg6[%swap3A_592, %swap3A_593, %swap3A_594] {strides = array<i32>} : memref<50x8x128xf32, #tpu.memory_space<vmem>>, vector<16xf32>,
        tpu.vector_store %arg6[%swap3A_592, %swap3A_593, %swap3A_594], %get3A_570 {strides = array<i32>} : memref<50x8x128xf32, #tpu.memory_space<vmem>>, vector<16xf32>,
        %swap3A_596 = arith.constant 5 : i32
        %swap3A_597 = arith.index_cast %scan3A_526 : i32 to index
        %swap3A_598 = arith.index_cast %swap3A_596 : i32 to index
        %swap3A_599 = arith.constant 16 : index
        %swap3A_600 = tpu.vector_load %arg6[%swap3A_597, %swap3A_598, %swap3A_599] {strides = array<i32>} : memref<50x8x128xf32, #tpu.memory_space<vmem>>, vector<16xf32>,
        tpu.vector_store %arg6[%swap3A_597, %swap3A_598, %swap3A_599], %get3A_570 {strides = array<i32>} : memref<50x8x128xf32, #tpu.memory_space<vmem>>, vector<16xf32>,
        %swap3A_601 = arith.constant 6 : i32
        %swap3A_602 = arith.index_cast %scan3A_526 : i32 to index
        %swap3A_603 = arith.index_cast %swap3A_601 : i32 to index
        %swap3A_604 = arith.constant 16 : index
        %swap3A_605 = tpu.vector_load %arg6[%swap3A_602, %swap3A_603, %swap3A_604] {strides = array<i32>} : memref<50x8x128xf32, #tpu.memory_space<vmem>>, vector<16xf32>,
        tpu.vector_store %arg6[%swap3A_602, %swap3A_603, %swap3A_604], %get3A_570 {strides = array<i32>} : memref<50x8x128xf32, #tpu.memory_space<vmem>>, vector<16xf32>,
        %swap3A_606 = arith.constant 7 : i32
        %swap3A_607 = arith.index_cast %scan3A_526 : i32 to index
        %swap3A_608 = arith.index_cast %swap3A_606 : i32 to index
        %swap3A_609 = arith.constant 16 : index
        %swap3A_610 = tpu.vector_load %arg6[%swap3A_607, %swap3A_608, %swap3A_609] {strides = array<i32>} : memref<50x8x128xf32, #tpu.memory_space<vmem>>, vector<16xf32>,
        tpu.vector_store %arg6[%swap3A_607, %swap3A_608, %swap3A_609], %get3A_570 {strides = array<i32>} : memref<50x8x128xf32, #tpu.memory_space<vmem>>, vector<16xf32>,
        %get3A_611 = arith.index_cast %scan3A_526 : i32 to index
        %get3A_612 = arith.constant 32 : index
        %get3A_613 = tpu.vector_load %arg5[%get3A_611, %get3A_612] {strides = array<i32>} : memref<50x128xf32, #tpu.memory_space<vmem>>, vector<16xf32>,
        %swap3A_614 = arith.constant 0 : i32
        %swap3A_615 = arith.index_cast %scan3A_526 : i32 to index
        %swap3A_616 = arith.index_cast %swap3A_614 : i32 to index
        %swap3A_617 = arith.constant 32 : index
        %swap3A_618 = tpu.vector_load %arg6[%swap3A_615, %swap3A_616, %swap3A_617] {strides = array<i32>} : memref<50x8x128xf32, #tpu.memory_space<vmem>>, vector<16xf32>,
        tpu.vector_store %arg6[%swap3A_615, %swap3A_616, %swap3A_617], %get3A_613 {strides = array<i32>} : memref<50x8x128xf32, #tpu.memory_space<vmem>>, vector<16xf32>,
        %swap3A_619 = arith.constant 1 : i32
        %swap3A_620 = arith.index_cast %scan3A_526 : i32 to index
        %swap3A_621 = arith.index_cast %swap3A_619 : i32 to index
        %swap3A_622 = arith.constant 32 : index
        %swap3A_623 = tpu.vector_load %arg6[%swap3A_620, %swap3A_621, %swap3A_622] {strides = array<i32>} : memref<50x8x128xf32, #tpu.memory_space<vmem>>, vector<16xf32>,
        tpu.vector_store %arg6[%swap3A_620, %swap3A_621, %swap3A_622], %get3A_613 {strides = array<i32>} : memref<50x8x128xf32, #tpu.memory_space<vmem>>, vector<16xf32>,
        %swap3A_624 = arith.constant 2 : i32
        %swap3A_625 = arith.index_cast %scan3A_526 : i32 to index
        %swap3A_626 = arith.index_cast %swap3A_624 : i32 to index
        %swap3A_627 = arith.constant 32 : index
        %swap3A_628 = tpu.vector_load %arg6[%swap3A_625, %swap3A_626, %swap3A_627] {strides = array<i32>} : memref<50x8x128xf32, #tpu.memory_space<vmem>>, vector<16xf32>,
        tpu.vector_store %arg6[%swap3A_625, %swap3A_626, %swap3A_627], %get3A_613 {strides = array<i32>} : memref<50x8x128xf32, #tpu.memory_space<vmem>>, vector<16xf32>,
        %swap3A_629 = arith.constant 3 : i32
        %swap3A_630 = arith.index_cast %scan3A_526 : i32 to index
        %swap3A_631 = arith.index_cast %swap3A_629 : i32 to index
        %swap3A_632 = arith.constant 32 : index
        %swap3A_633 = tpu.vector_load %arg6[%swap3A_630, %swap3A_631, %swap3A_632] {strides = array<i32>} : memref<50x8x128xf32, #tpu.memory_space<vmem>>, vector<16xf32>,
        tpu.vector_store %arg6[%swap3A_630, %swap3A_631, %swap3A_632], %get3A_613 {strides = array<i32>} : memref<50x8x128xf32, #tpu.memory_space<vmem>>, vector<16xf32>,
        %swap3A_634 = arith.constant 4 : i32
        %swap3A_635 = arith.index_cast %scan3A_526 : i32 to index
        %swap3A_636 = arith.index_cast %swap3A_634 : i32 to index
        %swap3A_637 = arith.constant 32 : index
        %swap3A_638 = tpu.vector_load %arg6[%swap3A_635, %swap3A_636, %swap3A_637] {strides = array<i32>} : memref<50x8x128xf32, #tpu.memory_space<vmem>>, vector<16xf32>,
        tpu.vector_store %arg6[%swap3A_635, %swap3A_636, %swap3A_637], %get3A_613 {strides = array<i32>} : memref<50x8x128xf32, #tpu.memory_space<vmem>>, vector<16xf32>,
        %swap3A_639 = arith.constant 5 : i32
        %swap3A_640 = arith.index_cast %scan3A_526 : i32 to index
        %swap3A_641 = arith.index_cast %swap3A_639 : i32 to index
        %swap3A_642 = arith.constant 32 : index
        %swap3A_643 = tpu.vector_load %arg6[%swap3A_640, %swap3A_641, %swap3A_642] {strides = array<i32>} : memref<50x8x128xf32, #tpu.memory_space<vmem>>, vector<16xf32>,
        tpu.vector_store %arg6[%swap3A_640, %swap3A_641, %swap3A_642], %get3A_613 {strides = array<i32>} : memref<50x8x128xf32, #tpu.memory_space<vmem>>, vector<16xf32>,
        %swap3A_644 = arith.constant 6 : i32
        %swap3A_645 = arith.index_cast %scan3A_526 : i32 to index
        %swap3A_646 = arith.index_cast %swap3A_644 : i32 to index
        %swap3A_647 = arith.constant 32 : index
        %swap3A_648 = tpu.vector_load %arg6[%swap3A_645, %swap3A_646, %swap3A_647] {strides = array<i32>} : memref<50x8x128xf32, #tpu.memory_space<vmem>>, vector<16xf32>,
        tpu.vector_store %arg6[%swap3A_645, %swap3A_646, %swap3A_647], %get3A_613 {strides = array<i32>} : memref<50x8x128xf32, #tpu.memory_space<vmem>>, vector<16xf32>,
        %swap3A_649 = arith.constant 7 : i32
        %swap3A_650 = arith.index_cast %scan3A_526 : i32 to index
        %swap3A_651 = arith.index_cast %swap3A_649 : i32 to index
        %swap3A_652 = arith.constant 32 : index
        %swap3A_653 = tpu.vector_load %arg6[%swap3A_650, %swap3A_651, %swap3A_652] {strides = array<i32>} : memref<50x8x128xf32, #tpu.memory_space<vmem>>, vector<16xf32>,
        tpu.vector_store %arg6[%swap3A_650, %swap3A_651, %swap3A_652], %get3A_613 {strides = array<i32>} : memref<50x8x128xf32, #tpu.memory_space<vmem>>, vector<16xf32>,
        %get3A_654 = arith.index_cast %scan3A_526 : i32 to index
        %get3A_655 = arith.constant 48 : index
        %get3A_656 = tpu.vector_load %arg5[%get3A_654, %get3A_655] {strides = array<i32>} : memref<50x128xf32, #tpu.memory_space<vmem>>, vector<16xf32>,
        %swap3A_657 = arith.constant 0 : i32
        %swap3A_658 = arith.index_cast %scan3A_526 : i32 to index
        %swap3A_659 = arith.index_cast %swap3A_657 : i32 to index
        %swap3A_660 = arith.constant 48 : index
        %swap3A_661 = tpu.vector_load %arg6[%swap3A_658, %swap3A_659, %swap3A_660] {strides = array<i32>} : memref<50x8x128xf32, #tpu.memory_space<vmem>>, vector<16xf32>,
        tpu.vector_store %arg6[%swap3A_658, %swap3A_659, %swap3A_660], %get3A_656 {strides = array<i32>} : memref<50x8x128xf32, #tpu.memory_space<vmem>>, vector<16xf32>,
        %swap3A_662 = arith.constant 1 : i32
        %swap3A_663 = arith.index_cast %scan3A_526 : i32 to index
        %swap3A_664 = arith.index_cast %swap3A_662 : i32 to index
        %swap3A_665 = arith.constant 48 : index
        %swap3A_666 = tpu.vector_load %arg6[%swap3A_663, %swap3A_664, %swap3A_665] {strides = array<i32>} : memref<50x8x128xf32, #tpu.memory_space<vmem>>, vector<16xf32>,
        tpu.vector_store %arg6[%swap3A_663, %swap3A_664, %swap3A_665], %get3A_656 {strides = array<i32>} : memref<50x8x128xf32, #tpu.memory_space<vmem>>, vector<16xf32>,
        %swap3A_667 = arith.constant 2 : i32
        %swap3A_668 = arith.index_cast %scan3A_526 : i32 to index
        %swap3A_669 = arith.index_cast %swap3A_667 : i32 to index
        %swap3A_670 = arith.constant 48 : index
        %swap3A_671 = tpu.vector_load %arg6[%swap3A_668, %swap3A_669, %swap3A_670] {strides = array<i32>} : memref<50x8x128xf32, #tpu.memory_space<vmem>>, vector<16xf32>,
        tpu.vector_store %arg6[%swap3A_668, %swap3A_669, %swap3A_670], %get3A_656 {strides = array<i32>} : memref<50x8x128xf32, #tpu.memory_space<vmem>>, vector<16xf32>,
        %swap3A_672 = arith.constant 3 : i32
        %swap3A_673 = arith.index_cast %scan3A_526 : i32 to index
        %swap3A_674 = arith.index_cast %swap3A_672 : i32 to index
        %swap3A_675 = arith.constant 48 : index
        %swap3A_676 = tpu.vector_load %arg6[%swap3A_673, %swap3A_674, %swap3A_675] {strides = array<i32>} : memref<50x8x128xf32, #tpu.memory_space<vmem>>, vector<16xf32>,
        tpu.vector_store %arg6[%swap3A_673, %swap3A_674, %swap3A_675], %get3A_656 {strides = array<i32>} : memref<50x8x128xf32, #tpu.memory_space<vmem>>, vector<16xf32>,
        %swap3A_677 = arith.constant 4 : i32
        %swap3A_678 = arith.index_cast %scan3A_526 : i32 to index
        %swap3A_679 = arith.index_cast %swap3A_677 : i32 to index
        %swap3A_680 = arith.constant 48 : index
        %swap3A_681 = tpu.vector_load %arg6[%swap3A_678, %swap3A_679, %swap3A_680] {strides = array<i32>} : memref<50x8x128xf32, #tpu.memory_space<vmem>>, vector<16xf32>,
        tpu.vector_store %arg6[%swap3A_678, %swap3A_679, %swap3A_680], %get3A_656 {strides = array<i32>} : memref<50x8x128xf32, #tpu.memory_space<vmem>>, vector<16xf32>,
        %swap3A_682 = arith.constant 5 : i32
        %swap3A_683 = arith.index_cast %scan3A_526 : i32 to index
        %swap3A_684 = arith.index_cast %swap3A_682 : i32 to index
        %swap3A_685 = arith.constant 48 : index
        %swap3A_686 = tpu.vector_load %arg6[%swap3A_683, %swap3A_684, %swap3A_685] {strides = array<i32>} : memref<50x8x128xf32, #tpu.memory_space<vmem>>, vector<16xf32>,
        tpu.vector_store %arg6[%swap3A_683, %swap3A_684, %swap3A_685], %get3A_656 {strides = array<i32>} : memref<50x8x128xf32, #tpu.memory_space<vmem>>, vector<16xf32>,
        %swap3A_687 = arith.constant 6 : i32
        %swap3A_688 = arith.index_cast %scan3A_526 : i32 to index
        %swap3A_689 = arith.index_cast %swap3A_687 : i32 to index
        %swap3A_690 = arith.constant 48 : index
        %swap3A_691 = tpu.vector_load %arg6[%swap3A_688, %swap3A_689, %swap3A_690] {strides = array<i32>} : memref<50x8x128xf32, #tpu.memory_space<vmem>>, vector<16xf32>,
        tpu.vector_store %arg6[%swap3A_688, %swap3A_689, %swap3A_690], %get3A_656 {strides = array<i32>} : memref<50x8x128xf32, #tpu.memory_space<vmem>>, vector<16xf32>,
        %swap3A_692 = arith.constant 7 : i32
        %swap3A_693 = arith.index_cast %scan3A_526 : i32 to index
        %swap3A_694 = arith.index_cast %swap3A_692 : i32 to index
        %swap3A_695 = arith.constant 48 : index
        %swap3A_696 = tpu.vector_load %arg6[%swap3A_693, %swap3A_694, %swap3A_695] {strides = array<i32>} : memref<50x8x128xf32, #tpu.memory_space<vmem>>, vector<16xf32>,
        tpu.vector_store %arg6[%swap3A_693, %swap3A_694, %swap3A_695], %get3A_656 {strides = array<i32>} : memref<50x8x128xf32, #tpu.memory_space<vmem>>, vector<16xf32>,
        %get3A_697 = arith.index_cast %scan3A_526 : i32 to index
        %get3A_698 = arith.constant 64 : index
        %get3A_699 = tpu.vector_load %arg5[%get3A_697, %get3A_698] {strides = array<i32>} : memref<50x128xf32, #tpu.memory_space<vmem>>, vector<16xf32>,
        %swap3A_700 = arith.constant 0 : i32
        %swap3A_701 = arith.index_cast %scan3A_526 : i32 to index
        %swap3A_702 = arith.index_cast %swap3A_700 : i32 to index
        %swap3A_703 = arith.constant 64 : index
        %swap3A_704 = tpu.vector_load %arg6[%swap3A_701, %swap3A_702, %swap3A_703] {strides = array<i32>} : memref<50x8x128xf32, #tpu.memory_space<vmem>>, vector<16xf32>,
        tpu.vector_store %arg6[%swap3A_701, %swap3A_702, %swap3A_703], %get3A_699 {strides = array<i32>} : memref<50x8x128xf32, #tpu.memory_space<vmem>>, vector<16xf32>,
        %swap3A_705 = arith.constant 1 : i32
        %swap3A_706 = arith.index_cast %scan3A_526 : i32 to index
        %swap3A_707 = arith.index_cast %swap3A_705 : i32 to index
        %swap3A_708 = arith.constant 64 : index
        %swap3A_709 = tpu.vector_load %arg6[%swap3A_706, %swap3A_707, %swap3A_708] {strides = array<i32>} : memref<50x8x128xf32, #tpu.memory_space<vmem>>, vector<16xf32>,
        tpu.vector_store %arg6[%swap3A_706, %swap3A_707, %swap3A_708], %get3A_699 {strides = array<i32>} : memref<50x8x128xf32, #tpu.memory_space<vmem>>, vector<16xf32>,
        %swap3A_710 = arith.constant 2 : i32
        %swap3A_711 = arith.index_cast %scan3A_526 : i32 to index
        %swap3A_712 = arith.index_cast %swap3A_710 : i32 to index
        %swap3A_713 = arith.constant 64 : index
        %swap3A_714 = tpu.vector_load %arg6[%swap3A_711, %swap3A_712, %swap3A_713] {strides = array<i32>} : memref<50x8x128xf32, #tpu.memory_space<vmem>>, vector<16xf32>,
        tpu.vector_store %arg6[%swap3A_711, %swap3A_712, %swap3A_713], %get3A_699 {strides = array<i32>} : memref<50x8x128xf32, #tpu.memory_space<vmem>>, vector<16xf32>,
        %swap3A_715 = arith.constant 3 : i32
        %swap3A_716 = arith.index_cast %scan3A_526 : i32 to index
        %swap3A_717 = arith.index_cast %swap3A_715 : i32 to index
        %swap3A_718 = arith.constant 64 : index
        %swap3A_719 = tpu.vector_load %arg6[%swap3A_716, %swap3A_717, %swap3A_718] {strides = array<i32>} : memref<50x8x128xf32, #tpu.memory_space<vmem>>, vector<16xf32>,
        tpu.vector_store %arg6[%swap3A_716, %swap3A_717, %swap3A_718], %get3A_699 {strides = array<i32>} : memref<50x8x128xf32, #tpu.memory_space<vmem>>, vector<16xf32>,
        %swap3A_720 = arith.constant 4 : i32
        %swap3A_721 = arith.index_cast %scan3A_526 : i32 to index
        %swap3A_722 = arith.index_cast %swap3A_720 : i32 to index
        %swap3A_723 = arith.constant 64 : index
        %swap3A_724 = tpu.vector_load %arg6[%swap3A_721, %swap3A_722, %swap3A_723] {strides = array<i32>} : memref<50x8x128xf32, #tpu.memory_space<vmem>>, vector<16xf32>,
        tpu.vector_store %arg6[%swap3A_721, %swap3A_722, %swap3A_723], %get3A_699 {strides = array<i32>} : memref<50x8x128xf32, #tpu.memory_space<vmem>>, vector<16xf32>,
        %swap3A_725 = arith.constant 5 : i32
        %swap3A_726 = arith.index_cast %scan3A_526 : i32 to index
        %swap3A_727 = arith.index_cast %swap3A_725 : i32 to index
        %swap3A_728 = arith.constant 64 : index
        %swap3A_729 = tpu.vector_load %arg6[%swap3A_726, %swap3A_727, %swap3A_728] {strides = array<i32>} : memref<50x8x128xf32, #tpu.memory_space<vmem>>, vector<16xf32>,
        tpu.vector_store %arg6[%swap3A_726, %swap3A_727, %swap3A_728], %get3A_699 {strides = array<i32>} : memref<50x8x128xf32, #tpu.memory_space<vmem>>, vector<16xf32>,
        %swap3A_730 = arith.constant 6 : i32
        %swap3A_731 = arith.index_cast %scan3A_526 : i32 to index
        %swap3A_732 = arith.index_cast %swap3A_730 : i32 to index
        %swap3A_733 = arith.constant 64 : index
        %swap3A_734 = tpu.vector_load %arg6[%swap3A_731, %swap3A_732, %swap3A_733] {strides = array<i32>} : memref<50x8x128xf32, #tpu.memory_space<vmem>>, vector<16xf32>,
        tpu.vector_store %arg6[%swap3A_731, %swap3A_732, %swap3A_733], %get3A_699 {strides = array<i32>} : memref<50x8x128xf32, #tpu.memory_space<vmem>>, vector<16xf32>,
        %swap3A_735 = arith.constant 7 : i32
        %swap3A_736 = arith.index_cast %scan3A_526 : i32 to index
        %swap3A_737 = arith.index_cast %swap3A_735 : i32 to index
        %swap3A_738 = arith.constant 64 : index
        %swap3A_739 = tpu.vector_load %arg6[%swap3A_736, %swap3A_737, %swap3A_738] {strides = array<i32>} : memref<50x8x128xf32, #tpu.memory_space<vmem>>, vector<16xf32>,
        tpu.vector_store %arg6[%swap3A_736, %swap3A_737, %swap3A_738], %get3A_699 {strides = array<i32>} : memref<50x8x128xf32, #tpu.memory_space<vmem>>, vector<16xf32>,
        %get3A_740 = arith.index_cast %scan3A_526 : i32 to index
        %get3A_741 = arith.constant 80 : index
        %get3A_742 = tpu.vector_load %arg5[%get3A_740, %get3A_741] {strides = array<i32>} : memref<50x128xf32, #tpu.memory_space<vmem>>, vector<16xf32>,
        %swap3A_743 = arith.constant 0 : i32
        %swap3A_744 = arith.index_cast %scan3A_526 : i32 to index
        %swap3A_745 = arith.index_cast %swap3A_743 : i32 to index
        %swap3A_746 = arith.constant 80 : index
        %swap3A_747 = tpu.vector_load %arg6[%swap3A_744, %swap3A_745, %swap3A_746] {strides = array<i32>} : memref<50x8x128xf32, #tpu.memory_space<vmem>>, vector<16xf32>,
        tpu.vector_store %arg6[%swap3A_744, %swap3A_745, %swap3A_746], %get3A_742 {strides = array<i32>} : memref<50x8x128xf32, #tpu.memory_space<vmem>>, vector<16xf32>,
        %swap3A_748 = arith.constant 1 : i32
        %swap3A_749 = arith.index_cast %scan3A_526 : i32 to index
        %swap3A_750 = arith.index_cast %swap3A_748 : i32 to index
        %swap3A_751 = arith.constant 80 : index
        %swap3A_752 = tpu.vector_load %arg6[%swap3A_749, %swap3A_750, %swap3A_751] {strides = array<i32>} : memref<50x8x128xf32, #tpu.memory_space<vmem>>, vector<16xf32>,
        tpu.vector_store %arg6[%swap3A_749, %swap3A_750, %swap3A_751], %get3A_742 {strides = array<i32>} : memref<50x8x128xf32, #tpu.memory_space<vmem>>, vector<16xf32>,
        %swap3A_753 = arith.constant 2 : i32
        %swap3A_754 = arith.index_cast %scan3A_526 : i32 to index
        %swap3A_755 = arith.index_cast %swap3A_753 : i32 to index
        %swap3A_756 = arith.constant 80 : index
        %swap3A_757 = tpu.vector_load %arg6[%swap3A_754, %swap3A_755, %swap3A_756] {strides = array<i32>} : memref<50x8x128xf32, #tpu.memory_space<vmem>>, vector<16xf32>,
        tpu.vector_store %arg6[%swap3A_754, %swap3A_755, %swap3A_756], %get3A_742 {strides = array<i32>} : memref<50x8x128xf32, #tpu.memory_space<vmem>>, vector<16xf32>,
        %swap3A_758 = arith.constant 3 : i32
        %swap3A_759 = arith.index_cast %scan3A_526 : i32 to index
        %swap3A_760 = arith.index_cast %swap3A_758 : i32 to index
        %swap3A_761 = arith.constant 80 : index
        %swap3A_762 = tpu.vector_load %arg6[%swap3A_759, %swap3A_760, %swap3A_761] {strides = array<i32>} : memref<50x8x128xf32, #tpu.memory_space<vmem>>, vector<16xf32>,
        tpu.vector_store %arg6[%swap3A_759, %swap3A_760, %swap3A_761], %get3A_742 {strides = array<i32>} : memref<50x8x128xf32, #tpu.memory_space<vmem>>, vector<16xf32>,
        %swap3A_763 = arith.constant 4 : i32
        %swap3A_764 = arith.index_cast %scan3A_526 : i32 to index
        %swap3A_765 = arith.index_cast %swap3A_763 : i32 to index
        %swap3A_766 = arith.constant 80 : index
        %swap3A_767 = tpu.vector_load %arg6[%swap3A_764, %swap3A_765, %swap3A_766] {strides = array<i32>} : memref<50x8x128xf32, #tpu.memory_space<vmem>>, vector<16xf32>,
        tpu.vector_store %arg6[%swap3A_764, %swap3A_765, %swap3A_766], %get3A_742 {strides = array<i32>} : memref<50x8x128xf32, #tpu.memory_space<vmem>>, vector<16xf32>,
        %swap3A_768 = arith.constant 5 : i32
        %swap3A_769 = arith.index_cast %scan3A_526 : i32 to index
        %swap3A_770 = arith.index_cast %swap3A_768 : i32 to index
        %swap3A_771 = arith.constant 80 : index
        %swap3A_772 = tpu.vector_load %arg6[%swap3A_769, %swap3A_770, %swap3A_771] {strides = array<i32>} : memref<50x8x128xf32, #tpu.memory_space<vmem>>, vector<16xf32>,
        tpu.vector_store %arg6[%swap3A_769, %swap3A_770, %swap3A_771], %get3A_742 {strides = array<i32>} : memref<50x8x128xf32, #tpu.memory_space<vmem>>, vector<16xf32>,
        %swap3A_773 = arith.constant 6 : i32
        %swap3A_774 = arith.index_cast %scan3A_526 : i32 to index
        %swap3A_775 = arith.index_cast %swap3A_773 : i32 to index
        %swap3A_776 = arith.constant 80 : index
        %swap3A_777 = tpu.vector_load %arg6[%swap3A_774, %swap3A_775, %swap3A_776] {strides = array<i32>} : memref<50x8x128xf32, #tpu.memory_space<vmem>>, vector<16xf32>,
        tpu.vector_store %arg6[%swap3A_774, %swap3A_775, %swap3A_776], %get3A_742 {strides = array<i32>} : memref<50x8x128xf32, #tpu.memory_space<vmem>>, vector<16xf32>,
        %swap3A_778 = arith.constant 7 : i32
        %swap3A_779 = arith.index_cast %scan3A_526 : i32 to index
        %swap3A_780 = arith.index_cast %swap3A_778 : i32 to index
        %swap3A_781 = arith.constant 80 : index
        %swap3A_782 = tpu.vector_load %arg6[%swap3A_779, %swap3A_780, %swap3A_781] {strides = array<i32>} : memref<50x8x128xf32, #tpu.memory_space<vmem>>, vector<16xf32>,
        tpu.vector_store %arg6[%swap3A_779, %swap3A_780, %swap3A_781], %get3A_742 {strides = array<i32>} : memref<50x8x128xf32, #tpu.memory_space<vmem>>, vector<16xf32>,
        %get3A_783 = arith.index_cast %scan3A_526 : i32 to index
        %get3A_784 = arith.constant 96 : index
        %get3A_785 = tpu.vector_load %arg5[%get3A_783, %get3A_784] {strides = array<i32>} : memref<50x128xf32, #tpu.memory_space<vmem>>, vector<16xf32>,
        %swap3A_786 = arith.constant 0 : i32
        %swap3A_787 = arith.index_cast %scan3A_526 : i32 to index
        %swap3A_788 = arith.index_cast %swap3A_786 : i32 to index
        %swap3A_789 = arith.constant 96 : index
        %swap3A_790 = tpu.vector_load %arg6[%swap3A_787, %swap3A_788, %swap3A_789] {strides = array<i32>} : memref<50x8x128xf32, #tpu.memory_space<vmem>>, vector<16xf32>,
        tpu.vector_store %arg6[%swap3A_787, %swap3A_788, %swap3A_789], %get3A_785 {strides = array<i32>} : memref<50x8x128xf32, #tpu.memory_space<vmem>>, vector<16xf32>,
        %swap3A_791 = arith.constant 1 : i32
        %swap3A_792 = arith.index_cast %scan3A_526 : i32 to index
        %swap3A_793 = arith.index_cast %swap3A_791 : i32 to index
        %swap3A_794 = arith.constant 96 : index
        %swap3A_795 = tpu.vector_load %arg6[%swap3A_792, %swap3A_793, %swap3A_794] {strides = array<i32>} : memref<50x8x128xf32, #tpu.memory_space<vmem>>, vector<16xf32>,
        tpu.vector_store %arg6[%swap3A_792, %swap3A_793, %swap3A_794], %get3A_785 {strides = array<i32>} : memref<50x8x128xf32, #tpu.memory_space<vmem>>, vector<16xf32>,
        %swap3A_796 = arith.constant 2 : i32
        %swap3A_797 = arith.index_cast %scan3A_526 : i32 to index
        %swap3A_798 = arith.index_cast %swap3A_796 : i32 to index
        %swap3A_799 = arith.constant 96 : index
        %swap3A_800 = tpu.vector_load %arg6[%swap3A_797, %swap3A_798, %swap3A_799] {strides = array<i32>} : memref<50x8x128xf32, #tpu.memory_space<vmem>>, vector<16xf32>,
        tpu.vector_store %arg6[%swap3A_797, %swap3A_798, %swap3A_799], %get3A_785 {strides = array<i32>} : memref<50x8x128xf32, #tpu.memory_space<vmem>>, vector<16xf32>,
        %swap3A_801 = arith.constant 3 : i32
        %swap3A_802 = arith.index_cast %scan3A_526 : i32 to index
        %swap3A_803 = arith.index_cast %swap3A_801 : i32 to index
        %swap3A_804 = arith.constant 96 : index
        %swap3A_805 = tpu.vector_load %arg6[%swap3A_802, %swap3A_803, %swap3A_804] {strides = array<i32>} : memref<50x8x128xf32, #tpu.memory_space<vmem>>, vector<16xf32>,
        tpu.vector_store %arg6[%swap3A_802, %swap3A_803, %swap3A_804], %get3A_785 {strides = array<i32>} : memref<50x8x128xf32, #tpu.memory_space<vmem>>, vector<16xf32>,
        %swap3A_806 = arith.constant 4 : i32
        %swap3A_807 = arith.index_cast %scan3A_526 : i32 to index
        %swap3A_808 = arith.index_cast %swap3A_806 : i32 to index
        %swap3A_809 = arith.constant 96 : index
        %swap3A_810 = tpu.vector_load %arg6[%swap3A_807, %swap3A_808, %swap3A_809] {strides = array<i32>} : memref<50x8x128xf32, #tpu.memory_space<vmem>>, vector<16xf32>,
        tpu.vector_store %arg6[%swap3A_807, %swap3A_808, %swap3A_809], %get3A_785 {strides = array<i32>} : memref<50x8x128xf32, #tpu.memory_space<vmem>>, vector<16xf32>,
        %swap3A_811 = arith.constant 5 : i32
        %swap3A_812 = arith.index_cast %scan3A_526 : i32 to index
        %swap3A_813 = arith.index_cast %swap3A_811 : i32 to index
        %swap3A_814 = arith.constant 96 : index
        %swap3A_815 = tpu.vector_load %arg6[%swap3A_812, %swap3A_813, %swap3A_814] {strides = array<i32>} : memref<50x8x128xf32, #tpu.memory_space<vmem>>, vector<16xf32>,
        tpu.vector_store %arg6[%swap3A_812, %swap3A_813, %swap3A_814], %get3A_785 {strides = array<i32>} : memref<50x8x128xf32, #tpu.memory_space<vmem>>, vector<16xf32>,
        %swap3A_816 = arith.constant 6 : i32
        %swap3A_817 = arith.index_cast %scan3A_526 : i32 to index
        %swap3A_818 = arith.index_cast %swap3A_816 : i32 to index
        %swap3A_819 = arith.constant 96 : index
        %swap3A_820 = tpu.vector_load %arg6[%swap3A_817, %swap3A_818, %swap3A_819] {strides = array<i32>} : memref<50x8x128xf32, #tpu.memory_space<vmem>>, vector<16xf32>,
        tpu.vector_store %arg6[%swap3A_817, %swap3A_818, %swap3A_819], %get3A_785 {strides = array<i32>} : memref<50x8x128xf32, #tpu.memory_space<vmem>>, vector<16xf32>,
        %swap3A_821 = arith.constant 7 : i32
        %swap3A_822 = arith.index_cast %scan3A_526 : i32 to index
        %swap3A_823 = arith.index_cast %swap3A_821 : i32 to index
        %swap3A_824 = arith.constant 96 : index
        %swap3A_825 = tpu.vector_load %arg6[%swap3A_822, %swap3A_823, %swap3A_824] {strides = array<i32>} : memref<50x8x128xf32, #tpu.memory_space<vmem>>, vector<16xf32>,
        tpu.vector_store %arg6[%swap3A_822, %swap3A_823, %swap3A_824], %get3A_785 {strides = array<i32>} : memref<50x8x128xf32, #tpu.memory_space<vmem>>, vector<16xf32>,
        %get3A_826 = arith.index_cast %scan3A_526 : i32 to index
        %get3A_827 = arith.constant 112 : index
        %get3A_828 = tpu.vector_load %arg5[%get3A_826, %get3A_827] {strides = array<i32>} : memref<50x128xf32, #tpu.memory_space<vmem>>, vector<16xf32>,
        %swap3A_829 = arith.constant 0 : i32
        %swap3A_830 = arith.index_cast %scan3A_526 : i32 to index
        %swap3A_831 = arith.index_cast %swap3A_829 : i32 to index
        %swap3A_832 = arith.constant 112 : index
        %swap3A_833 = tpu.vector_load %arg6[%swap3A_830, %swap3A_831, %swap3A_832] {strides = array<i32>} : memref<50x8x128xf32, #tpu.memory_space<vmem>>, vector<16xf32>,
        tpu.vector_store %arg6[%swap3A_830, %swap3A_831, %swap3A_832], %get3A_828 {strides = array<i32>} : memref<50x8x128xf32, #tpu.memory_space<vmem>>, vector<16xf32>,
        %swap3A_834 = arith.constant 1 : i32
        %swap3A_835 = arith.index_cast %scan3A_526 : i32 to index
        %swap3A_836 = arith.index_cast %swap3A_834 : i32 to index
        %swap3A_837 = arith.constant 112 : index
        %swap3A_838 = tpu.vector_load %arg6[%swap3A_835, %swap3A_836, %swap3A_837] {strides = array<i32>} : memref<50x8x128xf32, #tpu.memory_space<vmem>>, vector<16xf32>,
        tpu.vector_store %arg6[%swap3A_835, %swap3A_836, %swap3A_837], %get3A_828 {strides = array<i32>} : memref<50x8x128xf32, #tpu.memory_space<vmem>>, vector<16xf32>,
        %swap3A_839 = arith.constant 2 : i32
        %swap3A_840 = arith.index_cast %scan3A_526 : i32 to index
        %swap3A_841 = arith.index_cast %swap3A_839 : i32 to index
        %swap3A_842 = arith.constant 112 : index
        %swap3A_843 = tpu.vector_load %arg6[%swap3A_840, %swap3A_841, %swap3A_842] {strides = array<i32>} : memref<50x8x128xf32, #tpu.memory_space<vmem>>, vector<16xf32>,
        tpu.vector_store %arg6[%swap3A_840, %swap3A_841, %swap3A_842], %get3A_828 {strides = array<i32>} : memref<50x8x128xf32, #tpu.memory_space<vmem>>, vector<16xf32>,
        %swap3A_844 = arith.constant 3 : i32
        %swap3A_845 = arith.index_cast %scan3A_526 : i32 to index
        %swap3A_846 = arith.index_cast %swap3A_844 : i32 to index
        %swap3A_847 = arith.constant 112 : index
        %swap3A_848 = tpu.vector_load %arg6[%swap3A_845, %swap3A_846, %swap3A_847] {strides = array<i32>} : memref<50x8x128xf32, #tpu.memory_space<vmem>>, vector<16xf32>,
        tpu.vector_store %arg6[%swap3A_845, %swap3A_846, %swap3A_847], %get3A_828 {strides = array<i32>} : memref<50x8x128xf32, #tpu.memory_space<vmem>>, vector<16xf32>,
        %swap3A_849 = arith.constant 4 : i32
        %swap3A_850 = arith.index_cast %scan3A_526 : i32 to index
        %swap3A_851 = arith.index_cast %swap3A_849 : i32 to index
        %swap3A_852 = arith.constant 112 : index
        %swap3A_853 = tpu.vector_load %arg6[%swap3A_850, %swap3A_851, %swap3A_852] {strides = array<i32>} : memref<50x8x128xf32, #tpu.memory_space<vmem>>, vector<16xf32>,
        tpu.vector_store %arg6[%swap3A_850, %swap3A_851, %swap3A_852], %get3A_828 {strides = array<i32>} : memref<50x8x128xf32, #tpu.memory_space<vmem>>, vector<16xf32>,
        %swap3A_854 = arith.constant 5 : i32
        %swap3A_855 = arith.index_cast %scan3A_526 : i32 to index
        %swap3A_856 = arith.index_cast %swap3A_854 : i32 to index
        %swap3A_857 = arith.constant 112 : index
        %swap3A_858 = tpu.vector_load %arg6[%swap3A_855, %swap3A_856, %swap3A_857] {strides = array<i32>} : memref<50x8x128xf32, #tpu.memory_space<vmem>>, vector<16xf32>,
        tpu.vector_store %arg6[%swap3A_855, %swap3A_856, %swap3A_857], %get3A_828 {strides = array<i32>} : memref<50x8x128xf32, #tpu.memory_space<vmem>>, vector<16xf32>,
        %swap3A_859 = arith.constant 6 : i32
        %swap3A_860 = arith.index_cast %scan3A_526 : i32 to index
        %swap3A_861 = arith.index_cast %swap3A_859 : i32 to index
        %swap3A_862 = arith.constant 112 : index
        %swap3A_863 = tpu.vector_load %arg6[%swap3A_860, %swap3A_861, %swap3A_862] {strides = array<i32>} : memref<50x8x128xf32, #tpu.memory_space<vmem>>, vector<16xf32>,
        tpu.vector_store %arg6[%swap3A_860, %swap3A_861, %swap3A_862], %get3A_828 {strides = array<i32>} : memref<50x8x128xf32, #tpu.memory_space<vmem>>, vector<16xf32>,
        %swap3A_864 = arith.constant 7 : i32
        %swap3A_865 = arith.index_cast %scan3A_526 : i32 to index
        %swap3A_866 = arith.index_cast %swap3A_864 : i32 to index
        %swap3A_867 = arith.constant 112 : index
        %swap3A_868 = tpu.vector_load %arg6[%swap3A_865, %swap3A_866, %swap3A_867] {strides = array<i32>} : memref<50x8x128xf32, #tpu.memory_space<vmem>>, vector<16xf32>,
        tpu.vector_store %arg6[%swap3A_865, %swap3A_866, %swap3A_867], %get3A_828 {strides = array<i32>} : memref<50x8x128xf32, #tpu.memory_space<vmem>>, vector<16xf32>,
      }
      %scan3A_82 = arith.constant 13 : i32
      %add3A_83 = arith.constant 0 : i32
      %add3A_84 = arith.addi %arg1, %add3A_83 : i32
      %dma_start3A_85 = arith.constant 0 : i32
      %dma_start3A_86 = arith.constant 13 : i32
      %dma_start3A_87 = arith.constant 0 : i32
      %dma_start3A_88 = arith.constant 0 : i32
      %dma_start3A_89 = tpu.memref_slice %arg6[%dma_start3A_86, %dma_start3A_87, %dma_start3A_88] : memref<50x8x128xf32, #tpu.memory_space<vmem>> -> memref<13x8x128xf32, #tpu.memory_space<vmem>>
      %dma_start3A_90 = arith.constant 13 : i32
      %dma_start3A_91 = arith.constant 0 : i32
      %dma_start3A_92 = arith.constant 0 : i32
      %dma_start3A_93 = tpu.memref_slice %arg4[%add3A_84, %dma_start3A_90, %dma_start3A_85, %dma_start3A_91, %dma_start3A_92] : memref<50x50x2x8x128xf32, #tpu.memory_space<hbm>> -> memref<1x13x1x8x128xf32, #tpu.memory_space<hbm>>
      %dma_start3A_94 = tpu.memref_squeeze %dma_start3A_93 : memref<1x13x1x8x128xf32, #tpu.memory_space<hbm>> -> memref<13x8x128xf32, #tpu.memory_space<hbm>>
      %dma_start3A_95 = arith.constant 13 : i32
      %dma_start3A_96 = arith.constant 0 : i32
      %dma_start3A_97 = arith.constant 0 : i32
      %dma_start3A_98 = tpu.memref_slice %arg4[%add3A_84, %dma_start3A_95, %dma_start3A_85, %dma_start3A_96, %dma_start3A_97] : memref<50x50x2x8x128xf32, #tpu.memory_space<hbm>> -> memref<1x13x1x8x128xf32, #tpu.memory_space<hbm>>
      %dma_start3A_99 = tpu.memref_squeeze %dma_start3A_98 : memref<1x13x1x8x128xf32, #tpu.memory_space<hbm>> -> memref<13x8x128xf32, #tpu.memory_space<hbm>>
      %dma_start3A_100 = arith.constant 13 : i32
      %dma_start3A_101 = arith.constant 0 : i32
      %dma_start3A_102 = arith.constant 0 : i32
      %dma_start3A_103 = tpu.memref_slice %arg6[%dma_start3A_100, %dma_start3A_101, %dma_start3A_102] : memref<50x8x128xf32, #tpu.memory_space<vmem>> -> memref<13x8x128xf32, #tpu.memory_space<vmem>>
      tpu.enqueue_dma source(%dma_start3A_103 : memref<13x8x128xf32, #tpu.memory_space<vmem>>) target(%dma_start3A_99 : memref<13x8x128xf32, #tpu.memory_space<hbm>>) target_semaphore(%arg8 : memref<!tpu.dma_semaphore, #tpu.memory_space<semaphore_mem>>)
      %add3A_104 = arith.constant 16 : i32
      %add3A_105 = arith.addi %arg1, %add3A_104 : i32
      %dma_start3A_106 = arith.constant 0 : i32
      %dma_start3A_107 = arith.constant 13 : i32
      %dma_start3A_108 = arith.constant 0 : i32
      %dma_start3A_109 = arith.constant 0 : i32
      %dma_start3A_110 = tpu.memref_slice %arg6[%dma_start3A_107, %dma_start3A_108, %dma_start3A_109] : memref<50x8x128xf32, #tpu.memory_space<vmem>> -> memref<13x8x128xf32, #tpu.memory_space<vmem>>
      %dma_start3A_111 = arith.constant 13 : i32
      %dma_start3A_112 = arith.constant 0 : i32
      %dma_start3A_113 = arith.constant 0 : i32
      %dma_start3A_114 = tpu.memref_slice %arg4[%add3A_105, %dma_start3A_111, %dma_start3A_106, %dma_start3A_112, %dma_start3A_113] : memref<50x50x2x8x128xf32, #tpu.memory_space<hbm>> -> memref<1x13x1x8x128xf32, #tpu.memory_space<hbm>>
      %dma_start3A_115 = tpu.memref_squeeze %dma_start3A_114 : memref<1x13x1x8x128xf32, #tpu.memory_space<hbm>> -> memref<13x8x128xf32, #tpu.memory_space<hbm>>
      %dma_start3A_116 = arith.constant 13 : i32
      %dma_start3A_117 = arith.constant 0 : i32
      %dma_start3A_118 = arith.constant 0 : i32
      %dma_start3A_119 = tpu.memref_slice %arg4[%add3A_105, %dma_start3A_116, %dma_start3A_106, %dma_start3A_117, %dma_start3A_118] : memref<50x50x2x8x128xf32, #tpu.memory_space<hbm>> -> memref<1x13x1x8x128xf32, #tpu.memory_space<hbm>>
      %dma_start3A_120 = tpu.memref_squeeze %dma_start3A_119 : memref<1x13x1x8x128xf32, #tpu.memory_space<hbm>> -> memref<13x8x128xf32, #tpu.memory_space<hbm>>
      %dma_start3A_121 = arith.constant 13 : i32
      %dma_start3A_122 = arith.constant 0 : i32
      %dma_start3A_123 = arith.constant 0 : i32
      %dma_start3A_124 = tpu.memref_slice %arg6[%dma_start3A_121, %dma_start3A_122, %dma_start3A_123] : memref<50x8x128xf32, #tpu.memory_space<vmem>> -> memref<13x8x128xf32, #tpu.memory_space<vmem>>
      tpu.enqueue_dma source(%dma_start3A_124 : memref<13x8x128xf32, #tpu.memory_space<vmem>>) target(%dma_start3A_120 : memref<13x8x128xf32, #tpu.memory_space<hbm>>) target_semaphore(%arg8 : memref<!tpu.dma_semaphore, #tpu.memory_space<semaphore_mem>>)
      %add3A_125 = arith.constant 32 : i32
      %add3A_126 = arith.addi %arg1, %add3A_125 : i32
      %dma_start3A_127 = arith.constant 0 : i32
      %dma_start3A_128 = arith.constant 13 : i32
      %dma_start3A_129 = arith.constant 0 : i32
      %dma_start3A_130 = arith.constant 0 : i32
      %dma_start3A_131 = tpu.memref_slice %arg6[%dma_start3A_128, %dma_start3A_129, %dma_start3A_130] : memref<50x8x128xf32, #tpu.memory_space<vmem>> -> memref<13x8x128xf32, #tpu.memory_space<vmem>>
      %dma_start3A_132 = arith.constant 13 : i32
      %dma_start3A_133 = arith.constant 0 : i32
      %dma_start3A_134 = arith.constant 0 : i32
      %dma_start3A_135 = tpu.memref_slice %arg4[%add3A_126, %dma_start3A_132, %dma_start3A_127, %dma_start3A_133, %dma_start3A_134] : memref<50x50x2x8x128xf32, #tpu.memory_space<hbm>> -> memref<1x13x1x8x128xf32, #tpu.memory_space<hbm>>
      %dma_start3A_136 = tpu.memref_squeeze %dma_start3A_135 : memref<1x13x1x8x128xf32, #tpu.memory_space<hbm>> -> memref<13x8x128xf32, #tpu.memory_space<hbm>>
      %dma_start3A_137 = arith.constant 13 : i32
      %dma_start3A_138 = arith.constant 0 : i32
      %dma_start3A_139 = arith.constant 0 : i32
      %dma_start3A_140 = tpu.memref_slice %arg4[%add3A_126, %dma_start3A_137, %dma_start3A_127, %dma_start3A_138, %dma_start3A_139] : memref<50x50x2x8x128xf32, #tpu.memory_space<hbm>> -> memref<1x13x1x8x128xf32, #tpu.memory_space<hbm>>
      %dma_start3A_141 = tpu.memref_squeeze %dma_start3A_140 : memref<1x13x1x8x128xf32, #tpu.memory_space<hbm>> -> memref<13x8x128xf32, #tpu.memory_space<hbm>>
      %dma_start3A_142 = arith.constant 13 : i32
      %dma_start3A_143 = arith.constant 0 : i32
      %dma_start3A_144 = arith.constant 0 : i32
      %dma_start3A_145 = tpu.memref_slice %arg6[%dma_start3A_142, %dma_start3A_143, %dma_start3A_144] : memref<50x8x128xf32, #tpu.memory_space<vmem>> -> memref<13x8x128xf32, #tpu.memory_space<vmem>>
      tpu.enqueue_dma source(%dma_start3A_145 : memref<13x8x128xf32, #tpu.memory_space<vmem>>) target(%dma_start3A_141 : memref<13x8x128xf32, #tpu.memory_space<hbm>>) target_semaphore(%arg8 : memref<!tpu.dma_semaphore, #tpu.memory_space<semaphore_mem>>)
      %lt3A_146 = arith.constant 2 : i32
      %lt3A_147 = arith.cmpi slt, %arg1, %lt3A_146 : i32
      %convert_element_type3A_148 = arith.extui %lt3A_147 : i1 to i32
      %cond3A_149 = arith.constant 0 : i32
      %cond3A_150 = arith.cmpi ne, %convert_element_type3A_148, %cond3A_149 : i32
      scf.if %cond3A_150 {
        %add3A_526 = arith.constant 48 : i32
        %add3A_527 = arith.addi %add3A_526, %arg1 : i32
        %dma_start3A_528 = arith.constant 0 : i32
        %dma_start3A_529 = arith.constant 13 : i32
        %dma_start3A_530 = arith.constant 0 : i32
        %dma_start3A_531 = arith.constant 0 : i32
        %dma_start3A_532 = tpu.memref_slice %arg6[%dma_start3A_529, %dma_start3A_530, %dma_start3A_531] : memref<50x8x128xf32, #tpu.memory_space<vmem>> -> memref<13x8x128xf32, #tpu.memory_space<vmem>>
        %dma_start3A_533 = arith.constant 13 : i32
        %dma_start3A_534 = arith.constant 0 : i32
        %dma_start3A_535 = arith.constant 0 : i32
        %dma_start3A_536 = tpu.memref_slice %arg4[%add3A_527, %dma_start3A_533, %dma_start3A_528, %dma_start3A_534, %dma_start3A_535] : memref<50x50x2x8x128xf32, #tpu.memory_space<hbm>> -> memref<1x13x1x8x128xf32, #tpu.memory_space<hbm>>
        %dma_start3A_537 = tpu.memref_squeeze %dma_start3A_536 : memref<1x13x1x8x128xf32, #tpu.memory_space<hbm>> -> memref<13x8x128xf32, #tpu.memory_space<hbm>>
        %dma_start3A_538 = arith.constant 13 : i32
        %dma_start3A_539 = arith.constant 0 : i32
        %dma_start3A_540 = arith.constant 0 : i32
        %dma_start3A_541 = tpu.memref_slice %arg4[%add3A_527, %dma_start3A_538, %dma_start3A_528, %dma_start3A_539, %dma_start3A_540] : memref<50x50x2x8x128xf32, #tpu.memory_space<hbm>> -> memref<1x13x1x8x128xf32, #tpu.memory_space<hbm>>
        %dma_start3A_542 = tpu.memref_squeeze %dma_start3A_541 : memref<1x13x1x8x128xf32, #tpu.memory_space<hbm>> -> memref<13x8x128xf32, #tpu.memory_space<hbm>>
        %dma_start3A_543 = arith.constant 13 : i32
        %dma_start3A_544 = arith.constant 0 : i32
        %dma_start3A_545 = arith.constant 0 : i32
        %dma_start3A_546 = tpu.memref_slice %arg6[%dma_start3A_543, %dma_start3A_544, %dma_start3A_545] : memref<50x8x128xf32, #tpu.memory_space<vmem>> -> memref<13x8x128xf32, #tpu.memory_space<vmem>>
        tpu.enqueue_dma source(%dma_start3A_546 : memref<13x8x128xf32, #tpu.memory_space<vmem>>) target(%dma_start3A_542 : memref<13x8x128xf32, #tpu.memory_space<hbm>>) target_semaphore(%arg8 : memref<!tpu.dma_semaphore, #tpu.memory_space<semaphore_mem>>)
        %dma_wait3A_547 = arith.constant 0 : i32
        %dma_wait3A_548 = arith.constant 13 : i32
        %dma_wait3A_549 = arith.constant 0 : i32
        %dma_wait3A_550 = arith.constant 0 : i32
        %dma_wait3A_551 = tpu.memref_slice %arg6[%dma_wait3A_548, %dma_wait3A_549, %dma_wait3A_550] : memref<50x8x128xf32, #tpu.memory_space<vmem>> -> memref<13x8x128xf32, #tpu.memory_space<vmem>>
        %dma_wait3A_552 = arith.constant 13 : i32
        %dma_wait3A_553 = arith.constant 0 : i32
        %dma_wait3A_554 = arith.constant 0 : i32
        %dma_wait3A_555 = tpu.memref_slice %arg4[%add3A_527, %dma_wait3A_552, %dma_wait3A_547, %dma_wait3A_553, %dma_wait3A_554] : memref<50x50x2x8x128xf32, #tpu.memory_space<hbm>> -> memref<1x13x1x8x128xf32, #tpu.memory_space<hbm>>
        %dma_wait3A_556 = tpu.memref_squeeze %dma_wait3A_555 : memref<1x13x1x8x128xf32, #tpu.memory_space<hbm>> -> memref<13x8x128xf32, #tpu.memory_space<hbm>>
        %dma_wait3A_557 = arith.constant 13 : i32
        %dma_wait3A_558 = arith.constant 0 : i32
        %dma_wait3A_559 = arith.constant 0 : i32
        %dma_wait3A_560 = tpu.memref_slice %arg4[%add3A_527, %dma_wait3A_557, %dma_wait3A_547, %dma_wait3A_558, %dma_wait3A_559] : memref<50x50x2x8x128xf32, #tpu.memory_space<hbm>> -> memref<1x13x1x8x128xf32, #tpu.memory_space<hbm>>
        %dma_wait3A_561 = tpu.memref_squeeze %dma_wait3A_560 : memref<1x13x1x8x128xf32, #tpu.memory_space<hbm>> -> memref<13x8x128xf32, #tpu.memory_space<hbm>>
        %dma_wait3A_562 = arith.constant 13 : i32
        %dma_wait3A_563 = arith.constant 0 : i32
        %dma_wait3A_564 = arith.constant 0 : i32
        %dma_wait3A_565 = tpu.memref_slice %arg6[%dma_wait3A_562, %dma_wait3A_563, %dma_wait3A_564] : memref<50x8x128xf32, #tpu.memory_space<vmem>> -> memref<13x8x128xf32, #tpu.memory_space<vmem>>
        tpu.wait_dma2 semaphore(%arg8 : memref<!tpu.dma_semaphore, #tpu.memory_space<semaphore_mem>>) src(%dma_wait3A_565 : memref<13x8x128xf32, #tpu.memory_space<vmem>>) dst(%dma_wait3A_561 : memref<13x8x128xf32, #tpu.memory_space<hbm>>)
      } else {
      }
      %scan3A_151 = arith.constant 0 : i32
      %scan3A_152 = arith.constant 26 : i32
      %scan3A_153 = arith.constant 12 : i32
      %scan3A_154 = arith.addi %scan3A_152, %scan3A_153 : i32
      %scan3A_155 = arith.constant 1 : i32
      scf.for %scan3A_526 = %scan3A_152 to %scan3A_154 step %scan3A_155  : i32 {
        %get3A = arith.index_cast %scan3A_526 : i32 to index
        %get3A_527 = arith.constant 0 : index
        %get3A_528 = tpu.vector_load %arg5[%get3A, %get3A_527] {strides = array<i32>} : memref<50x128xf32, #tpu.memory_space<vmem>>, vector<16xf32>,
        %swap3A = arith.constant 0 : i32
        %swap3A_529 = arith.index_cast %scan3A_526 : i32 to index
        %swap3A_530 = arith.index_cast %swap3A : i32 to index
        %swap3A_531 = arith.constant 0 : index
        %swap3A_532 = tpu.vector_load %arg6[%swap3A_529, %swap3A_530, %swap3A_531] {strides = array<i32>} : memref<50x8x128xf32, #tpu.memory_space<vmem>>, vector<16xf32>,
        tpu.vector_store %arg6[%swap3A_529, %swap3A_530, %swap3A_531], %get3A_528 {strides = array<i32>} : memref<50x8x128xf32, #tpu.memory_space<vmem>>, vector<16xf32>,
        %swap3A_533 = arith.constant 1 : i32
        %swap3A_534 = arith.index_cast %scan3A_526 : i32 to index
        %swap3A_535 = arith.index_cast %swap3A_533 : i32 to index
        %swap3A_536 = arith.constant 0 : index
        %swap3A_537 = tpu.vector_load %arg6[%swap3A_534, %swap3A_535, %swap3A_536] {strides = array<i32>} : memref<50x8x128xf32, #tpu.memory_space<vmem>>, vector<16xf32>,
        tpu.vector_store %arg6[%swap3A_534, %swap3A_535, %swap3A_536], %get3A_528 {strides = array<i32>} : memref<50x8x128xf32, #tpu.memory_space<vmem>>, vector<16xf32>,
        %swap3A_538 = arith.constant 2 : i32
        %swap3A_539 = arith.index_cast %scan3A_526 : i32 to index
        %swap3A_540 = arith.index_cast %swap3A_538 : i32 to index
        %swap3A_541 = arith.constant 0 : index
        %swap3A_542 = tpu.vector_load %arg6[%swap3A_539, %swap3A_540, %swap3A_541] {strides = array<i32>} : memref<50x8x128xf32, #tpu.memory_space<vmem>>, vector<16xf32>,
        tpu.vector_store %arg6[%swap3A_539, %swap3A_540, %swap3A_541], %get3A_528 {strides = array<i32>} : memref<50x8x128xf32, #tpu.memory_space<vmem>>, vector<16xf32>,
        %swap3A_543 = arith.constant 3 : i32
        %swap3A_544 = arith.index_cast %scan3A_526 : i32 to index
        %swap3A_545 = arith.index_cast %swap3A_543 : i32 to index
        %swap3A_546 = arith.constant 0 : index
        %swap3A_547 = tpu.vector_load %arg6[%swap3A_544, %swap3A_545, %swap3A_546] {strides = array<i32>} : memref<50x8x128xf32, #tpu.memory_space<vmem>>, vector<16xf32>,
        tpu.vector_store %arg6[%swap3A_544, %swap3A_545, %swap3A_546], %get3A_528 {strides = array<i32>} : memref<50x8x128xf32, #tpu.memory_space<vmem>>, vector<16xf32>,
        %swap3A_548 = arith.constant 4 : i32
        %swap3A_549 = arith.index_cast %scan3A_526 : i32 to index
        %swap3A_550 = arith.index_cast %swap3A_548 : i32 to index
        %swap3A_551 = arith.constant 0 : index
        %swap3A_552 = tpu.vector_load %arg6[%swap3A_549, %swap3A_550, %swap3A_551] {strides = array<i32>} : memref<50x8x128xf32, #tpu.memory_space<vmem>>, vector<16xf32>,
        tpu.vector_store %arg6[%swap3A_549, %swap3A_550, %swap3A_551], %get3A_528 {strides = array<i32>} : memref<50x8x128xf32, #tpu.memory_space<vmem>>, vector<16xf32>,
        %swap3A_553 = arith.constant 5 : i32
        %swap3A_554 = arith.index_cast %scan3A_526 : i32 to index
        %swap3A_555 = arith.index_cast %swap3A_553 : i32 to index
        %swap3A_556 = arith.constant 0 : index
        %swap3A_557 = tpu.vector_load %arg6[%swap3A_554, %swap3A_555, %swap3A_556] {strides = array<i32>} : memref<50x8x128xf32, #tpu.memory_space<vmem>>, vector<16xf32>,
        tpu.vector_store %arg6[%swap3A_554, %swap3A_555, %swap3A_556], %get3A_528 {strides = array<i32>} : memref<50x8x128xf32, #tpu.memory_space<vmem>>, vector<16xf32>,
        %swap3A_558 = arith.constant 6 : i32
        %swap3A_559 = arith.index_cast %scan3A_526 : i32 to index
        %swap3A_560 = arith.index_cast %swap3A_558 : i32 to index
        %swap3A_561 = arith.constant 0 : index
        %swap3A_562 = tpu.vector_load %arg6[%swap3A_559, %swap3A_560, %swap3A_561] {strides = array<i32>} : memref<50x8x128xf32, #tpu.memory_space<vmem>>, vector<16xf32>,
        tpu.vector_store %arg6[%swap3A_559, %swap3A_560, %swap3A_561], %get3A_528 {strides = array<i32>} : memref<50x8x128xf32, #tpu.memory_space<vmem>>, vector<16xf32>,
        %swap3A_563 = arith.constant 7 : i32
        %swap3A_564 = arith.index_cast %scan3A_526 : i32 to index
        %swap3A_565 = arith.index_cast %swap3A_563 : i32 to index
        %swap3A_566 = arith.constant 0 : index
        %swap3A_567 = tpu.vector_load %arg6[%swap3A_564, %swap3A_565, %swap3A_566] {strides = array<i32>} : memref<50x8x128xf32, #tpu.memory_space<vmem>>, vector<16xf32>,
        tpu.vector_store %arg6[%swap3A_564, %swap3A_565, %swap3A_566], %get3A_528 {strides = array<i32>} : memref<50x8x128xf32, #tpu.memory_space<vmem>>, vector<16xf32>,
        %get3A_568 = arith.index_cast %scan3A_526 : i32 to index
        %get3A_569 = arith.constant 16 : index
        %get3A_570 = tpu.vector_load %arg5[%get3A_568, %get3A_569] {strides = array<i32>} : memref<50x128xf32, #tpu.memory_space<vmem>>, vector<16xf32>,
        %swap3A_571 = arith.constant 0 : i32
        %swap3A_572 = arith.index_cast %scan3A_526 : i32 to index
        %swap3A_573 = arith.index_cast %swap3A_571 : i32 to index
        %swap3A_574 = arith.constant 16 : index
        %swap3A_575 = tpu.vector_load %arg6[%swap3A_572, %swap3A_573, %swap3A_574] {strides = array<i32>} : memref<50x8x128xf32, #tpu.memory_space<vmem>>, vector<16xf32>,
        tpu.vector_store %arg6[%swap3A_572, %swap3A_573, %swap3A_574], %get3A_570 {strides = array<i32>} : memref<50x8x128xf32, #tpu.memory_space<vmem>>, vector<16xf32>,
        %swap3A_576 = arith.constant 1 : i32
        %swap3A_577 = arith.index_cast %scan3A_526 : i32 to index
        %swap3A_578 = arith.index_cast %swap3A_576 : i32 to index
        %swap3A_579 = arith.constant 16 : index
        %swap3A_580 = tpu.vector_load %arg6[%swap3A_577, %swap3A_578, %swap3A_579] {strides = array<i32>} : memref<50x8x128xf32, #tpu.memory_space<vmem>>, vector<16xf32>,
        tpu.vector_store %arg6[%swap3A_577, %swap3A_578, %swap3A_579], %get3A_570 {strides = array<i32>} : memref<50x8x128xf32, #tpu.memory_space<vmem>>, vector<16xf32>,
        %swap3A_581 = arith.constant 2 : i32
        %swap3A_582 = arith.index_cast %scan3A_526 : i32 to index
        %swap3A_583 = arith.index_cast %swap3A_581 : i32 to index
        %swap3A_584 = arith.constant 16 : index
        %swap3A_585 = tpu.vector_load %arg6[%swap3A_582, %swap3A_583, %swap3A_584] {strides = array<i32>} : memref<50x8x128xf32, #tpu.memory_space<vmem>>, vector<16xf32>,
        tpu.vector_store %arg6[%swap3A_582, %swap3A_583, %swap3A_584], %get3A_570 {strides = array<i32>} : memref<50x8x128xf32, #tpu.memory_space<vmem>>, vector<16xf32>,
        %swap3A_586 = arith.constant 3 : i32
        %swap3A_587 = arith.index_cast %scan3A_526 : i32 to index
        %swap3A_588 = arith.index_cast %swap3A_586 : i32 to index
        %swap3A_589 = arith.constant 16 : index
        %swap3A_590 = tpu.vector_load %arg6[%swap3A_587, %swap3A_588, %swap3A_589] {strides = array<i32>} : memref<50x8x128xf32, #tpu.memory_space<vmem>>, vector<16xf32>,
        tpu.vector_store %arg6[%swap3A_587, %swap3A_588, %swap3A_589], %get3A_570 {strides = array<i32>} : memref<50x8x128xf32, #tpu.memory_space<vmem>>, vector<16xf32>,
        %swap3A_591 = arith.constant 4 : i32
        %swap3A_592 = arith.index_cast %scan3A_526 : i32 to index
        %swap3A_593 = arith.index_cast %swap3A_591 : i32 to index
        %swap3A_594 = arith.constant 16 : index
        %swap3A_595 = tpu.vector_load %arg6[%swap3A_592, %swap3A_593, %swap3A_594] {strides = array<i32>} : memref<50x8x128xf32, #tpu.memory_space<vmem>>, vector<16xf32>,
        tpu.vector_store %arg6[%swap3A_592, %swap3A_593, %swap3A_594], %get3A_570 {strides = array<i32>} : memref<50x8x128xf32, #tpu.memory_space<vmem>>, vector<16xf32>,
        %swap3A_596 = arith.constant 5 : i32
        %swap3A_597 = arith.index_cast %scan3A_526 : i32 to index
        %swap3A_598 = arith.index_cast %swap3A_596 : i32 to index
        %swap3A_599 = arith.constant 16 : index
        %swap3A_600 = tpu.vector_load %arg6[%swap3A_597, %swap3A_598, %swap3A_599] {strides = array<i32>} : memref<50x8x128xf32, #tpu.memory_space<vmem>>, vector<16xf32>,
        tpu.vector_store %arg6[%swap3A_597, %swap3A_598, %swap3A_599], %get3A_570 {strides = array<i32>} : memref<50x8x128xf32, #tpu.memory_space<vmem>>, vector<16xf32>,
        %swap3A_601 = arith.constant 6 : i32
        %swap3A_602 = arith.index_cast %scan3A_526 : i32 to index
        %swap3A_603 = arith.index_cast %swap3A_601 : i32 to index
        %swap3A_604 = arith.constant 16 : index
        %swap3A_605 = tpu.vector_load %arg6[%swap3A_602, %swap3A_603, %swap3A_604] {strides = array<i32>} : memref<50x8x128xf32, #tpu.memory_space<vmem>>, vector<16xf32>,
        tpu.vector_store %arg6[%swap3A_602, %swap3A_603, %swap3A_604], %get3A_570 {strides = array<i32>} : memref<50x8x128xf32, #tpu.memory_space<vmem>>, vector<16xf32>,
        %swap3A_606 = arith.constant 7 : i32
        %swap3A_607 = arith.index_cast %scan3A_526 : i32 to index
        %swap3A_608 = arith.index_cast %swap3A_606 : i32 to index
        %swap3A_609 = arith.constant 16 : index
        %swap3A_610 = tpu.vector_load %arg6[%swap3A_607, %swap3A_608, %swap3A_609] {strides = array<i32>} : memref<50x8x128xf32, #tpu.memory_space<vmem>>, vector<16xf32>,
        tpu.vector_store %arg6[%swap3A_607, %swap3A_608, %swap3A_609], %get3A_570 {strides = array<i32>} : memref<50x8x128xf32, #tpu.memory_space<vmem>>, vector<16xf32>,
        %get3A_611 = arith.index_cast %scan3A_526 : i32 to index
        %get3A_612 = arith.constant 32 : index
        %get3A_613 = tpu.vector_load %arg5[%get3A_611, %get3A_612] {strides = array<i32>} : memref<50x128xf32, #tpu.memory_space<vmem>>, vector<16xf32>,
        %swap3A_614 = arith.constant 0 : i32
        %swap3A_615 = arith.index_cast %scan3A_526 : i32 to index
        %swap3A_616 = arith.index_cast %swap3A_614 : i32 to index
        %swap3A_617 = arith.constant 32 : index
        %swap3A_618 = tpu.vector_load %arg6[%swap3A_615, %swap3A_616, %swap3A_617] {strides = array<i32>} : memref<50x8x128xf32, #tpu.memory_space<vmem>>, vector<16xf32>,
        tpu.vector_store %arg6[%swap3A_615, %swap3A_616, %swap3A_617], %get3A_613 {strides = array<i32>} : memref<50x8x128xf32, #tpu.memory_space<vmem>>, vector<16xf32>,
        %swap3A_619 = arith.constant 1 : i32
        %swap3A_620 = arith.index_cast %scan3A_526 : i32 to index
        %swap3A_621 = arith.index_cast %swap3A_619 : i32 to index
        %swap3A_622 = arith.constant 32 : index
        %swap3A_623 = tpu.vector_load %arg6[%swap3A_620, %swap3A_621, %swap3A_622] {strides = array<i32>} : memref<50x8x128xf32, #tpu.memory_space<vmem>>, vector<16xf32>,
        tpu.vector_store %arg6[%swap3A_620, %swap3A_621, %swap3A_622], %get3A_613 {strides = array<i32>} : memref<50x8x128xf32, #tpu.memory_space<vmem>>, vector<16xf32>,
        %swap3A_624 = arith.constant 2 : i32
        %swap3A_625 = arith.index_cast %scan3A_526 : i32 to index
        %swap3A_626 = arith.index_cast %swap3A_624 : i32 to index
        %swap3A_627 = arith.constant 32 : index
        %swap3A_628 = tpu.vector_load %arg6[%swap3A_625, %swap3A_626, %swap3A_627] {strides = array<i32>} : memref<50x8x128xf32, #tpu.memory_space<vmem>>, vector<16xf32>,
        tpu.vector_store %arg6[%swap3A_625, %swap3A_626, %swap3A_627], %get3A_613 {strides = array<i32>} : memref<50x8x128xf32, #tpu.memory_space<vmem>>, vector<16xf32>,
        %swap3A_629 = arith.constant 3 : i32
        %swap3A_630 = arith.index_cast %scan3A_526 : i32 to index
        %swap3A_631 = arith.index_cast %swap3A_629 : i32 to index
        %swap3A_632 = arith.constant 32 : index
        %swap3A_633 = tpu.vector_load %arg6[%swap3A_630, %swap3A_631, %swap3A_632] {strides = array<i32>} : memref<50x8x128xf32, #tpu.memory_space<vmem>>, vector<16xf32>,
        tpu.vector_store %arg6[%swap3A_630, %swap3A_631, %swap3A_632], %get3A_613 {strides = array<i32>} : memref<50x8x128xf32, #tpu.memory_space<vmem>>, vector<16xf32>,
        %swap3A_634 = arith.constant 4 : i32
        %swap3A_635 = arith.index_cast %scan3A_526 : i32 to index
        %swap3A_636 = arith.index_cast %swap3A_634 : i32 to index
        %swap3A_637 = arith.constant 32 : index
        %swap3A_638 = tpu.vector_load %arg6[%swap3A_635, %swap3A_636, %swap3A_637] {strides = array<i32>} : memref<50x8x128xf32, #tpu.memory_space<vmem>>, vector<16xf32>,
        tpu.vector_store %arg6[%swap3A_635, %swap3A_636, %swap3A_637], %get3A_613 {strides = array<i32>} : memref<50x8x128xf32, #tpu.memory_space<vmem>>, vector<16xf32>,
        %swap3A_639 = arith.constant 5 : i32
        %swap3A_640 = arith.index_cast %scan3A_526 : i32 to index
        %swap3A_641 = arith.index_cast %swap3A_639 : i32 to index
        %swap3A_642 = arith.constant 32 : index
        %swap3A_643 = tpu.vector_load %arg6[%swap3A_640, %swap3A_641, %swap3A_642] {strides = array<i32>} : memref<50x8x128xf32, #tpu.memory_space<vmem>>, vector<16xf32>,
        tpu.vector_store %arg6[%swap3A_640, %swap3A_641, %swap3A_642], %get3A_613 {strides = array<i32>} : memref<50x8x128xf32, #tpu.memory_space<vmem>>, vector<16xf32>,
        %swap3A_644 = arith.constant 6 : i32
        %swap3A_645 = arith.index_cast %scan3A_526 : i32 to index
        %swap3A_646 = arith.index_cast %swap3A_644 : i32 to index
        %swap3A_647 = arith.constant 32 : index
        %swap3A_648 = tpu.vector_load %arg6[%swap3A_645, %swap3A_646, %swap3A_647] {strides = array<i32>} : memref<50x8x128xf32, #tpu.memory_space<vmem>>, vector<16xf32>,
        tpu.vector_store %arg6[%swap3A_645, %swap3A_646, %swap3A_647], %get3A_613 {strides = array<i32>} : memref<50x8x128xf32, #tpu.memory_space<vmem>>, vector<16xf32>,
        %swap3A_649 = arith.constant 7 : i32
        %swap3A_650 = arith.index_cast %scan3A_526 : i32 to index
        %swap3A_651 = arith.index_cast %swap3A_649 : i32 to index
        %swap3A_652 = arith.constant 32 : index
        %swap3A_653 = tpu.vector_load %arg6[%swap3A_650, %swap3A_651, %swap3A_652] {strides = array<i32>} : memref<50x8x128xf32, #tpu.memory_space<vmem>>, vector<16xf32>,
        tpu.vector_store %arg6[%swap3A_650, %swap3A_651, %swap3A_652], %get3A_613 {strides = array<i32>} : memref<50x8x128xf32, #tpu.memory_space<vmem>>, vector<16xf32>,
        %get3A_654 = arith.index_cast %scan3A_526 : i32 to index
        %get3A_655 = arith.constant 48 : index
        %get3A_656 = tpu.vector_load %arg5[%get3A_654, %get3A_655] {strides = array<i32>} : memref<50x128xf32, #tpu.memory_space<vmem>>, vector<16xf32>,
        %swap3A_657 = arith.constant 0 : i32
        %swap3A_658 = arith.index_cast %scan3A_526 : i32 to index
        %swap3A_659 = arith.index_cast %swap3A_657 : i32 to index
        %swap3A_660 = arith.constant 48 : index
        %swap3A_661 = tpu.vector_load %arg6[%swap3A_658, %swap3A_659, %swap3A_660] {strides = array<i32>} : memref<50x8x128xf32, #tpu.memory_space<vmem>>, vector<16xf32>,
        tpu.vector_store %arg6[%swap3A_658, %swap3A_659, %swap3A_660], %get3A_656 {strides = array<i32>} : memref<50x8x128xf32, #tpu.memory_space<vmem>>, vector<16xf32>,
        %swap3A_662 = arith.constant 1 : i32
        %swap3A_663 = arith.index_cast %scan3A_526 : i32 to index
        %swap3A_664 = arith.index_cast %swap3A_662 : i32 to index
        %swap3A_665 = arith.constant 48 : index
        %swap3A_666 = tpu.vector_load %arg6[%swap3A_663, %swap3A_664, %swap3A_665] {strides = array<i32>} : memref<50x8x128xf32, #tpu.memory_space<vmem>>, vector<16xf32>,
        tpu.vector_store %arg6[%swap3A_663, %swap3A_664, %swap3A_665], %get3A_656 {strides = array<i32>} : memref<50x8x128xf32, #tpu.memory_space<vmem>>, vector<16xf32>,
        %swap3A_667 = arith.constant 2 : i32
        %swap3A_668 = arith.index_cast %scan3A_526 : i32 to index
        %swap3A_669 = arith.index_cast %swap3A_667 : i32 to index
        %swap3A_670 = arith.constant 48 : index
        %swap3A_671 = tpu.vector_load %arg6[%swap3A_668, %swap3A_669, %swap3A_670] {strides = array<i32>} : memref<50x8x128xf32, #tpu.memory_space<vmem>>, vector<16xf32>,
        tpu.vector_store %arg6[%swap3A_668, %swap3A_669, %swap3A_670], %get3A_656 {strides = array<i32>} : memref<50x8x128xf32, #tpu.memory_space<vmem>>, vector<16xf32>,
        %swap3A_672 = arith.constant 3 : i32
        %swap3A_673 = arith.index_cast %scan3A_526 : i32 to index
        %swap3A_674 = arith.index_cast %swap3A_672 : i32 to index
        %swap3A_675 = arith.constant 48 : index
        %swap3A_676 = tpu.vector_load %arg6[%swap3A_673, %swap3A_674, %swap3A_675] {strides = array<i32>} : memref<50x8x128xf32, #tpu.memory_space<vmem>>, vector<16xf32>,
        tpu.vector_store %arg6[%swap3A_673, %swap3A_674, %swap3A_675], %get3A_656 {strides = array<i32>} : memref<50x8x128xf32, #tpu.memory_space<vmem>>, vector<16xf32>,
        %swap3A_677 = arith.constant 4 : i32
        %swap3A_678 = arith.index_cast %scan3A_526 : i32 to index
        %swap3A_679 = arith.index_cast %swap3A_677 : i32 to index
        %swap3A_680 = arith.constant 48 : index
        %swap3A_681 = tpu.vector_load %arg6[%swap3A_678, %swap3A_679, %swap3A_680] {strides = array<i32>} : memref<50x8x128xf32, #tpu.memory_space<vmem>>, vector<16xf32>,
        tpu.vector_store %arg6[%swap3A_678, %swap3A_679, %swap3A_680], %get3A_656 {strides = array<i32>} : memref<50x8x128xf32, #tpu.memory_space<vmem>>, vector<16xf32>,
        %swap3A_682 = arith.constant 5 : i32
        %swap3A_683 = arith.index_cast %scan3A_526 : i32 to index
        %swap3A_684 = arith.index_cast %swap3A_682 : i32 to index
        %swap3A_685 = arith.constant 48 : index
        %swap3A_686 = tpu.vector_load %arg6[%swap3A_683, %swap3A_684, %swap3A_685] {strides = array<i32>} : memref<50x8x128xf32, #tpu.memory_space<vmem>>, vector<16xf32>,
        tpu.vector_store %arg6[%swap3A_683, %swap3A_684, %swap3A_685], %get3A_656 {strides = array<i32>} : memref<50x8x128xf32, #tpu.memory_space<vmem>>, vector<16xf32>,
        %swap3A_687 = arith.constant 6 : i32
        %swap3A_688 = arith.index_cast %scan3A_526 : i32 to index
        %swap3A_689 = arith.index_cast %swap3A_687 : i32 to index
        %swap3A_690 = arith.constant 48 : index
        %swap3A_691 = tpu.vector_load %arg6[%swap3A_688, %swap3A_689, %swap3A_690] {strides = array<i32>} : memref<50x8x128xf32, #tpu.memory_space<vmem>>, vector<16xf32>,
        tpu.vector_store %arg6[%swap3A_688, %swap3A_689, %swap3A_690], %get3A_656 {strides = array<i32>} : memref<50x8x128xf32, #tpu.memory_space<vmem>>, vector<16xf32>,
        %swap3A_692 = arith.constant 7 : i32
        %swap3A_693 = arith.index_cast %scan3A_526 : i32 to index
        %swap3A_694 = arith.index_cast %swap3A_692 : i32 to index
        %swap3A_695 = arith.constant 48 : index
        %swap3A_696 = tpu.vector_load %arg6[%swap3A_693, %swap3A_694, %swap3A_695] {strides = array<i32>} : memref<50x8x128xf32, #tpu.memory_space<vmem>>, vector<16xf32>,
        tpu.vector_store %arg6[%swap3A_693, %swap3A_694, %swap3A_695], %get3A_656 {strides = array<i32>} : memref<50x8x128xf32, #tpu.memory_space<vmem>>, vector<16xf32>,
        %get3A_697 = arith.index_cast %scan3A_526 : i32 to index
        %get3A_698 = arith.constant 64 : index
        %get3A_699 = tpu.vector_load %arg5[%get3A_697, %get3A_698] {strides = array<i32>} : memref<50x128xf32, #tpu.memory_space<vmem>>, vector<16xf32>,
        %swap3A_700 = arith.constant 0 : i32
        %swap3A_701 = arith.index_cast %scan3A_526 : i32 to index
        %swap3A_702 = arith.index_cast %swap3A_700 : i32 to index
        %swap3A_703 = arith.constant 64 : index
        %swap3A_704 = tpu.vector_load %arg6[%swap3A_701, %swap3A_702, %swap3A_703] {strides = array<i32>} : memref<50x8x128xf32, #tpu.memory_space<vmem>>, vector<16xf32>,
        tpu.vector_store %arg6[%swap3A_701, %swap3A_702, %swap3A_703], %get3A_699 {strides = array<i32>} : memref<50x8x128xf32, #tpu.memory_space<vmem>>, vector<16xf32>,
        %swap3A_705 = arith.constant 1 : i32
        %swap3A_706 = arith.index_cast %scan3A_526 : i32 to index
        %swap3A_707 = arith.index_cast %swap3A_705 : i32 to index
        %swap3A_708 = arith.constant 64 : index
        %swap3A_709 = tpu.vector_load %arg6[%swap3A_706, %swap3A_707, %swap3A_708] {strides = array<i32>} : memref<50x8x128xf32, #tpu.memory_space<vmem>>, vector<16xf32>,
        tpu.vector_store %arg6[%swap3A_706, %swap3A_707, %swap3A_708], %get3A_699 {strides = array<i32>} : memref<50x8x128xf32, #tpu.memory_space<vmem>>, vector<16xf32>,
        %swap3A_710 = arith.constant 2 : i32
        %swap3A_711 = arith.index_cast %scan3A_526 : i32 to index
        %swap3A_712 = arith.index_cast %swap3A_710 : i32 to index
        %swap3A_713 = arith.constant 64 : index
        %swap3A_714 = tpu.vector_load %arg6[%swap3A_711, %swap3A_712, %swap3A_713] {strides = array<i32>} : memref<50x8x128xf32, #tpu.memory_space<vmem>>, vector<16xf32>,
        tpu.vector_store %arg6[%swap3A_711, %swap3A_712, %swap3A_713], %get3A_699 {strides = array<i32>} : memref<50x8x128xf32, #tpu.memory_space<vmem>>, vector<16xf32>,
        %swap3A_715 = arith.constant 3 : i32
        %swap3A_716 = arith.index_cast %scan3A_526 : i32 to index
        %swap3A_717 = arith.index_cast %swap3A_715 : i32 to index
        %swap3A_718 = arith.constant 64 : index
        %swap3A_719 = tpu.vector_load %arg6[%swap3A_716, %swap3A_717, %swap3A_718] {strides = array<i32>} : memref<50x8x128xf32, #tpu.memory_space<vmem>>, vector<16xf32>,
        tpu.vector_store %arg6[%swap3A_716, %swap3A_717, %swap3A_718], %get3A_699 {strides = array<i32>} : memref<50x8x128xf32, #tpu.memory_space<vmem>>, vector<16xf32>,
        %swap3A_720 = arith.constant 4 : i32
        %swap3A_721 = arith.index_cast %scan3A_526 : i32 to index
        %swap3A_722 = arith.index_cast %swap3A_720 : i32 to index
        %swap3A_723 = arith.constant 64 : index
        %swap3A_724 = tpu.vector_load %arg6[%swap3A_721, %swap3A_722, %swap3A_723] {strides = array<i32>} : memref<50x8x128xf32, #tpu.memory_space<vmem>>, vector<16xf32>,
        tpu.vector_store %arg6[%swap3A_721, %swap3A_722, %swap3A_723], %get3A_699 {strides = array<i32>} : memref<50x8x128xf32, #tpu.memory_space<vmem>>, vector<16xf32>,
        %swap3A_725 = arith.constant 5 : i32
        %swap3A_726 = arith.index_cast %scan3A_526 : i32 to index
        %swap3A_727 = arith.index_cast %swap3A_725 : i32 to index
        %swap3A_728 = arith.constant 64 : index
        %swap3A_729 = tpu.vector_load %arg6[%swap3A_726, %swap3A_727, %swap3A_728] {strides = array<i32>} : memref<50x8x128xf32, #tpu.memory_space<vmem>>, vector<16xf32>,
        tpu.vector_store %arg6[%swap3A_726, %swap3A_727, %swap3A_728], %get3A_699 {strides = array<i32>} : memref<50x8x128xf32, #tpu.memory_space<vmem>>, vector<16xf32>,
        %swap3A_730 = arith.constant 6 : i32
        %swap3A_731 = arith.index_cast %scan3A_526 : i32 to index
        %swap3A_732 = arith.index_cast %swap3A_730 : i32 to index
        %swap3A_733 = arith.constant 64 : index
        %swap3A_734 = tpu.vector_load %arg6[%swap3A_731, %swap3A_732, %swap3A_733] {strides = array<i32>} : memref<50x8x128xf32, #tpu.memory_space<vmem>>, vector<16xf32>,
        tpu.vector_store %arg6[%swap3A_731, %swap3A_732, %swap3A_733], %get3A_699 {strides = array<i32>} : memref<50x8x128xf32, #tpu.memory_space<vmem>>, vector<16xf32>,
        %swap3A_735 = arith.constant 7 : i32
        %swap3A_736 = arith.index_cast %scan3A_526 : i32 to index
        %swap3A_737 = arith.index_cast %swap3A_735 : i32 to index
        %swap3A_738 = arith.constant 64 : index
        %swap3A_739 = tpu.vector_load %arg6[%swap3A_736, %swap3A_737, %swap3A_738] {strides = array<i32>} : memref<50x8x128xf32, #tpu.memory_space<vmem>>, vector<16xf32>,
        tpu.vector_store %arg6[%swap3A_736, %swap3A_737, %swap3A_738], %get3A_699 {strides = array<i32>} : memref<50x8x128xf32, #tpu.memory_space<vmem>>, vector<16xf32>,
        %get3A_740 = arith.index_cast %scan3A_526 : i32 to index
        %get3A_741 = arith.constant 80 : index
        %get3A_742 = tpu.vector_load %arg5[%get3A_740, %get3A_741] {strides = array<i32>} : memref<50x128xf32, #tpu.memory_space<vmem>>, vector<16xf32>,
        %swap3A_743 = arith.constant 0 : i32
        %swap3A_744 = arith.index_cast %scan3A_526 : i32 to index
        %swap3A_745 = arith.index_cast %swap3A_743 : i32 to index
        %swap3A_746 = arith.constant 80 : index
        %swap3A_747 = tpu.vector_load %arg6[%swap3A_744, %swap3A_745, %swap3A_746] {strides = array<i32>} : memref<50x8x128xf32, #tpu.memory_space<vmem>>, vector<16xf32>,
        tpu.vector_store %arg6[%swap3A_744, %swap3A_745, %swap3A_746], %get3A_742 {strides = array<i32>} : memref<50x8x128xf32, #tpu.memory_space<vmem>>, vector<16xf32>,
        %swap3A_748 = arith.constant 1 : i32
        %swap3A_749 = arith.index_cast %scan3A_526 : i32 to index
        %swap3A_750 = arith.index_cast %swap3A_748 : i32 to index
        %swap3A_751 = arith.constant 80 : index
        %swap3A_752 = tpu.vector_load %arg6[%swap3A_749, %swap3A_750, %swap3A_751] {strides = array<i32>} : memref<50x8x128xf32, #tpu.memory_space<vmem>>, vector<16xf32>,
        tpu.vector_store %arg6[%swap3A_749, %swap3A_750, %swap3A_751], %get3A_742 {strides = array<i32>} : memref<50x8x128xf32, #tpu.memory_space<vmem>>, vector<16xf32>,
        %swap3A_753 = arith.constant 2 : i32
        %swap3A_754 = arith.index_cast %scan3A_526 : i32 to index
        %swap3A_755 = arith.index_cast %swap3A_753 : i32 to index
        %swap3A_756 = arith.constant 80 : index
        %swap3A_757 = tpu.vector_load %arg6[%swap3A_754, %swap3A_755, %swap3A_756] {strides = array<i32>} : memref<50x8x128xf32, #tpu.memory_space<vmem>>, vector<16xf32>,
        tpu.vector_store %arg6[%swap3A_754, %swap3A_755, %swap3A_756], %get3A_742 {strides = array<i32>} : memref<50x8x128xf32, #tpu.memory_space<vmem>>, vector<16xf32>,
        %swap3A_758 = arith.constant 3 : i32
        %swap3A_759 = arith.index_cast %scan3A_526 : i32 to index
        %swap3A_760 = arith.index_cast %swap3A_758 : i32 to index
        %swap3A_761 = arith.constant 80 : index
        %swap3A_762 = tpu.vector_load %arg6[%swap3A_759, %swap3A_760, %swap3A_761] {strides = array<i32>} : memref<50x8x128xf32, #tpu.memory_space<vmem>>, vector<16xf32>,
        tpu.vector_store %arg6[%swap3A_759, %swap3A_760, %swap3A_761], %get3A_742 {strides = array<i32>} : memref<50x8x128xf32, #tpu.memory_space<vmem>>, vector<16xf32>,
        %swap3A_763 = arith.constant 4 : i32
        %swap3A_764 = arith.index_cast %scan3A_526 : i32 to index
        %swap3A_765 = arith.index_cast %swap3A_763 : i32 to index
        %swap3A_766 = arith.constant 80 : index
        %swap3A_767 = tpu.vector_load %arg6[%swap3A_764, %swap3A_765, %swap3A_766] {strides = array<i32>} : memref<50x8x128xf32, #tpu.memory_space<vmem>>, vector<16xf32>,
        tpu.vector_store %arg6[%swap3A_764, %swap3A_765, %swap3A_766], %get3A_742 {strides = array<i32>} : memref<50x8x128xf32, #tpu.memory_space<vmem>>, vector<16xf32>,
        %swap3A_768 = arith.constant 5 : i32
        %swap3A_769 = arith.index_cast %scan3A_526 : i32 to index
        %swap3A_770 = arith.index_cast %swap3A_768 : i32 to index
        %swap3A_771 = arith.constant 80 : index
        %swap3A_772 = tpu.vector_load %arg6[%swap3A_769, %swap3A_770, %swap3A_771] {strides = array<i32>} : memref<50x8x128xf32, #tpu.memory_space<vmem>>, vector<16xf32>,
        tpu.vector_store %arg6[%swap3A_769, %swap3A_770, %swap3A_771], %get3A_742 {strides = array<i32>} : memref<50x8x128xf32, #tpu.memory_space<vmem>>, vector<16xf32>,
        %swap3A_773 = arith.constant 6 : i32
        %swap3A_774 = arith.index_cast %scan3A_526 : i32 to index
        %swap3A_775 = arith.index_cast %swap3A_773 : i32 to index
        %swap3A_776 = arith.constant 80 : index
        %swap3A_777 = tpu.vector_load %arg6[%swap3A_774, %swap3A_775, %swap3A_776] {strides = array<i32>} : memref<50x8x128xf32, #tpu.memory_space<vmem>>, vector<16xf32>,
        tpu.vector_store %arg6[%swap3A_774, %swap3A_775, %swap3A_776], %get3A_742 {strides = array<i32>} : memref<50x8x128xf32, #tpu.memory_space<vmem>>, vector<16xf32>,
        %swap3A_778 = arith.constant 7 : i32
        %swap3A_779 = arith.index_cast %scan3A_526 : i32 to index
        %swap3A_780 = arith.index_cast %swap3A_778 : i32 to index
        %swap3A_781 = arith.constant 80 : index
        %swap3A_782 = tpu.vector_load %arg6[%swap3A_779, %swap3A_780, %swap3A_781] {strides = array<i32>} : memref<50x8x128xf32, #tpu.memory_space<vmem>>, vector<16xf32>,
        tpu.vector_store %arg6[%swap3A_779, %swap3A_780, %swap3A_781], %get3A_742 {strides = array<i32>} : memref<50x8x128xf32, #tpu.memory_space<vmem>>, vector<16xf32>,
        %get3A_783 = arith.index_cast %scan3A_526 : i32 to index
        %get3A_784 = arith.constant 96 : index
        %get3A_785 = tpu.vector_load %arg5[%get3A_783, %get3A_784] {strides = array<i32>} : memref<50x128xf32, #tpu.memory_space<vmem>>, vector<16xf32>,
        %swap3A_786 = arith.constant 0 : i32
        %swap3A_787 = arith.index_cast %scan3A_526 : i32 to index
        %swap3A_788 = arith.index_cast %swap3A_786 : i32 to index
        %swap3A_789 = arith.constant 96 : index
        %swap3A_790 = tpu.vector_load %arg6[%swap3A_787, %swap3A_788, %swap3A_789] {strides = array<i32>} : memref<50x8x128xf32, #tpu.memory_space<vmem>>, vector<16xf32>,
        tpu.vector_store %arg6[%swap3A_787, %swap3A_788, %swap3A_789], %get3A_785 {strides = array<i32>} : memref<50x8x128xf32, #tpu.memory_space<vmem>>, vector<16xf32>,
        %swap3A_791 = arith.constant 1 : i32
        %swap3A_792 = arith.index_cast %scan3A_526 : i32 to index
        %swap3A_793 = arith.index_cast %swap3A_791 : i32 to index
        %swap3A_794 = arith.constant 96 : index
        %swap3A_795 = tpu.vector_load %arg6[%swap3A_792, %swap3A_793, %swap3A_794] {strides = array<i32>} : memref<50x8x128xf32, #tpu.memory_space<vmem>>, vector<16xf32>,
        tpu.vector_store %arg6[%swap3A_792, %swap3A_793, %swap3A_794], %get3A_785 {strides = array<i32>} : memref<50x8x128xf32, #tpu.memory_space<vmem>>, vector<16xf32>,
        %swap3A_796 = arith.constant 2 : i32
        %swap3A_797 = arith.index_cast %scan3A_526 : i32 to index
        %swap3A_798 = arith.index_cast %swap3A_796 : i32 to index
        %swap3A_799 = arith.constant 96 : index
        %swap3A_800 = tpu.vector_load %arg6[%swap3A_797, %swap3A_798, %swap3A_799] {strides = array<i32>} : memref<50x8x128xf32, #tpu.memory_space<vmem>>, vector<16xf32>,
        tpu.vector_store %arg6[%swap3A_797, %swap3A_798, %swap3A_799], %get3A_785 {strides = array<i32>} : memref<50x8x128xf32, #tpu.memory_space<vmem>>, vector<16xf32>,
        %swap3A_801 = arith.constant 3 : i32
        %swap3A_802 = arith.index_cast %scan3A_526 : i32 to index
        %swap3A_803 = arith.index_cast %swap3A_801 : i32 to index
        %swap3A_804 = arith.constant 96 : index
        %swap3A_805 = tpu.vector_load %arg6[%swap3A_802, %swap3A_803, %swap3A_804] {strides = array<i32>} : memref<50x8x128xf32, #tpu.memory_space<vmem>>, vector<16xf32>,
        tpu.vector_store %arg6[%swap3A_802, %swap3A_803, %swap3A_804], %get3A_785 {strides = array<i32>} : memref<50x8x128xf32, #tpu.memory_space<vmem>>, vector<16xf32>,
        %swap3A_806 = arith.constant 4 : i32
        %swap3A_807 = arith.index_cast %scan3A_526 : i32 to index
        %swap3A_808 = arith.index_cast %swap3A_806 : i32 to index
        %swap3A_809 = arith.constant 96 : index
        %swap3A_810 = tpu.vector_load %arg6[%swap3A_807, %swap3A_808, %swap3A_809] {strides = array<i32>} : memref<50x8x128xf32, #tpu.memory_space<vmem>>, vector<16xf32>,
        tpu.vector_store %arg6[%swap3A_807, %swap3A_808, %swap3A_809], %get3A_785 {strides = array<i32>} : memref<50x8x128xf32, #tpu.memory_space<vmem>>, vector<16xf32>,
        %swap3A_811 = arith.constant 5 : i32
        %swap3A_812 = arith.index_cast %scan3A_526 : i32 to index
        %swap3A_813 = arith.index_cast %swap3A_811 : i32 to index
        %swap3A_814 = arith.constant 96 : index
        %swap3A_815 = tpu.vector_load %arg6[%swap3A_812, %swap3A_813, %swap3A_814] {strides = array<i32>} : memref<50x8x128xf32, #tpu.memory_space<vmem>>, vector<16xf32>,
        tpu.vector_store %arg6[%swap3A_812, %swap3A_813, %swap3A_814], %get3A_785 {strides = array<i32>} : memref<50x8x128xf32, #tpu.memory_space<vmem>>, vector<16xf32>,
        %swap3A_816 = arith.constant 6 : i32
        %swap3A_817 = arith.index_cast %scan3A_526 : i32 to index
        %swap3A_818 = arith.index_cast %swap3A_816 : i32 to index
        %swap3A_819 = arith.constant 96 : index
        %swap3A_820 = tpu.vector_load %arg6[%swap3A_817, %swap3A_818, %swap3A_819] {strides = array<i32>} : memref<50x8x128xf32, #tpu.memory_space<vmem>>, vector<16xf32>,
        tpu.vector_store %arg6[%swap3A_817, %swap3A_818, %swap3A_819], %get3A_785 {strides = array<i32>} : memref<50x8x128xf32, #tpu.memory_space<vmem>>, vector<16xf32>,
        %swap3A_821 = arith.constant 7 : i32
        %swap3A_822 = arith.index_cast %scan3A_526 : i32 to index
        %swap3A_823 = arith.index_cast %swap3A_821 : i32 to index
        %swap3A_824 = arith.constant 96 : index
        %swap3A_825 = tpu.vector_load %arg6[%swap3A_822, %swap3A_823, %swap3A_824] {strides = array<i32>} : memref<50x8x128xf32, #tpu.memory_space<vmem>>, vector<16xf32>,
        tpu.vector_store %arg6[%swap3A_822, %swap3A_823, %swap3A_824], %get3A_785 {strides = array<i32>} : memref<50x8x128xf32, #tpu.memory_space<vmem>>, vector<16xf32>,
        %get3A_826 = arith.index_cast %scan3A_526 : i32 to index
        %get3A_827 = arith.constant 112 : index
        %get3A_828 = tpu.vector_load %arg5[%get3A_826, %get3A_827] {strides = array<i32>} : memref<50x128xf32, #tpu.memory_space<vmem>>, vector<16xf32>,
        %swap3A_829 = arith.constant 0 : i32
        %swap3A_830 = arith.index_cast %scan3A_526 : i32 to index
        %swap3A_831 = arith.index_cast %swap3A_829 : i32 to index
        %swap3A_832 = arith.constant 112 : index
        %swap3A_833 = tpu.vector_load %arg6[%swap3A_830, %swap3A_831, %swap3A_832] {strides = array<i32>} : memref<50x8x128xf32, #tpu.memory_space<vmem>>, vector<16xf32>,
        tpu.vector_store %arg6[%swap3A_830, %swap3A_831, %swap3A_832], %get3A_828 {strides = array<i32>} : memref<50x8x128xf32, #tpu.memory_space<vmem>>, vector<16xf32>,
        %swap3A_834 = arith.constant 1 : i32
        %swap3A_835 = arith.index_cast %scan3A_526 : i32 to index
        %swap3A_836 = arith.index_cast %swap3A_834 : i32 to index
        %swap3A_837 = arith.constant 112 : index
        %swap3A_838 = tpu.vector_load %arg6[%swap3A_835, %swap3A_836, %swap3A_837] {strides = array<i32>} : memref<50x8x128xf32, #tpu.memory_space<vmem>>, vector<16xf32>,
        tpu.vector_store %arg6[%swap3A_835, %swap3A_836, %swap3A_837], %get3A_828 {strides = array<i32>} : memref<50x8x128xf32, #tpu.memory_space<vmem>>, vector<16xf32>,
        %swap3A_839 = arith.constant 2 : i32
        %swap3A_840 = arith.index_cast %scan3A_526 : i32 to index
        %swap3A_841 = arith.index_cast %swap3A_839 : i32 to index
        %swap3A_842 = arith.constant 112 : index
        %swap3A_843 = tpu.vector_load %arg6[%swap3A_840, %swap3A_841, %swap3A_842] {strides = array<i32>} : memref<50x8x128xf32, #tpu.memory_space<vmem>>, vector<16xf32>,
        tpu.vector_store %arg6[%swap3A_840, %swap3A_841, %swap3A_842], %get3A_828 {strides = array<i32>} : memref<50x8x128xf32, #tpu.memory_space<vmem>>, vector<16xf32>,
        %swap3A_844 = arith.constant 3 : i32
        %swap3A_845 = arith.index_cast %scan3A_526 : i32 to index
        %swap3A_846 = arith.index_cast %swap3A_844 : i32 to index
        %swap3A_847 = arith.constant 112 : index
        %swap3A_848 = tpu.vector_load %arg6[%swap3A_845, %swap3A_846, %swap3A_847] {strides = array<i32>} : memref<50x8x128xf32, #tpu.memory_space<vmem>>, vector<16xf32>,
        tpu.vector_store %arg6[%swap3A_845, %swap3A_846, %swap3A_847], %get3A_828 {strides = array<i32>} : memref<50x8x128xf32, #tpu.memory_space<vmem>>, vector<16xf32>,
        %swap3A_849 = arith.constant 4 : i32
        %swap3A_850 = arith.index_cast %scan3A_526 : i32 to index
        %swap3A_851 = arith.index_cast %swap3A_849 : i32 to index
        %swap3A_852 = arith.constant 112 : index
        %swap3A_853 = tpu.vector_load %arg6[%swap3A_850, %swap3A_851, %swap3A_852] {strides = array<i32>} : memref<50x8x128xf32, #tpu.memory_space<vmem>>, vector<16xf32>,
        tpu.vector_store %arg6[%swap3A_850, %swap3A_851, %swap3A_852], %get3A_828 {strides = array<i32>} : memref<50x8x128xf32, #tpu.memory_space<vmem>>, vector<16xf32>,
        %swap3A_854 = arith.constant 5 : i32
        %swap3A_855 = arith.index_cast %scan3A_526 : i32 to index
        %swap3A_856 = arith.index_cast %swap3A_854 : i32 to index
        %swap3A_857 = arith.constant 112 : index
        %swap3A_858 = tpu.vector_load %arg6[%swap3A_855, %swap3A_856, %swap3A_857] {strides = array<i32>} : memref<50x8x128xf32, #tpu.memory_space<vmem>>, vector<16xf32>,
        tpu.vector_store %arg6[%swap3A_855, %swap3A_856, %swap3A_857], %get3A_828 {strides = array<i32>} : memref<50x8x128xf32, #tpu.memory_space<vmem>>, vector<16xf32>,
        %swap3A_859 = arith.constant 6 : i32
        %swap3A_860 = arith.index_cast %scan3A_526 : i32 to index
        %swap3A_861 = arith.index_cast %swap3A_859 : i32 to index
        %swap3A_862 = arith.constant 112 : index
        %swap3A_863 = tpu.vector_load %arg6[%swap3A_860, %swap3A_861, %swap3A_862] {strides = array<i32>} : memref<50x8x128xf32, #tpu.memory_space<vmem>>, vector<16xf32>,
        tpu.vector_store %arg6[%swap3A_860, %swap3A_861, %swap3A_862], %get3A_828 {strides = array<i32>} : memref<50x8x128xf32, #tpu.memory_space<vmem>>, vector<16xf32>,
        %swap3A_864 = arith.constant 7 : i32
        %swap3A_865 = arith.index_cast %scan3A_526 : i32 to index
        %swap3A_866 = arith.index_cast %swap3A_864 : i32 to index
        %swap3A_867 = arith.constant 112 : index
        %swap3A_868 = tpu.vector_load %arg6[%swap3A_865, %swap3A_866, %swap3A_867] {strides = array<i32>} : memref<50x8x128xf32, #tpu.memory_space<vmem>>, vector<16xf32>,
        tpu.vector_store %arg6[%swap3A_865, %swap3A_866, %swap3A_867], %get3A_828 {strides = array<i32>} : memref<50x8x128xf32, #tpu.memory_space<vmem>>, vector<16xf32>,
      }
      %scan3A_156 = arith.constant 12 : i32
      %add3A_157 = arith.constant 0 : i32
      %add3A_158 = arith.addi %arg1, %add3A_157 : i32
      %dma_start3A_159 = arith.constant 0 : i32
      %dma_start3A_160 = arith.constant 26 : i32
      %dma_start3A_161 = arith.constant 0 : i32
      %dma_start3A_162 = arith.constant 0 : i32
      %dma_start3A_163 = tpu.memref_slice %arg6[%dma_start3A_160, %dma_start3A_161, %dma_start3A_162] : memref<50x8x128xf32, #tpu.memory_space<vmem>> -> memref<12x8x128xf32, #tpu.memory_space<vmem>>
      %dma_start3A_164 = arith.constant 26 : i32
      %dma_start3A_165 = arith.constant 0 : i32
      %dma_start3A_166 = arith.constant 0 : i32
      %dma_start3A_167 = tpu.memref_slice %arg4[%add3A_158, %dma_start3A_164, %dma_start3A_159, %dma_start3A_165, %dma_start3A_166] : memref<50x50x2x8x128xf32, #tpu.memory_space<hbm>> -> memref<1x12x1x8x128xf32, #tpu.memory_space<hbm>>
      %dma_start3A_168 = tpu.memref_squeeze %dma_start3A_167 : memref<1x12x1x8x128xf32, #tpu.memory_space<hbm>> -> memref<12x8x128xf32, #tpu.memory_space<hbm>>
      %dma_start3A_169 = arith.constant 26 : i32
      %dma_start3A_170 = arith.constant 0 : i32
      %dma_start3A_171 = arith.constant 0 : i32
      %dma_start3A_172 = tpu.memref_slice %arg4[%add3A_158, %dma_start3A_169, %dma_start3A_159, %dma_start3A_170, %dma_start3A_171] : memref<50x50x2x8x128xf32, #tpu.memory_space<hbm>> -> memref<1x12x1x8x128xf32, #tpu.memory_space<hbm>>
      %dma_start3A_173 = tpu.memref_squeeze %dma_start3A_172 : memref<1x12x1x8x128xf32, #tpu.memory_space<hbm>> -> memref<12x8x128xf32, #tpu.memory_space<hbm>>
      %dma_start3A_174 = arith.constant 26 : i32
      %dma_start3A_175 = arith.constant 0 : i32
      %dma_start3A_176 = arith.constant 0 : i32
      %dma_start3A_177 = tpu.memref_slice %arg6[%dma_start3A_174, %dma_start3A_175, %dma_start3A_176] : memref<50x8x128xf32, #tpu.memory_space<vmem>> -> memref<12x8x128xf32, #tpu.memory_space<vmem>>
      tpu.enqueue_dma source(%dma_start3A_177 : memref<12x8x128xf32, #tpu.memory_space<vmem>>) target(%dma_start3A_173 : memref<12x8x128xf32, #tpu.memory_space<hbm>>) target_semaphore(%arg8 : memref<!tpu.dma_semaphore, #tpu.memory_space<semaphore_mem>>)
      %add3A_178 = arith.constant 16 : i32
      %add3A_179 = arith.addi %arg1, %add3A_178 : i32
      %dma_start3A_180 = arith.constant 0 : i32
      %dma_start3A_181 = arith.constant 26 : i32
      %dma_start3A_182 = arith.constant 0 : i32
      %dma_start3A_183 = arith.constant 0 : i32
      %dma_start3A_184 = tpu.memref_slice %arg6[%dma_start3A_181, %dma_start3A_182, %dma_start3A_183] : memref<50x8x128xf32, #tpu.memory_space<vmem>> -> memref<12x8x128xf32, #tpu.memory_space<vmem>>
      %dma_start3A_185 = arith.constant 26 : i32
      %dma_start3A_186 = arith.constant 0 : i32
      %dma_start3A_187 = arith.constant 0 : i32
      %dma_start3A_188 = tpu.memref_slice %arg4[%add3A_179, %dma_start3A_185, %dma_start3A_180, %dma_start3A_186, %dma_start3A_187] : memref<50x50x2x8x128xf32, #tpu.memory_space<hbm>> -> memref<1x12x1x8x128xf32, #tpu.memory_space<hbm>>
      %dma_start3A_189 = tpu.memref_squeeze %dma_start3A_188 : memref<1x12x1x8x128xf32, #tpu.memory_space<hbm>> -> memref<12x8x128xf32, #tpu.memory_space<hbm>>
      %dma_start3A_190 = arith.constant 26 : i32
      %dma_start3A_191 = arith.constant 0 : i32
      %dma_start3A_192 = arith.constant 0 : i32
      %dma_start3A_193 = tpu.memref_slice %arg4[%add3A_179, %dma_start3A_190, %dma_start3A_180, %dma_start3A_191, %dma_start3A_192] : memref<50x50x2x8x128xf32, #tpu.memory_space<hbm>> -> memref<1x12x1x8x128xf32, #tpu.memory_space<hbm>>
      %dma_start3A_194 = tpu.memref_squeeze %dma_start3A_193 : memref<1x12x1x8x128xf32, #tpu.memory_space<hbm>> -> memref<12x8x128xf32, #tpu.memory_space<hbm>>
      %dma_start3A_195 = arith.constant 26 : i32
      %dma_start3A_196 = arith.constant 0 : i32
      %dma_start3A_197 = arith.constant 0 : i32
      %dma_start3A_198 = tpu.memref_slice %arg6[%dma_start3A_195, %dma_start3A_196, %dma_start3A_197] : memref<50x8x128xf32, #tpu.memory_space<vmem>> -> memref<12x8x128xf32, #tpu.memory_space<vmem>>
      tpu.enqueue_dma source(%dma_start3A_198 : memref<12x8x128xf32, #tpu.memory_space<vmem>>) target(%dma_start3A_194 : memref<12x8x128xf32, #tpu.memory_space<hbm>>) target_semaphore(%arg8 : memref<!tpu.dma_semaphore, #tpu.memory_space<semaphore_mem>>)
      %add3A_199 = arith.constant 32 : i32
      %add3A_200 = arith.addi %arg1, %add3A_199 : i32
      %dma_start3A_201 = arith.constant 0 : i32
      %dma_start3A_202 = arith.constant 26 : i32
      %dma_start3A_203 = arith.constant 0 : i32
      %dma_start3A_204 = arith.constant 0 : i32
      %dma_start3A_205 = tpu.memref_slice %arg6[%dma_start3A_202, %dma_start3A_203, %dma_start3A_204] : memref<50x8x128xf32, #tpu.memory_space<vmem>> -> memref<12x8x128xf32, #tpu.memory_space<vmem>>
      %dma_start3A_206 = arith.constant 26 : i32
      %dma_start3A_207 = arith.constant 0 : i32
      %dma_start3A_208 = arith.constant 0 : i32
      %dma_start3A_209 = tpu.memref_slice %arg4[%add3A_200, %dma_start3A_206, %dma_start3A_201, %dma_start3A_207, %dma_start3A_208] : memref<50x50x2x8x128xf32, #tpu.memory_space<hbm>> -> memref<1x12x1x8x128xf32, #tpu.memory_space<hbm>>
      %dma_start3A_210 = tpu.memref_squeeze %dma_start3A_209 : memref<1x12x1x8x128xf32, #tpu.memory_space<hbm>> -> memref<12x8x128xf32, #tpu.memory_space<hbm>>
      %dma_start3A_211 = arith.constant 26 : i32
      %dma_start3A_212 = arith.constant 0 : i32
      %dma_start3A_213 = arith.constant 0 : i32
      %dma_start3A_214 = tpu.memref_slice %arg4[%add3A_200, %dma_start3A_211, %dma_start3A_201, %dma_start3A_212, %dma_start3A_213] : memref<50x50x2x8x128xf32, #tpu.memory_space<hbm>> -> memref<1x12x1x8x128xf32, #tpu.memory_space<hbm>>
      %dma_start3A_215 = tpu.memref_squeeze %dma_start3A_214 : memref<1x12x1x8x128xf32, #tpu.memory_space<hbm>> -> memref<12x8x128xf32, #tpu.memory_space<hbm>>
      %dma_start3A_216 = arith.constant 26 : i32
      %dma_start3A_217 = arith.constant 0 : i32
      %dma_start3A_218 = arith.constant 0 : i32
      %dma_start3A_219 = tpu.memref_slice %arg6[%dma_start3A_216, %dma_start3A_217, %dma_start3A_218] : memref<50x8x128xf32, #tpu.memory_space<vmem>> -> memref<12x8x128xf32, #tpu.memory_space<vmem>>
      tpu.enqueue_dma source(%dma_start3A_219 : memref<12x8x128xf32, #tpu.memory_space<vmem>>) target(%dma_start3A_215 : memref<12x8x128xf32, #tpu.memory_space<hbm>>) target_semaphore(%arg8 : memref<!tpu.dma_semaphore, #tpu.memory_space<semaphore_mem>>)
      %lt3A_220 = arith.constant 2 : i32
      %lt3A_221 = arith.cmpi slt, %arg1, %lt3A_220 : i32
      %convert_element_type3A_222 = arith.extui %lt3A_221 : i1 to i32
      %cond3A_223 = arith.constant 0 : i32
      %cond3A_224 = arith.cmpi ne, %convert_element_type3A_222, %cond3A_223 : i32
      scf.if %cond3A_224 {
        %add3A_526 = arith.constant 48 : i32
        %add3A_527 = arith.addi %add3A_526, %arg1 : i32
        %dma_start3A_528 = arith.constant 0 : i32
        %dma_start3A_529 = arith.constant 26 : i32
        %dma_start3A_530 = arith.constant 0 : i32
        %dma_start3A_531 = arith.constant 0 : i32
        %dma_start3A_532 = tpu.memref_slice %arg6[%dma_start3A_529, %dma_start3A_530, %dma_start3A_531] : memref<50x8x128xf32, #tpu.memory_space<vmem>> -> memref<12x8x128xf32, #tpu.memory_space<vmem>>
        %dma_start3A_533 = arith.constant 26 : i32
        %dma_start3A_534 = arith.constant 0 : i32
        %dma_start3A_535 = arith.constant 0 : i32
        %dma_start3A_536 = tpu.memref_slice %arg4[%add3A_527, %dma_start3A_533, %dma_start3A_528, %dma_start3A_534, %dma_start3A_535] : memref<50x50x2x8x128xf32, #tpu.memory_space<hbm>> -> memref<1x12x1x8x128xf32, #tpu.memory_space<hbm>>
        %dma_start3A_537 = tpu.memref_squeeze %dma_start3A_536 : memref<1x12x1x8x128xf32, #tpu.memory_space<hbm>> -> memref<12x8x128xf32, #tpu.memory_space<hbm>>
        %dma_start3A_538 = arith.constant 26 : i32
        %dma_start3A_539 = arith.constant 0 : i32
        %dma_start3A_540 = arith.constant 0 : i32
        %dma_start3A_541 = tpu.memref_slice %arg4[%add3A_527, %dma_start3A_538, %dma_start3A_528, %dma_start3A_539, %dma_start3A_540] : memref<50x50x2x8x128xf32, #tpu.memory_space<hbm>> -> memref<1x12x1x8x128xf32, #tpu.memory_space<hbm>>
        %dma_start3A_542 = tpu.memref_squeeze %dma_start3A_541 : memref<1x12x1x8x128xf32, #tpu.memory_space<hbm>> -> memref<12x8x128xf32, #tpu.memory_space<hbm>>
        %dma_start3A_543 = arith.constant 26 : i32
        %dma_start3A_544 = arith.constant 0 : i32
        %dma_start3A_545 = arith.constant 0 : i32
        %dma_start3A_546 = tpu.memref_slice %arg6[%dma_start3A_543, %dma_start3A_544, %dma_start3A_545] : memref<50x8x128xf32, #tpu.memory_space<vmem>> -> memref<12x8x128xf32, #tpu.memory_space<vmem>>
        tpu.enqueue_dma source(%dma_start3A_546 : memref<12x8x128xf32, #tpu.memory_space<vmem>>) target(%dma_start3A_542 : memref<12x8x128xf32, #tpu.memory_space<hbm>>) target_semaphore(%arg8 : memref<!tpu.dma_semaphore, #tpu.memory_space<semaphore_mem>>)
        %dma_wait3A_547 = arith.constant 0 : i32
        %dma_wait3A_548 = arith.constant 26 : i32
        %dma_wait3A_549 = arith.constant 0 : i32
        %dma_wait3A_550 = arith.constant 0 : i32
        %dma_wait3A_551 = tpu.memref_slice %arg6[%dma_wait3A_548, %dma_wait3A_549, %dma_wait3A_550] : memref<50x8x128xf32, #tpu.memory_space<vmem>> -> memref<12x8x128xf32, #tpu.memory_space<vmem>>
        %dma_wait3A_552 = arith.constant 26 : i32
        %dma_wait3A_553 = arith.constant 0 : i32
        %dma_wait3A_554 = arith.constant 0 : i32
        %dma_wait3A_555 = tpu.memref_slice %arg4[%add3A_527, %dma_wait3A_552, %dma_wait3A_547, %dma_wait3A_553, %dma_wait3A_554] : memref<50x50x2x8x128xf32, #tpu.memory_space<hbm>> -> memref<1x12x1x8x128xf32, #tpu.memory_space<hbm>>
        %dma_wait3A_556 = tpu.memref_squeeze %dma_wait3A_555 : memref<1x12x1x8x128xf32, #tpu.memory_space<hbm>> -> memref<12x8x128xf32, #tpu.memory_space<hbm>>
        %dma_wait3A_557 = arith.constant 26 : i32
        %dma_wait3A_558 = arith.constant 0 : i32
        %dma_wait3A_559 = arith.constant 0 : i32
        %dma_wait3A_560 = tpu.memref_slice %arg4[%add3A_527, %dma_wait3A_557, %dma_wait3A_547, %dma_wait3A_558, %dma_wait3A_559] : memref<50x50x2x8x128xf32, #tpu.memory_space<hbm>> -> memref<1x12x1x8x128xf32, #tpu.memory_space<hbm>>
        %dma_wait3A_561 = tpu.memref_squeeze %dma_wait3A_560 : memref<1x12x1x8x128xf32, #tpu.memory_space<hbm>> -> memref<12x8x128xf32, #tpu.memory_space<hbm>>
        %dma_wait3A_562 = arith.constant 26 : i32
        %dma_wait3A_563 = arith.constant 0 : i32
        %dma_wait3A_564 = arith.constant 0 : i32
        %dma_wait3A_565 = tpu.memref_slice %arg6[%dma_wait3A_562, %dma_wait3A_563, %dma_wait3A_564] : memref<50x8x128xf32, #tpu.memory_space<vmem>> -> memref<12x8x128xf32, #tpu.memory_space<vmem>>
        tpu.wait_dma2 semaphore(%arg8 : memref<!tpu.dma_semaphore, #tpu.memory_space<semaphore_mem>>) src(%dma_wait3A_565 : memref<12x8x128xf32, #tpu.memory_space<vmem>>) dst(%dma_wait3A_561 : memref<12x8x128xf32, #tpu.memory_space<hbm>>)
      } else {
      }
      %scan3A_225 = arith.constant 0 : i32
      %scan3A_226 = arith.constant 38 : i32
      %scan3A_227 = arith.constant 12 : i32
      %scan3A_228 = arith.addi %scan3A_226, %scan3A_227 : i32
      %scan3A_229 = arith.constant 1 : i32
      scf.for %scan3A_526 = %scan3A_226 to %scan3A_228 step %scan3A_229  : i32 {
        %get3A = arith.index_cast %scan3A_526 : i32 to index
        %get3A_527 = arith.constant 0 : index
        %get3A_528 = tpu.vector_load %arg5[%get3A, %get3A_527] {strides = array<i32>} : memref<50x128xf32, #tpu.memory_space<vmem>>, vector<16xf32>,
        %swap3A = arith.constant 0 : i32
        %swap3A_529 = arith.index_cast %scan3A_526 : i32 to index
        %swap3A_530 = arith.index_cast %swap3A : i32 to index
        %swap3A_531 = arith.constant 0 : index
        %swap3A_532 = tpu.vector_load %arg6[%swap3A_529, %swap3A_530, %swap3A_531] {strides = array<i32>} : memref<50x8x128xf32, #tpu.memory_space<vmem>>, vector<16xf32>,
        tpu.vector_store %arg6[%swap3A_529, %swap3A_530, %swap3A_531], %get3A_528 {strides = array<i32>} : memref<50x8x128xf32, #tpu.memory_space<vmem>>, vector<16xf32>,
        %swap3A_533 = arith.constant 1 : i32
        %swap3A_534 = arith.index_cast %scan3A_526 : i32 to index
        %swap3A_535 = arith.index_cast %swap3A_533 : i32 to index
        %swap3A_536 = arith.constant 0 : index
        %swap3A_537 = tpu.vector_load %arg6[%swap3A_534, %swap3A_535, %swap3A_536] {strides = array<i32>} : memref<50x8x128xf32, #tpu.memory_space<vmem>>, vector<16xf32>,
        tpu.vector_store %arg6[%swap3A_534, %swap3A_535, %swap3A_536], %get3A_528 {strides = array<i32>} : memref<50x8x128xf32, #tpu.memory_space<vmem>>, vector<16xf32>,
        %swap3A_538 = arith.constant 2 : i32
        %swap3A_539 = arith.index_cast %scan3A_526 : i32 to index
        %swap3A_540 = arith.index_cast %swap3A_538 : i32 to index
        %swap3A_541 = arith.constant 0 : index
        %swap3A_542 = tpu.vector_load %arg6[%swap3A_539, %swap3A_540, %swap3A_541] {strides = array<i32>} : memref<50x8x128xf32, #tpu.memory_space<vmem>>, vector<16xf32>,
        tpu.vector_store %arg6[%swap3A_539, %swap3A_540, %swap3A_541], %get3A_528 {strides = array<i32>} : memref<50x8x128xf32, #tpu.memory_space<vmem>>, vector<16xf32>,
        %swap3A_543 = arith.constant 3 : i32
        %swap3A_544 = arith.index_cast %scan3A_526 : i32 to index
        %swap3A_545 = arith.index_cast %swap3A_543 : i32 to index
        %swap3A_546 = arith.constant 0 : index
        %swap3A_547 = tpu.vector_load %arg6[%swap3A_544, %swap3A_545, %swap3A_546] {strides = array<i32>} : memref<50x8x128xf32, #tpu.memory_space<vmem>>, vector<16xf32>,
        tpu.vector_store %arg6[%swap3A_544, %swap3A_545, %swap3A_546], %get3A_528 {strides = array<i32>} : memref<50x8x128xf32, #tpu.memory_space<vmem>>, vector<16xf32>,
        %swap3A_548 = arith.constant 4 : i32
        %swap3A_549 = arith.index_cast %scan3A_526 : i32 to index
        %swap3A_550 = arith.index_cast %swap3A_548 : i32 to index
        %swap3A_551 = arith.constant 0 : index
        %swap3A_552 = tpu.vector_load %arg6[%swap3A_549, %swap3A_550, %swap3A_551] {strides = array<i32>} : memref<50x8x128xf32, #tpu.memory_space<vmem>>, vector<16xf32>,
        tpu.vector_store %arg6[%swap3A_549, %swap3A_550, %swap3A_551], %get3A_528 {strides = array<i32>} : memref<50x8x128xf32, #tpu.memory_space<vmem>>, vector<16xf32>,
        %swap3A_553 = arith.constant 5 : i32
        %swap3A_554 = arith.index_cast %scan3A_526 : i32 to index
        %swap3A_555 = arith.index_cast %swap3A_553 : i32 to index
        %swap3A_556 = arith.constant 0 : index
        %swap3A_557 = tpu.vector_load %arg6[%swap3A_554, %swap3A_555, %swap3A_556] {strides = array<i32>} : memref<50x8x128xf32, #tpu.memory_space<vmem>>, vector<16xf32>,
        tpu.vector_store %arg6[%swap3A_554, %swap3A_555, %swap3A_556], %get3A_528 {strides = array<i32>} : memref<50x8x128xf32, #tpu.memory_space<vmem>>, vector<16xf32>,
        %swap3A_558 = arith.constant 6 : i32
        %swap3A_559 = arith.index_cast %scan3A_526 : i32 to index
        %swap3A_560 = arith.index_cast %swap3A_558 : i32 to index
        %swap3A_561 = arith.constant 0 : index
        %swap3A_562 = tpu.vector_load %arg6[%swap3A_559, %swap3A_560, %swap3A_561] {strides = array<i32>} : memref<50x8x128xf32, #tpu.memory_space<vmem>>, vector<16xf32>,
        tpu.vector_store %arg6[%swap3A_559, %swap3A_560, %swap3A_561], %get3A_528 {strides = array<i32>} : memref<50x8x128xf32, #tpu.memory_space<vmem>>, vector<16xf32>,
        %swap3A_563 = arith.constant 7 : i32
        %swap3A_564 = arith.index_cast %scan3A_526 : i32 to index
        %swap3A_565 = arith.index_cast %swap3A_563 : i32 to index
        %swap3A_566 = arith.constant 0 : index
        %swap3A_567 = tpu.vector_load %arg6[%swap3A_564, %swap3A_565, %swap3A_566] {strides = array<i32>} : memref<50x8x128xf32, #tpu.memory_space<vmem>>, vector<16xf32>,
        tpu.vector_store %arg6[%swap3A_564, %swap3A_565, %swap3A_566], %get3A_528 {strides = array<i32>} : memref<50x8x128xf32, #tpu.memory_space<vmem>>, vector<16xf32>,
        %get3A_568 = arith.index_cast %scan3A_526 : i32 to index
        %get3A_569 = arith.constant 16 : index
        %get3A_570 = tpu.vector_load %arg5[%get3A_568, %get3A_569] {strides = array<i32>} : memref<50x128xf32, #tpu.memory_space<vmem>>, vector<16xf32>,
        %swap3A_571 = arith.constant 0 : i32
        %swap3A_572 = arith.index_cast %scan3A_526 : i32 to index
        %swap3A_573 = arith.index_cast %swap3A_571 : i32 to index
        %swap3A_574 = arith.constant 16 : index
        %swap3A_575 = tpu.vector_load %arg6[%swap3A_572, %swap3A_573, %swap3A_574] {strides = array<i32>} : memref<50x8x128xf32, #tpu.memory_space<vmem>>, vector<16xf32>,
        tpu.vector_store %arg6[%swap3A_572, %swap3A_573, %swap3A_574], %get3A_570 {strides = array<i32>} : memref<50x8x128xf32, #tpu.memory_space<vmem>>, vector<16xf32>,
        %swap3A_576 = arith.constant 1 : i32
        %swap3A_577 = arith.index_cast %scan3A_526 : i32 to index
        %swap3A_578 = arith.index_cast %swap3A_576 : i32 to index
        %swap3A_579 = arith.constant 16 : index
        %swap3A_580 = tpu.vector_load %arg6[%swap3A_577, %swap3A_578, %swap3A_579] {strides = array<i32>} : memref<50x8x128xf32, #tpu.memory_space<vmem>>, vector<16xf32>,
        tpu.vector_store %arg6[%swap3A_577, %swap3A_578, %swap3A_579], %get3A_570 {strides = array<i32>} : memref<50x8x128xf32, #tpu.memory_space<vmem>>, vector<16xf32>,
        %swap3A_581 = arith.constant 2 : i32
        %swap3A_582 = arith.index_cast %scan3A_526 : i32 to index
        %swap3A_583 = arith.index_cast %swap3A_581 : i32 to index
        %swap3A_584 = arith.constant 16 : index
        %swap3A_585 = tpu.vector_load %arg6[%swap3A_582, %swap3A_583, %swap3A_584] {strides = array<i32>} : memref<50x8x128xf32, #tpu.memory_space<vmem>>, vector<16xf32>,
        tpu.vector_store %arg6[%swap3A_582, %swap3A_583, %swap3A_584], %get3A_570 {strides = array<i32>} : memref<50x8x128xf32, #tpu.memory_space<vmem>>, vector<16xf32>,
        %swap3A_586 = arith.constant 3 : i32
        %swap3A_587 = arith.index_cast %scan3A_526 : i32 to index
        %swap3A_588 = arith.index_cast %swap3A_586 : i32 to index
        %swap3A_589 = arith.constant 16 : index
        %swap3A_590 = tpu.vector_load %arg6[%swap3A_587, %swap3A_588, %swap3A_589] {strides = array<i32>} : memref<50x8x128xf32, #tpu.memory_space<vmem>>, vector<16xf32>,
        tpu.vector_store %arg6[%swap3A_587, %swap3A_588, %swap3A_589], %get3A_570 {strides = array<i32>} : memref<50x8x128xf32, #tpu.memory_space<vmem>>, vector<16xf32>,
        %swap3A_591 = arith.constant 4 : i32
        %swap3A_592 = arith.index_cast %scan3A_526 : i32 to index
        %swap3A_593 = arith.index_cast %swap3A_591 : i32 to index
        %swap3A_594 = arith.constant 16 : index
        %swap3A_595 = tpu.vector_load %arg6[%swap3A_592, %swap3A_593, %swap3A_594] {strides = array<i32>} : memref<50x8x128xf32, #tpu.memory_space<vmem>>, vector<16xf32>,
        tpu.vector_store %arg6[%swap3A_592, %swap3A_593, %swap3A_594], %get3A_570 {strides = array<i32>} : memref<50x8x128xf32, #tpu.memory_space<vmem>>, vector<16xf32>,
        %swap3A_596 = arith.constant 5 : i32
        %swap3A_597 = arith.index_cast %scan3A_526 : i32 to index
        %swap3A_598 = arith.index_cast %swap3A_596 : i32 to index
        %swap3A_599 = arith.constant 16 : index
        %swap3A_600 = tpu.vector_load %arg6[%swap3A_597, %swap3A_598, %swap3A_599] {strides = array<i32>} : memref<50x8x128xf32, #tpu.memory_space<vmem>>, vector<16xf32>,
        tpu.vector_store %arg6[%swap3A_597, %swap3A_598, %swap3A_599], %get3A_570 {strides = array<i32>} : memref<50x8x128xf32, #tpu.memory_space<vmem>>, vector<16xf32>,
        %swap3A_601 = arith.constant 6 : i32
        %swap3A_602 = arith.index_cast %scan3A_526 : i32 to index
        %swap3A_603 = arith.index_cast %swap3A_601 : i32 to index
        %swap3A_604 = arith.constant 16 : index
        %swap3A_605 = tpu.vector_load %arg6[%swap3A_602, %swap3A_603, %swap3A_604] {strides = array<i32>} : memref<50x8x128xf32, #tpu.memory_space<vmem>>, vector<16xf32>,
        tpu.vector_store %arg6[%swap3A_602, %swap3A_603, %swap3A_604], %get3A_570 {strides = array<i32>} : memref<50x8x128xf32, #tpu.memory_space<vmem>>, vector<16xf32>,
        %swap3A_606 = arith.constant 7 : i32
        %swap3A_607 = arith.index_cast %scan3A_526 : i32 to index
        %swap3A_608 = arith.index_cast %swap3A_606 : i32 to index
        %swap3A_609 = arith.constant 16 : index
        %swap3A_610 = tpu.vector_load %arg6[%swap3A_607, %swap3A_608, %swap3A_609] {strides = array<i32>} : memref<50x8x128xf32, #tpu.memory_space<vmem>>, vector<16xf32>,
        tpu.vector_store %arg6[%swap3A_607, %swap3A_608, %swap3A_609], %get3A_570 {strides = array<i32>} : memref<50x8x128xf32, #tpu.memory_space<vmem>>, vector<16xf32>,
        %get3A_611 = arith.index_cast %scan3A_526 : i32 to index
        %get3A_612 = arith.constant 32 : index
        %get3A_613 = tpu.vector_load %arg5[%get3A_611, %get3A_612] {strides = array<i32>} : memref<50x128xf32, #tpu.memory_space<vmem>>, vector<16xf32>,
        %swap3A_614 = arith.constant 0 : i32
        %swap3A_615 = arith.index_cast %scan3A_526 : i32 to index
        %swap3A_616 = arith.index_cast %swap3A_614 : i32 to index
        %swap3A_617 = arith.constant 32 : index
        %swap3A_618 = tpu.vector_load %arg6[%swap3A_615, %swap3A_616, %swap3A_617] {strides = array<i32>} : memref<50x8x128xf32, #tpu.memory_space<vmem>>, vector<16xf32>,
        tpu.vector_store %arg6[%swap3A_615, %swap3A_616, %swap3A_617], %get3A_613 {strides = array<i32>} : memref<50x8x128xf32, #tpu.memory_space<vmem>>, vector<16xf32>,
        %swap3A_619 = arith.constant 1 : i32
        %swap3A_620 = arith.index_cast %scan3A_526 : i32 to index
        %swap3A_621 = arith.index_cast %swap3A_619 : i32 to index
        %swap3A_622 = arith.constant 32 : index
        %swap3A_623 = tpu.vector_load %arg6[%swap3A_620, %swap3A_621, %swap3A_622] {strides = array<i32>} : memref<50x8x128xf32, #tpu.memory_space<vmem>>, vector<16xf32>,
        tpu.vector_store %arg6[%swap3A_620, %swap3A_621, %swap3A_622], %get3A_613 {strides = array<i32>} : memref<50x8x128xf32, #tpu.memory_space<vmem>>, vector<16xf32>,
        %swap3A_624 = arith.constant 2 : i32
        %swap3A_625 = arith.index_cast %scan3A_526 : i32 to index
        %swap3A_626 = arith.index_cast %swap3A_624 : i32 to index
        %swap3A_627 = arith.constant 32 : index
        %swap3A_628 = tpu.vector_load %arg6[%swap3A_625, %swap3A_626, %swap3A_627] {strides = array<i32>} : memref<50x8x128xf32, #tpu.memory_space<vmem>>, vector<16xf32>,
        tpu.vector_store %arg6[%swap3A_625, %swap3A_626, %swap3A_627], %get3A_613 {strides = array<i32>} : memref<50x8x128xf32, #tpu.memory_space<vmem>>, vector<16xf32>,
        %swap3A_629 = arith.constant 3 : i32
        %swap3A_630 = arith.index_cast %scan3A_526 : i32 to index
        %swap3A_631 = arith.index_cast %swap3A_629 : i32 to index
        %swap3A_632 = arith.constant 32 : index
        %swap3A_633 = tpu.vector_load %arg6[%swap3A_630, %swap3A_631, %swap3A_632] {strides = array<i32>} : memref<50x8x128xf32, #tpu.memory_space<vmem>>, vector<16xf32>,
        tpu.vector_store %arg6[%swap3A_630, %swap3A_631, %swap3A_632], %get3A_613 {strides = array<i32>} : memref<50x8x128xf32, #tpu.memory_space<vmem>>, vector<16xf32>,
        %swap3A_634 = arith.constant 4 : i32
        %swap3A_635 = arith.index_cast %scan3A_526 : i32 to index
        %swap3A_636 = arith.index_cast %swap3A_634 : i32 to index
        %swap3A_637 = arith.constant 32 : index
        %swap3A_638 = tpu.vector_load %arg6[%swap3A_635, %swap3A_636, %swap3A_637] {strides = array<i32>} : memref<50x8x128xf32, #tpu.memory_space<vmem>>, vector<16xf32>,
        tpu.vector_store %arg6[%swap3A_635, %swap3A_636, %swap3A_637], %get3A_613 {strides = array<i32>} : memref<50x8x128xf32, #tpu.memory_space<vmem>>, vector<16xf32>,
        %swap3A_639 = arith.constant 5 : i32
        %swap3A_640 = arith.index_cast %scan3A_526 : i32 to index
        %swap3A_641 = arith.index_cast %swap3A_639 : i32 to index
        %swap3A_642 = arith.constant 32 : index
        %swap3A_643 = tpu.vector_load %arg6[%swap3A_640, %swap3A_641, %swap3A_642] {strides = array<i32>} : memref<50x8x128xf32, #tpu.memory_space<vmem>>, vector<16xf32>,
        tpu.vector_store %arg6[%swap3A_640, %swap3A_641, %swap3A_642], %get3A_613 {strides = array<i32>} : memref<50x8x128xf32, #tpu.memory_space<vmem>>, vector<16xf32>,
        %swap3A_644 = arith.constant 6 : i32
        %swap3A_645 = arith.index_cast %scan3A_526 : i32 to index
        %swap3A_646 = arith.index_cast %swap3A_644 : i32 to index
        %swap3A_647 = arith.constant 32 : index
        %swap3A_648 = tpu.vector_load %arg6[%swap3A_645, %swap3A_646, %swap3A_647] {strides = array<i32>} : memref<50x8x128xf32, #tpu.memory_space<vmem>>, vector<16xf32>,
        tpu.vector_store %arg6[%swap3A_645, %swap3A_646, %swap3A_647], %get3A_613 {strides = array<i32>} : memref<50x8x128xf32, #tpu.memory_space<vmem>>, vector<16xf32>,
        %swap3A_649 = arith.constant 7 : i32
        %swap3A_650 = arith.index_cast %scan3A_526 : i32 to index
        %swap3A_651 = arith.index_cast %swap3A_649 : i32 to index
        %swap3A_652 = arith.constant 32 : index
        %swap3A_653 = tpu.vector_load %arg6[%swap3A_650, %swap3A_651, %swap3A_652] {strides = array<i32>} : memref<50x8x128xf32, #tpu.memory_space<vmem>>, vector<16xf32>,
        tpu.vector_store %arg6[%swap3A_650, %swap3A_651, %swap3A_652], %get3A_613 {strides = array<i32>} : memref<50x8x128xf32, #tpu.memory_space<vmem>>, vector<16xf32>,
        %get3A_654 = arith.index_cast %scan3A_526 : i32 to index
        %get3A_655 = arith.constant 48 : index
        %get3A_656 = tpu.vector_load %arg5[%get3A_654, %get3A_655] {strides = array<i32>} : memref<50x128xf32, #tpu.memory_space<vmem>>, vector<16xf32>,
        %swap3A_657 = arith.constant 0 : i32
        %swap3A_658 = arith.index_cast %scan3A_526 : i32 to index
        %swap3A_659 = arith.index_cast %swap3A_657 : i32 to index
        %swap3A_660 = arith.constant 48 : index
        %swap3A_661 = tpu.vector_load %arg6[%swap3A_658, %swap3A_659, %swap3A_660] {strides = array<i32>} : memref<50x8x128xf32, #tpu.memory_space<vmem>>, vector<16xf32>,
        tpu.vector_store %arg6[%swap3A_658, %swap3A_659, %swap3A_660], %get3A_656 {strides = array<i32>} : memref<50x8x128xf32, #tpu.memory_space<vmem>>, vector<16xf32>,
        %swap3A_662 = arith.constant 1 : i32
        %swap3A_663 = arith.index_cast %scan3A_526 : i32 to index
        %swap3A_664 = arith.index_cast %swap3A_662 : i32 to index
        %swap3A_665 = arith.constant 48 : index
        %swap3A_666 = tpu.vector_load %arg6[%swap3A_663, %swap3A_664, %swap3A_665] {strides = array<i32>} : memref<50x8x128xf32, #tpu.memory_space<vmem>>, vector<16xf32>,
        tpu.vector_store %arg6[%swap3A_663, %swap3A_664, %swap3A_665], %get3A_656 {strides = array<i32>} : memref<50x8x128xf32, #tpu.memory_space<vmem>>, vector<16xf32>,
        %swap3A_667 = arith.constant 2 : i32
        %swap3A_668 = arith.index_cast %scan3A_526 : i32 to index
        %swap3A_669 = arith.index_cast %swap3A_667 : i32 to index
        %swap3A_670 = arith.constant 48 : index
        %swap3A_671 = tpu.vector_load %arg6[%swap3A_668, %swap3A_669, %swap3A_670] {strides = array<i32>} : memref<50x8x128xf32, #tpu.memory_space<vmem>>, vector<16xf32>,
        tpu.vector_store %arg6[%swap3A_668, %swap3A_669, %swap3A_670], %get3A_656 {strides = array<i32>} : memref<50x8x128xf32, #tpu.memory_space<vmem>>, vector<16xf32>,
        %swap3A_672 = arith.constant 3 : i32
        %swap3A_673 = arith.index_cast %scan3A_526 : i32 to index
        %swap3A_674 = arith.index_cast %swap3A_672 : i32 to index
        %swap3A_675 = arith.constant 48 : index
        %swap3A_676 = tpu.vector_load %arg6[%swap3A_673, %swap3A_674, %swap3A_675] {strides = array<i32>} : memref<50x8x128xf32, #tpu.memory_space<vmem>>, vector<16xf32>,
        tpu.vector_store %arg6[%swap3A_673, %swap3A_674, %swap3A_675], %get3A_656 {strides = array<i32>} : memref<50x8x128xf32, #tpu.memory_space<vmem>>, vector<16xf32>,
        %swap3A_677 = arith.constant 4 : i32
        %swap3A_678 = arith.index_cast %scan3A_526 : i32 to index
        %swap3A_679 = arith.index_cast %swap3A_677 : i32 to index
        %swap3A_680 = arith.constant 48 : index
        %swap3A_681 = tpu.vector_load %arg6[%swap3A_678, %swap3A_679, %swap3A_680] {strides = array<i32>} : memref<50x8x128xf32, #tpu.memory_space<vmem>>, vector<16xf32>,
        tpu.vector_store %arg6[%swap3A_678, %swap3A_679, %swap3A_680], %get3A_656 {strides = array<i32>} : memref<50x8x128xf32, #tpu.memory_space<vmem>>, vector<16xf32>,
        %swap3A_682 = arith.constant 5 : i32
        %swap3A_683 = arith.index_cast %scan3A_526 : i32 to index
        %swap3A_684 = arith.index_cast %swap3A_682 : i32 to index
        %swap3A_685 = arith.constant 48 : index
        %swap3A_686 = tpu.vector_load %arg6[%swap3A_683, %swap3A_684, %swap3A_685] {strides = array<i32>} : memref<50x8x128xf32, #tpu.memory_space<vmem>>, vector<16xf32>,
        tpu.vector_store %arg6[%swap3A_683, %swap3A_684, %swap3A_685], %get3A_656 {strides = array<i32>} : memref<50x8x128xf32, #tpu.memory_space<vmem>>, vector<16xf32>,
        %swap3A_687 = arith.constant 6 : i32
        %swap3A_688 = arith.index_cast %scan3A_526 : i32 to index
        %swap3A_689 = arith.index_cast %swap3A_687 : i32 to index
        %swap3A_690 = arith.constant 48 : index
        %swap3A_691 = tpu.vector_load %arg6[%swap3A_688, %swap3A_689, %swap3A_690] {strides = array<i32>} : memref<50x8x128xf32, #tpu.memory_space<vmem>>, vector<16xf32>,
        tpu.vector_store %arg6[%swap3A_688, %swap3A_689, %swap3A_690], %get3A_656 {strides = array<i32>} : memref<50x8x128xf32, #tpu.memory_space<vmem>>, vector<16xf32>,
        %swap3A_692 = arith.constant 7 : i32
        %swap3A_693 = arith.index_cast %scan3A_526 : i32 to index
        %swap3A_694 = arith.index_cast %swap3A_692 : i32 to index
        %swap3A_695 = arith.constant 48 : index
        %swap3A_696 = tpu.vector_load %arg6[%swap3A_693, %swap3A_694, %swap3A_695] {strides = array<i32>} : memref<50x8x128xf32, #tpu.memory_space<vmem>>, vector<16xf32>,
        tpu.vector_store %arg6[%swap3A_693, %swap3A_694, %swap3A_695], %get3A_656 {strides = array<i32>} : memref<50x8x128xf32, #tpu.memory_space<vmem>>, vector<16xf32>,
        %get3A_697 = arith.index_cast %scan3A_526 : i32 to index
        %get3A_698 = arith.constant 64 : index
        %get3A_699 = tpu.vector_load %arg5[%get3A_697, %get3A_698] {strides = array<i32>} : memref<50x128xf32, #tpu.memory_space<vmem>>, vector<16xf32>,
        %swap3A_700 = arith.constant 0 : i32
        %swap3A_701 = arith.index_cast %scan3A_526 : i32 to index
        %swap3A_702 = arith.index_cast %swap3A_700 : i32 to index
        %swap3A_703 = arith.constant 64 : index
        %swap3A_704 = tpu.vector_load %arg6[%swap3A_701, %swap3A_702, %swap3A_703] {strides = array<i32>} : memref<50x8x128xf32, #tpu.memory_space<vmem>>, vector<16xf32>,
        tpu.vector_store %arg6[%swap3A_701, %swap3A_702, %swap3A_703], %get3A_699 {strides = array<i32>} : memref<50x8x128xf32, #tpu.memory_space<vmem>>, vector<16xf32>,
        %swap3A_705 = arith.constant 1 : i32
        %swap3A_706 = arith.index_cast %scan3A_526 : i32 to index
        %swap3A_707 = arith.index_cast %swap3A_705 : i32 to index
        %swap3A_708 = arith.constant 64 : index
        %swap3A_709 = tpu.vector_load %arg6[%swap3A_706, %swap3A_707, %swap3A_708] {strides = array<i32>} : memref<50x8x128xf32, #tpu.memory_space<vmem>>, vector<16xf32>,
        tpu.vector_store %arg6[%swap3A_706, %swap3A_707, %swap3A_708], %get3A_699 {strides = array<i32>} : memref<50x8x128xf32, #tpu.memory_space<vmem>>, vector<16xf32>,
        %swap3A_710 = arith.constant 2 : i32
        %swap3A_711 = arith.index_cast %scan3A_526 : i32 to index
        %swap3A_712 = arith.index_cast %swap3A_710 : i32 to index
        %swap3A_713 = arith.constant 64 : index
        %swap3A_714 = tpu.vector_load %arg6[%swap3A_711, %swap3A_712, %swap3A_713] {strides = array<i32>} : memref<50x8x128xf32, #tpu.memory_space<vmem>>, vector<16xf32>,
        tpu.vector_store %arg6[%swap3A_711, %swap3A_712, %swap3A_713], %get3A_699 {strides = array<i32>} : memref<50x8x128xf32, #tpu.memory_space<vmem>>, vector<16xf32>,
        %swap3A_715 = arith.constant 3 : i32
        %swap3A_716 = arith.index_cast %scan3A_526 : i32 to index
        %swap3A_717 = arith.index_cast %swap3A_715 : i32 to index
        %swap3A_718 = arith.constant 64 : index
        %swap3A_719 = tpu.vector_load %arg6[%swap3A_716, %swap3A_717, %swap3A_718] {strides = array<i32>} : memref<50x8x128xf32, #tpu.memory_space<vmem>>, vector<16xf32>,
        tpu.vector_store %arg6[%swap3A_716, %swap3A_717, %swap3A_718], %get3A_699 {strides = array<i32>} : memref<50x8x128xf32, #tpu.memory_space<vmem>>, vector<16xf32>,
        %swap3A_720 = arith.constant 4 : i32
        %swap3A_721 = arith.index_cast %scan3A_526 : i32 to index
        %swap3A_722 = arith.index_cast %swap3A_720 : i32 to index
        %swap3A_723 = arith.constant 64 : index
        %swap3A_724 = tpu.vector_load %arg6[%swap3A_721, %swap3A_722, %swap3A_723] {strides = array<i32>} : memref<50x8x128xf32, #tpu.memory_space<vmem>>, vector<16xf32>,
        tpu.vector_store %arg6[%swap3A_721, %swap3A_722, %swap3A_723], %get3A_699 {strides = array<i32>} : memref<50x8x128xf32, #tpu.memory_space<vmem>>, vector<16xf32>,
        %swap3A_725 = arith.constant 5 : i32
        %swap3A_726 = arith.index_cast %scan3A_526 : i32 to index
        %swap3A_727 = arith.index_cast %swap3A_725 : i32 to index
        %swap3A_728 = arith.constant 64 : index
        %swap3A_729 = tpu.vector_load %arg6[%swap3A_726, %swap3A_727, %swap3A_728] {strides = array<i32>} : memref<50x8x128xf32, #tpu.memory_space<vmem>>, vector<16xf32>,
        tpu.vector_store %arg6[%swap3A_726, %swap3A_727, %swap3A_728], %get3A_699 {strides = array<i32>} : memref<50x8x128xf32, #tpu.memory_space<vmem>>, vector<16xf32>,
        %swap3A_730 = arith.constant 6 : i32
        %swap3A_731 = arith.index_cast %scan3A_526 : i32 to index
        %swap3A_732 = arith.index_cast %swap3A_730 : i32 to index
        %swap3A_733 = arith.constant 64 : index
        %swap3A_734 = tpu.vector_load %arg6[%swap3A_731, %swap3A_732, %swap3A_733] {strides = array<i32>} : memref<50x8x128xf32, #tpu.memory_space<vmem>>, vector<16xf32>,
        tpu.vector_store %arg6[%swap3A_731, %swap3A_732, %swap3A_733], %get3A_699 {strides = array<i32>} : memref<50x8x128xf32, #tpu.memory_space<vmem>>, vector<16xf32>,
        %swap3A_735 = arith.constant 7 : i32
        %swap3A_736 = arith.index_cast %scan3A_526 : i32 to index
        %swap3A_737 = arith.index_cast %swap3A_735 : i32 to index
        %swap3A_738 = arith.constant 64 : index
        %swap3A_739 = tpu.vector_load %arg6[%swap3A_736, %swap3A_737, %swap3A_738] {strides = array<i32>} : memref<50x8x128xf32, #tpu.memory_space<vmem>>, vector<16xf32>,
        tpu.vector_store %arg6[%swap3A_736, %swap3A_737, %swap3A_738], %get3A_699 {strides = array<i32>} : memref<50x8x128xf32, #tpu.memory_space<vmem>>, vector<16xf32>,
        %get3A_740 = arith.index_cast %scan3A_526 : i32 to index
        %get3A_741 = arith.constant 80 : index
        %get3A_742 = tpu.vector_load %arg5[%get3A_740, %get3A_741] {strides = array<i32>} : memref<50x128xf32, #tpu.memory_space<vmem>>, vector<16xf32>,
        %swap3A_743 = arith.constant 0 : i32
        %swap3A_744 = arith.index_cast %scan3A_526 : i32 to index
        %swap3A_745 = arith.index_cast %swap3A_743 : i32 to index
        %swap3A_746 = arith.constant 80 : index
        %swap3A_747 = tpu.vector_load %arg6[%swap3A_744, %swap3A_745, %swap3A_746] {strides = array<i32>} : memref<50x8x128xf32, #tpu.memory_space<vmem>>, vector<16xf32>,
        tpu.vector_store %arg6[%swap3A_744, %swap3A_745, %swap3A_746], %get3A_742 {strides = array<i32>} : memref<50x8x128xf32, #tpu.memory_space<vmem>>, vector<16xf32>,
        %swap3A_748 = arith.constant 1 : i32
        %swap3A_749 = arith.index_cast %scan3A_526 : i32 to index
        %swap3A_750 = arith.index_cast %swap3A_748 : i32 to index
        %swap3A_751 = arith.constant 80 : index
        %swap3A_752 = tpu.vector_load %arg6[%swap3A_749, %swap3A_750, %swap3A_751] {strides = array<i32>} : memref<50x8x128xf32, #tpu.memory_space<vmem>>, vector<16xf32>,
        tpu.vector_store %arg6[%swap3A_749, %swap3A_750, %swap3A_751], %get3A_742 {strides = array<i32>} : memref<50x8x128xf32, #tpu.memory_space<vmem>>, vector<16xf32>,
        %swap3A_753 = arith.constant 2 : i32
        %swap3A_754 = arith.index_cast %scan3A_526 : i32 to index
        %swap3A_755 = arith.index_cast %swap3A_753 : i32 to index
        %swap3A_756 = arith.constant 80 : index
        %swap3A_757 = tpu.vector_load %arg6[%swap3A_754, %swap3A_755, %swap3A_756] {strides = array<i32>} : memref<50x8x128xf32, #tpu.memory_space<vmem>>, vector<16xf32>,
        tpu.vector_store %arg6[%swap3A_754, %swap3A_755, %swap3A_756], %get3A_742 {strides = array<i32>} : memref<50x8x128xf32, #tpu.memory_space<vmem>>, vector<16xf32>,
        %swap3A_758 = arith.constant 3 : i32
        %swap3A_759 = arith.index_cast %scan3A_526 : i32 to index
        %swap3A_760 = arith.index_cast %swap3A_758 : i32 to index
        %swap3A_761 = arith.constant 80 : index
        %swap3A_762 = tpu.vector_load %arg6[%swap3A_759, %swap3A_760, %swap3A_761] {strides = array<i32>} : memref<50x8x128xf32, #tpu.memory_space<vmem>>, vector<16xf32>,
        tpu.vector_store %arg6[%swap3A_759, %swap3A_760, %swap3A_761], %get3A_742 {strides = array<i32>} : memref<50x8x128xf32, #tpu.memory_space<vmem>>, vector<16xf32>,
        %swap3A_763 = arith.constant 4 : i32
        %swap3A_764 = arith.index_cast %scan3A_526 : i32 to index
        %swap3A_765 = arith.index_cast %swap3A_763 : i32 to index
        %swap3A_766 = arith.constant 80 : index
        %swap3A_767 = tpu.vector_load %arg6[%swap3A_764, %swap3A_765, %swap3A_766] {strides = array<i32>} : memref<50x8x128xf32, #tpu.memory_space<vmem>>, vector<16xf32>,
        tpu.vector_store %arg6[%swap3A_764, %swap3A_765, %swap3A_766], %get3A_742 {strides = array<i32>} : memref<50x8x128xf32, #tpu.memory_space<vmem>>, vector<16xf32>,
        %swap3A_768 = arith.constant 5 : i32
        %swap3A_769 = arith.index_cast %scan3A_526 : i32 to index
        %swap3A_770 = arith.index_cast %swap3A_768 : i32 to index
        %swap3A_771 = arith.constant 80 : index
        %swap3A_772 = tpu.vector_load %arg6[%swap3A_769, %swap3A_770, %swap3A_771] {strides = array<i32>} : memref<50x8x128xf32, #tpu.memory_space<vmem>>, vector<16xf32>,
        tpu.vector_store %arg6[%swap3A_769, %swap3A_770, %swap3A_771], %get3A_742 {strides = array<i32>} : memref<50x8x128xf32, #tpu.memory_space<vmem>>, vector<16xf32>,
        %swap3A_773 = arith.constant 6 : i32
        %swap3A_774 = arith.index_cast %scan3A_526 : i32 to index
        %swap3A_775 = arith.index_cast %swap3A_773 : i32 to index
        %swap3A_776 = arith.constant 80 : index
        %swap3A_777 = tpu.vector_load %arg6[%swap3A_774, %swap3A_775, %swap3A_776] {strides = array<i32>} : memref<50x8x128xf32, #tpu.memory_space<vmem>>, vector<16xf32>,
        tpu.vector_store %arg6[%swap3A_774, %swap3A_775, %swap3A_776], %get3A_742 {strides = array<i32>} : memref<50x8x128xf32, #tpu.memory_space<vmem>>, vector<16xf32>,
        %swap3A_778 = arith.constant 7 : i32
        %swap3A_779 = arith.index_cast %scan3A_526 : i32 to index
        %swap3A_780 = arith.index_cast %swap3A_778 : i32 to index
        %swap3A_781 = arith.constant 80 : index
        %swap3A_782 = tpu.vector_load %arg6[%swap3A_779, %swap3A_780, %swap3A_781] {strides = array<i32>} : memref<50x8x128xf32, #tpu.memory_space<vmem>>, vector<16xf32>,
        tpu.vector_store %arg6[%swap3A_779, %swap3A_780, %swap3A_781], %get3A_742 {strides = array<i32>} : memref<50x8x128xf32, #tpu.memory_space<vmem>>, vector<16xf32>,
        %get3A_783 = arith.index_cast %scan3A_526 : i32 to index
        %get3A_784 = arith.constant 96 : index
        %get3A_785 = tpu.vector_load %arg5[%get3A_783, %get3A_784] {strides = array<i32>} : memref<50x128xf32, #tpu.memory_space<vmem>>, vector<16xf32>,
        %swap3A_786 = arith.constant 0 : i32
        %swap3A_787 = arith.index_cast %scan3A_526 : i32 to index
        %swap3A_788 = arith.index_cast %swap3A_786 : i32 to index
        %swap3A_789 = arith.constant 96 : index
        %swap3A_790 = tpu.vector_load %arg6[%swap3A_787, %swap3A_788, %swap3A_789] {strides = array<i32>} : memref<50x8x128xf32, #tpu.memory_space<vmem>>, vector<16xf32>,
        tpu.vector_store %arg6[%swap3A_787, %swap3A_788, %swap3A_789], %get3A_785 {strides = array<i32>} : memref<50x8x128xf32, #tpu.memory_space<vmem>>, vector<16xf32>,
        %swap3A_791 = arith.constant 1 : i32
        %swap3A_792 = arith.index_cast %scan3A_526 : i32 to index
        %swap3A_793 = arith.index_cast %swap3A_791 : i32 to index
        %swap3A_794 = arith.constant 96 : index
        %swap3A_795 = tpu.vector_load %arg6[%swap3A_792, %swap3A_793, %swap3A_794] {strides = array<i32>} : memref<50x8x128xf32, #tpu.memory_space<vmem>>, vector<16xf32>,
        tpu.vector_store %arg6[%swap3A_792, %swap3A_793, %swap3A_794], %get3A_785 {strides = array<i32>} : memref<50x8x128xf32, #tpu.memory_space<vmem>>, vector<16xf32>,
        %swap3A_796 = arith.constant 2 : i32
        %swap3A_797 = arith.index_cast %scan3A_526 : i32 to index
        %swap3A_798 = arith.index_cast %swap3A_796 : i32 to index
        %swap3A_799 = arith.constant 96 : index
        %swap3A_800 = tpu.vector_load %arg6[%swap3A_797, %swap3A_798, %swap3A_799] {strides = array<i32>} : memref<50x8x128xf32, #tpu.memory_space<vmem>>, vector<16xf32>,
        tpu.vector_store %arg6[%swap3A_797, %swap3A_798, %swap3A_799], %get3A_785 {strides = array<i32>} : memref<50x8x128xf32, #tpu.memory_space<vmem>>, vector<16xf32>,
        %swap3A_801 = arith.constant 3 : i32
        %swap3A_802 = arith.index_cast %scan3A_526 : i32 to index
        %swap3A_803 = arith.index_cast %swap3A_801 : i32 to index
        %swap3A_804 = arith.constant 96 : index
        %swap3A_805 = tpu.vector_load %arg6[%swap3A_802, %swap3A_803, %swap3A_804] {strides = array<i32>} : memref<50x8x128xf32, #tpu.memory_space<vmem>>, vector<16xf32>,
        tpu.vector_store %arg6[%swap3A_802, %swap3A_803, %swap3A_804], %get3A_785 {strides = array<i32>} : memref<50x8x128xf32, #tpu.memory_space<vmem>>, vector<16xf32>,
        %swap3A_806 = arith.constant 4 : i32
        %swap3A_807 = arith.index_cast %scan3A_526 : i32 to index
        %swap3A_808 = arith.index_cast %swap3A_806 : i32 to index
        %swap3A_809 = arith.constant 96 : index
        %swap3A_810 = tpu.vector_load %arg6[%swap3A_807, %swap3A_808, %swap3A_809] {strides = array<i32>} : memref<50x8x128xf32, #tpu.memory_space<vmem>>, vector<16xf32>,
        tpu.vector_store %arg6[%swap3A_807, %swap3A_808, %swap3A_809], %get3A_785 {strides = array<i32>} : memref<50x8x128xf32, #tpu.memory_space<vmem>>, vector<16xf32>,
        %swap3A_811 = arith.constant 5 : i32
        %swap3A_812 = arith.index_cast %scan3A_526 : i32 to index
        %swap3A_813 = arith.index_cast %swap3A_811 : i32 to index
        %swap3A_814 = arith.constant 96 : index
        %swap3A_815 = tpu.vector_load %arg6[%swap3A_812, %swap3A_813, %swap3A_814] {strides = array<i32>} : memref<50x8x128xf32, #tpu.memory_space<vmem>>, vector<16xf32>,
        tpu.vector_store %arg6[%swap3A_812, %swap3A_813, %swap3A_814], %get3A_785 {strides = array<i32>} : memref<50x8x128xf32, #tpu.memory_space<vmem>>, vector<16xf32>,
        %swap3A_816 = arith.constant 6 : i32
        %swap3A_817 = arith.index_cast %scan3A_526 : i32 to index
        %swap3A_818 = arith.index_cast %swap3A_816 : i32 to index
        %swap3A_819 = arith.constant 96 : index
        %swap3A_820 = tpu.vector_load %arg6[%swap3A_817, %swap3A_818, %swap3A_819] {strides = array<i32>} : memref<50x8x128xf32, #tpu.memory_space<vmem>>, vector<16xf32>,
        tpu.vector_store %arg6[%swap3A_817, %swap3A_818, %swap3A_819], %get3A_785 {strides = array<i32>} : memref<50x8x128xf32, #tpu.memory_space<vmem>>, vector<16xf32>,
        %swap3A_821 = arith.constant 7 : i32
        %swap3A_822 = arith.index_cast %scan3A_526 : i32 to index
        %swap3A_823 = arith.index_cast %swap3A_821 : i32 to index
        %swap3A_824 = arith.constant 96 : index
        %swap3A_825 = tpu.vector_load %arg6[%swap3A_822, %swap3A_823, %swap3A_824] {strides = array<i32>} : memref<50x8x128xf32, #tpu.memory_space<vmem>>, vector<16xf32>,
        tpu.vector_store %arg6[%swap3A_822, %swap3A_823, %swap3A_824], %get3A_785 {strides = array<i32>} : memref<50x8x128xf32, #tpu.memory_space<vmem>>, vector<16xf32>,
        %get3A_826 = arith.index_cast %scan3A_526 : i32 to index
        %get3A_827 = arith.constant 112 : index
        %get3A_828 = tpu.vector_load %arg5[%get3A_826, %get3A_827] {strides = array<i32>} : memref<50x128xf32, #tpu.memory_space<vmem>>, vector<16xf32>,
        %swap3A_829 = arith.constant 0 : i32
        %swap3A_830 = arith.index_cast %scan3A_526 : i32 to index
        %swap3A_831 = arith.index_cast %swap3A_829 : i32 to index
        %swap3A_832 = arith.constant 112 : index
        %swap3A_833 = tpu.vector_load %arg6[%swap3A_830, %swap3A_831, %swap3A_832] {strides = array<i32>} : memref<50x8x128xf32, #tpu.memory_space<vmem>>, vector<16xf32>,
        tpu.vector_store %arg6[%swap3A_830, %swap3A_831, %swap3A_832], %get3A_828 {strides = array<i32>} : memref<50x8x128xf32, #tpu.memory_space<vmem>>, vector<16xf32>,
        %swap3A_834 = arith.constant 1 : i32
        %swap3A_835 = arith.index_cast %scan3A_526 : i32 to index
        %swap3A_836 = arith.index_cast %swap3A_834 : i32 to index
        %swap3A_837 = arith.constant 112 : index
        %swap3A_838 = tpu.vector_load %arg6[%swap3A_835, %swap3A_836, %swap3A_837] {strides = array<i32>} : memref<50x8x128xf32, #tpu.memory_space<vmem>>, vector<16xf32>,
        tpu.vector_store %arg6[%swap3A_835, %swap3A_836, %swap3A_837], %get3A_828 {strides = array<i32>} : memref<50x8x128xf32, #tpu.memory_space<vmem>>, vector<16xf32>,
        %swap3A_839 = arith.constant 2 : i32
        %swap3A_840 = arith.index_cast %scan3A_526 : i32 to index
        %swap3A_841 = arith.index_cast %swap3A_839 : i32 to index
        %swap3A_842 = arith.constant 112 : index
        %swap3A_843 = tpu.vector_load %arg6[%swap3A_840, %swap3A_841, %swap3A_842] {strides = array<i32>} : memref<50x8x128xf32, #tpu.memory_space<vmem>>, vector<16xf32>,
        tpu.vector_store %arg6[%swap3A_840, %swap3A_841, %swap3A_842], %get3A_828 {strides = array<i32>} : memref<50x8x128xf32, #tpu.memory_space<vmem>>, vector<16xf32>,
        %swap3A_844 = arith.constant 3 : i32
        %swap3A_845 = arith.index_cast %scan3A_526 : i32 to index
        %swap3A_846 = arith.index_cast %swap3A_844 : i32 to index
        %swap3A_847 = arith.constant 112 : index
        %swap3A_848 = tpu.vector_load %arg6[%swap3A_845, %swap3A_846, %swap3A_847] {strides = array<i32>} : memref<50x8x128xf32, #tpu.memory_space<vmem>>, vector<16xf32>,
        tpu.vector_store %arg6[%swap3A_845, %swap3A_846, %swap3A_847], %get3A_828 {strides = array<i32>} : memref<50x8x128xf32, #tpu.memory_space<vmem>>, vector<16xf32>,
        %swap3A_849 = arith.constant 4 : i32
        %swap3A_850 = arith.index_cast %scan3A_526 : i32 to index
        %swap3A_851 = arith.index_cast %swap3A_849 : i32 to index
        %swap3A_852 = arith.constant 112 : index
        %swap3A_853 = tpu.vector_load %arg6[%swap3A_850, %swap3A_851, %swap3A_852] {strides = array<i32>} : memref<50x8x128xf32, #tpu.memory_space<vmem>>, vector<16xf32>,
        tpu.vector_store %arg6[%swap3A_850, %swap3A_851, %swap3A_852], %get3A_828 {strides = array<i32>} : memref<50x8x128xf32, #tpu.memory_space<vmem>>, vector<16xf32>,
        %swap3A_854 = arith.constant 5 : i32
        %swap3A_855 = arith.index_cast %scan3A_526 : i32 to index
        %swap3A_856 = arith.index_cast %swap3A_854 : i32 to index
        %swap3A_857 = arith.constant 112 : index
        %swap3A_858 = tpu.vector_load %arg6[%swap3A_855, %swap3A_856, %swap3A_857] {strides = array<i32>} : memref<50x8x128xf32, #tpu.memory_space<vmem>>, vector<16xf32>,
        tpu.vector_store %arg6[%swap3A_855, %swap3A_856, %swap3A_857], %get3A_828 {strides = array<i32>} : memref<50x8x128xf32, #tpu.memory_space<vmem>>, vector<16xf32>,
        %swap3A_859 = arith.constant 6 : i32
        %swap3A_860 = arith.index_cast %scan3A_526 : i32 to index
        %swap3A_861 = arith.index_cast %swap3A_859 : i32 to index
        %swap3A_862 = arith.constant 112 : index
        %swap3A_863 = tpu.vector_load %arg6[%swap3A_860, %swap3A_861, %swap3A_862] {strides = array<i32>} : memref<50x8x128xf32, #tpu.memory_space<vmem>>, vector<16xf32>,
        tpu.vector_store %arg6[%swap3A_860, %swap3A_861, %swap3A_862], %get3A_828 {strides = array<i32>} : memref<50x8x128xf32, #tpu.memory_space<vmem>>, vector<16xf32>,
        %swap3A_864 = arith.constant 7 : i32
        %swap3A_865 = arith.index_cast %scan3A_526 : i32 to index
        %swap3A_866 = arith.index_cast %swap3A_864 : i32 to index
        %swap3A_867 = arith.constant 112 : index
        %swap3A_868 = tpu.vector_load %arg6[%swap3A_865, %swap3A_866, %swap3A_867] {strides = array<i32>} : memref<50x8x128xf32, #tpu.memory_space<vmem>>, vector<16xf32>,
        tpu.vector_store %arg6[%swap3A_865, %swap3A_866, %swap3A_867], %get3A_828 {strides = array<i32>} : memref<50x8x128xf32, #tpu.memory_space<vmem>>, vector<16xf32>,
      }
      %scan3A_230 = arith.constant 12 : i32
      %add3A_231 = arith.constant 0 : i32
      %add3A_232 = arith.addi %arg1, %add3A_231 : i32
      %dma_start3A_233 = arith.constant 0 : i32
      %dma_start3A_234 = arith.constant 38 : i32
      %dma_start3A_235 = arith.constant 0 : i32
      %dma_start3A_236 = arith.constant 0 : i32
      %dma_start3A_237 = tpu.memref_slice %arg6[%dma_start3A_234, %dma_start3A_235, %dma_start3A_236] : memref<50x8x128xf32, #tpu.memory_space<vmem>> -> memref<12x8x128xf32, #tpu.memory_space<vmem>>
      %dma_start3A_238 = arith.constant 38 : i32
      %dma_start3A_239 = arith.constant 0 : i32
      %dma_start3A_240 = arith.constant 0 : i32
      %dma_start3A_241 = tpu.memref_slice %arg4[%add3A_232, %dma_start3A_238, %dma_start3A_233, %dma_start3A_239, %dma_start3A_240] : memref<50x50x2x8x128xf32, #tpu.memory_space<hbm>> -> memref<1x12x1x8x128xf32, #tpu.memory_space<hbm>>
      %dma_start3A_242 = tpu.memref_squeeze %dma_start3A_241 : memref<1x12x1x8x128xf32, #tpu.memory_space<hbm>> -> memref<12x8x128xf32, #tpu.memory_space<hbm>>
      %dma_start3A_243 = arith.constant 38 : i32
      %dma_start3A_244 = arith.constant 0 : i32
      %dma_start3A_245 = arith.constant 0 : i32
      %dma_start3A_246 = tpu.memref_slice %arg4[%add3A_232, %dma_start3A_243, %dma_start3A_233, %dma_start3A_244, %dma_start3A_245] : memref<50x50x2x8x128xf32, #tpu.memory_space<hbm>> -> memref<1x12x1x8x128xf32, #tpu.memory_space<hbm>>
      %dma_start3A_247 = tpu.memref_squeeze %dma_start3A_246 : memref<1x12x1x8x128xf32, #tpu.memory_space<hbm>> -> memref<12x8x128xf32, #tpu.memory_space<hbm>>
      %dma_start3A_248 = arith.constant 38 : i32
      %dma_start3A_249 = arith.constant 0 : i32
      %dma_start3A_250 = arith.constant 0 : i32
      %dma_start3A_251 = tpu.memref_slice %arg6[%dma_start3A_248, %dma_start3A_249, %dma_start3A_250] : memref<50x8x128xf32, #tpu.memory_space<vmem>> -> memref<12x8x128xf32, #tpu.memory_space<vmem>>
      tpu.enqueue_dma source(%dma_start3A_251 : memref<12x8x128xf32, #tpu.memory_space<vmem>>) target(%dma_start3A_247 : memref<12x8x128xf32, #tpu.memory_space<hbm>>) target_semaphore(%arg8 : memref<!tpu.dma_semaphore, #tpu.memory_space<semaphore_mem>>)
      %add3A_252 = arith.constant 16 : i32
      %add3A_253 = arith.addi %arg1, %add3A_252 : i32
      %dma_start3A_254 = arith.constant 0 : i32
      %dma_start3A_255 = arith.constant 38 : i32
      %dma_start3A_256 = arith.constant 0 : i32
      %dma_start3A_257 = arith.constant 0 : i32
      %dma_start3A_258 = tpu.memref_slice %arg6[%dma_start3A_255, %dma_start3A_256, %dma_start3A_257] : memref<50x8x128xf32, #tpu.memory_space<vmem>> -> memref<12x8x128xf32, #tpu.memory_space<vmem>>
      %dma_start3A_259 = arith.constant 38 : i32
      %dma_start3A_260 = arith.constant 0 : i32
      %dma_start3A_261 = arith.constant 0 : i32
      %dma_start3A_262 = tpu.memref_slice %arg4[%add3A_253, %dma_start3A_259, %dma_start3A_254, %dma_start3A_260, %dma_start3A_261] : memref<50x50x2x8x128xf32, #tpu.memory_space<hbm>> -> memref<1x12x1x8x128xf32, #tpu.memory_space<hbm>>
      %dma_start3A_263 = tpu.memref_squeeze %dma_start3A_262 : memref<1x12x1x8x128xf32, #tpu.memory_space<hbm>> -> memref<12x8x128xf32, #tpu.memory_space<hbm>>
      %dma_start3A_264 = arith.constant 38 : i32
      %dma_start3A_265 = arith.constant 0 : i32
      %dma_start3A_266 = arith.constant 0 : i32
      %dma_start3A_267 = tpu.memref_slice %arg4[%add3A_253, %dma_start3A_264, %dma_start3A_254, %dma_start3A_265, %dma_start3A_266] : memref<50x50x2x8x128xf32, #tpu.memory_space<hbm>> -> memref<1x12x1x8x128xf32, #tpu.memory_space<hbm>>
      %dma_start3A_268 = tpu.memref_squeeze %dma_start3A_267 : memref<1x12x1x8x128xf32, #tpu.memory_space<hbm>> -> memref<12x8x128xf32, #tpu.memory_space<hbm>>
      %dma_start3A_269 = arith.constant 38 : i32
      %dma_start3A_270 = arith.constant 0 : i32
      %dma_start3A_271 = arith.constant 0 : i32
      %dma_start3A_272 = tpu.memref_slice %arg6[%dma_start3A_269, %dma_start3A_270, %dma_start3A_271] : memref<50x8x128xf32, #tpu.memory_space<vmem>> -> memref<12x8x128xf32, #tpu.memory_space<vmem>>
      tpu.enqueue_dma source(%dma_start3A_272 : memref<12x8x128xf32, #tpu.memory_space<vmem>>) target(%dma_start3A_268 : memref<12x8x128xf32, #tpu.memory_space<hbm>>) target_semaphore(%arg8 : memref<!tpu.dma_semaphore, #tpu.memory_space<semaphore_mem>>)
      %add3A_273 = arith.constant 32 : i32
      %add3A_274 = arith.addi %arg1, %add3A_273 : i32
      %dma_start3A_275 = arith.constant 0 : i32
      %dma_start3A_276 = arith.constant 38 : i32
      %dma_start3A_277 = arith.constant 0 : i32
      %dma_start3A_278 = arith.constant 0 : i32
      %dma_start3A_279 = tpu.memref_slice %arg6[%dma_start3A_276, %dma_start3A_277, %dma_start3A_278] : memref<50x8x128xf32, #tpu.memory_space<vmem>> -> memref<12x8x128xf32, #tpu.memory_space<vmem>>
      %dma_start3A_280 = arith.constant 38 : i32
      %dma_start3A_281 = arith.constant 0 : i32
      %dma_start3A_282 = arith.constant 0 : i32
      %dma_start3A_283 = tpu.memref_slice %arg4[%add3A_274, %dma_start3A_280, %dma_start3A_275, %dma_start3A_281, %dma_start3A_282] : memref<50x50x2x8x128xf32, #tpu.memory_space<hbm>> -> memref<1x12x1x8x128xf32, #tpu.memory_space<hbm>>
      %dma_start3A_284 = tpu.memref_squeeze %dma_start3A_283 : memref<1x12x1x8x128xf32, #tpu.memory_space<hbm>> -> memref<12x8x128xf32, #tpu.memory_space<hbm>>
      %dma_start3A_285 = arith.constant 38 : i32
      %dma_start3A_286 = arith.constant 0 : i32
      %dma_start3A_287 = arith.constant 0 : i32
      %dma_start3A_288 = tpu.memref_slice %arg4[%add3A_274, %dma_start3A_285, %dma_start3A_275, %dma_start3A_286, %dma_start3A_287] : memref<50x50x2x8x128xf32, #tpu.memory_space<hbm>> -> memref<1x12x1x8x128xf32, #tpu.memory_space<hbm>>
      %dma_start3A_289 = tpu.memref_squeeze %dma_start3A_288 : memref<1x12x1x8x128xf32, #tpu.memory_space<hbm>> -> memref<12x8x128xf32, #tpu.memory_space<hbm>>
      %dma_start3A_290 = arith.constant 38 : i32
      %dma_start3A_291 = arith.constant 0 : i32
      %dma_start3A_292 = arith.constant 0 : i32
      %dma_start3A_293 = tpu.memref_slice %arg6[%dma_start3A_290, %dma_start3A_291, %dma_start3A_292] : memref<50x8x128xf32, #tpu.memory_space<vmem>> -> memref<12x8x128xf32, #tpu.memory_space<vmem>>
      tpu.enqueue_dma source(%dma_start3A_293 : memref<12x8x128xf32, #tpu.memory_space<vmem>>) target(%dma_start3A_289 : memref<12x8x128xf32, #tpu.memory_space<hbm>>) target_semaphore(%arg8 : memref<!tpu.dma_semaphore, #tpu.memory_space<semaphore_mem>>)
      %lt3A_294 = arith.constant 2 : i32
      %lt3A_295 = arith.cmpi slt, %arg1, %lt3A_294 : i32
      %convert_element_type3A_296 = arith.extui %lt3A_295 : i1 to i32
      %cond3A_297 = arith.constant 0 : i32
      %cond3A_298 = arith.cmpi ne, %convert_element_type3A_296, %cond3A_297 : i32
      scf.if %cond3A_298 {
        %add3A_526 = arith.constant 48 : i32
        %add3A_527 = arith.addi %add3A_526, %arg1 : i32
        %dma_start3A_528 = arith.constant 0 : i32
        %dma_start3A_529 = arith.constant 38 : i32
        %dma_start3A_530 = arith.constant 0 : i32
        %dma_start3A_531 = arith.constant 0 : i32
        %dma_start3A_532 = tpu.memref_slice %arg6[%dma_start3A_529, %dma_start3A_530, %dma_start3A_531] : memref<50x8x128xf32, #tpu.memory_space<vmem>> -> memref<12x8x128xf32, #tpu.memory_space<vmem>>
        %dma_start3A_533 = arith.constant 38 : i32
        %dma_start3A_534 = arith.constant 0 : i32
        %dma_start3A_535 = arith.constant 0 : i32
        %dma_start3A_536 = tpu.memref_slice %arg4[%add3A_527, %dma_start3A_533, %dma_start3A_528, %dma_start3A_534, %dma_start3A_535] : memref<50x50x2x8x128xf32, #tpu.memory_space<hbm>> -> memref<1x12x1x8x128xf32, #tpu.memory_space<hbm>>
        %dma_start3A_537 = tpu.memref_squeeze %dma_start3A_536 : memref<1x12x1x8x128xf32, #tpu.memory_space<hbm>> -> memref<12x8x128xf32, #tpu.memory_space<hbm>>
        %dma_start3A_538 = arith.constant 38 : i32
        %dma_start3A_539 = arith.constant 0 : i32
        %dma_start3A_540 = arith.constant 0 : i32
        %dma_start3A_541 = tpu.memref_slice %arg4[%add3A_527, %dma_start3A_538, %dma_start3A_528, %dma_start3A_539, %dma_start3A_540] : memref<50x50x2x8x128xf32, #tpu.memory_space<hbm>> -> memref<1x12x1x8x128xf32, #tpu.memory_space<hbm>>
        %dma_start3A_542 = tpu.memref_squeeze %dma_start3A_541 : memref<1x12x1x8x128xf32, #tpu.memory_space<hbm>> -> memref<12x8x128xf32, #tpu.memory_space<hbm>>
        %dma_start3A_543 = arith.constant 38 : i32
        %dma_start3A_544 = arith.constant 0 : i32
        %dma_start3A_545 = arith.constant 0 : i32
        %dma_start3A_546 = tpu.memref_slice %arg6[%dma_start3A_543, %dma_start3A_544, %dma_start3A_545] : memref<50x8x128xf32, #tpu.memory_space<vmem>> -> memref<12x8x128xf32, #tpu.memory_space<vmem>>
        tpu.enqueue_dma source(%dma_start3A_546 : memref<12x8x128xf32, #tpu.memory_space<vmem>>) target(%dma_start3A_542 : memref<12x8x128xf32, #tpu.memory_space<hbm>>) target_semaphore(%arg8 : memref<!tpu.dma_semaphore, #tpu.memory_space<semaphore_mem>>)
        %dma_wait3A_547 = arith.constant 0 : i32
        %dma_wait3A_548 = arith.constant 38 : i32
        %dma_wait3A_549 = arith.constant 0 : i32
        %dma_wait3A_550 = arith.constant 0 : i32
        %dma_wait3A_551 = tpu.memref_slice %arg6[%dma_wait3A_548, %dma_wait3A_549, %dma_wait3A_550] : memref<50x8x128xf32, #tpu.memory_space<vmem>> -> memref<12x8x128xf32, #tpu.memory_space<vmem>>
        %dma_wait3A_552 = arith.constant 38 : i32
        %dma_wait3A_553 = arith.constant 0 : i32
        %dma_wait3A_554 = arith.constant 0 : i32
        %dma_wait3A_555 = tpu.memref_slice %arg4[%add3A_527, %dma_wait3A_552, %dma_wait3A_547, %dma_wait3A_553, %dma_wait3A_554] : memref<50x50x2x8x128xf32, #tpu.memory_space<hbm>> -> memref<1x12x1x8x128xf32, #tpu.memory_space<hbm>>
        %dma_wait3A_556 = tpu.memref_squeeze %dma_wait3A_555 : memref<1x12x1x8x128xf32, #tpu.memory_space<hbm>> -> memref<12x8x128xf32, #tpu.memory_space<hbm>>
        %dma_wait3A_557 = arith.constant 38 : i32
        %dma_wait3A_558 = arith.constant 0 : i32
        %dma_wait3A_559 = arith.constant 0 : i32
        %dma_wait3A_560 = tpu.memref_slice %arg4[%add3A_527, %dma_wait3A_557, %dma_wait3A_547, %dma_wait3A_558, %dma_wait3A_559] : memref<50x50x2x8x128xf32, #tpu.memory_space<hbm>> -> memref<1x12x1x8x128xf32, #tpu.memory_space<hbm>>
        %dma_wait3A_561 = tpu.memref_squeeze %dma_wait3A_560 : memref<1x12x1x8x128xf32, #tpu.memory_space<hbm>> -> memref<12x8x128xf32, #tpu.memory_space<hbm>>
        %dma_wait3A_562 = arith.constant 38 : i32
        %dma_wait3A_563 = arith.constant 0 : i32
        %dma_wait3A_564 = arith.constant 0 : i32
        %dma_wait3A_565 = tpu.memref_slice %arg6[%dma_wait3A_562, %dma_wait3A_563, %dma_wait3A_564] : memref<50x8x128xf32, #tpu.memory_space<vmem>> -> memref<12x8x128xf32, #tpu.memory_space<vmem>>
        tpu.wait_dma2 semaphore(%arg8 : memref<!tpu.dma_semaphore, #tpu.memory_space<semaphore_mem>>) src(%dma_wait3A_565 : memref<12x8x128xf32, #tpu.memory_space<vmem>>) dst(%dma_wait3A_561 : memref<12x8x128xf32, #tpu.memory_space<hbm>>)
      } else {
      }
      %dma_wait3A = arith.constant 0 : i32
      %dma_wait3A_299 = arith.constant 0 : i32
      %dma_wait3A_300 = arith.constant 0 : i32
      %dma_wait3A_301 = arith.constant 0 : i32
      %dma_wait3A_302 = tpu.memref_slice %arg6[%dma_wait3A_299, %dma_wait3A_300, %dma_wait3A_301] : memref<50x8x128xf32, #tpu.memory_space<vmem>> -> memref<13x8x128xf32, #tpu.memory_space<vmem>>
      %dma_wait3A_303 = arith.constant 0 : i32
      %dma_wait3A_304 = arith.constant 0 : i32
      %dma_wait3A_305 = arith.constant 0 : i32
      %dma_wait3A_306 = tpu.memref_slice %arg4[%add3A_12, %dma_wait3A_303, %dma_wait3A, %dma_wait3A_304, %dma_wait3A_305] : memref<50x50x2x8x128xf32, #tpu.memory_space<hbm>> -> memref<1x13x1x8x128xf32, #tpu.memory_space<hbm>>
      %dma_wait3A_307 = tpu.memref_squeeze %dma_wait3A_306 : memref<1x13x1x8x128xf32, #tpu.memory_space<hbm>> -> memref<13x8x128xf32, #tpu.memory_space<hbm>>
      %dma_wait3A_308 = arith.constant 0 : i32
      %dma_wait3A_309 = arith.constant 0 : i32
      %dma_wait3A_310 = arith.constant 0 : i32
      %dma_wait3A_311 = tpu.memref_slice %arg4[%add3A_12, %dma_wait3A_308, %dma_wait3A, %dma_wait3A_309, %dma_wait3A_310] : memref<50x50x2x8x128xf32, #tpu.memory_space<hbm>> -> memref<1x13x1x8x128xf32, #tpu.memory_space<hbm>>
      %dma_wait3A_312 = tpu.memref_squeeze %dma_wait3A_311 : memref<1x13x1x8x128xf32, #tpu.memory_space<hbm>> -> memref<13x8x128xf32, #tpu.memory_space<hbm>>
      %dma_wait3A_313 = arith.constant 0 : i32
      %dma_wait3A_314 = arith.constant 0 : i32
      %dma_wait3A_315 = arith.constant 0 : i32
      %dma_wait3A_316 = tpu.memref_slice %arg6[%dma_wait3A_313, %dma_wait3A_314, %dma_wait3A_315] : memref<50x8x128xf32, #tpu.memory_space<vmem>> -> memref<13x8x128xf32, #tpu.memory_space<vmem>>
      tpu.wait_dma2 semaphore(%arg8 : memref<!tpu.dma_semaphore, #tpu.memory_space<semaphore_mem>>) src(%dma_wait3A_316 : memref<13x8x128xf32, #tpu.memory_space<vmem>>) dst(%dma_wait3A_312 : memref<13x8x128xf32, #tpu.memory_space<hbm>>)
      %dma_wait3A_317 = arith.constant 0 : i32
      %dma_wait3A_318 = arith.constant 0 : i32
      %dma_wait3A_319 = arith.constant 0 : i32
      %dma_wait3A_320 = arith.constant 0 : i32
      %dma_wait3A_321 = tpu.memref_slice %arg6[%dma_wait3A_318, %dma_wait3A_319, %dma_wait3A_320] : memref<50x8x128xf32, #tpu.memory_space<vmem>> -> memref<13x8x128xf32, #tpu.memory_space<vmem>>
      %dma_wait3A_322 = arith.constant 0 : i32
      %dma_wait3A_323 = arith.constant 0 : i32
      %dma_wait3A_324 = arith.constant 0 : i32
      %dma_wait3A_325 = tpu.memref_slice %arg4[%add3A_32, %dma_wait3A_322, %dma_wait3A_317, %dma_wait3A_323, %dma_wait3A_324] : memref<50x50x2x8x128xf32, #tpu.memory_space<hbm>> -> memref<1x13x1x8x128xf32, #tpu.memory_space<hbm>>
      %dma_wait3A_326 = tpu.memref_squeeze %dma_wait3A_325 : memref<1x13x1x8x128xf32, #tpu.memory_space<hbm>> -> memref<13x8x128xf32, #tpu.memory_space<hbm>>
      %dma_wait3A_327 = arith.constant 0 : i32
      %dma_wait3A_328 = arith.constant 0 : i32
      %dma_wait3A_329 = arith.constant 0 : i32
      %dma_wait3A_330 = tpu.memref_slice %arg4[%add3A_32, %dma_wait3A_327, %dma_wait3A_317, %dma_wait3A_328, %dma_wait3A_329] : memref<50x50x2x8x128xf32, #tpu.memory_space<hbm>> -> memref<1x13x1x8x128xf32, #tpu.memory_space<hbm>>
      %dma_wait3A_331 = tpu.memref_squeeze %dma_wait3A_330 : memref<1x13x1x8x128xf32, #tpu.memory_space<hbm>> -> memref<13x8x128xf32, #tpu.memory_space<hbm>>
      %dma_wait3A_332 = arith.constant 0 : i32
      %dma_wait3A_333 = arith.constant 0 : i32
      %dma_wait3A_334 = arith.constant 0 : i32
      %dma_wait3A_335 = tpu.memref_slice %arg6[%dma_wait3A_332, %dma_wait3A_333, %dma_wait3A_334] : memref<50x8x128xf32, #tpu.memory_space<vmem>> -> memref<13x8x128xf32, #tpu.memory_space<vmem>>
      tpu.wait_dma2 semaphore(%arg8 : memref<!tpu.dma_semaphore, #tpu.memory_space<semaphore_mem>>) src(%dma_wait3A_335 : memref<13x8x128xf32, #tpu.memory_space<vmem>>) dst(%dma_wait3A_331 : memref<13x8x128xf32, #tpu.memory_space<hbm>>)
      %dma_wait3A_336 = arith.constant 0 : i32
      %dma_wait3A_337 = arith.constant 0 : i32
      %dma_wait3A_338 = arith.constant 0 : i32
      %dma_wait3A_339 = arith.constant 0 : i32
      %dma_wait3A_340 = tpu.memref_slice %arg6[%dma_wait3A_337, %dma_wait3A_338, %dma_wait3A_339] : memref<50x8x128xf32, #tpu.memory_space<vmem>> -> memref<13x8x128xf32, #tpu.memory_space<vmem>>
      %dma_wait3A_341 = arith.constant 0 : i32
      %dma_wait3A_342 = arith.constant 0 : i32
      %dma_wait3A_343 = arith.constant 0 : i32
      %dma_wait3A_344 = tpu.memref_slice %arg4[%add3A_53, %dma_wait3A_341, %dma_wait3A_336, %dma_wait3A_342, %dma_wait3A_343] : memref<50x50x2x8x128xf32, #tpu.memory_space<hbm>> -> memref<1x13x1x8x128xf32, #tpu.memory_space<hbm>>
      %dma_wait3A_345 = tpu.memref_squeeze %dma_wait3A_344 : memref<1x13x1x8x128xf32, #tpu.memory_space<hbm>> -> memref<13x8x128xf32, #tpu.memory_space<hbm>>
      %dma_wait3A_346 = arith.constant 0 : i32
      %dma_wait3A_347 = arith.constant 0 : i32
      %dma_wait3A_348 = arith.constant 0 : i32
      %dma_wait3A_349 = tpu.memref_slice %arg4[%add3A_53, %dma_wait3A_346, %dma_wait3A_336, %dma_wait3A_347, %dma_wait3A_348] : memref<50x50x2x8x128xf32, #tpu.memory_space<hbm>> -> memref<1x13x1x8x128xf32, #tpu.memory_space<hbm>>
      %dma_wait3A_350 = tpu.memref_squeeze %dma_wait3A_349 : memref<1x13x1x8x128xf32, #tpu.memory_space<hbm>> -> memref<13x8x128xf32, #tpu.memory_space<hbm>>
      %dma_wait3A_351 = arith.constant 0 : i32
      %dma_wait3A_352 = arith.constant 0 : i32
      %dma_wait3A_353 = arith.constant 0 : i32
      %dma_wait3A_354 = tpu.memref_slice %arg6[%dma_wait3A_351, %dma_wait3A_352, %dma_wait3A_353] : memref<50x8x128xf32, #tpu.memory_space<vmem>> -> memref<13x8x128xf32, #tpu.memory_space<vmem>>
      tpu.wait_dma2 semaphore(%arg8 : memref<!tpu.dma_semaphore, #tpu.memory_space<semaphore_mem>>) src(%dma_wait3A_354 : memref<13x8x128xf32, #tpu.memory_space<vmem>>) dst(%dma_wait3A_350 : memref<13x8x128xf32, #tpu.memory_space<hbm>>)
      %dma_wait3A_355 = arith.constant 0 : i32
      %dma_wait3A_356 = arith.constant 13 : i32
      %dma_wait3A_357 = arith.constant 0 : i32
      %dma_wait3A_358 = arith.constant 0 : i32
      %dma_wait3A_359 = tpu.memref_slice %arg6[%dma_wait3A_356, %dma_wait3A_357, %dma_wait3A_358] : memref<50x8x128xf32, #tpu.memory_space<vmem>> -> memref<13x8x128xf32, #tpu.memory_space<vmem>>
      %dma_wait3A_360 = arith.constant 13 : i32
      %dma_wait3A_361 = arith.constant 0 : i32
      %dma_wait3A_362 = arith.constant 0 : i32
      %dma_wait3A_363 = tpu.memref_slice %arg4[%add3A_84, %dma_wait3A_360, %dma_wait3A_355, %dma_wait3A_361, %dma_wait3A_362] : memref<50x50x2x8x128xf32, #tpu.memory_space<hbm>> -> memref<1x13x1x8x128xf32, #tpu.memory_space<hbm>>
      %dma_wait3A_364 = tpu.memref_squeeze %dma_wait3A_363 : memref<1x13x1x8x128xf32, #tpu.memory_space<hbm>> -> memref<13x8x128xf32, #tpu.memory_space<hbm>>
      %dma_wait3A_365 = arith.constant 13 : i32
      %dma_wait3A_366 = arith.constant 0 : i32
      %dma_wait3A_367 = arith.constant 0 : i32
      %dma_wait3A_368 = tpu.memref_slice %arg4[%add3A_84, %dma_wait3A_365, %dma_wait3A_355, %dma_wait3A_366, %dma_wait3A_367] : memref<50x50x2x8x128xf32, #tpu.memory_space<hbm>> -> memref<1x13x1x8x128xf32, #tpu.memory_space<hbm>>
      %dma_wait3A_369 = tpu.memref_squeeze %dma_wait3A_368 : memref<1x13x1x8x128xf32, #tpu.memory_space<hbm>> -> memref<13x8x128xf32, #tpu.memory_space<hbm>>
      %dma_wait3A_370 = arith.constant 13 : i32
      %dma_wait3A_371 = arith.constant 0 : i32
      %dma_wait3A_372 = arith.constant 0 : i32
      %dma_wait3A_373 = tpu.memref_slice %arg6[%dma_wait3A_370, %dma_wait3A_371, %dma_wait3A_372] : memref<50x8x128xf32, #tpu.memory_space<vmem>> -> memref<13x8x128xf32, #tpu.memory_space<vmem>>
      tpu.wait_dma2 semaphore(%arg8 : memref<!tpu.dma_semaphore, #tpu.memory_space<semaphore_mem>>) src(%dma_wait3A_373 : memref<13x8x128xf32, #tpu.memory_space<vmem>>) dst(%dma_wait3A_369 : memref<13x8x128xf32, #tpu.memory_space<hbm>>)
      %dma_wait3A_374 = arith.constant 0 : i32
      %dma_wait3A_375 = arith.constant 13 : i32
      %dma_wait3A_376 = arith.constant 0 : i32
      %dma_wait3A_377 = arith.constant 0 : i32
      %dma_wait3A_378 = tpu.memref_slice %arg6[%dma_wait3A_375, %dma_wait3A_376, %dma_wait3A_377] : memref<50x8x128xf32, #tpu.memory_space<vmem>> -> memref<13x8x128xf32, #tpu.memory_space<vmem>>
      %dma_wait3A_379 = arith.constant 13 : i32
      %dma_wait3A_380 = arith.constant 0 : i32
      %dma_wait3A_381 = arith.constant 0 : i32
      %dma_wait3A_382 = tpu.memref_slice %arg4[%add3A_105, %dma_wait3A_379, %dma_wait3A_374, %dma_wait3A_380, %dma_wait3A_381] : memref<50x50x2x8x128xf32, #tpu.memory_space<hbm>> -> memref<1x13x1x8x128xf32, #tpu.memory_space<hbm>>
      %dma_wait3A_383 = tpu.memref_squeeze %dma_wait3A_382 : memref<1x13x1x8x128xf32, #tpu.memory_space<hbm>> -> memref<13x8x128xf32, #tpu.memory_space<hbm>>
      %dma_wait3A_384 = arith.constant 13 : i32
      %dma_wait3A_385 = arith.constant 0 : i32
      %dma_wait3A_386 = arith.constant 0 : i32
      %dma_wait3A_387 = tpu.memref_slice %arg4[%add3A_105, %dma_wait3A_384, %dma_wait3A_374, %dma_wait3A_385, %dma_wait3A_386] : memref<50x50x2x8x128xf32, #tpu.memory_space<hbm>> -> memref<1x13x1x8x128xf32, #tpu.memory_space<hbm>>
      %dma_wait3A_388 = tpu.memref_squeeze %dma_wait3A_387 : memref<1x13x1x8x128xf32, #tpu.memory_space<hbm>> -> memref<13x8x128xf32, #tpu.memory_space<hbm>>
      %dma_wait3A_389 = arith.constant 13 : i32
      %dma_wait3A_390 = arith.constant 0 : i32
      %dma_wait3A_391 = arith.constant 0 : i32
      %dma_wait3A_392 = tpu.memref_slice %arg6[%dma_wait3A_389, %dma_wait3A_390, %dma_wait3A_391] : memref<50x8x128xf32, #tpu.memory_space<vmem>> -> memref<13x8x128xf32, #tpu.memory_space<vmem>>
      tpu.wait_dma2 semaphore(%arg8 : memref<!tpu.dma_semaphore, #tpu.memory_space<semaphore_mem>>) src(%dma_wait3A_392 : memref<13x8x128xf32, #tpu.memory_space<vmem>>) dst(%dma_wait3A_388 : memref<13x8x128xf32, #tpu.memory_space<hbm>>)
      %dma_wait3A_393 = arith.constant 0 : i32
      %dma_wait3A_394 = arith.constant 13 : i32
      %dma_wait3A_395 = arith.constant 0 : i32
      %dma_wait3A_396 = arith.constant 0 : i32
      %dma_wait3A_397 = tpu.memref_slice %arg6[%dma_wait3A_394, %dma_wait3A_395, %dma_wait3A_396] : memref<50x8x128xf32, #tpu.memory_space<vmem>> -> memref<13x8x128xf32, #tpu.memory_space<vmem>>
      %dma_wait3A_398 = arith.constant 13 : i32
      %dma_wait3A_399 = arith.constant 0 : i32
      %dma_wait3A_400 = arith.constant 0 : i32
      %dma_wait3A_401 = tpu.memref_slice %arg4[%add3A_126, %dma_wait3A_398, %dma_wait3A_393, %dma_wait3A_399, %dma_wait3A_400] : memref<50x50x2x8x128xf32, #tpu.memory_space<hbm>> -> memref<1x13x1x8x128xf32, #tpu.memory_space<hbm>>
      %dma_wait3A_402 = tpu.memref_squeeze %dma_wait3A_401 : memref<1x13x1x8x128xf32, #tpu.memory_space<hbm>> -> memref<13x8x128xf32, #tpu.memory_space<hbm>>
      %dma_wait3A_403 = arith.constant 13 : i32
      %dma_wait3A_404 = arith.constant 0 : i32
      %dma_wait3A_405 = arith.constant 0 : i32
      %dma_wait3A_406 = tpu.memref_slice %arg4[%add3A_126, %dma_wait3A_403, %dma_wait3A_393, %dma_wait3A_404, %dma_wait3A_405] : memref<50x50x2x8x128xf32, #tpu.memory_space<hbm>> -> memref<1x13x1x8x128xf32, #tpu.memory_space<hbm>>
      %dma_wait3A_407 = tpu.memref_squeeze %dma_wait3A_406 : memref<1x13x1x8x128xf32, #tpu.memory_space<hbm>> -> memref<13x8x128xf32, #tpu.memory_space<hbm>>
      %dma_wait3A_408 = arith.constant 13 : i32
      %dma_wait3A_409 = arith.constant 0 : i32
      %dma_wait3A_410 = arith.constant 0 : i32
      %dma_wait3A_411 = tpu.memref_slice %arg6[%dma_wait3A_408, %dma_wait3A_409, %dma_wait3A_410] : memref<50x8x128xf32, #tpu.memory_space<vmem>> -> memref<13x8x128xf32, #tpu.memory_space<vmem>>
      tpu.wait_dma2 semaphore(%arg8 : memref<!tpu.dma_semaphore, #tpu.memory_space<semaphore_mem>>) src(%dma_wait3A_411 : memref<13x8x128xf32, #tpu.memory_space<vmem>>) dst(%dma_wait3A_407 : memref<13x8x128xf32, #tpu.memory_space<hbm>>)
      %dma_wait3A_412 = arith.constant 0 : i32
      %dma_wait3A_413 = arith.constant 26 : i32
      %dma_wait3A_414 = arith.constant 0 : i32
      %dma_wait3A_415 = arith.constant 0 : i32
      %dma_wait3A_416 = tpu.memref_slice %arg6[%dma_wait3A_413, %dma_wait3A_414, %dma_wait3A_415] : memref<50x8x128xf32, #tpu.memory_space<vmem>> -> memref<12x8x128xf32, #tpu.memory_space<vmem>>
      %dma_wait3A_417 = arith.constant 26 : i32
      %dma_wait3A_418 = arith.constant 0 : i32
      %dma_wait3A_419 = arith.constant 0 : i32
      %dma_wait3A_420 = tpu.memref_slice %arg4[%add3A_158, %dma_wait3A_417, %dma_wait3A_412, %dma_wait3A_418, %dma_wait3A_419] : memref<50x50x2x8x128xf32, #tpu.memory_space<hbm>> -> memref<1x12x1x8x128xf32, #tpu.memory_space<hbm>>
      %dma_wait3A_421 = tpu.memref_squeeze %dma_wait3A_420 : memref<1x12x1x8x128xf32, #tpu.memory_space<hbm>> -> memref<12x8x128xf32, #tpu.memory_space<hbm>>
      %dma_wait3A_422 = arith.constant 26 : i32
      %dma_wait3A_423 = arith.constant 0 : i32
      %dma_wait3A_424 = arith.constant 0 : i32
      %dma_wait3A_425 = tpu.memref_slice %arg4[%add3A_158, %dma_wait3A_422, %dma_wait3A_412, %dma_wait3A_423, %dma_wait3A_424] : memref<50x50x2x8x128xf32, #tpu.memory_space<hbm>> -> memref<1x12x1x8x128xf32, #tpu.memory_space<hbm>>
      %dma_wait3A_426 = tpu.memref_squeeze %dma_wait3A_425 : memref<1x12x1x8x128xf32, #tpu.memory_space<hbm>> -> memref<12x8x128xf32, #tpu.memory_space<hbm>>
      %dma_wait3A_427 = arith.constant 26 : i32
      %dma_wait3A_428 = arith.constant 0 : i32
      %dma_wait3A_429 = arith.constant 0 : i32
      %dma_wait3A_430 = tpu.memref_slice %arg6[%dma_wait3A_427, %dma_wait3A_428, %dma_wait3A_429] : memref<50x8x128xf32, #tpu.memory_space<vmem>> -> memref<12x8x128xf32, #tpu.memory_space<vmem>>
      tpu.wait_dma2 semaphore(%arg8 : memref<!tpu.dma_semaphore, #tpu.memory_space<semaphore_mem>>) src(%dma_wait3A_430 : memref<12x8x128xf32, #tpu.memory_space<vmem>>) dst(%dma_wait3A_426 : memref<12x8x128xf32, #tpu.memory_space<hbm>>)
      %dma_wait3A_431 = arith.constant 0 : i32
      %dma_wait3A_432 = arith.constant 26 : i32
      %dma_wait3A_433 = arith.constant 0 : i32
      %dma_wait3A_434 = arith.constant 0 : i32
      %dma_wait3A_435 = tpu.memref_slice %arg6[%dma_wait3A_432, %dma_wait3A_433, %dma_wait3A_434] : memref<50x8x128xf32, #tpu.memory_space<vmem>> -> memref<12x8x128xf32, #tpu.memory_space<vmem>>
      %dma_wait3A_436 = arith.constant 26 : i32
      %dma_wait3A_437 = arith.constant 0 : i32
      %dma_wait3A_438 = arith.constant 0 : i32
      %dma_wait3A_439 = tpu.memref_slice %arg4[%add3A_179, %dma_wait3A_436, %dma_wait3A_431, %dma_wait3A_437, %dma_wait3A_438] : memref<50x50x2x8x128xf32, #tpu.memory_space<hbm>> -> memref<1x12x1x8x128xf32, #tpu.memory_space<hbm>>
      %dma_wait3A_440 = tpu.memref_squeeze %dma_wait3A_439 : memref<1x12x1x8x128xf32, #tpu.memory_space<hbm>> -> memref<12x8x128xf32, #tpu.memory_space<hbm>>
      %dma_wait3A_441 = arith.constant 26 : i32
      %dma_wait3A_442 = arith.constant 0 : i32
      %dma_wait3A_443 = arith.constant 0 : i32
      %dma_wait3A_444 = tpu.memref_slice %arg4[%add3A_179, %dma_wait3A_441, %dma_wait3A_431, %dma_wait3A_442, %dma_wait3A_443] : memref<50x50x2x8x128xf32, #tpu.memory_space<hbm>> -> memref<1x12x1x8x128xf32, #tpu.memory_space<hbm>>
      %dma_wait3A_445 = tpu.memref_squeeze %dma_wait3A_444 : memref<1x12x1x8x128xf32, #tpu.memory_space<hbm>> -> memref<12x8x128xf32, #tpu.memory_space<hbm>>
      %dma_wait3A_446 = arith.constant 26 : i32
      %dma_wait3A_447 = arith.constant 0 : i32
      %dma_wait3A_448 = arith.constant 0 : i32
      %dma_wait3A_449 = tpu.memref_slice %arg6[%dma_wait3A_446, %dma_wait3A_447, %dma_wait3A_448] : memref<50x8x128xf32, #tpu.memory_space<vmem>> -> memref<12x8x128xf32, #tpu.memory_space<vmem>>
      tpu.wait_dma2 semaphore(%arg8 : memref<!tpu.dma_semaphore, #tpu.memory_space<semaphore_mem>>) src(%dma_wait3A_449 : memref<12x8x128xf32, #tpu.memory_space<vmem>>) dst(%dma_wait3A_445 : memref<12x8x128xf32, #tpu.memory_space<hbm>>)
      %dma_wait3A_450 = arith.constant 0 : i32
      %dma_wait3A_451 = arith.constant 26 : i32
      %dma_wait3A_452 = arith.constant 0 : i32
      %dma_wait3A_453 = arith.constant 0 : i32
      %dma_wait3A_454 = tpu.memref_slice %arg6[%dma_wait3A_451, %dma_wait3A_452, %dma_wait3A_453] : memref<50x8x128xf32, #tpu.memory_space<vmem>> -> memref<12x8x128xf32, #tpu.memory_space<vmem>>
      %dma_wait3A_455 = arith.constant 26 : i32
      %dma_wait3A_456 = arith.constant 0 : i32
      %dma_wait3A_457 = arith.constant 0 : i32
      %dma_wait3A_458 = tpu.memref_slice %arg4[%add3A_200, %dma_wait3A_455, %dma_wait3A_450, %dma_wait3A_456, %dma_wait3A_457] : memref<50x50x2x8x128xf32, #tpu.memory_space<hbm>> -> memref<1x12x1x8x128xf32, #tpu.memory_space<hbm>>
      %dma_wait3A_459 = tpu.memref_squeeze %dma_wait3A_458 : memref<1x12x1x8x128xf32, #tpu.memory_space<hbm>> -> memref<12x8x128xf32, #tpu.memory_space<hbm>>
      %dma_wait3A_460 = arith.constant 26 : i32
      %dma_wait3A_461 = arith.constant 0 : i32
      %dma_wait3A_462 = arith.constant 0 : i32
      %dma_wait3A_463 = tpu.memref_slice %arg4[%add3A_200, %dma_wait3A_460, %dma_wait3A_450, %dma_wait3A_461, %dma_wait3A_462] : memref<50x50x2x8x128xf32, #tpu.memory_space<hbm>> -> memref<1x12x1x8x128xf32, #tpu.memory_space<hbm>>
      %dma_wait3A_464 = tpu.memref_squeeze %dma_wait3A_463 : memref<1x12x1x8x128xf32, #tpu.memory_space<hbm>> -> memref<12x8x128xf32, #tpu.memory_space<hbm>>
      %dma_wait3A_465 = arith.constant 26 : i32
      %dma_wait3A_466 = arith.constant 0 : i32
      %dma_wait3A_467 = arith.constant 0 : i32
      %dma_wait3A_468 = tpu.memref_slice %arg6[%dma_wait3A_465, %dma_wait3A_466, %dma_wait3A_467] : memref<50x8x128xf32, #tpu.memory_space<vmem>> -> memref<12x8x128xf32, #tpu.memory_space<vmem>>
      tpu.wait_dma2 semaphore(%arg8 : memref<!tpu.dma_semaphore, #tpu.memory_space<semaphore_mem>>) src(%dma_wait3A_468 : memref<12x8x128xf32, #tpu.memory_space<vmem>>) dst(%dma_wait3A_464 : memref<12x8x128xf32, #tpu.memory_space<hbm>>)
      %dma_wait3A_469 = arith.constant 0 : i32
      %dma_wait3A_470 = arith.constant 38 : i32
      %dma_wait3A_471 = arith.constant 0 : i32
      %dma_wait3A_472 = arith.constant 0 : i32
      %dma_wait3A_473 = tpu.memref_slice %arg6[%dma_wait3A_470, %dma_wait3A_471, %dma_wait3A_472] : memref<50x8x128xf32, #tpu.memory_space<vmem>> -> memref<12x8x128xf32, #tpu.memory_space<vmem>>
      %dma_wait3A_474 = arith.constant 38 : i32
      %dma_wait3A_475 = arith.constant 0 : i32
      %dma_wait3A_476 = arith.constant 0 : i32
      %dma_wait3A_477 = tpu.memref_slice %arg4[%add3A_232, %dma_wait3A_474, %dma_wait3A_469, %dma_wait3A_475, %dma_wait3A_476] : memref<50x50x2x8x128xf32, #tpu.memory_space<hbm>> -> memref<1x12x1x8x128xf32, #tpu.memory_space<hbm>>
      %dma_wait3A_478 = tpu.memref_squeeze %dma_wait3A_477 : memref<1x12x1x8x128xf32, #tpu.memory_space<hbm>> -> memref<12x8x128xf32, #tpu.memory_space<hbm>>
      %dma_wait3A_479 = arith.constant 38 : i32
      %dma_wait3A_480 = arith.constant 0 : i32
      %dma_wait3A_481 = arith.constant 0 : i32
      %dma_wait3A_482 = tpu.memref_slice %arg4[%add3A_232, %dma_wait3A_479, %dma_wait3A_469, %dma_wait3A_480, %dma_wait3A_481] : memref<50x50x2x8x128xf32, #tpu.memory_space<hbm>> -> memref<1x12x1x8x128xf32, #tpu.memory_space<hbm>>
      %dma_wait3A_483 = tpu.memref_squeeze %dma_wait3A_482 : memref<1x12x1x8x128xf32, #tpu.memory_space<hbm>> -> memref<12x8x128xf32, #tpu.memory_space<hbm>>
      %dma_wait3A_484 = arith.constant 38 : i32
      %dma_wait3A_485 = arith.constant 0 : i32
      %dma_wait3A_486 = arith.constant 0 : i32
      %dma_wait3A_487 = tpu.memref_slice %arg6[%dma_wait3A_484, %dma_wait3A_485, %dma_wait3A_486] : memref<50x8x128xf32, #tpu.memory_space<vmem>> -> memref<12x8x128xf32, #tpu.memory_space<vmem>>
      tpu.wait_dma2 semaphore(%arg8 : memref<!tpu.dma_semaphore, #tpu.memory_space<semaphore_mem>>) src(%dma_wait3A_487 : memref<12x8x128xf32, #tpu.memory_space<vmem>>) dst(%dma_wait3A_483 : memref<12x8x128xf32, #tpu.memory_space<hbm>>)
      %dma_wait3A_488 = arith.constant 0 : i32
      %dma_wait3A_489 = arith.constant 38 : i32
      %dma_wait3A_490 = arith.constant 0 : i32
      %dma_wait3A_491 = arith.constant 0 : i32
      %dma_wait3A_492 = tpu.memref_slice %arg6[%dma_wait3A_489, %dma_wait3A_490, %dma_wait3A_491] : memref<50x8x128xf32, #tpu.memory_space<vmem>> -> memref<12x8x128xf32, #tpu.memory_space<vmem>>
      %dma_wait3A_493 = arith.constant 38 : i32
      %dma_wait3A_494 = arith.constant 0 : i32
      %dma_wait3A_495 = arith.constant 0 : i32
      %dma_wait3A_496 = tpu.memref_slice %arg4[%add3A_253, %dma_wait3A_493, %dma_wait3A_488, %dma_wait3A_494, %dma_wait3A_495] : memref<50x50x2x8x128xf32, #tpu.memory_space<hbm>> -> memref<1x12x1x8x128xf32, #tpu.memory_space<hbm>>
      %dma_wait3A_497 = tpu.memref_squeeze %dma_wait3A_496 : memref<1x12x1x8x128xf32, #tpu.memory_space<hbm>> -> memref<12x8x128xf32, #tpu.memory_space<hbm>>
      %dma_wait3A_498 = arith.constant 38 : i32
      %dma_wait3A_499 = arith.constant 0 : i32
      %dma_wait3A_500 = arith.constant 0 : i32
      %dma_wait3A_501 = tpu.memref_slice %arg4[%add3A_253, %dma_wait3A_498, %dma_wait3A_488, %dma_wait3A_499, %dma_wait3A_500] : memref<50x50x2x8x128xf32, #tpu.memory_space<hbm>> -> memref<1x12x1x8x128xf32, #tpu.memory_space<hbm>>
      %dma_wait3A_502 = tpu.memref_squeeze %dma_wait3A_501 : memref<1x12x1x8x128xf32, #tpu.memory_space<hbm>> -> memref<12x8x128xf32, #tpu.memory_space<hbm>>
      %dma_wait3A_503 = arith.constant 38 : i32
      %dma_wait3A_504 = arith.constant 0 : i32
      %dma_wait3A_505 = arith.constant 0 : i32
      %dma_wait3A_506 = tpu.memref_slice %arg6[%dma_wait3A_503, %dma_wait3A_504, %dma_wait3A_505] : memref<50x8x128xf32, #tpu.memory_space<vmem>> -> memref<12x8x128xf32, #tpu.memory_space<vmem>>
      tpu.wait_dma2 semaphore(%arg8 : memref<!tpu.dma_semaphore, #tpu.memory_space<semaphore_mem>>) src(%dma_wait3A_506 : memref<12x8x128xf32, #tpu.memory_space<vmem>>) dst(%dma_wait3A_502 : memref<12x8x128xf32, #tpu.memory_space<hbm>>)
      %dma_wait3A_507 = arith.constant 0 : i32
      %dma_wait3A_508 = arith.constant 38 : i32
      %dma_wait3A_509 = arith.constant 0 : i32
      %dma_wait3A_510 = arith.constant 0 : i32
      %dma_wait3A_511 = tpu.memref_slice %arg6[%dma_wait3A_508, %dma_wait3A_509, %dma_wait3A_510] : memref<50x8x128xf32, #tpu.memory_space<vmem>> -> memref<12x8x128xf32, #tpu.memory_space<vmem>>
      %dma_wait3A_512 = arith.constant 38 : i32
      %dma_wait3A_513 = arith.constant 0 : i32
      %dma_wait3A_514 = arith.constant 0 : i32
      %dma_wait3A_515 = tpu.memref_slice %arg4[%add3A_274, %dma_wait3A_512, %dma_wait3A_507, %dma_wait3A_513, %dma_wait3A_514] : memref<50x50x2x8x128xf32, #tpu.memory_space<hbm>> -> memref<1x12x1x8x128xf32, #tpu.memory_space<hbm>>
      %dma_wait3A_516 = tpu.memref_squeeze %dma_wait3A_515 : memref<1x12x1x8x128xf32, #tpu.memory_space<hbm>> -> memref<12x8x128xf32, #tpu.memory_space<hbm>>
      %dma_wait3A_517 = arith.constant 38 : i32
      %dma_wait3A_518 = arith.constant 0 : i32
      %dma_wait3A_519 = arith.constant 0 : i32
      %dma_wait3A_520 = tpu.memref_slice %arg4[%add3A_274, %dma_wait3A_517, %dma_wait3A_507, %dma_wait3A_518, %dma_wait3A_519] : memref<50x50x2x8x128xf32, #tpu.memory_space<hbm>> -> memref<1x12x1x8x128xf32, #tpu.memory_space<hbm>>
      %dma_wait3A_521 = tpu.memref_squeeze %dma_wait3A_520 : memref<1x12x1x8x128xf32, #tpu.memory_space<hbm>> -> memref<12x8x128xf32, #tpu.memory_space<hbm>>
      %dma_wait3A_522 = arith.constant 38 : i32
      %dma_wait3A_523 = arith.constant 0 : i32
      %dma_wait3A_524 = arith.constant 0 : i32
      %dma_wait3A_525 = tpu.memref_slice %arg6[%dma_wait3A_522, %dma_wait3A_523, %dma_wait3A_524] : memref<50x8x128xf32, #tpu.memory_space<vmem>> -> memref<12x8x128xf32, #tpu.memory_space<vmem>>
      tpu.wait_dma2 semaphore(%arg8 : memref<!tpu.dma_semaphore, #tpu.memory_space<semaphore_mem>>) src(%dma_wait3A_525 : memref<12x8x128xf32, #tpu.memory_space<vmem>>) dst(%dma_wait3A_521 : memref<12x8x128xf32, #tpu.memory_space<hbm>>)
    } else {
    }
    %eq3A_2 = arith.constant 1 : i32
    %eq3A_3 = arith.cmpi eq, %arg0, %eq3A_2 : i32
    %convert_element_type3A_4 = arith.extui %eq3A_3 : i1 to i32
    %cond3A_5 = arith.constant 0 : i32
    %cond3A_6 = arith.cmpi ne, %convert_element_type3A_4, %cond3A_5 : i32
    scf.if %cond3A_6 {
      tpu.enqueue_dma source(%arg3 : memref<50x128xf32, #tpu.memory_space<hbm>>) target(%arg5 : memref<50x128xf32, #tpu.memory_space<vmem>>) target_semaphore(%arg7 : memref<!tpu.dma_semaphore, #tpu.memory_space<semaphore_mem>>)
      tpu.wait_dma2 semaphore(%arg7 : memref<!tpu.dma_semaphore, #tpu.memory_space<semaphore_mem>>) src(%arg3 : memref<50x128xf32, #tpu.memory_space<hbm>>) dst(%arg5 : memref<50x128xf32, #tpu.memory_space<vmem>>)
      %scan3A = arith.constant 0 : i32
      %scan3A_7 = arith.constant 0 : i32
      %scan3A_8 = arith.constant 13 : i32
      %scan3A_9 = arith.addi %scan3A_7, %scan3A_8 : i32
      %scan3A_10 = arith.constant 1 : i32
      scf.for %scan3A_526 = %scan3A_7 to %scan3A_9 step %scan3A_10  : i32 {
        %get3A = arith.index_cast %scan3A_526 : i32 to index
        %get3A_527 = arith.constant 0 : index
        %get3A_528 = tpu.vector_load %arg5[%get3A, %get3A_527] {strides = array<i32>} : memref<50x128xf32, #tpu.memory_space<vmem>>, vector<16xf32>,
        %swap3A = arith.constant 0 : i32
        %swap3A_529 = arith.index_cast %scan3A_526 : i32 to index
        %swap3A_530 = arith.index_cast %swap3A : i32 to index
        %swap3A_531 = arith.constant 0 : index
        %swap3A_532 = tpu.vector_load %arg6[%swap3A_529, %swap3A_530, %swap3A_531] {strides = array<i32>} : memref<50x8x128xf32, #tpu.memory_space<vmem>>, vector<16xf32>,
        tpu.vector_store %arg6[%swap3A_529, %swap3A_530, %swap3A_531], %get3A_528 {strides = array<i32>} : memref<50x8x128xf32, #tpu.memory_space<vmem>>, vector<16xf32>,
        %swap3A_533 = arith.constant 1 : i32
        %swap3A_534 = arith.index_cast %scan3A_526 : i32 to index
        %swap3A_535 = arith.index_cast %swap3A_533 : i32 to index
        %swap3A_536 = arith.constant 0 : index
        %swap3A_537 = tpu.vector_load %arg6[%swap3A_534, %swap3A_535, %swap3A_536] {strides = array<i32>} : memref<50x8x128xf32, #tpu.memory_space<vmem>>, vector<16xf32>,
        tpu.vector_store %arg6[%swap3A_534, %swap3A_535, %swap3A_536], %get3A_528 {strides = array<i32>} : memref<50x8x128xf32, #tpu.memory_space<vmem>>, vector<16xf32>,
        %swap3A_538 = arith.constant 2 : i32
        %swap3A_539 = arith.index_cast %scan3A_526 : i32 to index
        %swap3A_540 = arith.index_cast %swap3A_538 : i32 to index
        %swap3A_541 = arith.constant 0 : index
        %swap3A_542 = tpu.vector_load %arg6[%swap3A_539, %swap3A_540, %swap3A_541] {strides = array<i32>} : memref<50x8x128xf32, #tpu.memory_space<vmem>>, vector<16xf32>,
        tpu.vector_store %arg6[%swap3A_539, %swap3A_540, %swap3A_541], %get3A_528 {strides = array<i32>} : memref<50x8x128xf32, #tpu.memory_space<vmem>>, vector<16xf32>,
        %swap3A_543 = arith.constant 3 : i32
        %swap3A_544 = arith.index_cast %scan3A_526 : i32 to index
        %swap3A_545 = arith.index_cast %swap3A_543 : i32 to index
        %swap3A_546 = arith.constant 0 : index
        %swap3A_547 = tpu.vector_load %arg6[%swap3A_544, %swap3A_545, %swap3A_546] {strides = array<i32>} : memref<50x8x128xf32, #tpu.memory_space<vmem>>, vector<16xf32>,
        tpu.vector_store %arg6[%swap3A_544, %swap3A_545, %swap3A_546], %get3A_528 {strides = array<i32>} : memref<50x8x128xf32, #tpu.memory_space<vmem>>, vector<16xf32>,
        %swap3A_548 = arith.constant 4 : i32
        %swap3A_549 = arith.index_cast %scan3A_526 : i32 to index
        %swap3A_550 = arith.index_cast %swap3A_548 : i32 to index
        %swap3A_551 = arith.constant 0 : index
        %swap3A_552 = tpu.vector_load %arg6[%swap3A_549, %swap3A_550, %swap3A_551] {strides = array<i32>} : memref<50x8x128xf32, #tpu.memory_space<vmem>>, vector<16xf32>,
        tpu.vector_store %arg6[%swap3A_549, %swap3A_550, %swap3A_551], %get3A_528 {strides = array<i32>} : memref<50x8x128xf32, #tpu.memory_space<vmem>>, vector<16xf32>,
        %swap3A_553 = arith.constant 5 : i32
        %swap3A_554 = arith.index_cast %scan3A_526 : i32 to index
        %swap3A_555 = arith.index_cast %swap3A_553 : i32 to index
        %swap3A_556 = arith.constant 0 : index
        %swap3A_557 = tpu.vector_load %arg6[%swap3A_554, %swap3A_555, %swap3A_556] {strides = array<i32>} : memref<50x8x128xf32, #tpu.memory_space<vmem>>, vector<16xf32>,
        tpu.vector_store %arg6[%swap3A_554, %swap3A_555, %swap3A_556], %get3A_528 {strides = array<i32>} : memref<50x8x128xf32, #tpu.memory_space<vmem>>, vector<16xf32>,
        %swap3A_558 = arith.constant 6 : i32
        %swap3A_559 = arith.index_cast %scan3A_526 : i32 to index
        %swap3A_560 = arith.index_cast %swap3A_558 : i32 to index
        %swap3A_561 = arith.constant 0 : index
        %swap3A_562 = tpu.vector_load %arg6[%swap3A_559, %swap3A_560, %swap3A_561] {strides = array<i32>} : memref<50x8x128xf32, #tpu.memory_space<vmem>>, vector<16xf32>,
        tpu.vector_store %arg6[%swap3A_559, %swap3A_560, %swap3A_561], %get3A_528 {strides = array<i32>} : memref<50x8x128xf32, #tpu.memory_space<vmem>>, vector<16xf32>,
        %swap3A_563 = arith.constant 7 : i32
        %swap3A_564 = arith.index_cast %scan3A_526 : i32 to index
        %swap3A_565 = arith.index_cast %swap3A_563 : i32 to index
        %swap3A_566 = arith.constant 0 : index
        %swap3A_567 = tpu.vector_load %arg6[%swap3A_564, %swap3A_565, %swap3A_566] {strides = array<i32>} : memref<50x8x128xf32, #tpu.memory_space<vmem>>, vector<16xf32>,
        tpu.vector_store %arg6[%swap3A_564, %swap3A_565, %swap3A_566], %get3A_528 {strides = array<i32>} : memref<50x8x128xf32, #tpu.memory_space<vmem>>, vector<16xf32>,
        %get3A_568 = arith.index_cast %scan3A_526 : i32 to index
        %get3A_569 = arith.constant 16 : index
        %get3A_570 = tpu.vector_load %arg5[%get3A_568, %get3A_569] {strides = array<i32>} : memref<50x128xf32, #tpu.memory_space<vmem>>, vector<16xf32>,
        %swap3A_571 = arith.constant 0 : i32
        %swap3A_572 = arith.index_cast %scan3A_526 : i32 to index
        %swap3A_573 = arith.index_cast %swap3A_571 : i32 to index
        %swap3A_574 = arith.constant 16 : index
        %swap3A_575 = tpu.vector_load %arg6[%swap3A_572, %swap3A_573, %swap3A_574] {strides = array<i32>} : memref<50x8x128xf32, #tpu.memory_space<vmem>>, vector<16xf32>,
        tpu.vector_store %arg6[%swap3A_572, %swap3A_573, %swap3A_574], %get3A_570 {strides = array<i32>} : memref<50x8x128xf32, #tpu.memory_space<vmem>>, vector<16xf32>,
        %swap3A_576 = arith.constant 1 : i32
        %swap3A_577 = arith.index_cast %scan3A_526 : i32 to index
        %swap3A_578 = arith.index_cast %swap3A_576 : i32 to index
        %swap3A_579 = arith.constant 16 : index
        %swap3A_580 = tpu.vector_load %arg6[%swap3A_577, %swap3A_578, %swap3A_579] {strides = array<i32>} : memref<50x8x128xf32, #tpu.memory_space<vmem>>, vector<16xf32>,
        tpu.vector_store %arg6[%swap3A_577, %swap3A_578, %swap3A_579], %get3A_570 {strides = array<i32>} : memref<50x8x128xf32, #tpu.memory_space<vmem>>, vector<16xf32>,
        %swap3A_581 = arith.constant 2 : i32
        %swap3A_582 = arith.index_cast %scan3A_526 : i32 to index
        %swap3A_583 = arith.index_cast %swap3A_581 : i32 to index
        %swap3A_584 = arith.constant 16 : index
        %swap3A_585 = tpu.vector_load %arg6[%swap3A_582, %swap3A_583, %swap3A_584] {strides = array<i32>} : memref<50x8x128xf32, #tpu.memory_space<vmem>>, vector<16xf32>,
        tpu.vector_store %arg6[%swap3A_582, %swap3A_583, %swap3A_584], %get3A_570 {strides = array<i32>} : memref<50x8x128xf32, #tpu.memory_space<vmem>>, vector<16xf32>,
        %swap3A_586 = arith.constant 3 : i32
        %swap3A_587 = arith.index_cast %scan3A_526 : i32 to index
        %swap3A_588 = arith.index_cast %swap3A_586 : i32 to index
        %swap3A_589 = arith.constant 16 : index
        %swap3A_590 = tpu.vector_load %arg6[%swap3A_587, %swap3A_588, %swap3A_589] {strides = array<i32>} : memref<50x8x128xf32, #tpu.memory_space<vmem>>, vector<16xf32>,
        tpu.vector_store %arg6[%swap3A_587, %swap3A_588, %swap3A_589], %get3A_570 {strides = array<i32>} : memref<50x8x128xf32, #tpu.memory_space<vmem>>, vector<16xf32>,
        %swap3A_591 = arith.constant 4 : i32
        %swap3A_592 = arith.index_cast %scan3A_526 : i32 to index
        %swap3A_593 = arith.index_cast %swap3A_591 : i32 to index
        %swap3A_594 = arith.constant 16 : index
        %swap3A_595 = tpu.vector_load %arg6[%swap3A_592, %swap3A_593, %swap3A_594] {strides = array<i32>} : memref<50x8x128xf32, #tpu.memory_space<vmem>>, vector<16xf32>,
        tpu.vector_store %arg6[%swap3A_592, %swap3A_593, %swap3A_594], %get3A_570 {strides = array<i32>} : memref<50x8x128xf32, #tpu.memory_space<vmem>>, vector<16xf32>,
        %swap3A_596 = arith.constant 5 : i32
        %swap3A_597 = arith.index_cast %scan3A_526 : i32 to index
        %swap3A_598 = arith.index_cast %swap3A_596 : i32 to index
        %swap3A_599 = arith.constant 16 : index
        %swap3A_600 = tpu.vector_load %arg6[%swap3A_597, %swap3A_598, %swap3A_599] {strides = array<i32>} : memref<50x8x128xf32, #tpu.memory_space<vmem>>, vector<16xf32>,
        tpu.vector_store %arg6[%swap3A_597, %swap3A_598, %swap3A_599], %get3A_570 {strides = array<i32>} : memref<50x8x128xf32, #tpu.memory_space<vmem>>, vector<16xf32>,
        %swap3A_601 = arith.constant 6 : i32
        %swap3A_602 = arith.index_cast %scan3A_526 : i32 to index
        %swap3A_603 = arith.index_cast %swap3A_601 : i32 to index
        %swap3A_604 = arith.constant 16 : index
        %swap3A_605 = tpu.vector_load %arg6[%swap3A_602, %swap3A_603, %swap3A_604] {strides = array<i32>} : memref<50x8x128xf32, #tpu.memory_space<vmem>>, vector<16xf32>,
        tpu.vector_store %arg6[%swap3A_602, %swap3A_603, %swap3A_604], %get3A_570 {strides = array<i32>} : memref<50x8x128xf32, #tpu.memory_space<vmem>>, vector<16xf32>,
        %swap3A_606 = arith.constant 7 : i32
        %swap3A_607 = arith.index_cast %scan3A_526 : i32 to index
        %swap3A_608 = arith.index_cast %swap3A_606 : i32 to index
        %swap3A_609 = arith.constant 16 : index
        %swap3A_610 = tpu.vector_load %arg6[%swap3A_607, %swap3A_608, %swap3A_609] {strides = array<i32>} : memref<50x8x128xf32, #tpu.memory_space<vmem>>, vector<16xf32>,
        tpu.vector_store %arg6[%swap3A_607, %swap3A_608, %swap3A_609], %get3A_570 {strides = array<i32>} : memref<50x8x128xf32, #tpu.memory_space<vmem>>, vector<16xf32>,
        %get3A_611 = arith.index_cast %scan3A_526 : i32 to index
        %get3A_612 = arith.constant 32 : index
        %get3A_613 = tpu.vector_load %arg5[%get3A_611, %get3A_612] {strides = array<i32>} : memref<50x128xf32, #tpu.memory_space<vmem>>, vector<16xf32>,
        %swap3A_614 = arith.constant 0 : i32
        %swap3A_615 = arith.index_cast %scan3A_526 : i32 to index
        %swap3A_616 = arith.index_cast %swap3A_614 : i32 to index
        %swap3A_617 = arith.constant 32 : index
        %swap3A_618 = tpu.vector_load %arg6[%swap3A_615, %swap3A_616, %swap3A_617] {strides = array<i32>} : memref<50x8x128xf32, #tpu.memory_space<vmem>>, vector<16xf32>,
        tpu.vector_store %arg6[%swap3A_615, %swap3A_616, %swap3A_617], %get3A_613 {strides = array<i32>} : memref<50x8x128xf32, #tpu.memory_space<vmem>>, vector<16xf32>,
        %swap3A_619 = arith.constant 1 : i32
        %swap3A_620 = arith.index_cast %scan3A_526 : i32 to index
        %swap3A_621 = arith.index_cast %swap3A_619 : i32 to index
        %swap3A_622 = arith.constant 32 : index
        %swap3A_623 = tpu.vector_load %arg6[%swap3A_620, %swap3A_621, %swap3A_622] {strides = array<i32>} : memref<50x8x128xf32, #tpu.memory_space<vmem>>, vector<16xf32>,
        tpu.vector_store %arg6[%swap3A_620, %swap3A_621, %swap3A_622], %get3A_613 {strides = array<i32>} : memref<50x8x128xf32, #tpu.memory_space<vmem>>, vector<16xf32>,
        %swap3A_624 = arith.constant 2 : i32
        %swap3A_625 = arith.index_cast %scan3A_526 : i32 to index
        %swap3A_626 = arith.index_cast %swap3A_624 : i32 to index
        %swap3A_627 = arith.constant 32 : index
        %swap3A_628 = tpu.vector_load %arg6[%swap3A_625, %swap3A_626, %swap3A_627] {strides = array<i32>} : memref<50x8x128xf32, #tpu.memory_space<vmem>>, vector<16xf32>,
        tpu.vector_store %arg6[%swap3A_625, %swap3A_626, %swap3A_627], %get3A_613 {strides = array<i32>} : memref<50x8x128xf32, #tpu.memory_space<vmem>>, vector<16xf32>,
        %swap3A_629 = arith.constant 3 : i32
        %swap3A_630 = arith.index_cast %scan3A_526 : i32 to index
        %swap3A_631 = arith.index_cast %swap3A_629 : i32 to index
        %swap3A_632 = arith.constant 32 : index
        %swap3A_633 = tpu.vector_load %arg6[%swap3A_630, %swap3A_631, %swap3A_632] {strides = array<i32>} : memref<50x8x128xf32, #tpu.memory_space<vmem>>, vector<16xf32>,
        tpu.vector_store %arg6[%swap3A_630, %swap3A_631, %swap3A_632], %get3A_613 {strides = array<i32>} : memref<50x8x128xf32, #tpu.memory_space<vmem>>, vector<16xf32>,
        %swap3A_634 = arith.constant 4 : i32
        %swap3A_635 = arith.index_cast %scan3A_526 : i32 to index
        %swap3A_636 = arith.index_cast %swap3A_634 : i32 to index
        %swap3A_637 = arith.constant 32 : index
        %swap3A_638 = tpu.vector_load %arg6[%swap3A_635, %swap3A_636, %swap3A_637] {strides = array<i32>} : memref<50x8x128xf32, #tpu.memory_space<vmem>>, vector<16xf32>,
        tpu.vector_store %arg6[%swap3A_635, %swap3A_636, %swap3A_637], %get3A_613 {strides = array<i32>} : memref<50x8x128xf32, #tpu.memory_space<vmem>>, vector<16xf32>,
        %swap3A_639 = arith.constant 5 : i32
        %swap3A_640 = arith.index_cast %scan3A_526 : i32 to index
        %swap3A_641 = arith.index_cast %swap3A_639 : i32 to index
        %swap3A_642 = arith.constant 32 : index
        %swap3A_643 = tpu.vector_load %arg6[%swap3A_640, %swap3A_641, %swap3A_642] {strides = array<i32>} : memref<50x8x128xf32, #tpu.memory_space<vmem>>, vector<16xf32>,
        tpu.vector_store %arg6[%swap3A_640, %swap3A_641, %swap3A_642], %get3A_613 {strides = array<i32>} : memref<50x8x128xf32, #tpu.memory_space<vmem>>, vector<16xf32>,
        %swap3A_644 = arith.constant 6 : i32
        %swap3A_645 = arith.index_cast %scan3A_526 : i32 to index
        %swap3A_646 = arith.index_cast %swap3A_644 : i32 to index
        %swap3A_647 = arith.constant 32 : index
        %swap3A_648 = tpu.vector_load %arg6[%swap3A_645, %swap3A_646, %swap3A_647] {strides = array<i32>} : memref<50x8x128xf32, #tpu.memory_space<vmem>>, vector<16xf32>,
        tpu.vector_store %arg6[%swap3A_645, %swap3A_646, %swap3A_647], %get3A_613 {strides = array<i32>} : memref<50x8x128xf32, #tpu.memory_space<vmem>>, vector<16xf32>,
        %swap3A_649 = arith.constant 7 : i32
        %swap3A_650 = arith.index_cast %scan3A_526 : i32 to index
        %swap3A_651 = arith.index_cast %swap3A_649 : i32 to index
        %swap3A_652 = arith.constant 32 : index
        %swap3A_653 = tpu.vector_load %arg6[%swap3A_650, %swap3A_651, %swap3A_652] {strides = array<i32>} : memref<50x8x128xf32, #tpu.memory_space<vmem>>, vector<16xf32>,
        tpu.vector_store %arg6[%swap3A_650, %swap3A_651, %swap3A_652], %get3A_613 {strides = array<i32>} : memref<50x8x128xf32, #tpu.memory_space<vmem>>, vector<16xf32>,
        %get3A_654 = arith.index_cast %scan3A_526 : i32 to index
        %get3A_655 = arith.constant 48 : index
        %get3A_656 = tpu.vector_load %arg5[%get3A_654, %get3A_655] {strides = array<i32>} : memref<50x128xf32, #tpu.memory_space<vmem>>, vector<16xf32>,
        %swap3A_657 = arith.constant 0 : i32
        %swap3A_658 = arith.index_cast %scan3A_526 : i32 to index
        %swap3A_659 = arith.index_cast %swap3A_657 : i32 to index
        %swap3A_660 = arith.constant 48 : index
        %swap3A_661 = tpu.vector_load %arg6[%swap3A_658, %swap3A_659, %swap3A_660] {strides = array<i32>} : memref<50x8x128xf32, #tpu.memory_space<vmem>>, vector<16xf32>,
        tpu.vector_store %arg6[%swap3A_658, %swap3A_659, %swap3A_660], %get3A_656 {strides = array<i32>} : memref<50x8x128xf32, #tpu.memory_space<vmem>>, vector<16xf32>,
        %swap3A_662 = arith.constant 1 : i32
        %swap3A_663 = arith.index_cast %scan3A_526 : i32 to index
        %swap3A_664 = arith.index_cast %swap3A_662 : i32 to index
        %swap3A_665 = arith.constant 48 : index
        %swap3A_666 = tpu.vector_load %arg6[%swap3A_663, %swap3A_664, %swap3A_665] {strides = array<i32>} : memref<50x8x128xf32, #tpu.memory_space<vmem>>, vector<16xf32>,
        tpu.vector_store %arg6[%swap3A_663, %swap3A_664, %swap3A_665], %get3A_656 {strides = array<i32>} : memref<50x8x128xf32, #tpu.memory_space<vmem>>, vector<16xf32>,
        %swap3A_667 = arith.constant 2 : i32
        %swap3A_668 = arith.index_cast %scan3A_526 : i32 to index
        %swap3A_669 = arith.index_cast %swap3A_667 : i32 to index
        %swap3A_670 = arith.constant 48 : index
        %swap3A_671 = tpu.vector_load %arg6[%swap3A_668, %swap3A_669, %swap3A_670] {strides = array<i32>} : memref<50x8x128xf32, #tpu.memory_space<vmem>>, vector<16xf32>,
        tpu.vector_store %arg6[%swap3A_668, %swap3A_669, %swap3A_670], %get3A_656 {strides = array<i32>} : memref<50x8x128xf32, #tpu.memory_space<vmem>>, vector<16xf32>,
        %swap3A_672 = arith.constant 3 : i32
        %swap3A_673 = arith.index_cast %scan3A_526 : i32 to index
        %swap3A_674 = arith.index_cast %swap3A_672 : i32 to index
        %swap3A_675 = arith.constant 48 : index
        %swap3A_676 = tpu.vector_load %arg6[%swap3A_673, %swap3A_674, %swap3A_675] {strides = array<i32>} : memref<50x8x128xf32, #tpu.memory_space<vmem>>, vector<16xf32>,
        tpu.vector_store %arg6[%swap3A_673, %swap3A_674, %swap3A_675], %get3A_656 {strides = array<i32>} : memref<50x8x128xf32, #tpu.memory_space<vmem>>, vector<16xf32>,
        %swap3A_677 = arith.constant 4 : i32
        %swap3A_678 = arith.index_cast %scan3A_526 : i32 to index
        %swap3A_679 = arith.index_cast %swap3A_677 : i32 to index
        %swap3A_680 = arith.constant 48 : index
        %swap3A_681 = tpu.vector_load %arg6[%swap3A_678, %swap3A_679, %swap3A_680] {strides = array<i32>} : memref<50x8x128xf32, #tpu.memory_space<vmem>>, vector<16xf32>,
        tpu.vector_store %arg6[%swap3A_678, %swap3A_679, %swap3A_680], %get3A_656 {strides = array<i32>} : memref<50x8x128xf32, #tpu.memory_space<vmem>>, vector<16xf32>,
        %swap3A_682 = arith.constant 5 : i32
        %swap3A_683 = arith.index_cast %scan3A_526 : i32 to index
        %swap3A_684 = arith.index_cast %swap3A_682 : i32 to index
        %swap3A_685 = arith.constant 48 : index
        %swap3A_686 = tpu.vector_load %arg6[%swap3A_683, %swap3A_684, %swap3A_685] {strides = array<i32>} : memref<50x8x128xf32, #tpu.memory_space<vmem>>, vector<16xf32>,
        tpu.vector_store %arg6[%swap3A_683, %swap3A_684, %swap3A_685], %get3A_656 {strides = array<i32>} : memref<50x8x128xf32, #tpu.memory_space<vmem>>, vector<16xf32>,
        %swap3A_687 = arith.constant 6 : i32
        %swap3A_688 = arith.index_cast %scan3A_526 : i32 to index
        %swap3A_689 = arith.index_cast %swap3A_687 : i32 to index
        %swap3A_690 = arith.constant 48 : index
        %swap3A_691 = tpu.vector_load %arg6[%swap3A_688, %swap3A_689, %swap3A_690] {strides = array<i32>} : memref<50x8x128xf32, #tpu.memory_space<vmem>>, vector<16xf32>,
        tpu.vector_store %arg6[%swap3A_688, %swap3A_689, %swap3A_690], %get3A_656 {strides = array<i32>} : memref<50x8x128xf32, #tpu.memory_space<vmem>>, vector<16xf32>,
        %swap3A_692 = arith.constant 7 : i32
        %swap3A_693 = arith.index_cast %scan3A_526 : i32 to index
        %swap3A_694 = arith.index_cast %swap3A_692 : i32 to index
        %swap3A_695 = arith.constant 48 : index
        %swap3A_696 = tpu.vector_load %arg6[%swap3A_693, %swap3A_694, %swap3A_695] {strides = array<i32>} : memref<50x8x128xf32, #tpu.memory_space<vmem>>, vector<16xf32>,
        tpu.vector_store %arg6[%swap3A_693, %swap3A_694, %swap3A_695], %get3A_656 {strides = array<i32>} : memref<50x8x128xf32, #tpu.memory_space<vmem>>, vector<16xf32>,
        %get3A_697 = arith.index_cast %scan3A_526 : i32 to index
        %get3A_698 = arith.constant 64 : index
        %get3A_699 = tpu.vector_load %arg5[%get3A_697, %get3A_698] {strides = array<i32>} : memref<50x128xf32, #tpu.memory_space<vmem>>, vector<16xf32>,
        %swap3A_700 = arith.constant 0 : i32
        %swap3A_701 = arith.index_cast %scan3A_526 : i32 to index
        %swap3A_702 = arith.index_cast %swap3A_700 : i32 to index
        %swap3A_703 = arith.constant 64 : index
        %swap3A_704 = tpu.vector_load %arg6[%swap3A_701, %swap3A_702, %swap3A_703] {strides = array<i32>} : memref<50x8x128xf32, #tpu.memory_space<vmem>>, vector<16xf32>,
        tpu.vector_store %arg6[%swap3A_701, %swap3A_702, %swap3A_703], %get3A_699 {strides = array<i32>} : memref<50x8x128xf32, #tpu.memory_space<vmem>>, vector<16xf32>,
        %swap3A_705 = arith.constant 1 : i32
        %swap3A_706 = arith.index_cast %scan3A_526 : i32 to index
        %swap3A_707 = arith.index_cast %swap3A_705 : i32 to index
        %swap3A_708 = arith.constant 64 : index
        %swap3A_709 = tpu.vector_load %arg6[%swap3A_706, %swap3A_707, %swap3A_708] {strides = array<i32>} : memref<50x8x128xf32, #tpu.memory_space<vmem>>, vector<16xf32>,
        tpu.vector_store %arg6[%swap3A_706, %swap3A_707, %swap3A_708], %get3A_699 {strides = array<i32>} : memref<50x8x128xf32, #tpu.memory_space<vmem>>, vector<16xf32>,
        %swap3A_710 = arith.constant 2 : i32
        %swap3A_711 = arith.index_cast %scan3A_526 : i32 to index
        %swap3A_712 = arith.index_cast %swap3A_710 : i32 to index
        %swap3A_713 = arith.constant 64 : index
        %swap3A_714 = tpu.vector_load %arg6[%swap3A_711, %swap3A_712, %swap3A_713] {strides = array<i32>} : memref<50x8x128xf32, #tpu.memory_space<vmem>>, vector<16xf32>,
        tpu.vector_store %arg6[%swap3A_711, %swap3A_712, %swap3A_713], %get3A_699 {strides = array<i32>} : memref<50x8x128xf32, #tpu.memory_space<vmem>>, vector<16xf32>,
        %swap3A_715 = arith.constant 3 : i32
        %swap3A_716 = arith.index_cast %scan3A_526 : i32 to index
        %swap3A_717 = arith.index_cast %swap3A_715 : i32 to index
        %swap3A_718 = arith.constant 64 : index
        %swap3A_719 = tpu.vector_load %arg6[%swap3A_716, %swap3A_717, %swap3A_718] {strides = array<i32>} : memref<50x8x128xf32, #tpu.memory_space<vmem>>, vector<16xf32>,
        tpu.vector_store %arg6[%swap3A_716, %swap3A_717, %swap3A_718], %get3A_699 {strides = array<i32>} : memref<50x8x128xf32, #tpu.memory_space<vmem>>, vector<16xf32>,
        %swap3A_720 = arith.constant 4 : i32
        %swap3A_721 = arith.index_cast %scan3A_526 : i32 to index
        %swap3A_722 = arith.index_cast %swap3A_720 : i32 to index
        %swap3A_723 = arith.constant 64 : index
        %swap3A_724 = tpu.vector_load %arg6[%swap3A_721, %swap3A_722, %swap3A_723] {strides = array<i32>} : memref<50x8x128xf32, #tpu.memory_space<vmem>>, vector<16xf32>,
        tpu.vector_store %arg6[%swap3A_721, %swap3A_722, %swap3A_723], %get3A_699 {strides = array<i32>} : memref<50x8x128xf32, #tpu.memory_space<vmem>>, vector<16xf32>,
        %swap3A_725 = arith.constant 5 : i32
        %swap3A_726 = arith.index_cast %scan3A_526 : i32 to index
        %swap3A_727 = arith.index_cast %swap3A_725 : i32 to index
        %swap3A_728 = arith.constant 64 : index
        %swap3A_729 = tpu.vector_load %arg6[%swap3A_726, %swap3A_727, %swap3A_728] {strides = array<i32>} : memref<50x8x128xf32, #tpu.memory_space<vmem>>, vector<16xf32>,
        tpu.vector_store %arg6[%swap3A_726, %swap3A_727, %swap3A_728], %get3A_699 {strides = array<i32>} : memref<50x8x128xf32, #tpu.memory_space<vmem>>, vector<16xf32>,
        %swap3A_730 = arith.constant 6 : i32
        %swap3A_731 = arith.index_cast %scan3A_526 : i32 to index
        %swap3A_732 = arith.index_cast %swap3A_730 : i32 to index
        %swap3A_733 = arith.constant 64 : index
        %swap3A_734 = tpu.vector_load %arg6[%swap3A_731, %swap3A_732, %swap3A_733] {strides = array<i32>} : memref<50x8x128xf32, #tpu.memory_space<vmem>>, vector<16xf32>,
        tpu.vector_store %arg6[%swap3A_731, %swap3A_732, %swap3A_733], %get3A_699 {strides = array<i32>} : memref<50x8x128xf32, #tpu.memory_space<vmem>>, vector<16xf32>,
        %swap3A_735 = arith.constant 7 : i32
        %swap3A_736 = arith.index_cast %scan3A_526 : i32 to index
        %swap3A_737 = arith.index_cast %swap3A_735 : i32 to index
        %swap3A_738 = arith.constant 64 : index
        %swap3A_739 = tpu.vector_load %arg6[%swap3A_736, %swap3A_737, %swap3A_738] {strides = array<i32>} : memref<50x8x128xf32, #tpu.memory_space<vmem>>, vector<16xf32>,
        tpu.vector_store %arg6[%swap3A_736, %swap3A_737, %swap3A_738], %get3A_699 {strides = array<i32>} : memref<50x8x128xf32, #tpu.memory_space<vmem>>, vector<16xf32>,
        %get3A_740 = arith.index_cast %scan3A_526 : i32 to index
        %get3A_741 = arith.constant 80 : index
        %get3A_742 = tpu.vector_load %arg5[%get3A_740, %get3A_741] {strides = array<i32>} : memref<50x128xf32, #tpu.memory_space<vmem>>, vector<16xf32>,
        %swap3A_743 = arith.constant 0 : i32
        %swap3A_744 = arith.index_cast %scan3A_526 : i32 to index
        %swap3A_745 = arith.index_cast %swap3A_743 : i32 to index
        %swap3A_746 = arith.constant 80 : index
        %swap3A_747 = tpu.vector_load %arg6[%swap3A_744, %swap3A_745, %swap3A_746] {strides = array<i32>} : memref<50x8x128xf32, #tpu.memory_space<vmem>>, vector<16xf32>,
        tpu.vector_store %arg6[%swap3A_744, %swap3A_745, %swap3A_746], %get3A_742 {strides = array<i32>} : memref<50x8x128xf32, #tpu.memory_space<vmem>>, vector<16xf32>,
        %swap3A_748 = arith.constant 1 : i32
        %swap3A_749 = arith.index_cast %scan3A_526 : i32 to index
        %swap3A_750 = arith.index_cast %swap3A_748 : i32 to index
        %swap3A_751 = arith.constant 80 : index
        %swap3A_752 = tpu.vector_load %arg6[%swap3A_749, %swap3A_750, %swap3A_751] {strides = array<i32>} : memref<50x8x128xf32, #tpu.memory_space<vmem>>, vector<16xf32>,
        tpu.vector_store %arg6[%swap3A_749, %swap3A_750, %swap3A_751], %get3A_742 {strides = array<i32>} : memref<50x8x128xf32, #tpu.memory_space<vmem>>, vector<16xf32>,
        %swap3A_753 = arith.constant 2 : i32
        %swap3A_754 = arith.index_cast %scan3A_526 : i32 to index
        %swap3A_755 = arith.index_cast %swap3A_753 : i32 to index
        %swap3A_756 = arith.constant 80 : index
        %swap3A_757 = tpu.vector_load %arg6[%swap3A_754, %swap3A_755, %swap3A_756] {strides = array<i32>} : memref<50x8x128xf32, #tpu.memory_space<vmem>>, vector<16xf32>,
        tpu.vector_store %arg6[%swap3A_754, %swap3A_755, %swap3A_756], %get3A_742 {strides = array<i32>} : memref<50x8x128xf32, #tpu.memory_space<vmem>>, vector<16xf32>,
        %swap3A_758 = arith.constant 3 : i32
        %swap3A_759 = arith.index_cast %scan3A_526 : i32 to index
        %swap3A_760 = arith.index_cast %swap3A_758 : i32 to index
        %swap3A_761 = arith.constant 80 : index
        %swap3A_762 = tpu.vector_load %arg6[%swap3A_759, %swap3A_760, %swap3A_761] {strides = array<i32>} : memref<50x8x128xf32, #tpu.memory_space<vmem>>, vector<16xf32>,
        tpu.vector_store %arg6[%swap3A_759, %swap3A_760, %swap3A_761], %get3A_742 {strides = array<i32>} : memref<50x8x128xf32, #tpu.memory_space<vmem>>, vector<16xf32>,
        %swap3A_763 = arith.constant 4 : i32
        %swap3A_764 = arith.index_cast %scan3A_526 : i32 to index
        %swap3A_765 = arith.index_cast %swap3A_763 : i32 to index
        %swap3A_766 = arith.constant 80 : index
        %swap3A_767 = tpu.vector_load %arg6[%swap3A_764, %swap3A_765, %swap3A_766] {strides = array<i32>} : memref<50x8x128xf32, #tpu.memory_space<vmem>>, vector<16xf32>,
        tpu.vector_store %arg6[%swap3A_764, %swap3A_765, %swap3A_766], %get3A_742 {strides = array<i32>} : memref<50x8x128xf32, #tpu.memory_space<vmem>>, vector<16xf32>,
        %swap3A_768 = arith.constant 5 : i32
        %swap3A_769 = arith.index_cast %scan3A_526 : i32 to index
        %swap3A_770 = arith.index_cast %swap3A_768 : i32 to index
        %swap3A_771 = arith.constant 80 : index
        %swap3A_772 = tpu.vector_load %arg6[%swap3A_769, %swap3A_770, %swap3A_771] {strides = array<i32>} : memref<50x8x128xf32, #tpu.memory_space<vmem>>, vector<16xf32>,
        tpu.vector_store %arg6[%swap3A_769, %swap3A_770, %swap3A_771], %get3A_742 {strides = array<i32>} : memref<50x8x128xf32, #tpu.memory_space<vmem>>, vector<16xf32>,
        %swap3A_773 = arith.constant 6 : i32
        %swap3A_774 = arith.index_cast %scan3A_526 : i32 to index
        %swap3A_775 = arith.index_cast %swap3A_773 : i32 to index
        %swap3A_776 = arith.constant 80 : index
        %swap3A_777 = tpu.vector_load %arg6[%swap3A_774, %swap3A_775, %swap3A_776] {strides = array<i32>} : memref<50x8x128xf32, #tpu.memory_space<vmem>>, vector<16xf32>,
        tpu.vector_store %arg6[%swap3A_774, %swap3A_775, %swap3A_776], %get3A_742 {strides = array<i32>} : memref<50x8x128xf32, #tpu.memory_space<vmem>>, vector<16xf32>,
        %swap3A_778 = arith.constant 7 : i32
        %swap3A_779 = arith.index_cast %scan3A_526 : i32 to index
        %swap3A_780 = arith.index_cast %swap3A_778 : i32 to index
        %swap3A_781 = arith.constant 80 : index
        %swap3A_782 = tpu.vector_load %arg6[%swap3A_779, %swap3A_780, %swap3A_781] {strides = array<i32>} : memref<50x8x128xf32, #tpu.memory_space<vmem>>, vector<16xf32>,
        tpu.vector_store %arg6[%swap3A_779, %swap3A_780, %swap3A_781], %get3A_742 {strides = array<i32>} : memref<50x8x128xf32, #tpu.memory_space<vmem>>, vector<16xf32>,
        %get3A_783 = arith.index_cast %scan3A_526 : i32 to index
        %get3A_784 = arith.constant 96 : index
        %get3A_785 = tpu.vector_load %arg5[%get3A_783, %get3A_784] {strides = array<i32>} : memref<50x128xf32, #tpu.memory_space<vmem>>, vector<16xf32>,
        %swap3A_786 = arith.constant 0 : i32
        %swap3A_787 = arith.index_cast %scan3A_526 : i32 to index
        %swap3A_788 = arith.index_cast %swap3A_786 : i32 to index
        %swap3A_789 = arith.constant 96 : index
        %swap3A_790 = tpu.vector_load %arg6[%swap3A_787, %swap3A_788, %swap3A_789] {strides = array<i32>} : memref<50x8x128xf32, #tpu.memory_space<vmem>>, vector<16xf32>,
        tpu.vector_store %arg6[%swap3A_787, %swap3A_788, %swap3A_789], %get3A_785 {strides = array<i32>} : memref<50x8x128xf32, #tpu.memory_space<vmem>>, vector<16xf32>,
        %swap3A_791 = arith.constant 1 : i32
        %swap3A_792 = arith.index_cast %scan3A_526 : i32 to index
        %swap3A_793 = arith.index_cast %swap3A_791 : i32 to index
        %swap3A_794 = arith.constant 96 : index
        %swap3A_795 = tpu.vector_load %arg6[%swap3A_792, %swap3A_793, %swap3A_794] {strides = array<i32>} : memref<50x8x128xf32, #tpu.memory_space<vmem>>, vector<16xf32>,
        tpu.vector_store %arg6[%swap3A_792, %swap3A_793, %swap3A_794], %get3A_785 {strides = array<i32>} : memref<50x8x128xf32, #tpu.memory_space<vmem>>, vector<16xf32>,
        %swap3A_796 = arith.constant 2 : i32
        %swap3A_797 = arith.index_cast %scan3A_526 : i32 to index
        %swap3A_798 = arith.index_cast %swap3A_796 : i32 to index
        %swap3A_799 = arith.constant 96 : index
        %swap3A_800 = tpu.vector_load %arg6[%swap3A_797, %swap3A_798, %swap3A_799] {strides = array<i32>} : memref<50x8x128xf32, #tpu.memory_space<vmem>>, vector<16xf32>,
        tpu.vector_store %arg6[%swap3A_797, %swap3A_798, %swap3A_799], %get3A_785 {strides = array<i32>} : memref<50x8x128xf32, #tpu.memory_space<vmem>>, vector<16xf32>,
        %swap3A_801 = arith.constant 3 : i32
        %swap3A_802 = arith.index_cast %scan3A_526 : i32 to index
        %swap3A_803 = arith.index_cast %swap3A_801 : i32 to index
        %swap3A_804 = arith.constant 96 : index
        %swap3A_805 = tpu.vector_load %arg6[%swap3A_802, %swap3A_803, %swap3A_804] {strides = array<i32>} : memref<50x8x128xf32, #tpu.memory_space<vmem>>, vector<16xf32>,
        tpu.vector_store %arg6[%swap3A_802, %swap3A_803, %swap3A_804], %get3A_785 {strides = array<i32>} : memref<50x8x128xf32, #tpu.memory_space<vmem>>, vector<16xf32>,
        %swap3A_806 = arith.constant 4 : i32
        %swap3A_807 = arith.index_cast %scan3A_526 : i32 to index
        %swap3A_808 = arith.index_cast %swap3A_806 : i32 to index
        %swap3A_809 = arith.constant 96 : index
        %swap3A_810 = tpu.vector_load %arg6[%swap3A_807, %swap3A_808, %swap3A_809] {strides = array<i32>} : memref<50x8x128xf32, #tpu.memory_space<vmem>>, vector<16xf32>,
        tpu.vector_store %arg6[%swap3A_807, %swap3A_808, %swap3A_809], %get3A_785 {strides = array<i32>} : memref<50x8x128xf32, #tpu.memory_space<vmem>>, vector<16xf32>,
        %swap3A_811 = arith.constant 5 : i32
        %swap3A_812 = arith.index_cast %scan3A_526 : i32 to index
        %swap3A_813 = arith.index_cast %swap3A_811 : i32 to index
        %swap3A_814 = arith.constant 96 : index
        %swap3A_815 = tpu.vector_load %arg6[%swap3A_812, %swap3A_813, %swap3A_814] {strides = array<i32>} : memref<50x8x128xf32, #tpu.memory_space<vmem>>, vector<16xf32>,
        tpu.vector_store %arg6[%swap3A_812, %swap3A_813, %swap3A_814], %get3A_785 {strides = array<i32>} : memref<50x8x128xf32, #tpu.memory_space<vmem>>, vector<16xf32>,
        %swap3A_816 = arith.constant 6 : i32
        %swap3A_817 = arith.index_cast %scan3A_526 : i32 to index
        %swap3A_818 = arith.index_cast %swap3A_816 : i32 to index
        %swap3A_819 = arith.constant 96 : index
        %swap3A_820 = tpu.vector_load %arg6[%swap3A_817, %swap3A_818, %swap3A_819] {strides = array<i32>} : memref<50x8x128xf32, #tpu.memory_space<vmem>>, vector<16xf32>,
        tpu.vector_store %arg6[%swap3A_817, %swap3A_818, %swap3A_819], %get3A_785 {strides = array<i32>} : memref<50x8x128xf32, #tpu.memory_space<vmem>>, vector<16xf32>,
        %swap3A_821 = arith.constant 7 : i32
        %swap3A_822 = arith.index_cast %scan3A_526 : i32 to index
        %swap3A_823 = arith.index_cast %swap3A_821 : i32 to index
        %swap3A_824 = arith.constant 96 : index
        %swap3A_825 = tpu.vector_load %arg6[%swap3A_822, %swap3A_823, %swap3A_824] {strides = array<i32>} : memref<50x8x128xf32, #tpu.memory_space<vmem>>, vector<16xf32>,
        tpu.vector_store %arg6[%swap3A_822, %swap3A_823, %swap3A_824], %get3A_785 {strides = array<i32>} : memref<50x8x128xf32, #tpu.memory_space<vmem>>, vector<16xf32>,
        %get3A_826 = arith.index_cast %scan3A_526 : i32 to index
        %get3A_827 = arith.constant 112 : index
        %get3A_828 = tpu.vector_load %arg5[%get3A_826, %get3A_827] {strides = array<i32>} : memref<50x128xf32, #tpu.memory_space<vmem>>, vector<16xf32>,
        %swap3A_829 = arith.constant 0 : i32
        %swap3A_830 = arith.index_cast %scan3A_526 : i32 to index
        %swap3A_831 = arith.index_cast %swap3A_829 : i32 to index
        %swap3A_832 = arith.constant 112 : index
        %swap3A_833 = tpu.vector_load %arg6[%swap3A_830, %swap3A_831, %swap3A_832] {strides = array<i32>} : memref<50x8x128xf32, #tpu.memory_space<vmem>>, vector<16xf32>,
        tpu.vector_store %arg6[%swap3A_830, %swap3A_831, %swap3A_832], %get3A_828 {strides = array<i32>} : memref<50x8x128xf32, #tpu.memory_space<vmem>>, vector<16xf32>,
        %swap3A_834 = arith.constant 1 : i32
        %swap3A_835 = arith.index_cast %scan3A_526 : i32 to index
        %swap3A_836 = arith.index_cast %swap3A_834 : i32 to index
        %swap3A_837 = arith.constant 112 : index
        %swap3A_838 = tpu.vector_load %arg6[%swap3A_835, %swap3A_836, %swap3A_837] {strides = array<i32>} : memref<50x8x128xf32, #tpu.memory_space<vmem>>, vector<16xf32>,
        tpu.vector_store %arg6[%swap3A_835, %swap3A_836, %swap3A_837], %get3A_828 {strides = array<i32>} : memref<50x8x128xf32, #tpu.memory_space<vmem>>, vector<16xf32>,
        %swap3A_839 = arith.constant 2 : i32
        %swap3A_840 = arith.index_cast %scan3A_526 : i32 to index
        %swap3A_841 = arith.index_cast %swap3A_839 : i32 to index
        %swap3A_842 = arith.constant 112 : index
        %swap3A_843 = tpu.vector_load %arg6[%swap3A_840, %swap3A_841, %swap3A_842] {strides = array<i32>} : memref<50x8x128xf32, #tpu.memory_space<vmem>>, vector<16xf32>,
        tpu.vector_store %arg6[%swap3A_840, %swap3A_841, %swap3A_842], %get3A_828 {strides = array<i32>} : memref<50x8x128xf32, #tpu.memory_space<vmem>>, vector<16xf32>,
        %swap3A_844 = arith.constant 3 : i32
        %swap3A_845 = arith.index_cast %scan3A_526 : i32 to index
        %swap3A_846 = arith.index_cast %swap3A_844 : i32 to index
        %swap3A_847 = arith.constant 112 : index
        %swap3A_848 = tpu.vector_load %arg6[%swap3A_845, %swap3A_846, %swap3A_847] {strides = array<i32>} : memref<50x8x128xf32, #tpu.memory_space<vmem>>, vector<16xf32>,
        tpu.vector_store %arg6[%swap3A_845, %swap3A_846, %swap3A_847], %get3A_828 {strides = array<i32>} : memref<50x8x128xf32, #tpu.memory_space<vmem>>, vector<16xf32>,
        %swap3A_849 = arith.constant 4 : i32
        %swap3A_850 = arith.index_cast %scan3A_526 : i32 to index
        %swap3A_851 = arith.index_cast %swap3A_849 : i32 to index
        %swap3A_852 = arith.constant 112 : index
        %swap3A_853 = tpu.vector_load %arg6[%swap3A_850, %swap3A_851, %swap3A_852] {strides = array<i32>} : memref<50x8x128xf32, #tpu.memory_space<vmem>>, vector<16xf32>,
        tpu.vector_store %arg6[%swap3A_850, %swap3A_851, %swap3A_852], %get3A_828 {strides = array<i32>} : memref<50x8x128xf32, #tpu.memory_space<vmem>>, vector<16xf32>,
        %swap3A_854 = arith.constant 5 : i32
        %swap3A_855 = arith.index_cast %scan3A_526 : i32 to index
        %swap3A_856 = arith.index_cast %swap3A_854 : i32 to index
        %swap3A_857 = arith.constant 112 : index
        %swap3A_858 = tpu.vector_load %arg6[%swap3A_855, %swap3A_856, %swap3A_857] {strides = array<i32>} : memref<50x8x128xf32, #tpu.memory_space<vmem>>, vector<16xf32>,
        tpu.vector_store %arg6[%swap3A_855, %swap3A_856, %swap3A_857], %get3A_828 {strides = array<i32>} : memref<50x8x128xf32, #tpu.memory_space<vmem>>, vector<16xf32>,
        %swap3A_859 = arith.constant 6 : i32
        %swap3A_860 = arith.index_cast %scan3A_526 : i32 to index
        %swap3A_861 = arith.index_cast %swap3A_859 : i32 to index
        %swap3A_862 = arith.constant 112 : index
        %swap3A_863 = tpu.vector_load %arg6[%swap3A_860, %swap3A_861, %swap3A_862] {strides = array<i32>} : memref<50x8x128xf32, #tpu.memory_space<vmem>>, vector<16xf32>,
        tpu.vector_store %arg6[%swap3A_860, %swap3A_861, %swap3A_862], %get3A_828 {strides = array<i32>} : memref<50x8x128xf32, #tpu.memory_space<vmem>>, vector<16xf32>,
        %swap3A_864 = arith.constant 7 : i32
        %swap3A_865 = arith.index_cast %scan3A_526 : i32 to index
        %swap3A_866 = arith.index_cast %swap3A_864 : i32 to index
        %swap3A_867 = arith.constant 112 : index
        %swap3A_868 = tpu.vector_load %arg6[%swap3A_865, %swap3A_866, %swap3A_867] {strides = array<i32>} : memref<50x8x128xf32, #tpu.memory_space<vmem>>, vector<16xf32>,
        tpu.vector_store %arg6[%swap3A_865, %swap3A_866, %swap3A_867], %get3A_828 {strides = array<i32>} : memref<50x8x128xf32, #tpu.memory_space<vmem>>, vector<16xf32>,
      }
      %scan3A_11 = arith.constant 13 : i32
      %add3A = arith.constant 0 : i32
      %add3A_12 = arith.addi %arg1, %add3A : i32
      %dma_start3A = arith.constant 1 : i32
      %dma_start3A_13 = arith.constant 0 : i32
      %dma_start3A_14 = arith.constant 0 : i32
      %dma_start3A_15 = arith.constant 0 : i32
      %dma_start3A_16 = tpu.memref_slice %arg6[%dma_start3A_13, %dma_start3A_14, %dma_start3A_15] : memref<50x8x128xf32, #tpu.memory_space<vmem>> -> memref<13x8x128xf32, #tpu.memory_space<vmem>>
      %dma_start3A_17 = arith.constant 0 : i32
      %dma_start3A_18 = arith.constant 0 : i32
      %dma_start3A_19 = arith.constant 0 : i32
      %dma_start3A_20 = tpu.memref_slice %arg4[%dma_start3A_17, %add3A_12, %dma_start3A, %dma_start3A_18, %dma_start3A_19] : memref<50x50x2x8x128xf32, #tpu.memory_space<hbm>> -> memref<13x1x1x8x128xf32, #tpu.memory_space<hbm>>
      %dma_start3A_21 = tpu.memref_squeeze %dma_start3A_20 : memref<13x1x1x8x128xf32, #tpu.memory_space<hbm>> -> memref<13x8x128xf32, #tpu.memory_space<hbm>>
      %dma_start3A_22 = arith.constant 0 : i32
      %dma_start3A_23 = arith.constant 0 : i32
      %dma_start3A_24 = arith.constant 0 : i32
      %dma_start3A_25 = tpu.memref_slice %arg4[%dma_start3A_22, %add3A_12, %dma_start3A, %dma_start3A_23, %dma_start3A_24] : memref<50x50x2x8x128xf32, #tpu.memory_space<hbm>> -> memref<13x1x1x8x128xf32, #tpu.memory_space<hbm>>
      %dma_start3A_26 = tpu.memref_squeeze %dma_start3A_25 : memref<13x1x1x8x128xf32, #tpu.memory_space<hbm>> -> memref<13x8x128xf32, #tpu.memory_space<hbm>>
      %dma_start3A_27 = arith.constant 0 : i32
      %dma_start3A_28 = arith.constant 0 : i32
      %dma_start3A_29 = arith.constant 0 : i32
      %dma_start3A_30 = tpu.memref_slice %arg6[%dma_start3A_27, %dma_start3A_28, %dma_start3A_29] : memref<50x8x128xf32, #tpu.memory_space<vmem>> -> memref<13x8x128xf32, #tpu.memory_space<vmem>>
      tpu.enqueue_dma source(%dma_start3A_30 : memref<13x8x128xf32, #tpu.memory_space<vmem>>) target(%dma_start3A_26 : memref<13x8x128xf32, #tpu.memory_space<hbm>>) target_semaphore(%arg8 : memref<!tpu.dma_semaphore, #tpu.memory_space<semaphore_mem>>)
      %add3A_31 = arith.constant 16 : i32
      %add3A_32 = arith.addi %arg1, %add3A_31 : i32
      %dma_start3A_33 = arith.constant 1 : i32
      %dma_start3A_34 = arith.constant 0 : i32
      %dma_start3A_35 = arith.constant 0 : i32
      %dma_start3A_36 = arith.constant 0 : i32
      %dma_start3A_37 = tpu.memref_slice %arg6[%dma_start3A_34, %dma_start3A_35, %dma_start3A_36] : memref<50x8x128xf32, #tpu.memory_space<vmem>> -> memref<13x8x128xf32, #tpu.memory_space<vmem>>
      %dma_start3A_38 = arith.constant 0 : i32
      %dma_start3A_39 = arith.constant 0 : i32
      %dma_start3A_40 = arith.constant 0 : i32
      %dma_start3A_41 = tpu.memref_slice %arg4[%dma_start3A_38, %add3A_32, %dma_start3A_33, %dma_start3A_39, %dma_start3A_40] : memref<50x50x2x8x128xf32, #tpu.memory_space<hbm>> -> memref<13x1x1x8x128xf32, #tpu.memory_space<hbm>>
      %dma_start3A_42 = tpu.memref_squeeze %dma_start3A_41 : memref<13x1x1x8x128xf32, #tpu.memory_space<hbm>> -> memref<13x8x128xf32, #tpu.memory_space<hbm>>
      %dma_start3A_43 = arith.constant 0 : i32
      %dma_start3A_44 = arith.constant 0 : i32
      %dma_start3A_45 = arith.constant 0 : i32
      %dma_start3A_46 = tpu.memref_slice %arg4[%dma_start3A_43, %add3A_32, %dma_start3A_33, %dma_start3A_44, %dma_start3A_45] : memref<50x50x2x8x128xf32, #tpu.memory_space<hbm>> -> memref<13x1x1x8x128xf32, #tpu.memory_space<hbm>>
      %dma_start3A_47 = tpu.memref_squeeze %dma_start3A_46 : memref<13x1x1x8x128xf32, #tpu.memory_space<hbm>> -> memref<13x8x128xf32, #tpu.memory_space<hbm>>
      %dma_start3A_48 = arith.constant 0 : i32
      %dma_start3A_49 = arith.constant 0 : i32
      %dma_start3A_50 = arith.constant 0 : i32
      %dma_start3A_51 = tpu.memref_slice %arg6[%dma_start3A_48, %dma_start3A_49, %dma_start3A_50] : memref<50x8x128xf32, #tpu.memory_space<vmem>> -> memref<13x8x128xf32, #tpu.memory_space<vmem>>
      tpu.enqueue_dma source(%dma_start3A_51 : memref<13x8x128xf32, #tpu.memory_space<vmem>>) target(%dma_start3A_47 : memref<13x8x128xf32, #tpu.memory_space<hbm>>) target_semaphore(%arg8 : memref<!tpu.dma_semaphore, #tpu.memory_space<semaphore_mem>>)
      %add3A_52 = arith.constant 32 : i32
      %add3A_53 = arith.addi %arg1, %add3A_52 : i32
      %dma_start3A_54 = arith.constant 1 : i32
      %dma_start3A_55 = arith.constant 0 : i32
      %dma_start3A_56 = arith.constant 0 : i32
      %dma_start3A_57 = arith.constant 0 : i32
      %dma_start3A_58 = tpu.memref_slice %arg6[%dma_start3A_55, %dma_start3A_56, %dma_start3A_57] : memref<50x8x128xf32, #tpu.memory_space<vmem>> -> memref<13x8x128xf32, #tpu.memory_space<vmem>>
      %dma_start3A_59 = arith.constant 0 : i32
      %dma_start3A_60 = arith.constant 0 : i32
      %dma_start3A_61 = arith.constant 0 : i32
      %dma_start3A_62 = tpu.memref_slice %arg4[%dma_start3A_59, %add3A_53, %dma_start3A_54, %dma_start3A_60, %dma_start3A_61] : memref<50x50x2x8x128xf32, #tpu.memory_space<hbm>> -> memref<13x1x1x8x128xf32, #tpu.memory_space<hbm>>
      %dma_start3A_63 = tpu.memref_squeeze %dma_start3A_62 : memref<13x1x1x8x128xf32, #tpu.memory_space<hbm>> -> memref<13x8x128xf32, #tpu.memory_space<hbm>>
      %dma_start3A_64 = arith.constant 0 : i32
      %dma_start3A_65 = arith.constant 0 : i32
      %dma_start3A_66 = arith.constant 0 : i32
      %dma_start3A_67 = tpu.memref_slice %arg4[%dma_start3A_64, %add3A_53, %dma_start3A_54, %dma_start3A_65, %dma_start3A_66] : memref<50x50x2x8x128xf32, #tpu.memory_space<hbm>> -> memref<13x1x1x8x128xf32, #tpu.memory_space<hbm>>
      %dma_start3A_68 = tpu.memref_squeeze %dma_start3A_67 : memref<13x1x1x8x128xf32, #tpu.memory_space<hbm>> -> memref<13x8x128xf32, #tpu.memory_space<hbm>>
      %dma_start3A_69 = arith.constant 0 : i32
      %dma_start3A_70 = arith.constant 0 : i32
      %dma_start3A_71 = arith.constant 0 : i32
      %dma_start3A_72 = tpu.memref_slice %arg6[%dma_start3A_69, %dma_start3A_70, %dma_start3A_71] : memref<50x8x128xf32, #tpu.memory_space<vmem>> -> memref<13x8x128xf32, #tpu.memory_space<vmem>>
      tpu.enqueue_dma source(%dma_start3A_72 : memref<13x8x128xf32, #tpu.memory_space<vmem>>) target(%dma_start3A_68 : memref<13x8x128xf32, #tpu.memory_space<hbm>>) target_semaphore(%arg8 : memref<!tpu.dma_semaphore, #tpu.memory_space<semaphore_mem>>)
      %lt3A = arith.constant 2 : i32
      %lt3A_73 = arith.cmpi slt, %arg1, %lt3A : i32
      %convert_element_type3A_74 = arith.extui %lt3A_73 : i1 to i32
      %cond3A_75 = arith.constant 0 : i32
      %cond3A_76 = arith.cmpi ne, %convert_element_type3A_74, %cond3A_75 : i32
      scf.if %cond3A_76 {
        %add3A_526 = arith.constant 48 : i32
        %add3A_527 = arith.addi %add3A_526, %arg1 : i32
        %dma_start3A_528 = arith.constant 1 : i32
        %dma_start3A_529 = arith.constant 0 : i32
        %dma_start3A_530 = arith.constant 0 : i32
        %dma_start3A_531 = arith.constant 0 : i32
        %dma_start3A_532 = tpu.memref_slice %arg6[%dma_start3A_529, %dma_start3A_530, %dma_start3A_531] : memref<50x8x128xf32, #tpu.memory_space<vmem>> -> memref<13x8x128xf32, #tpu.memory_space<vmem>>
        %dma_start3A_533 = arith.constant 0 : i32
        %dma_start3A_534 = arith.constant 0 : i32
        %dma_start3A_535 = arith.constant 0 : i32
        %dma_start3A_536 = tpu.memref_slice %arg4[%dma_start3A_533, %add3A_527, %dma_start3A_528, %dma_start3A_534, %dma_start3A_535] : memref<50x50x2x8x128xf32, #tpu.memory_space<hbm>> -> memref<13x1x1x8x128xf32, #tpu.memory_space<hbm>>
        %dma_start3A_537 = tpu.memref_squeeze %dma_start3A_536 : memref<13x1x1x8x128xf32, #tpu.memory_space<hbm>> -> memref<13x8x128xf32, #tpu.memory_space<hbm>>
        %dma_start3A_538 = arith.constant 0 : i32
        %dma_start3A_539 = arith.constant 0 : i32
        %dma_start3A_540 = arith.constant 0 : i32
        %dma_start3A_541 = tpu.memref_slice %arg4[%dma_start3A_538, %add3A_527, %dma_start3A_528, %dma_start3A_539, %dma_start3A_540] : memref<50x50x2x8x128xf32, #tpu.memory_space<hbm>> -> memref<13x1x1x8x128xf32, #tpu.memory_space<hbm>>
        %dma_start3A_542 = tpu.memref_squeeze %dma_start3A_541 : memref<13x1x1x8x128xf32, #tpu.memory_space<hbm>> -> memref<13x8x128xf32, #tpu.memory_space<hbm>>
        %dma_start3A_543 = arith.constant 0 : i32
        %dma_start3A_544 = arith.constant 0 : i32
        %dma_start3A_545 = arith.constant 0 : i32
        %dma_start3A_546 = tpu.memref_slice %arg6[%dma_start3A_543, %dma_start3A_544, %dma_start3A_545] : memref<50x8x128xf32, #tpu.memory_space<vmem>> -> memref<13x8x128xf32, #tpu.memory_space<vmem>>
        tpu.enqueue_dma source(%dma_start3A_546 : memref<13x8x128xf32, #tpu.memory_space<vmem>>) target(%dma_start3A_542 : memref<13x8x128xf32, #tpu.memory_space<hbm>>) target_semaphore(%arg8 : memref<!tpu.dma_semaphore, #tpu.memory_space<semaphore_mem>>)
        %dma_wait3A_547 = arith.constant 1 : i32
        %dma_wait3A_548 = arith.constant 0 : i32
        %dma_wait3A_549 = arith.constant 0 : i32
        %dma_wait3A_550 = arith.constant 0 : i32
        %dma_wait3A_551 = tpu.memref_slice %arg6[%dma_wait3A_548, %dma_wait3A_549, %dma_wait3A_550] : memref<50x8x128xf32, #tpu.memory_space<vmem>> -> memref<13x8x128xf32, #tpu.memory_space<vmem>>
        %dma_wait3A_552 = arith.constant 0 : i32
        %dma_wait3A_553 = arith.constant 0 : i32
        %dma_wait3A_554 = arith.constant 0 : i32
        %dma_wait3A_555 = tpu.memref_slice %arg4[%dma_wait3A_552, %add3A_527, %dma_wait3A_547, %dma_wait3A_553, %dma_wait3A_554] : memref<50x50x2x8x128xf32, #tpu.memory_space<hbm>> -> memref<13x1x1x8x128xf32, #tpu.memory_space<hbm>>
        %dma_wait3A_556 = tpu.memref_squeeze %dma_wait3A_555 : memref<13x1x1x8x128xf32, #tpu.memory_space<hbm>> -> memref<13x8x128xf32, #tpu.memory_space<hbm>>
        %dma_wait3A_557 = arith.constant 0 : i32
        %dma_wait3A_558 = arith.constant 0 : i32
        %dma_wait3A_559 = arith.constant 0 : i32
        %dma_wait3A_560 = tpu.memref_slice %arg4[%dma_wait3A_557, %add3A_527, %dma_wait3A_547, %dma_wait3A_558, %dma_wait3A_559] : memref<50x50x2x8x128xf32, #tpu.memory_space<hbm>> -> memref<13x1x1x8x128xf32, #tpu.memory_space<hbm>>
        %dma_wait3A_561 = tpu.memref_squeeze %dma_wait3A_560 : memref<13x1x1x8x128xf32, #tpu.memory_space<hbm>> -> memref<13x8x128xf32, #tpu.memory_space<hbm>>
        %dma_wait3A_562 = arith.constant 0 : i32
        %dma_wait3A_563 = arith.constant 0 : i32
        %dma_wait3A_564 = arith.constant 0 : i32
        %dma_wait3A_565 = tpu.memref_slice %arg6[%dma_wait3A_562, %dma_wait3A_563, %dma_wait3A_564] : memref<50x8x128xf32, #tpu.memory_space<vmem>> -> memref<13x8x128xf32, #tpu.memory_space<vmem>>
        tpu.wait_dma2 semaphore(%arg8 : memref<!tpu.dma_semaphore, #tpu.memory_space<semaphore_mem>>) src(%dma_wait3A_565 : memref<13x8x128xf32, #tpu.memory_space<vmem>>) dst(%dma_wait3A_561 : memref<13x8x128xf32, #tpu.memory_space<hbm>>)
      } else {
      }
      %scan3A_77 = arith.constant 0 : i32
      %scan3A_78 = arith.constant 13 : i32
      %scan3A_79 = arith.constant 13 : i32
      %scan3A_80 = arith.addi %scan3A_78, %scan3A_79 : i32
      %scan3A_81 = arith.constant 1 : i32
      scf.for %scan3A_526 = %scan3A_78 to %scan3A_80 step %scan3A_81  : i32 {
        %get3A = arith.index_cast %scan3A_526 : i32 to index
        %get3A_527 = arith.constant 0 : index
        %get3A_528 = tpu.vector_load %arg5[%get3A, %get3A_527] {strides = array<i32>} : memref<50x128xf32, #tpu.memory_space<vmem>>, vector<16xf32>,
        %swap3A = arith.constant 0 : i32
        %swap3A_529 = arith.index_cast %scan3A_526 : i32 to index
        %swap3A_530 = arith.index_cast %swap3A : i32 to index
        %swap3A_531 = arith.constant 0 : index
        %swap3A_532 = tpu.vector_load %arg6[%swap3A_529, %swap3A_530, %swap3A_531] {strides = array<i32>} : memref<50x8x128xf32, #tpu.memory_space<vmem>>, vector<16xf32>,
        tpu.vector_store %arg6[%swap3A_529, %swap3A_530, %swap3A_531], %get3A_528 {strides = array<i32>} : memref<50x8x128xf32, #tpu.memory_space<vmem>>, vector<16xf32>,
        %swap3A_533 = arith.constant 1 : i32
        %swap3A_534 = arith.index_cast %scan3A_526 : i32 to index
        %swap3A_535 = arith.index_cast %swap3A_533 : i32 to index
        %swap3A_536 = arith.constant 0 : index
        %swap3A_537 = tpu.vector_load %arg6[%swap3A_534, %swap3A_535, %swap3A_536] {strides = array<i32>} : memref<50x8x128xf32, #tpu.memory_space<vmem>>, vector<16xf32>,
        tpu.vector_store %arg6[%swap3A_534, %swap3A_535, %swap3A_536], %get3A_528 {strides = array<i32>} : memref<50x8x128xf32, #tpu.memory_space<vmem>>, vector<16xf32>,
        %swap3A_538 = arith.constant 2 : i32
        %swap3A_539 = arith.index_cast %scan3A_526 : i32 to index
        %swap3A_540 = arith.index_cast %swap3A_538 : i32 to index
        %swap3A_541 = arith.constant 0 : index
        %swap3A_542 = tpu.vector_load %arg6[%swap3A_539, %swap3A_540, %swap3A_541] {strides = array<i32>} : memref<50x8x128xf32, #tpu.memory_space<vmem>>, vector<16xf32>,
        tpu.vector_store %arg6[%swap3A_539, %swap3A_540, %swap3A_541], %get3A_528 {strides = array<i32>} : memref<50x8x128xf32, #tpu.memory_space<vmem>>, vector<16xf32>,
        %swap3A_543 = arith.constant 3 : i32
        %swap3A_544 = arith.index_cast %scan3A_526 : i32 to index
        %swap3A_545 = arith.index_cast %swap3A_543 : i32 to index
        %swap3A_546 = arith.constant 0 : index
        %swap3A_547 = tpu.vector_load %arg6[%swap3A_544, %swap3A_545, %swap3A_546] {strides = array<i32>} : memref<50x8x128xf32, #tpu.memory_space<vmem>>, vector<16xf32>,
        tpu.vector_store %arg6[%swap3A_544, %swap3A_545, %swap3A_546], %get3A_528 {strides = array<i32>} : memref<50x8x128xf32, #tpu.memory_space<vmem>>, vector<16xf32>,
        %swap3A_548 = arith.constant 4 : i32
        %swap3A_549 = arith.index_cast %scan3A_526 : i32 to index
        %swap3A_550 = arith.index_cast %swap3A_548 : i32 to index
        %swap3A_551 = arith.constant 0 : index
        %swap3A_552 = tpu.vector_load %arg6[%swap3A_549, %swap3A_550, %swap3A_551] {strides = array<i32>} : memref<50x8x128xf32, #tpu.memory_space<vmem>>, vector<16xf32>,
        tpu.vector_store %arg6[%swap3A_549, %swap3A_550, %swap3A_551], %get3A_528 {strides = array<i32>} : memref<50x8x128xf32, #tpu.memory_space<vmem>>, vector<16xf32>,
        %swap3A_553 = arith.constant 5 : i32
        %swap3A_554 = arith.index_cast %scan3A_526 : i32 to index
        %swap3A_555 = arith.index_cast %swap3A_553 : i32 to index
        %swap3A_556 = arith.constant 0 : index
        %swap3A_557 = tpu.vector_load %arg6[%swap3A_554, %swap3A_555, %swap3A_556] {strides = array<i32>} : memref<50x8x128xf32, #tpu.memory_space<vmem>>, vector<16xf32>,
        tpu.vector_store %arg6[%swap3A_554, %swap3A_555, %swap3A_556], %get3A_528 {strides = array<i32>} : memref<50x8x128xf32, #tpu.memory_space<vmem>>, vector<16xf32>,
        %swap3A_558 = arith.constant 6 : i32
        %swap3A_559 = arith.index_cast %scan3A_526 : i32 to index
        %swap3A_560 = arith.index_cast %swap3A_558 : i32 to index
        %swap3A_561 = arith.constant 0 : index
        %swap3A_562 = tpu.vector_load %arg6[%swap3A_559, %swap3A_560, %swap3A_561] {strides = array<i32>} : memref<50x8x128xf32, #tpu.memory_space<vmem>>, vector<16xf32>,
        tpu.vector_store %arg6[%swap3A_559, %swap3A_560, %swap3A_561], %get3A_528 {strides = array<i32>} : memref<50x8x128xf32, #tpu.memory_space<vmem>>, vector<16xf32>,
        %swap3A_563 = arith.constant 7 : i32
        %swap3A_564 = arith.index_cast %scan3A_526 : i32 to index
        %swap3A_565 = arith.index_cast %swap3A_563 : i32 to index
        %swap3A_566 = arith.constant 0 : index
        %swap3A_567 = tpu.vector_load %arg6[%swap3A_564, %swap3A_565, %swap3A_566] {strides = array<i32>} : memref<50x8x128xf32, #tpu.memory_space<vmem>>, vector<16xf32>,
        tpu.vector_store %arg6[%swap3A_564, %swap3A_565, %swap3A_566], %get3A_528 {strides = array<i32>} : memref<50x8x128xf32, #tpu.memory_space<vmem>>, vector<16xf32>,
        %get3A_568 = arith.index_cast %scan3A_526 : i32 to index
        %get3A_569 = arith.constant 16 : index
        %get3A_570 = tpu.vector_load %arg5[%get3A_568, %get3A_569] {strides = array<i32>} : memref<50x128xf32, #tpu.memory_space<vmem>>, vector<16xf32>,
        %swap3A_571 = arith.constant 0 : i32
        %swap3A_572 = arith.index_cast %scan3A_526 : i32 to index
        %swap3A_573 = arith.index_cast %swap3A_571 : i32 to index
        %swap3A_574 = arith.constant 16 : index
        %swap3A_575 = tpu.vector_load %arg6[%swap3A_572, %swap3A_573, %swap3A_574] {strides = array<i32>} : memref<50x8x128xf32, #tpu.memory_space<vmem>>, vector<16xf32>,
        tpu.vector_store %arg6[%swap3A_572, %swap3A_573, %swap3A_574], %get3A_570 {strides = array<i32>} : memref<50x8x128xf32, #tpu.memory_space<vmem>>, vector<16xf32>,
        %swap3A_576 = arith.constant 1 : i32
        %swap3A_577 = arith.index_cast %scan3A_526 : i32 to index
        %swap3A_578 = arith.index_cast %swap3A_576 : i32 to index
        %swap3A_579 = arith.constant 16 : index
        %swap3A_580 = tpu.vector_load %arg6[%swap3A_577, %swap3A_578, %swap3A_579] {strides = array<i32>} : memref<50x8x128xf32, #tpu.memory_space<vmem>>, vector<16xf32>,
        tpu.vector_store %arg6[%swap3A_577, %swap3A_578, %swap3A_579], %get3A_570 {strides = array<i32>} : memref<50x8x128xf32, #tpu.memory_space<vmem>>, vector<16xf32>,
        %swap3A_581 = arith.constant 2 : i32
        %swap3A_582 = arith.index_cast %scan3A_526 : i32 to index
        %swap3A_583 = arith.index_cast %swap3A_581 : i32 to index
        %swap3A_584 = arith.constant 16 : index
        %swap3A_585 = tpu.vector_load %arg6[%swap3A_582, %swap3A_583, %swap3A_584] {strides = array<i32>} : memref<50x8x128xf32, #tpu.memory_space<vmem>>, vector<16xf32>,
        tpu.vector_store %arg6[%swap3A_582, %swap3A_583, %swap3A_584], %get3A_570 {strides = array<i32>} : memref<50x8x128xf32, #tpu.memory_space<vmem>>, vector<16xf32>,
        %swap3A_586 = arith.constant 3 : i32
        %swap3A_587 = arith.index_cast %scan3A_526 : i32 to index
        %swap3A_588 = arith.index_cast %swap3A_586 : i32 to index
        %swap3A_589 = arith.constant 16 : index
        %swap3A_590 = tpu.vector_load %arg6[%swap3A_587, %swap3A_588, %swap3A_589] {strides = array<i32>} : memref<50x8x128xf32, #tpu.memory_space<vmem>>, vector<16xf32>,
        tpu.vector_store %arg6[%swap3A_587, %swap3A_588, %swap3A_589], %get3A_570 {strides = array<i32>} : memref<50x8x128xf32, #tpu.memory_space<vmem>>, vector<16xf32>,
        %swap3A_591 = arith.constant 4 : i32
        %swap3A_592 = arith.index_cast %scan3A_526 : i32 to index
        %swap3A_593 = arith.index_cast %swap3A_591 : i32 to index
        %swap3A_594 = arith.constant 16 : index
        %swap3A_595 = tpu.vector_load %arg6[%swap3A_592, %swap3A_593, %swap3A_594] {strides = array<i32>} : memref<50x8x128xf32, #tpu.memory_space<vmem>>, vector<16xf32>,
        tpu.vector_store %arg6[%swap3A_592, %swap3A_593, %swap3A_594], %get3A_570 {strides = array<i32>} : memref<50x8x128xf32, #tpu.memory_space<vmem>>, vector<16xf32>,
        %swap3A_596 = arith.constant 5 : i32
        %swap3A_597 = arith.index_cast %scan3A_526 : i32 to index
        %swap3A_598 = arith.index_cast %swap3A_596 : i32 to index
        %swap3A_599 = arith.constant 16 : index
        %swap3A_600 = tpu.vector_load %arg6[%swap3A_597, %swap3A_598, %swap3A_599] {strides = array<i32>} : memref<50x8x128xf32, #tpu.memory_space<vmem>>, vector<16xf32>,
        tpu.vector_store %arg6[%swap3A_597, %swap3A_598, %swap3A_599], %get3A_570 {strides = array<i32>} : memref<50x8x128xf32, #tpu.memory_space<vmem>>, vector<16xf32>,
        %swap3A_601 = arith.constant 6 : i32
        %swap3A_602 = arith.index_cast %scan3A_526 : i32 to index
        %swap3A_603 = arith.index_cast %swap3A_601 : i32 to index
        %swap3A_604 = arith.constant 16 : index
        %swap3A_605 = tpu.vector_load %arg6[%swap3A_602, %swap3A_603, %swap3A_604] {strides = array<i32>} : memref<50x8x128xf32, #tpu.memory_space<vmem>>, vector<16xf32>,
        tpu.vector_store %arg6[%swap3A_602, %swap3A_603, %swap3A_604], %get3A_570 {strides = array<i32>} : memref<50x8x128xf32, #tpu.memory_space<vmem>>, vector<16xf32>,
        %swap3A_606 = arith.constant 7 : i32
        %swap3A_607 = arith.index_cast %scan3A_526 : i32 to index
        %swap3A_608 = arith.index_cast %swap3A_606 : i32 to index
        %swap3A_609 = arith.constant 16 : index
        %swap3A_610 = tpu.vector_load %arg6[%swap3A_607, %swap3A_608, %swap3A_609] {strides = array<i32>} : memref<50x8x128xf32, #tpu.memory_space<vmem>>, vector<16xf32>,
        tpu.vector_store %arg6[%swap3A_607, %swap3A_608, %swap3A_609], %get3A_570 {strides = array<i32>} : memref<50x8x128xf32, #tpu.memory_space<vmem>>, vector<16xf32>,
        %get3A_611 = arith.index_cast %scan3A_526 : i32 to index
        %get3A_612 = arith.constant 32 : index
        %get3A_613 = tpu.vector_load %arg5[%get3A_611, %get3A_612] {strides = array<i32>} : memref<50x128xf32, #tpu.memory_space<vmem>>, vector<16xf32>,
        %swap3A_614 = arith.constant 0 : i32
        %swap3A_615 = arith.index_cast %scan3A_526 : i32 to index
        %swap3A_616 = arith.index_cast %swap3A_614 : i32 to index
        %swap3A_617 = arith.constant 32 : index
        %swap3A_618 = tpu.vector_load %arg6[%swap3A_615, %swap3A_616, %swap3A_617] {strides = array<i32>} : memref<50x8x128xf32, #tpu.memory_space<vmem>>, vector<16xf32>,
        tpu.vector_store %arg6[%swap3A_615, %swap3A_616, %swap3A_617], %get3A_613 {strides = array<i32>} : memref<50x8x128xf32, #tpu.memory_space<vmem>>, vector<16xf32>,
        %swap3A_619 = arith.constant 1 : i32
        %swap3A_620 = arith.index_cast %scan3A_526 : i32 to index
        %swap3A_621 = arith.index_cast %swap3A_619 : i32 to index
        %swap3A_622 = arith.constant 32 : index
        %swap3A_623 = tpu.vector_load %arg6[%swap3A_620, %swap3A_621, %swap3A_622] {strides = array<i32>} : memref<50x8x128xf32, #tpu.memory_space<vmem>>, vector<16xf32>,
        tpu.vector_store %arg6[%swap3A_620, %swap3A_621, %swap3A_622], %get3A_613 {strides = array<i32>} : memref<50x8x128xf32, #tpu.memory_space<vmem>>, vector<16xf32>,
        %swap3A_624 = arith.constant 2 : i32
        %swap3A_625 = arith.index_cast %scan3A_526 : i32 to index
        %swap3A_626 = arith.index_cast %swap3A_624 : i32 to index
        %swap3A_627 = arith.constant 32 : index
        %swap3A_628 = tpu.vector_load %arg6[%swap3A_625, %swap3A_626, %swap3A_627] {strides = array<i32>} : memref<50x8x128xf32, #tpu.memory_space<vmem>>, vector<16xf32>,
        tpu.vector_store %arg6[%swap3A_625, %swap3A_626, %swap3A_627], %get3A_613 {strides = array<i32>} : memref<50x8x128xf32, #tpu.memory_space<vmem>>, vector<16xf32>,
        %swap3A_629 = arith.constant 3 : i32
        %swap3A_630 = arith.index_cast %scan3A_526 : i32 to index
        %swap3A_631 = arith.index_cast %swap3A_629 : i32 to index
        %swap3A_632 = arith.constant 32 : index
        %swap3A_633 = tpu.vector_load %arg6[%swap3A_630, %swap3A_631, %swap3A_632] {strides = array<i32>} : memref<50x8x128xf32, #tpu.memory_space<vmem>>, vector<16xf32>,
        tpu.vector_store %arg6[%swap3A_630, %swap3A_631, %swap3A_632], %get3A_613 {strides = array<i32>} : memref<50x8x128xf32, #tpu.memory_space<vmem>>, vector<16xf32>,
        %swap3A_634 = arith.constant 4 : i32
        %swap3A_635 = arith.index_cast %scan3A_526 : i32 to index
        %swap3A_636 = arith.index_cast %swap3A_634 : i32 to index
        %swap3A_637 = arith.constant 32 : index
        %swap3A_638 = tpu.vector_load %arg6[%swap3A_635, %swap3A_636, %swap3A_637] {strides = array<i32>} : memref<50x8x128xf32, #tpu.memory_space<vmem>>, vector<16xf32>,
        tpu.vector_store %arg6[%swap3A_635, %swap3A_636, %swap3A_637], %get3A_613 {strides = array<i32>} : memref<50x8x128xf32, #tpu.memory_space<vmem>>, vector<16xf32>,
        %swap3A_639 = arith.constant 5 : i32
        %swap3A_640 = arith.index_cast %scan3A_526 : i32 to index
        %swap3A_641 = arith.index_cast %swap3A_639 : i32 to index
        %swap3A_642 = arith.constant 32 : index
        %swap3A_643 = tpu.vector_load %arg6[%swap3A_640, %swap3A_641, %swap3A_642] {strides = array<i32>} : memref<50x8x128xf32, #tpu.memory_space<vmem>>, vector<16xf32>,
        tpu.vector_store %arg6[%swap3A_640, %swap3A_641, %swap3A_642], %get3A_613 {strides = array<i32>} : memref<50x8x128xf32, #tpu.memory_space<vmem>>, vector<16xf32>,
        %swap3A_644 = arith.constant 6 : i32
        %swap3A_645 = arith.index_cast %scan3A_526 : i32 to index
        %swap3A_646 = arith.index_cast %swap3A_644 : i32 to index
        %swap3A_647 = arith.constant 32 : index
        %swap3A_648 = tpu.vector_load %arg6[%swap3A_645, %swap3A_646, %swap3A_647] {strides = array<i32>} : memref<50x8x128xf32, #tpu.memory_space<vmem>>, vector<16xf32>,
        tpu.vector_store %arg6[%swap3A_645, %swap3A_646, %swap3A_647], %get3A_613 {strides = array<i32>} : memref<50x8x128xf32, #tpu.memory_space<vmem>>, vector<16xf32>,
        %swap3A_649 = arith.constant 7 : i32
        %swap3A_650 = arith.index_cast %scan3A_526 : i32 to index
        %swap3A_651 = arith.index_cast %swap3A_649 : i32 to index
        %swap3A_652 = arith.constant 32 : index
        %swap3A_653 = tpu.vector_load %arg6[%swap3A_650, %swap3A_651, %swap3A_652] {strides = array<i32>} : memref<50x8x128xf32, #tpu.memory_space<vmem>>, vector<16xf32>,
        tpu.vector_store %arg6[%swap3A_650, %swap3A_651, %swap3A_652], %get3A_613 {strides = array<i32>} : memref<50x8x128xf32, #tpu.memory_space<vmem>>, vector<16xf32>,
        %get3A_654 = arith.index_cast %scan3A_526 : i32 to index
        %get3A_655 = arith.constant 48 : index
        %get3A_656 = tpu.vector_load %arg5[%get3A_654, %get3A_655] {strides = array<i32>} : memref<50x128xf32, #tpu.memory_space<vmem>>, vector<16xf32>,
        %swap3A_657 = arith.constant 0 : i32
        %swap3A_658 = arith.index_cast %scan3A_526 : i32 to index
        %swap3A_659 = arith.index_cast %swap3A_657 : i32 to index
        %swap3A_660 = arith.constant 48 : index
        %swap3A_661 = tpu.vector_load %arg6[%swap3A_658, %swap3A_659, %swap3A_660] {strides = array<i32>} : memref<50x8x128xf32, #tpu.memory_space<vmem>>, vector<16xf32>,
        tpu.vector_store %arg6[%swap3A_658, %swap3A_659, %swap3A_660], %get3A_656 {strides = array<i32>} : memref<50x8x128xf32, #tpu.memory_space<vmem>>, vector<16xf32>,
        %swap3A_662 = arith.constant 1 : i32
        %swap3A_663 = arith.index_cast %scan3A_526 : i32 to index
        %swap3A_664 = arith.index_cast %swap3A_662 : i32 to index
        %swap3A_665 = arith.constant 48 : index
        %swap3A_666 = tpu.vector_load %arg6[%swap3A_663, %swap3A_664, %swap3A_665] {strides = array<i32>} : memref<50x8x128xf32, #tpu.memory_space<vmem>>, vector<16xf32>,
        tpu.vector_store %arg6[%swap3A_663, %swap3A_664, %swap3A_665], %get3A_656 {strides = array<i32>} : memref<50x8x128xf32, #tpu.memory_space<vmem>>, vector<16xf32>,
        %swap3A_667 = arith.constant 2 : i32
        %swap3A_668 = arith.index_cast %scan3A_526 : i32 to index
        %swap3A_669 = arith.index_cast %swap3A_667 : i32 to index
        %swap3A_670 = arith.constant 48 : index
        %swap3A_671 = tpu.vector_load %arg6[%swap3A_668, %swap3A_669, %swap3A_670] {strides = array<i32>} : memref<50x8x128xf32, #tpu.memory_space<vmem>>, vector<16xf32>,
        tpu.vector_store %arg6[%swap3A_668, %swap3A_669, %swap3A_670], %get3A_656 {strides = array<i32>} : memref<50x8x128xf32, #tpu.memory_space<vmem>>, vector<16xf32>,
        %swap3A_672 = arith.constant 3 : i32
        %swap3A_673 = arith.index_cast %scan3A_526 : i32 to index
        %swap3A_674 = arith.index_cast %swap3A_672 : i32 to index
        %swap3A_675 = arith.constant 48 : index
        %swap3A_676 = tpu.vector_load %arg6[%swap3A_673, %swap3A_674, %swap3A_675] {strides = array<i32>} : memref<50x8x128xf32, #tpu.memory_space<vmem>>, vector<16xf32>,
        tpu.vector_store %arg6[%swap3A_673, %swap3A_674, %swap3A_675], %get3A_656 {strides = array<i32>} : memref<50x8x128xf32, #tpu.memory_space<vmem>>, vector<16xf32>,
        %swap3A_677 = arith.constant 4 : i32
        %swap3A_678 = arith.index_cast %scan3A_526 : i32 to index
        %swap3A_679 = arith.index_cast %swap3A_677 : i32 to index
        %swap3A_680 = arith.constant 48 : index
        %swap3A_681 = tpu.vector_load %arg6[%swap3A_678, %swap3A_679, %swap3A_680] {strides = array<i32>} : memref<50x8x128xf32, #tpu.memory_space<vmem>>, vector<16xf32>,
        tpu.vector_store %arg6[%swap3A_678, %swap3A_679, %swap3A_680], %get3A_656 {strides = array<i32>} : memref<50x8x128xf32, #tpu.memory_space<vmem>>, vector<16xf32>,
        %swap3A_682 = arith.constant 5 : i32
        %swap3A_683 = arith.index_cast %scan3A_526 : i32 to index
        %swap3A_684 = arith.index_cast %swap3A_682 : i32 to index
        %swap3A_685 = arith.constant 48 : index
        %swap3A_686 = tpu.vector_load %arg6[%swap3A_683, %swap3A_684, %swap3A_685] {strides = array<i32>} : memref<50x8x128xf32, #tpu.memory_space<vmem>>, vector<16xf32>,
        tpu.vector_store %arg6[%swap3A_683, %swap3A_684, %swap3A_685], %get3A_656 {strides = array<i32>} : memref<50x8x128xf32, #tpu.memory_space<vmem>>, vector<16xf32>,
        %swap3A_687 = arith.constant 6 : i32
        %swap3A_688 = arith.index_cast %scan3A_526 : i32 to index
        %swap3A_689 = arith.index_cast %swap3A_687 : i32 to index
        %swap3A_690 = arith.constant 48 : index
        %swap3A_691 = tpu.vector_load %arg6[%swap3A_688, %swap3A_689, %swap3A_690] {strides = array<i32>} : memref<50x8x128xf32, #tpu.memory_space<vmem>>, vector<16xf32>,
        tpu.vector_store %arg6[%swap3A_688, %swap3A_689, %swap3A_690], %get3A_656 {strides = array<i32>} : memref<50x8x128xf32, #tpu.memory_space<vmem>>, vector<16xf32>,
        %swap3A_692 = arith.constant 7 : i32
        %swap3A_693 = arith.index_cast %scan3A_526 : i32 to index
        %swap3A_694 = arith.index_cast %swap3A_692 : i32 to index
        %swap3A_695 = arith.constant 48 : index
        %swap3A_696 = tpu.vector_load %arg6[%swap3A_693, %swap3A_694, %swap3A_695] {strides = array<i32>} : memref<50x8x128xf32, #tpu.memory_space<vmem>>, vector<16xf32>,
        tpu.vector_store %arg6[%swap3A_693, %swap3A_694, %swap3A_695], %get3A_656 {strides = array<i32>} : memref<50x8x128xf32, #tpu.memory_space<vmem>>, vector<16xf32>,
        %get3A_697 = arith.index_cast %scan3A_526 : i32 to index
        %get3A_698 = arith.constant 64 : index
        %get3A_699 = tpu.vector_load %arg5[%get3A_697, %get3A_698] {strides = array<i32>} : memref<50x128xf32, #tpu.memory_space<vmem>>, vector<16xf32>,
        %swap3A_700 = arith.constant 0 : i32
        %swap3A_701 = arith.index_cast %scan3A_526 : i32 to index
        %swap3A_702 = arith.index_cast %swap3A_700 : i32 to index
        %swap3A_703 = arith.constant 64 : index
        %swap3A_704 = tpu.vector_load %arg6[%swap3A_701, %swap3A_702, %swap3A_703] {strides = array<i32>} : memref<50x8x128xf32, #tpu.memory_space<vmem>>, vector<16xf32>,
        tpu.vector_store %arg6[%swap3A_701, %swap3A_702, %swap3A_703], %get3A_699 {strides = array<i32>} : memref<50x8x128xf32, #tpu.memory_space<vmem>>, vector<16xf32>,
        %swap3A_705 = arith.constant 1 : i32
        %swap3A_706 = arith.index_cast %scan3A_526 : i32 to index
        %swap3A_707 = arith.index_cast %swap3A_705 : i32 to index
        %swap3A_708 = arith.constant 64 : index
        %swap3A_709 = tpu.vector_load %arg6[%swap3A_706, %swap3A_707, %swap3A_708] {strides = array<i32>} : memref<50x8x128xf32, #tpu.memory_space<vmem>>, vector<16xf32>,
        tpu.vector_store %arg6[%swap3A_706, %swap3A_707, %swap3A_708], %get3A_699 {strides = array<i32>} : memref<50x8x128xf32, #tpu.memory_space<vmem>>, vector<16xf32>,
        %swap3A_710 = arith.constant 2 : i32
        %swap3A_711 = arith.index_cast %scan3A_526 : i32 to index
        %swap3A_712 = arith.index_cast %swap3A_710 : i32 to index
        %swap3A_713 = arith.constant 64 : index
        %swap3A_714 = tpu.vector_load %arg6[%swap3A_711, %swap3A_712, %swap3A_713] {strides = array<i32>} : memref<50x8x128xf32, #tpu.memory_space<vmem>>, vector<16xf32>,
        tpu.vector_store %arg6[%swap3A_711, %swap3A_712, %swap3A_713], %get3A_699 {strides = array<i32>} : memref<50x8x128xf32, #tpu.memory_space<vmem>>, vector<16xf32>,
        %swap3A_715 = arith.constant 3 : i32
        %swap3A_716 = arith.index_cast %scan3A_526 : i32 to index
        %swap3A_717 = arith.index_cast %swap3A_715 : i32 to index
        %swap3A_718 = arith.constant 64 : index
        %swap3A_719 = tpu.vector_load %arg6[%swap3A_716, %swap3A_717, %swap3A_718] {strides = array<i32>} : memref<50x8x128xf32, #tpu.memory_space<vmem>>, vector<16xf32>,
        tpu.vector_store %arg6[%swap3A_716, %swap3A_717, %swap3A_718], %get3A_699 {strides = array<i32>} : memref<50x8x128xf32, #tpu.memory_space<vmem>>, vector<16xf32>,
        %swap3A_720 = arith.constant 4 : i32
        %swap3A_721 = arith.index_cast %scan3A_526 : i32 to index
        %swap3A_722 = arith.index_cast %swap3A_720 : i32 to index
        %swap3A_723 = arith.constant 64 : index
        %swap3A_724 = tpu.vector_load %arg6[%swap3A_721, %swap3A_722, %swap3A_723] {strides = array<i32>} : memref<50x8x128xf32, #tpu.memory_space<vmem>>, vector<16xf32>,
        tpu.vector_store %arg6[%swap3A_721, %swap3A_722, %swap3A_723], %get3A_699 {strides = array<i32>} : memref<50x8x128xf32, #tpu.memory_space<vmem>>, vector<16xf32>,
        %swap3A_725 = arith.constant 5 : i32
        %swap3A_726 = arith.index_cast %scan3A_526 : i32 to index
        %swap3A_727 = arith.index_cast %swap3A_725 : i32 to index
        %swap3A_728 = arith.constant 64 : index
        %swap3A_729 = tpu.vector_load %arg6[%swap3A_726, %swap3A_727, %swap3A_728] {strides = array<i32>} : memref<50x8x128xf32, #tpu.memory_space<vmem>>, vector<16xf32>,
        tpu.vector_store %arg6[%swap3A_726, %swap3A_727, %swap3A_728], %get3A_699 {strides = array<i32>} : memref<50x8x128xf32, #tpu.memory_space<vmem>>, vector<16xf32>,
        %swap3A_730 = arith.constant 6 : i32
        %swap3A_731 = arith.index_cast %scan3A_526 : i32 to index
        %swap3A_732 = arith.index_cast %swap3A_730 : i32 to index
        %swap3A_733 = arith.constant 64 : index
        %swap3A_734 = tpu.vector_load %arg6[%swap3A_731, %swap3A_732, %swap3A_733] {strides = array<i32>} : memref<50x8x128xf32, #tpu.memory_space<vmem>>, vector<16xf32>,
        tpu.vector_store %arg6[%swap3A_731, %swap3A_732, %swap3A_733], %get3A_699 {strides = array<i32>} : memref<50x8x128xf32, #tpu.memory_space<vmem>>, vector<16xf32>,
        %swap3A_735 = arith.constant 7 : i32
        %swap3A_736 = arith.index_cast %scan3A_526 : i32 to index
        %swap3A_737 = arith.index_cast %swap3A_735 : i32 to index
        %swap3A_738 = arith.constant 64 : index
        %swap3A_739 = tpu.vector_load %arg6[%swap3A_736, %swap3A_737, %swap3A_738] {strides = array<i32>} : memref<50x8x128xf32, #tpu.memory_space<vmem>>, vector<16xf32>,
        tpu.vector_store %arg6[%swap3A_736, %swap3A_737, %swap3A_738], %get3A_699 {strides = array<i32>} : memref<50x8x128xf32, #tpu.memory_space<vmem>>, vector<16xf32>,
        %get3A_740 = arith.index_cast %scan3A_526 : i32 to index
        %get3A_741 = arith.constant 80 : index
        %get3A_742 = tpu.vector_load %arg5[%get3A_740, %get3A_741] {strides = array<i32>} : memref<50x128xf32, #tpu.memory_space<vmem>>, vector<16xf32>,
        %swap3A_743 = arith.constant 0 : i32
        %swap3A_744 = arith.index_cast %scan3A_526 : i32 to index
        %swap3A_745 = arith.index_cast %swap3A_743 : i32 to index
        %swap3A_746 = arith.constant 80 : index
        %swap3A_747 = tpu.vector_load %arg6[%swap3A_744, %swap3A_745, %swap3A_746] {strides = array<i32>} : memref<50x8x128xf32, #tpu.memory_space<vmem>>, vector<16xf32>,
        tpu.vector_store %arg6[%swap3A_744, %swap3A_745, %swap3A_746], %get3A_742 {strides = array<i32>} : memref<50x8x128xf32, #tpu.memory_space<vmem>>, vector<16xf32>,
        %swap3A_748 = arith.constant 1 : i32
        %swap3A_749 = arith.index_cast %scan3A_526 : i32 to index
        %swap3A_750 = arith.index_cast %swap3A_748 : i32 to index
        %swap3A_751 = arith.constant 80 : index
        %swap3A_752 = tpu.vector_load %arg6[%swap3A_749, %swap3A_750, %swap3A_751] {strides = array<i32>} : memref<50x8x128xf32, #tpu.memory_space<vmem>>, vector<16xf32>,
        tpu.vector_store %arg6[%swap3A_749, %swap3A_750, %swap3A_751], %get3A_742 {strides = array<i32>} : memref<50x8x128xf32, #tpu.memory_space<vmem>>, vector<16xf32>,
        %swap3A_753 = arith.constant 2 : i32
        %swap3A_754 = arith.index_cast %scan3A_526 : i32 to index
        %swap3A_755 = arith.index_cast %swap3A_753 : i32 to index
        %swap3A_756 = arith.constant 80 : index
        %swap3A_757 = tpu.vector_load %arg6[%swap3A_754, %swap3A_755, %swap3A_756] {strides = array<i32>} : memref<50x8x128xf32, #tpu.memory_space<vmem>>, vector<16xf32>,
        tpu.vector_store %arg6[%swap3A_754, %swap3A_755, %swap3A_756], %get3A_742 {strides = array<i32>} : memref<50x8x128xf32, #tpu.memory_space<vmem>>, vector<16xf32>,
        %swap3A_758 = arith.constant 3 : i32
        %swap3A_759 = arith.index_cast %scan3A_526 : i32 to index
        %swap3A_760 = arith.index_cast %swap3A_758 : i32 to index
        %swap3A_761 = arith.constant 80 : index
        %swap3A_762 = tpu.vector_load %arg6[%swap3A_759, %swap3A_760, %swap3A_761] {strides = array<i32>} : memref<50x8x128xf32, #tpu.memory_space<vmem>>, vector<16xf32>,
        tpu.vector_store %arg6[%swap3A_759, %swap3A_760, %swap3A_761], %get3A_742 {strides = array<i32>} : memref<50x8x128xf32, #tpu.memory_space<vmem>>, vector<16xf32>,
        %swap3A_763 = arith.constant 4 : i32
        %swap3A_764 = arith.index_cast %scan3A_526 : i32 to index
        %swap3A_765 = arith.index_cast %swap3A_763 : i32 to index
        %swap3A_766 = arith.constant 80 : index
        %swap3A_767 = tpu.vector_load %arg6[%swap3A_764, %swap3A_765, %swap3A_766] {strides = array<i32>} : memref<50x8x128xf32, #tpu.memory_space<vmem>>, vector<16xf32>,
        tpu.vector_store %arg6[%swap3A_764, %swap3A_765, %swap3A_766], %get3A_742 {strides = array<i32>} : memref<50x8x128xf32, #tpu.memory_space<vmem>>, vector<16xf32>,
        %swap3A_768 = arith.constant 5 : i32
        %swap3A_769 = arith.index_cast %scan3A_526 : i32 to index
        %swap3A_770 = arith.index_cast %swap3A_768 : i32 to index
        %swap3A_771 = arith.constant 80 : index
        %swap3A_772 = tpu.vector_load %arg6[%swap3A_769, %swap3A_770, %swap3A_771] {strides = array<i32>} : memref<50x8x128xf32, #tpu.memory_space<vmem>>, vector<16xf32>,
        tpu.vector_store %arg6[%swap3A_769, %swap3A_770, %swap3A_771], %get3A_742 {strides = array<i32>} : memref<50x8x128xf32, #tpu.memory_space<vmem>>, vector<16xf32>,
        %swap3A_773 = arith.constant 6 : i32
        %swap3A_774 = arith.index_cast %scan3A_526 : i32 to index
        %swap3A_775 = arith.index_cast %swap3A_773 : i32 to index
        %swap3A_776 = arith.constant 80 : index
        %swap3A_777 = tpu.vector_load %arg6[%swap3A_774, %swap3A_775, %swap3A_776] {strides = array<i32>} : memref<50x8x128xf32, #tpu.memory_space<vmem>>, vector<16xf32>,
        tpu.vector_store %arg6[%swap3A_774, %swap3A_775, %swap3A_776], %get3A_742 {strides = array<i32>} : memref<50x8x128xf32, #tpu.memory_space<vmem>>, vector<16xf32>,
        %swap3A_778 = arith.constant 7 : i32
        %swap3A_779 = arith.index_cast %scan3A_526 : i32 to index
        %swap3A_780 = arith.index_cast %swap3A_778 : i32 to index
        %swap3A_781 = arith.constant 80 : index
        %swap3A_782 = tpu.vector_load %arg6[%swap3A_779, %swap3A_780, %swap3A_781] {strides = array<i32>} : memref<50x8x128xf32, #tpu.memory_space<vmem>>, vector<16xf32>,
        tpu.vector_store %arg6[%swap3A_779, %swap3A_780, %swap3A_781], %get3A_742 {strides = array<i32>} : memref<50x8x128xf32, #tpu.memory_space<vmem>>, vector<16xf32>,
        %get3A_783 = arith.index_cast %scan3A_526 : i32 to index
        %get3A_784 = arith.constant 96 : index
        %get3A_785 = tpu.vector_load %arg5[%get3A_783, %get3A_784] {strides = array<i32>} : memref<50x128xf32, #tpu.memory_space<vmem>>, vector<16xf32>,
        %swap3A_786 = arith.constant 0 : i32
        %swap3A_787 = arith.index_cast %scan3A_526 : i32 to index
        %swap3A_788 = arith.index_cast %swap3A_786 : i32 to index
        %swap3A_789 = arith.constant 96 : index
        %swap3A_790 = tpu.vector_load %arg6[%swap3A_787, %swap3A_788, %swap3A_789] {strides = array<i32>} : memref<50x8x128xf32, #tpu.memory_space<vmem>>, vector<16xf32>,
        tpu.vector_store %arg6[%swap3A_787, %swap3A_788, %swap3A_789], %get3A_785 {strides = array<i32>} : memref<50x8x128xf32, #tpu.memory_space<vmem>>, vector<16xf32>,
        %swap3A_791 = arith.constant 1 : i32
        %swap3A_792 = arith.index_cast %scan3A_526 : i32 to index
        %swap3A_793 = arith.index_cast %swap3A_791 : i32 to index
        %swap3A_794 = arith.constant 96 : index
        %swap3A_795 = tpu.vector_load %arg6[%swap3A_792, %swap3A_793, %swap3A_794] {strides = array<i32>} : memref<50x8x128xf32, #tpu.memory_space<vmem>>, vector<16xf32>,
        tpu.vector_store %arg6[%swap3A_792, %swap3A_793, %swap3A_794], %get3A_785 {strides = array<i32>} : memref<50x8x128xf32, #tpu.memory_space<vmem>>, vector<16xf32>,
        %swap3A_796 = arith.constant 2 : i32
        %swap3A_797 = arith.index_cast %scan3A_526 : i32 to index
        %swap3A_798 = arith.index_cast %swap3A_796 : i32 to index
        %swap3A_799 = arith.constant 96 : index
        %swap3A_800 = tpu.vector_load %arg6[%swap3A_797, %swap3A_798, %swap3A_799] {strides = array<i32>} : memref<50x8x128xf32, #tpu.memory_space<vmem>>, vector<16xf32>,
        tpu.vector_store %arg6[%swap3A_797, %swap3A_798, %swap3A_799], %get3A_785 {strides = array<i32>} : memref<50x8x128xf32, #tpu.memory_space<vmem>>, vector<16xf32>,
        %swap3A_801 = arith.constant 3 : i32
        %swap3A_802 = arith.index_cast %scan3A_526 : i32 to index
        %swap3A_803 = arith.index_cast %swap3A_801 : i32 to index
        %swap3A_804 = arith.constant 96 : index
        %swap3A_805 = tpu.vector_load %arg6[%swap3A_802, %swap3A_803, %swap3A_804] {strides = array<i32>} : memref<50x8x128xf32, #tpu.memory_space<vmem>>, vector<16xf32>,
        tpu.vector_store %arg6[%swap3A_802, %swap3A_803, %swap3A_804], %get3A_785 {strides = array<i32>} : memref<50x8x128xf32, #tpu.memory_space<vmem>>, vector<16xf32>,
        %swap3A_806 = arith.constant 4 : i32
        %swap3A_807 = arith.index_cast %scan3A_526 : i32 to index
        %swap3A_808 = arith.index_cast %swap3A_806 : i32 to index
        %swap3A_809 = arith.constant 96 : index
        %swap3A_810 = tpu.vector_load %arg6[%swap3A_807, %swap3A_808, %swap3A_809] {strides = array<i32>} : memref<50x8x128xf32, #tpu.memory_space<vmem>>, vector<16xf32>,
        tpu.vector_store %arg6[%swap3A_807, %swap3A_808, %swap3A_809], %get3A_785 {strides = array<i32>} : memref<50x8x128xf32, #tpu.memory_space<vmem>>, vector<16xf32>,
        %swap3A_811 = arith.constant 5 : i32
        %swap3A_812 = arith.index_cast %scan3A_526 : i32 to index
        %swap3A_813 = arith.index_cast %swap3A_811 : i32 to index
        %swap3A_814 = arith.constant 96 : index
        %swap3A_815 = tpu.vector_load %arg6[%swap3A_812, %swap3A_813, %swap3A_814] {strides = array<i32>} : memref<50x8x128xf32, #tpu.memory_space<vmem>>, vector<16xf32>,
        tpu.vector_store %arg6[%swap3A_812, %swap3A_813, %swap3A_814], %get3A_785 {strides = array<i32>} : memref<50x8x128xf32, #tpu.memory_space<vmem>>, vector<16xf32>,
        %swap3A_816 = arith.constant 6 : i32
        %swap3A_817 = arith.index_cast %scan3A_526 : i32 to index
        %swap3A_818 = arith.index_cast %swap3A_816 : i32 to index
        %swap3A_819 = arith.constant 96 : index
        %swap3A_820 = tpu.vector_load %arg6[%swap3A_817, %swap3A_818, %swap3A_819] {strides = array<i32>} : memref<50x8x128xf32, #tpu.memory_space<vmem>>, vector<16xf32>,
        tpu.vector_store %arg6[%swap3A_817, %swap3A_818, %swap3A_819], %get3A_785 {strides = array<i32>} : memref<50x8x128xf32, #tpu.memory_space<vmem>>, vector<16xf32>,
        %swap3A_821 = arith.constant 7 : i32
        %swap3A_822 = arith.index_cast %scan3A_526 : i32 to index
        %swap3A_823 = arith.index_cast %swap3A_821 : i32 to index
        %swap3A_824 = arith.constant 96 : index
        %swap3A_825 = tpu.vector_load %arg6[%swap3A_822, %swap3A_823, %swap3A_824] {strides = array<i32>} : memref<50x8x128xf32, #tpu.memory_space<vmem>>, vector<16xf32>,
        tpu.vector_store %arg6[%swap3A_822, %swap3A_823, %swap3A_824], %get3A_785 {strides = array<i32>} : memref<50x8x128xf32, #tpu.memory_space<vmem>>, vector<16xf32>,
        %get3A_826 = arith.index_cast %scan3A_526 : i32 to index
        %get3A_827 = arith.constant 112 : index
        %get3A_828 = tpu.vector_load %arg5[%get3A_826, %get3A_827] {strides = array<i32>} : memref<50x128xf32, #tpu.memory_space<vmem>>, vector<16xf32>,
        %swap3A_829 = arith.constant 0 : i32
        %swap3A_830 = arith.index_cast %scan3A_526 : i32 to index
        %swap3A_831 = arith.index_cast %swap3A_829 : i32 to index
        %swap3A_832 = arith.constant 112 : index
        %swap3A_833 = tpu.vector_load %arg6[%swap3A_830, %swap3A_831, %swap3A_832] {strides = array<i32>} : memref<50x8x128xf32, #tpu.memory_space<vmem>>, vector<16xf32>,
        tpu.vector_store %arg6[%swap3A_830, %swap3A_831, %swap3A_832], %get3A_828 {strides = array<i32>} : memref<50x8x128xf32, #tpu.memory_space<vmem>>, vector<16xf32>,
        %swap3A_834 = arith.constant 1 : i32
        %swap3A_835 = arith.index_cast %scan3A_526 : i32 to index
        %swap3A_836 = arith.index_cast %swap3A_834 : i32 to index
        %swap3A_837 = arith.constant 112 : index
        %swap3A_838 = tpu.vector_load %arg6[%swap3A_835, %swap3A_836, %swap3A_837] {strides = array<i32>} : memref<50x8x128xf32, #tpu.memory_space<vmem>>, vector<16xf32>,
        tpu.vector_store %arg6[%swap3A_835, %swap3A_836, %swap3A_837], %get3A_828 {strides = array<i32>} : memref<50x8x128xf32, #tpu.memory_space<vmem>>, vector<16xf32>,
        %swap3A_839 = arith.constant 2 : i32
        %swap3A_840 = arith.index_cast %scan3A_526 : i32 to index
        %swap3A_841 = arith.index_cast %swap3A_839 : i32 to index
        %swap3A_842 = arith.constant 112 : index
        %swap3A_843 = tpu.vector_load %arg6[%swap3A_840, %swap3A_841, %swap3A_842] {strides = array<i32>} : memref<50x8x128xf32, #tpu.memory_space<vmem>>, vector<16xf32>,
        tpu.vector_store %arg6[%swap3A_840, %swap3A_841, %swap3A_842], %get3A_828 {strides = array<i32>} : memref<50x8x128xf32, #tpu.memory_space<vmem>>, vector<16xf32>,
        %swap3A_844 = arith.constant 3 : i32
        %swap3A_845 = arith.index_cast %scan3A_526 : i32 to index
        %swap3A_846 = arith.index_cast %swap3A_844 : i32 to index
        %swap3A_847 = arith.constant 112 : index
        %swap3A_848 = tpu.vector_load %arg6[%swap3A_845, %swap3A_846, %swap3A_847] {strides = array<i32>} : memref<50x8x128xf32, #tpu.memory_space<vmem>>, vector<16xf32>,
        tpu.vector_store %arg6[%swap3A_845, %swap3A_846, %swap3A_847], %get3A_828 {strides = array<i32>} : memref<50x8x128xf32, #tpu.memory_space<vmem>>, vector<16xf32>,
        %swap3A_849 = arith.constant 4 : i32
        %swap3A_850 = arith.index_cast %scan3A_526 : i32 to index
        %swap3A_851 = arith.index_cast %swap3A_849 : i32 to index
        %swap3A_852 = arith.constant 112 : index
        %swap3A_853 = tpu.vector_load %arg6[%swap3A_850, %swap3A_851, %swap3A_852] {strides = array<i32>} : memref<50x8x128xf32, #tpu.memory_space<vmem>>, vector<16xf32>,
        tpu.vector_store %arg6[%swap3A_850, %swap3A_851, %swap3A_852], %get3A_828 {strides = array<i32>} : memref<50x8x128xf32, #tpu.memory_space<vmem>>, vector<16xf32>,
        %swap3A_854 = arith.constant 5 : i32
        %swap3A_855 = arith.index_cast %scan3A_526 : i32 to index
        %swap3A_856 = arith.index_cast %swap3A_854 : i32 to index
        %swap3A_857 = arith.constant 112 : index
        %swap3A_858 = tpu.vector_load %arg6[%swap3A_855, %swap3A_856, %swap3A_857] {strides = array<i32>} : memref<50x8x128xf32, #tpu.memory_space<vmem>>, vector<16xf32>,
        tpu.vector_store %arg6[%swap3A_855, %swap3A_856, %swap3A_857], %get3A_828 {strides = array<i32>} : memref<50x8x128xf32, #tpu.memory_space<vmem>>, vector<16xf32>,
        %swap3A_859 = arith.constant 6 : i32
        %swap3A_860 = arith.index_cast %scan3A_526 : i32 to index
        %swap3A_861 = arith.index_cast %swap3A_859 : i32 to index
        %swap3A_862 = arith.constant 112 : index
        %swap3A_863 = tpu.vector_load %arg6[%swap3A_860, %swap3A_861, %swap3A_862] {strides = array<i32>} : memref<50x8x128xf32, #tpu.memory_space<vmem>>, vector<16xf32>,
        tpu.vector_store %arg6[%swap3A_860, %swap3A_861, %swap3A_862], %get3A_828 {strides = array<i32>} : memref<50x8x128xf32, #tpu.memory_space<vmem>>, vector<16xf32>,
        %swap3A_864 = arith.constant 7 : i32
        %swap3A_865 = arith.index_cast %scan3A_526 : i32 to index
        %swap3A_866 = arith.index_cast %swap3A_864 : i32 to index
        %swap3A_867 = arith.constant 112 : index
        %swap3A_868 = tpu.vector_load %arg6[%swap3A_865, %swap3A_866, %swap3A_867] {strides = array<i32>} : memref<50x8x128xf32, #tpu.memory_space<vmem>>, vector<16xf32>,
        tpu.vector_store %arg6[%swap3A_865, %swap3A_866, %swap3A_867], %get3A_828 {strides = array<i32>} : memref<50x8x128xf32, #tpu.memory_space<vmem>>, vector<16xf32>,
      }
      %scan3A_82 = arith.constant 13 : i32
      %add3A_83 = arith.constant 0 : i32
      %add3A_84 = arith.addi %arg1, %add3A_83 : i32
      %dma_start3A_85 = arith.constant 1 : i32
      %dma_start3A_86 = arith.constant 13 : i32
      %dma_start3A_87 = arith.constant 0 : i32
      %dma_start3A_88 = arith.constant 0 : i32
      %dma_start3A_89 = tpu.memref_slice %arg6[%dma_start3A_86, %dma_start3A_87, %dma_start3A_88] : memref<50x8x128xf32, #tpu.memory_space<vmem>> -> memref<13x8x128xf32, #tpu.memory_space<vmem>>
      %dma_start3A_90 = arith.constant 13 : i32
      %dma_start3A_91 = arith.constant 0 : i32
      %dma_start3A_92 = arith.constant 0 : i32
      %dma_start3A_93 = tpu.memref_slice %arg4[%dma_start3A_90, %add3A_84, %dma_start3A_85, %dma_start3A_91, %dma_start3A_92] : memref<50x50x2x8x128xf32, #tpu.memory_space<hbm>> -> memref<13x1x1x8x128xf32, #tpu.memory_space<hbm>>
      %dma_start3A_94 = tpu.memref_squeeze %dma_start3A_93 : memref<13x1x1x8x128xf32, #tpu.memory_space<hbm>> -> memref<13x8x128xf32, #tpu.memory_space<hbm>>
      %dma_start3A_95 = arith.constant 13 : i32
      %dma_start3A_96 = arith.constant 0 : i32
      %dma_start3A_97 = arith.constant 0 : i32
      %dma_start3A_98 = tpu.memref_slice %arg4[%dma_start3A_95, %add3A_84, %dma_start3A_85, %dma_start3A_96, %dma_start3A_97] : memref<50x50x2x8x128xf32, #tpu.memory_space<hbm>> -> memref<13x1x1x8x128xf32, #tpu.memory_space<hbm>>
      %dma_start3A_99 = tpu.memref_squeeze %dma_start3A_98 : memref<13x1x1x8x128xf32, #tpu.memory_space<hbm>> -> memref<13x8x128xf32, #tpu.memory_space<hbm>>
      %dma_start3A_100 = arith.constant 13 : i32
      %dma_start3A_101 = arith.constant 0 : i32
      %dma_start3A_102 = arith.constant 0 : i32
      %dma_start3A_103 = tpu.memref_slice %arg6[%dma_start3A_100, %dma_start3A_101, %dma_start3A_102] : memref<50x8x128xf32, #tpu.memory_space<vmem>> -> memref<13x8x128xf32, #tpu.memory_space<vmem>>
      tpu.enqueue_dma source(%dma_start3A_103 : memref<13x8x128xf32, #tpu.memory_space<vmem>>) target(%dma_start3A_99 : memref<13x8x128xf32, #tpu.memory_space<hbm>>) target_semaphore(%arg8 : memref<!tpu.dma_semaphore, #tpu.memory_space<semaphore_mem>>)
      %add3A_104 = arith.constant 16 : i32
      %add3A_105 = arith.addi %arg1, %add3A_104 : i32
      %dma_start3A_106 = arith.constant 1 : i32
      %dma_start3A_107 = arith.constant 13 : i32
      %dma_start3A_108 = arith.constant 0 : i32
      %dma_start3A_109 = arith.constant 0 : i32
      %dma_start3A_110 = tpu.memref_slice %arg6[%dma_start3A_107, %dma_start3A_108, %dma_start3A_109] : memref<50x8x128xf32, #tpu.memory_space<vmem>> -> memref<13x8x128xf32, #tpu.memory_space<vmem>>
      %dma_start3A_111 = arith.constant 13 : i32
      %dma_start3A_112 = arith.constant 0 : i32
      %dma_start3A_113 = arith.constant 0 : i32
      %dma_start3A_114 = tpu.memref_slice %arg4[%dma_start3A_111, %add3A_105, %dma_start3A_106, %dma_start3A_112, %dma_start3A_113] : memref<50x50x2x8x128xf32, #tpu.memory_space<hbm>> -> memref<13x1x1x8x128xf32, #tpu.memory_space<hbm>>
      %dma_start3A_115 = tpu.memref_squeeze %dma_start3A_114 : memref<13x1x1x8x128xf32, #tpu.memory_space<hbm>> -> memref<13x8x128xf32, #tpu.memory_space<hbm>>
      %dma_start3A_116 = arith.constant 13 : i32
      %dma_start3A_117 = arith.constant 0 : i32
      %dma_start3A_118 = arith.constant 0 : i32
      %dma_start3A_119 = tpu.memref_slice %arg4[%dma_start3A_116, %add3A_105, %dma_start3A_106, %dma_start3A_117, %dma_start3A_118] : memref<50x50x2x8x128xf32, #tpu.memory_space<hbm>> -> memref<13x1x1x8x128xf32, #tpu.memory_space<hbm>>
      %dma_start3A_120 = tpu.memref_squeeze %dma_start3A_119 : memref<13x1x1x8x128xf32, #tpu.memory_space<hbm>> -> memref<13x8x128xf32, #tpu.memory_space<hbm>>
      %dma_start3A_121 = arith.constant 13 : i32
      %dma_start3A_122 = arith.constant 0 : i32
      %dma_start3A_123 = arith.constant 0 : i32
      %dma_start3A_124 = tpu.memref_slice %arg6[%dma_start3A_121, %dma_start3A_122, %dma_start3A_123] : memref<50x8x128xf32, #tpu.memory_space<vmem>> -> memref<13x8x128xf32, #tpu.memory_space<vmem>>
      tpu.enqueue_dma source(%dma_start3A_124 : memref<13x8x128xf32, #tpu.memory_space<vmem>>) target(%dma_start3A_120 : memref<13x8x128xf32, #tpu.memory_space<hbm>>) target_semaphore(%arg8 : memref<!tpu.dma_semaphore, #tpu.memory_space<semaphore_mem>>)
      %add3A_125 = arith.constant 32 : i32
      %add3A_126 = arith.addi %arg1, %add3A_125 : i32
      %dma_start3A_127 = arith.constant 1 : i32
      %dma_start3A_128 = arith.constant 13 : i32
      %dma_start3A_129 = arith.constant 0 : i32
      %dma_start3A_130 = arith.constant 0 : i32
      %dma_start3A_131 = tpu.memref_slice %arg6[%dma_start3A_128, %dma_start3A_129, %dma_start3A_130] : memref<50x8x128xf32, #tpu.memory_space<vmem>> -> memref<13x8x128xf32, #tpu.memory_space<vmem>>
      %dma_start3A_132 = arith.constant 13 : i32
      %dma_start3A_133 = arith.constant 0 : i32
      %dma_start3A_134 = arith.constant 0 : i32
      %dma_start3A_135 = tpu.memref_slice %arg4[%dma_start3A_132, %add3A_126, %dma_start3A_127, %dma_start3A_133, %dma_start3A_134] : memref<50x50x2x8x128xf32, #tpu.memory_space<hbm>> -> memref<13x1x1x8x128xf32, #tpu.memory_space<hbm>>
      %dma_start3A_136 = tpu.memref_squeeze %dma_start3A_135 : memref<13x1x1x8x128xf32, #tpu.memory_space<hbm>> -> memref<13x8x128xf32, #tpu.memory_space<hbm>>
      %dma_start3A_137 = arith.constant 13 : i32
      %dma_start3A_138 = arith.constant 0 : i32
      %dma_start3A_139 = arith.constant 0 : i32
      %dma_start3A_140 = tpu.memref_slice %arg4[%dma_start3A_137, %add3A_126, %dma_start3A_127, %dma_start3A_138, %dma_start3A_139] : memref<50x50x2x8x128xf32, #tpu.memory_space<hbm>> -> memref<13x1x1x8x128xf32, #tpu.memory_space<hbm>>
      %dma_start3A_141 = tpu.memref_squeeze %dma_start3A_140 : memref<13x1x1x8x128xf32, #tpu.memory_space<hbm>> -> memref<13x8x128xf32, #tpu.memory_space<hbm>>
      %dma_start3A_142 = arith.constant 13 : i32
      %dma_start3A_143 = arith.constant 0 : i32
      %dma_start3A_144 = arith.constant 0 : i32
      %dma_start3A_145 = tpu.memref_slice %arg6[%dma_start3A_142, %dma_start3A_143, %dma_start3A_144] : memref<50x8x128xf32, #tpu.memory_space<vmem>> -> memref<13x8x128xf32, #tpu.memory_space<vmem>>
      tpu.enqueue_dma source(%dma_start3A_145 : memref<13x8x128xf32, #tpu.memory_space<vmem>>) target(%dma_start3A_141 : memref<13x8x128xf32, #tpu.memory_space<hbm>>) target_semaphore(%arg8 : memref<!tpu.dma_semaphore, #tpu.memory_space<semaphore_mem>>)
      %lt3A_146 = arith.constant 2 : i32
      %lt3A_147 = arith.cmpi slt, %arg1, %lt3A_146 : i32
      %convert_element_type3A_148 = arith.extui %lt3A_147 : i1 to i32
      %cond3A_149 = arith.constant 0 : i32
      %cond3A_150 = arith.cmpi ne, %convert_element_type3A_148, %cond3A_149 : i32
      scf.if %cond3A_150 {
        %add3A_526 = arith.constant 48 : i32
        %add3A_527 = arith.addi %add3A_526, %arg1 : i32
        %dma_start3A_528 = arith.constant 1 : i32
        %dma_start3A_529 = arith.constant 13 : i32
        %dma_start3A_530 = arith.constant 0 : i32
        %dma_start3A_531 = arith.constant 0 : i32
        %dma_start3A_532 = tpu.memref_slice %arg6[%dma_start3A_529, %dma_start3A_530, %dma_start3A_531] : memref<50x8x128xf32, #tpu.memory_space<vmem>> -> memref<13x8x128xf32, #tpu.memory_space<vmem>>
        %dma_start3A_533 = arith.constant 13 : i32
        %dma_start3A_534 = arith.constant 0 : i32
        %dma_start3A_535 = arith.constant 0 : i32
        %dma_start3A_536 = tpu.memref_slice %arg4[%dma_start3A_533, %add3A_527, %dma_start3A_528, %dma_start3A_534, %dma_start3A_535] : memref<50x50x2x8x128xf32, #tpu.memory_space<hbm>> -> memref<13x1x1x8x128xf32, #tpu.memory_space<hbm>>
        %dma_start3A_537 = tpu.memref_squeeze %dma_start3A_536 : memref<13x1x1x8x128xf32, #tpu.memory_space<hbm>> -> memref<13x8x128xf32, #tpu.memory_space<hbm>>
        %dma_start3A_538 = arith.constant 13 : i32
        %dma_start3A_539 = arith.constant 0 : i32
        %dma_start3A_540 = arith.constant 0 : i32
        %dma_start3A_541 = tpu.memref_slice %arg4[%dma_start3A_538, %add3A_527, %dma_start3A_528, %dma_start3A_539, %dma_start3A_540] : memref<50x50x2x8x128xf32, #tpu.memory_space<hbm>> -> memref<13x1x1x8x128xf32, #tpu.memory_space<hbm>>
        %dma_start3A_542 = tpu.memref_squeeze %dma_start3A_541 : memref<13x1x1x8x128xf32, #tpu.memory_space<hbm>> -> memref<13x8x128xf32, #tpu.memory_space<hbm>>
        %dma_start3A_543 = arith.constant 13 : i32
        %dma_start3A_544 = arith.constant 0 : i32
        %dma_start3A_545 = arith.constant 0 : i32
        %dma_start3A_546 = tpu.memref_slice %arg6[%dma_start3A_543, %dma_start3A_544, %dma_start3A_545] : memref<50x8x128xf32, #tpu.memory_space<vmem>> -> memref<13x8x128xf32, #tpu.memory_space<vmem>>
        tpu.enqueue_dma source(%dma_start3A_546 : memref<13x8x128xf32, #tpu.memory_space<vmem>>) target(%dma_start3A_542 : memref<13x8x128xf32, #tpu.memory_space<hbm>>) target_semaphore(%arg8 : memref<!tpu.dma_semaphore, #tpu.memory_space<semaphore_mem>>)
        %dma_wait3A_547 = arith.constant 1 : i32
        %dma_wait3A_548 = arith.constant 13 : i32
        %dma_wait3A_549 = arith.constant 0 : i32
        %dma_wait3A_550 = arith.constant 0 : i32
        %dma_wait3A_551 = tpu.memref_slice %arg6[%dma_wait3A_548, %dma_wait3A_549, %dma_wait3A_550] : memref<50x8x128xf32, #tpu.memory_space<vmem>> -> memref<13x8x128xf32, #tpu.memory_space<vmem>>
        %dma_wait3A_552 = arith.constant 13 : i32
        %dma_wait3A_553 = arith.constant 0 : i32
        %dma_wait3A_554 = arith.constant 0 : i32
        %dma_wait3A_555 = tpu.memref_slice %arg4[%dma_wait3A_552, %add3A_527, %dma_wait3A_547, %dma_wait3A_553, %dma_wait3A_554] : memref<50x50x2x8x128xf32, #tpu.memory_space<hbm>> -> memref<13x1x1x8x128xf32, #tpu.memory_space<hbm>>
        %dma_wait3A_556 = tpu.memref_squeeze %dma_wait3A_555 : memref<13x1x1x8x128xf32, #tpu.memory_space<hbm>> -> memref<13x8x128xf32, #tpu.memory_space<hbm>>
        %dma_wait3A_557 = arith.constant 13 : i32
        %dma_wait3A_558 = arith.constant 0 : i32
        %dma_wait3A_559 = arith.constant 0 : i32
        %dma_wait3A_560 = tpu.memref_slice %arg4[%dma_wait3A_557, %add3A_527, %dma_wait3A_547, %dma_wait3A_558, %dma_wait3A_559] : memref<50x50x2x8x128xf32, #tpu.memory_space<hbm>> -> memref<13x1x1x8x128xf32, #tpu.memory_space<hbm>>
        %dma_wait3A_561 = tpu.memref_squeeze %dma_wait3A_560 : memref<13x1x1x8x128xf32, #tpu.memory_space<hbm>> -> memref<13x8x128xf32, #tpu.memory_space<hbm>>
        %dma_wait3A_562 = arith.constant 13 : i32
        %dma_wait3A_563 = arith.constant 0 : i32
        %dma_wait3A_564 = arith.constant 0 : i32
        %dma_wait3A_565 = tpu.memref_slice %arg6[%dma_wait3A_562, %dma_wait3A_563, %dma_wait3A_564] : memref<50x8x128xf32, #tpu.memory_space<vmem>> -> memref<13x8x128xf32, #tpu.memory_space<vmem>>
        tpu.wait_dma2 semaphore(%arg8 : memref<!tpu.dma_semaphore, #tpu.memory_space<semaphore_mem>>) src(%dma_wait3A_565 : memref<13x8x128xf32, #tpu.memory_space<vmem>>) dst(%dma_wait3A_561 : memref<13x8x128xf32, #tpu.memory_space<hbm>>)
      } else {
      }
      %scan3A_151 = arith.constant 0 : i32
      %scan3A_152 = arith.constant 26 : i32
      %scan3A_153 = arith.constant 12 : i32
      %scan3A_154 = arith.addi %scan3A_152, %scan3A_153 : i32
      %scan3A_155 = arith.constant 1 : i32
      scf.for %scan3A_526 = %scan3A_152 to %scan3A_154 step %scan3A_155  : i32 {
        %get3A = arith.index_cast %scan3A_526 : i32 to index
        %get3A_527 = arith.constant 0 : index
        %get3A_528 = tpu.vector_load %arg5[%get3A, %get3A_527] {strides = array<i32>} : memref<50x128xf32, #tpu.memory_space<vmem>>, vector<16xf32>,
        %swap3A = arith.constant 0 : i32
        %swap3A_529 = arith.index_cast %scan3A_526 : i32 to index
        %swap3A_530 = arith.index_cast %swap3A : i32 to index
        %swap3A_531 = arith.constant 0 : index
        %swap3A_532 = tpu.vector_load %arg6[%swap3A_529, %swap3A_530, %swap3A_531] {strides = array<i32>} : memref<50x8x128xf32, #tpu.memory_space<vmem>>, vector<16xf32>,
        tpu.vector_store %arg6[%swap3A_529, %swap3A_530, %swap3A_531], %get3A_528 {strides = array<i32>} : memref<50x8x128xf32, #tpu.memory_space<vmem>>, vector<16xf32>,
        %swap3A_533 = arith.constant 1 : i32
        %swap3A_534 = arith.index_cast %scan3A_526 : i32 to index
        %swap3A_535 = arith.index_cast %swap3A_533 : i32 to index
        %swap3A_536 = arith.constant 0 : index
        %swap3A_537 = tpu.vector_load %arg6[%swap3A_534, %swap3A_535, %swap3A_536] {strides = array<i32>} : memref<50x8x128xf32, #tpu.memory_space<vmem>>, vector<16xf32>,
        tpu.vector_store %arg6[%swap3A_534, %swap3A_535, %swap3A_536], %get3A_528 {strides = array<i32>} : memref<50x8x128xf32, #tpu.memory_space<vmem>>, vector<16xf32>,
        %swap3A_538 = arith.constant 2 : i32
        %swap3A_539 = arith.index_cast %scan3A_526 : i32 to index
        %swap3A_540 = arith.index_cast %swap3A_538 : i32 to index
        %swap3A_541 = arith.constant 0 : index
        %swap3A_542 = tpu.vector_load %arg6[%swap3A_539, %swap3A_540, %swap3A_541] {strides = array<i32>} : memref<50x8x128xf32, #tpu.memory_space<vmem>>, vector<16xf32>,
        tpu.vector_store %arg6[%swap3A_539, %swap3A_540, %swap3A_541], %get3A_528 {strides = array<i32>} : memref<50x8x128xf32, #tpu.memory_space<vmem>>, vector<16xf32>,
        %swap3A_543 = arith.constant 3 : i32
        %swap3A_544 = arith.index_cast %scan3A_526 : i32 to index
        %swap3A_545 = arith.index_cast %swap3A_543 : i32 to index
        %swap3A_546 = arith.constant 0 : index
        %swap3A_547 = tpu.vector_load %arg6[%swap3A_544, %swap3A_545, %swap3A_546] {strides = array<i32>} : memref<50x8x128xf32, #tpu.memory_space<vmem>>, vector<16xf32>,
        tpu.vector_store %arg6[%swap3A_544, %swap3A_545, %swap3A_546], %get3A_528 {strides = array<i32>} : memref<50x8x128xf32, #tpu.memory_space<vmem>>, vector<16xf32>,
        %swap3A_548 = arith.constant 4 : i32
        %swap3A_549 = arith.index_cast %scan3A_526 : i32 to index
        %swap3A_550 = arith.index_cast %swap3A_548 : i32 to index
        %swap3A_551 = arith.constant 0 : index
        %swap3A_552 = tpu.vector_load %arg6[%swap3A_549, %swap3A_550, %swap3A_551] {strides = array<i32>} : memref<50x8x128xf32, #tpu.memory_space<vmem>>, vector<16xf32>,
        tpu.vector_store %arg6[%swap3A_549, %swap3A_550, %swap3A_551], %get3A_528 {strides = array<i32>} : memref<50x8x128xf32, #tpu.memory_space<vmem>>, vector<16xf32>,
        %swap3A_553 = arith.constant 5 : i32
        %swap3A_554 = arith.index_cast %scan3A_526 : i32 to index
        %swap3A_555 = arith.index_cast %swap3A_553 : i32 to index
        %swap3A_556 = arith.constant 0 : index
        %swap3A_557 = tpu.vector_load %arg6[%swap3A_554, %swap3A_555, %swap3A_556] {strides = array<i32>} : memref<50x8x128xf32, #tpu.memory_space<vmem>>, vector<16xf32>,
        tpu.vector_store %arg6[%swap3A_554, %swap3A_555, %swap3A_556], %get3A_528 {strides = array<i32>} : memref<50x8x128xf32, #tpu.memory_space<vmem>>, vector<16xf32>,
        %swap3A_558 = arith.constant 6 : i32
        %swap3A_559 = arith.index_cast %scan3A_526 : i32 to index
        %swap3A_560 = arith.index_cast %swap3A_558 : i32 to index
        %swap3A_561 = arith.constant 0 : index
        %swap3A_562 = tpu.vector_load %arg6[%swap3A_559, %swap3A_560, %swap3A_561] {strides = array<i32>} : memref<50x8x128xf32, #tpu.memory_space<vmem>>, vector<16xf32>,
        tpu.vector_store %arg6[%swap3A_559, %swap3A_560, %swap3A_561], %get3A_528 {strides = array<i32>} : memref<50x8x128xf32, #tpu.memory_space<vmem>>, vector<16xf32>,
        %swap3A_563 = arith.constant 7 : i32
        %swap3A_564 = arith.index_cast %scan3A_526 : i32 to index
        %swap3A_565 = arith.index_cast %swap3A_563 : i32 to index
        %swap3A_566 = arith.constant 0 : index
        %swap3A_567 = tpu.vector_load %arg6[%swap3A_564, %swap3A_565, %swap3A_566] {strides = array<i32>} : memref<50x8x128xf32, #tpu.memory_space<vmem>>, vector<16xf32>,
        tpu.vector_store %arg6[%swap3A_564, %swap3A_565, %swap3A_566], %get3A_528 {strides = array<i32>} : memref<50x8x128xf32, #tpu.memory_space<vmem>>, vector<16xf32>,
        %get3A_568 = arith.index_cast %scan3A_526 : i32 to index
        %get3A_569 = arith.constant 16 : index
        %get3A_570 = tpu.vector_load %arg5[%get3A_568, %get3A_569] {strides = array<i32>} : memref<50x128xf32, #tpu.memory_space<vmem>>, vector<16xf32>,
        %swap3A_571 = arith.constant 0 : i32
        %swap3A_572 = arith.index_cast %scan3A_526 : i32 to index
        %swap3A_573 = arith.index_cast %swap3A_571 : i32 to index
        %swap3A_574 = arith.constant 16 : index
        %swap3A_575 = tpu.vector_load %arg6[%swap3A_572, %swap3A_573, %swap3A_574] {strides = array<i32>} : memref<50x8x128xf32, #tpu.memory_space<vmem>>, vector<16xf32>,
        tpu.vector_store %arg6[%swap3A_572, %swap3A_573, %swap3A_574], %get3A_570 {strides = array<i32>} : memref<50x8x128xf32, #tpu.memory_space<vmem>>, vector<16xf32>,
        %swap3A_576 = arith.constant 1 : i32
        %swap3A_577 = arith.index_cast %scan3A_526 : i32 to index
        %swap3A_578 = arith.index_cast %swap3A_576 : i32 to index
        %swap3A_579 = arith.constant 16 : index
        %swap3A_580 = tpu.vector_load %arg6[%swap3A_577, %swap3A_578, %swap3A_579] {strides = array<i32>} : memref<50x8x128xf32, #tpu.memory_space<vmem>>, vector<16xf32>,
        tpu.vector_store %arg6[%swap3A_577, %swap3A_578, %swap3A_579], %get3A_570 {strides = array<i32>} : memref<50x8x128xf32, #tpu.memory_space<vmem>>, vector<16xf32>,
        %swap3A_581 = arith.constant 2 : i32
        %swap3A_582 = arith.index_cast %scan3A_526 : i32 to index
        %swap3A_583 = arith.index_cast %swap3A_581 : i32 to index
        %swap3A_584 = arith.constant 16 : index
        %swap3A_585 = tpu.vector_load %arg6[%swap3A_582, %swap3A_583, %swap3A_584] {strides = array<i32>} : memref<50x8x128xf32, #tpu.memory_space<vmem>>, vector<16xf32>,
        tpu.vector_store %arg6[%swap3A_582, %swap3A_583, %swap3A_584], %get3A_570 {strides = array<i32>} : memref<50x8x128xf32, #tpu.memory_space<vmem>>, vector<16xf32>,
        %swap3A_586 = arith.constant 3 : i32
        %swap3A_587 = arith.index_cast %scan3A_526 : i32 to index
        %swap3A_588 = arith.index_cast %swap3A_586 : i32 to index
        %swap3A_589 = arith.constant 16 : index
        %swap3A_590 = tpu.vector_load %arg6[%swap3A_587, %swap3A_588, %swap3A_589] {strides = array<i32>} : memref<50x8x128xf32, #tpu.memory_space<vmem>>, vector<16xf32>,
        tpu.vector_store %arg6[%swap3A_587, %swap3A_588, %swap3A_589], %get3A_570 {strides = array<i32>} : memref<50x8x128xf32, #tpu.memory_space<vmem>>, vector<16xf32>,
        %swap3A_591 = arith.constant 4 : i32
        %swap3A_592 = arith.index_cast %scan3A_526 : i32 to index
        %swap3A_593 = arith.index_cast %swap3A_591 : i32 to index
        %swap3A_594 = arith.constant 16 : index
        %swap3A_595 = tpu.vector_load %arg6[%swap3A_592, %swap3A_593, %swap3A_594] {strides = array<i32>} : memref<50x8x128xf32, #tpu.memory_space<vmem>>, vector<16xf32>,
        tpu.vector_store %arg6[%swap3A_592, %swap3A_593, %swap3A_594], %get3A_570 {strides = array<i32>} : memref<50x8x128xf32, #tpu.memory_space<vmem>>, vector<16xf32>,
        %swap3A_596 = arith.constant 5 : i32
        %swap3A_597 = arith.index_cast %scan3A_526 : i32 to index
        %swap3A_598 = arith.index_cast %swap3A_596 : i32 to index
        %swap3A_599 = arith.constant 16 : index
        %swap3A_600 = tpu.vector_load %arg6[%swap3A_597, %swap3A_598, %swap3A_599] {strides = array<i32>} : memref<50x8x128xf32, #tpu.memory_space<vmem>>, vector<16xf32>,
        tpu.vector_store %arg6[%swap3A_597, %swap3A_598, %swap3A_599], %get3A_570 {strides = array<i32>} : memref<50x8x128xf32, #tpu.memory_space<vmem>>, vector<16xf32>,
        %swap3A_601 = arith.constant 6 : i32
        %swap3A_602 = arith.index_cast %scan3A_526 : i32 to index
        %swap3A_603 = arith.index_cast %swap3A_601 : i32 to index
        %swap3A_604 = arith.constant 16 : index
        %swap3A_605 = tpu.vector_load %arg6[%swap3A_602, %swap3A_603, %swap3A_604] {strides = array<i32>} : memref<50x8x128xf32, #tpu.memory_space<vmem>>, vector<16xf32>,
        tpu.vector_store %arg6[%swap3A_602, %swap3A_603, %swap3A_604], %get3A_570 {strides = array<i32>} : memref<50x8x128xf32, #tpu.memory_space<vmem>>, vector<16xf32>,
        %swap3A_606 = arith.constant 7 : i32
        %swap3A_607 = arith.index_cast %scan3A_526 : i32 to index
        %swap3A_608 = arith.index_cast %swap3A_606 : i32 to index
        %swap3A_609 = arith.constant 16 : index
        %swap3A_610 = tpu.vector_load %arg6[%swap3A_607, %swap3A_608, %swap3A_609] {strides = array<i32>} : memref<50x8x128xf32, #tpu.memory_space<vmem>>, vector<16xf32>,
        tpu.vector_store %arg6[%swap3A_607, %swap3A_608, %swap3A_609], %get3A_570 {strides = array<i32>} : memref<50x8x128xf32, #tpu.memory_space<vmem>>, vector<16xf32>,
        %get3A_611 = arith.index_cast %scan3A_526 : i32 to index
        %get3A_612 = arith.constant 32 : index
        %get3A_613 = tpu.vector_load %arg5[%get3A_611, %get3A_612] {strides = array<i32>} : memref<50x128xf32, #tpu.memory_space<vmem>>, vector<16xf32>,
        %swap3A_614 = arith.constant 0 : i32
        %swap3A_615 = arith.index_cast %scan3A_526 : i32 to index
        %swap3A_616 = arith.index_cast %swap3A_614 : i32 to index
        %swap3A_617 = arith.constant 32 : index
        %swap3A_618 = tpu.vector_load %arg6[%swap3A_615, %swap3A_616, %swap3A_617] {strides = array<i32>} : memref<50x8x128xf32, #tpu.memory_space<vmem>>, vector<16xf32>,
        tpu.vector_store %arg6[%swap3A_615, %swap3A_616, %swap3A_617], %get3A_613 {strides = array<i32>} : memref<50x8x128xf32, #tpu.memory_space<vmem>>, vector<16xf32>,
        %swap3A_619 = arith.constant 1 : i32
        %swap3A_620 = arith.index_cast %scan3A_526 : i32 to index
        %swap3A_621 = arith.index_cast %swap3A_619 : i32 to index
        %swap3A_622 = arith.constant 32 : index
        %swap3A_623 = tpu.vector_load %arg6[%swap3A_620, %swap3A_621, %swap3A_622] {strides = array<i32>} : memref<50x8x128xf32, #tpu.memory_space<vmem>>, vector<16xf32>,
        tpu.vector_store %arg6[%swap3A_620, %swap3A_621, %swap3A_622], %get3A_613 {strides = array<i32>} : memref<50x8x128xf32, #tpu.memory_space<vmem>>, vector<16xf32>,
        %swap3A_624 = arith.constant 2 : i32
        %swap3A_625 = arith.index_cast %scan3A_526 : i32 to index
        %swap3A_626 = arith.index_cast %swap3A_624 : i32 to index
        %swap3A_627 = arith.constant 32 : index
        %swap3A_628 = tpu.vector_load %arg6[%swap3A_625, %swap3A_626, %swap3A_627] {strides = array<i32>} : memref<50x8x128xf32, #tpu.memory_space<vmem>>, vector<16xf32>,
        tpu.vector_store %arg6[%swap3A_625, %swap3A_626, %swap3A_627], %get3A_613 {strides = array<i32>} : memref<50x8x128xf32, #tpu.memory_space<vmem>>, vector<16xf32>,
        %swap3A_629 = arith.constant 3 : i32
        %swap3A_630 = arith.index_cast %scan3A_526 : i32 to index
        %swap3A_631 = arith.index_cast %swap3A_629 : i32 to index
        %swap3A_632 = arith.constant 32 : index
        %swap3A_633 = tpu.vector_load %arg6[%swap3A_630, %swap3A_631, %swap3A_632] {strides = array<i32>} : memref<50x8x128xf32, #tpu.memory_space<vmem>>, vector<16xf32>,
        tpu.vector_store %arg6[%swap3A_630, %swap3A_631, %swap3A_632], %get3A_613 {strides = array<i32>} : memref<50x8x128xf32, #tpu.memory_space<vmem>>, vector<16xf32>,
        %swap3A_634 = arith.constant 4 : i32
        %swap3A_635 = arith.index_cast %scan3A_526 : i32 to index
        %swap3A_636 = arith.index_cast %swap3A_634 : i32 to index
        %swap3A_637 = arith.constant 32 : index
        %swap3A_638 = tpu.vector_load %arg6[%swap3A_635, %swap3A_636, %swap3A_637] {strides = array<i32>} : memref<50x8x128xf32, #tpu.memory_space<vmem>>, vector<16xf32>,
        tpu.vector_store %arg6[%swap3A_635, %swap3A_636, %swap3A_637], %get3A_613 {strides = array<i32>} : memref<50x8x128xf32, #tpu.memory_space<vmem>>, vector<16xf32>,
        %swap3A_639 = arith.constant 5 : i32
        %swap3A_640 = arith.index_cast %scan3A_526 : i32 to index
        %swap3A_641 = arith.index_cast %swap3A_639 : i32 to index
        %swap3A_642 = arith.constant 32 : index
        %swap3A_643 = tpu.vector_load %arg6[%swap3A_640, %swap3A_641, %swap3A_642] {strides = array<i32>} : memref<50x8x128xf32, #tpu.memory_space<vmem>>, vector<16xf32>,
        tpu.vector_store %arg6[%swap3A_640, %swap3A_641, %swap3A_642], %get3A_613 {strides = array<i32>} : memref<50x8x128xf32, #tpu.memory_space<vmem>>, vector<16xf32>,
        %swap3A_644 = arith.constant 6 : i32
        %swap3A_645 = arith.index_cast %scan3A_526 : i32 to index
        %swap3A_646 = arith.index_cast %swap3A_644 : i32 to index
        %swap3A_647 = arith.constant 32 : index
        %swap3A_648 = tpu.vector_load %arg6[%swap3A_645, %swap3A_646, %swap3A_647] {strides = array<i32>} : memref<50x8x128xf32, #tpu.memory_space<vmem>>, vector<16xf32>,
        tpu.vector_store %arg6[%swap3A_645, %swap3A_646, %swap3A_647], %get3A_613 {strides = array<i32>} : memref<50x8x128xf32, #tpu.memory_space<vmem>>, vector<16xf32>,
        %swap3A_649 = arith.constant 7 : i32
        %swap3A_650 = arith.index_cast %scan3A_526 : i32 to index
        %swap3A_651 = arith.index_cast %swap3A_649 : i32 to index
        %swap3A_652 = arith.constant 32 : index
        %swap3A_653 = tpu.vector_load %arg6[%swap3A_650, %swap3A_651, %swap3A_652] {strides = array<i32>} : memref<50x8x128xf32, #tpu.memory_space<vmem>>, vector<16xf32>,
        tpu.vector_store %arg6[%swap3A_650, %swap3A_651, %swap3A_652], %get3A_613 {strides = array<i32>} : memref<50x8x128xf32, #tpu.memory_space<vmem>>, vector<16xf32>,
        %get3A_654 = arith.index_cast %scan3A_526 : i32 to index
        %get3A_655 = arith.constant 48 : index
        %get3A_656 = tpu.vector_load %arg5[%get3A_654, %get3A_655] {strides = array<i32>} : memref<50x128xf32, #tpu.memory_space<vmem>>, vector<16xf32>,
        %swap3A_657 = arith.constant 0 : i32
        %swap3A_658 = arith.index_cast %scan3A_526 : i32 to index
        %swap3A_659 = arith.index_cast %swap3A_657 : i32 to index
        %swap3A_660 = arith.constant 48 : index
        %swap3A_661 = tpu.vector_load %arg6[%swap3A_658, %swap3A_659, %swap3A_660] {strides = array<i32>} : memref<50x8x128xf32, #tpu.memory_space<vmem>>, vector<16xf32>,
        tpu.vector_store %arg6[%swap3A_658, %swap3A_659, %swap3A_660], %get3A_656 {strides = array<i32>} : memref<50x8x128xf32, #tpu.memory_space<vmem>>, vector<16xf32>,
        %swap3A_662 = arith.constant 1 : i32
        %swap3A_663 = arith.index_cast %scan3A_526 : i32 to index
        %swap3A_664 = arith.index_cast %swap3A_662 : i32 to index
        %swap3A_665 = arith.constant 48 : index
        %swap3A_666 = tpu.vector_load %arg6[%swap3A_663, %swap3A_664, %swap3A_665] {strides = array<i32>} : memref<50x8x128xf32, #tpu.memory_space<vmem>>, vector<16xf32>,
        tpu.vector_store %arg6[%swap3A_663, %swap3A_664, %swap3A_665], %get3A_656 {strides = array<i32>} : memref<50x8x128xf32, #tpu.memory_space<vmem>>, vector<16xf32>,
        %swap3A_667 = arith.constant 2 : i32
        %swap3A_668 = arith.index_cast %scan3A_526 : i32 to index
        %swap3A_669 = arith.index_cast %swap3A_667 : i32 to index
        %swap3A_670 = arith.constant 48 : index
        %swap3A_671 = tpu.vector_load %arg6[%swap3A_668, %swap3A_669, %swap3A_670] {strides = array<i32>} : memref<50x8x128xf32, #tpu.memory_space<vmem>>, vector<16xf32>,
        tpu.vector_store %arg6[%swap3A_668, %swap3A_669, %swap3A_670], %get3A_656 {strides = array<i32>} : memref<50x8x128xf32, #tpu.memory_space<vmem>>, vector<16xf32>,
        %swap3A_672 = arith.constant 3 : i32
        %swap3A_673 = arith.index_cast %scan3A_526 : i32 to index
        %swap3A_674 = arith.index_cast %swap3A_672 : i32 to index
        %swap3A_675 = arith.constant 48 : index
        %swap3A_676 = tpu.vector_load %arg6[%swap3A_673, %swap3A_674, %swap3A_675] {strides = array<i32>} : memref<50x8x128xf32, #tpu.memory_space<vmem>>, vector<16xf32>,
        tpu.vector_store %arg6[%swap3A_673, %swap3A_674, %swap3A_675], %get3A_656 {strides = array<i32>} : memref<50x8x128xf32, #tpu.memory_space<vmem>>, vector<16xf32>,
        %swap3A_677 = arith.constant 4 : i32
        %swap3A_678 = arith.index_cast %scan3A_526 : i32 to index
        %swap3A_679 = arith.index_cast %swap3A_677 : i32 to index
        %swap3A_680 = arith.constant 48 : index
        %swap3A_681 = tpu.vector_load %arg6[%swap3A_678, %swap3A_679, %swap3A_680] {strides = array<i32>} : memref<50x8x128xf32, #tpu.memory_space<vmem>>, vector<16xf32>,
        tpu.vector_store %arg6[%swap3A_678, %swap3A_679, %swap3A_680], %get3A_656 {strides = array<i32>} : memref<50x8x128xf32, #tpu.memory_space<vmem>>, vector<16xf32>,
        %swap3A_682 = arith.constant 5 : i32
        %swap3A_683 = arith.index_cast %scan3A_526 : i32 to index
        %swap3A_684 = arith.index_cast %swap3A_682 : i32 to index
        %swap3A_685 = arith.constant 48 : index
        %swap3A_686 = tpu.vector_load %arg6[%swap3A_683, %swap3A_684, %swap3A_685] {strides = array<i32>} : memref<50x8x128xf32, #tpu.memory_space<vmem>>, vector<16xf32>,
        tpu.vector_store %arg6[%swap3A_683, %swap3A_684, %swap3A_685], %get3A_656 {strides = array<i32>} : memref<50x8x128xf32, #tpu.memory_space<vmem>>, vector<16xf32>,
        %swap3A_687 = arith.constant 6 : i32
        %swap3A_688 = arith.index_cast %scan3A_526 : i32 to index
        %swap3A_689 = arith.index_cast %swap3A_687 : i32 to index
        %swap3A_690 = arith.constant 48 : index
        %swap3A_691 = tpu.vector_load %arg6[%swap3A_688, %swap3A_689, %swap3A_690] {strides = array<i32>} : memref<50x8x128xf32, #tpu.memory_space<vmem>>, vector<16xf32>,
        tpu.vector_store %arg6[%swap3A_688, %swap3A_689, %swap3A_690], %get3A_656 {strides = array<i32>} : memref<50x8x128xf32, #tpu.memory_space<vmem>>, vector<16xf32>,
        %swap3A_692 = arith.constant 7 : i32
        %swap3A_693 = arith.index_cast %scan3A_526 : i32 to index
        %swap3A_694 = arith.index_cast %swap3A_692 : i32 to index
        %swap3A_695 = arith.constant 48 : index
        %swap3A_696 = tpu.vector_load %arg6[%swap3A_693, %swap3A_694, %swap3A_695] {strides = array<i32>} : memref<50x8x128xf32, #tpu.memory_space<vmem>>, vector<16xf32>,
        tpu.vector_store %arg6[%swap3A_693, %swap3A_694, %swap3A_695], %get3A_656 {strides = array<i32>} : memref<50x8x128xf32, #tpu.memory_space<vmem>>, vector<16xf32>,
        %get3A_697 = arith.index_cast %scan3A_526 : i32 to index
        %get3A_698 = arith.constant 64 : index
        %get3A_699 = tpu.vector_load %arg5[%get3A_697, %get3A_698] {strides = array<i32>} : memref<50x128xf32, #tpu.memory_space<vmem>>, vector<16xf32>,
        %swap3A_700 = arith.constant 0 : i32
        %swap3A_701 = arith.index_cast %scan3A_526 : i32 to index
        %swap3A_702 = arith.index_cast %swap3A_700 : i32 to index
        %swap3A_703 = arith.constant 64 : index
        %swap3A_704 = tpu.vector_load %arg6[%swap3A_701, %swap3A_702, %swap3A_703] {strides = array<i32>} : memref<50x8x128xf32, #tpu.memory_space<vmem>>, vector<16xf32>,
        tpu.vector_store %arg6[%swap3A_701, %swap3A_702, %swap3A_703], %get3A_699 {strides = array<i32>} : memref<50x8x128xf32, #tpu.memory_space<vmem>>, vector<16xf32>,
        %swap3A_705 = arith.constant 1 : i32
        %swap3A_706 = arith.index_cast %scan3A_526 : i32 to index
        %swap3A_707 = arith.index_cast %swap3A_705 : i32 to index
        %swap3A_708 = arith.constant 64 : index
        %swap3A_709 = tpu.vector_load %arg6[%swap3A_706, %swap3A_707, %swap3A_708] {strides = array<i32>} : memref<50x8x128xf32, #tpu.memory_space<vmem>>, vector<16xf32>,
        tpu.vector_store %arg6[%swap3A_706, %swap3A_707, %swap3A_708], %get3A_699 {strides = array<i32>} : memref<50x8x128xf32, #tpu.memory_space<vmem>>, vector<16xf32>,
        %swap3A_710 = arith.constant 2 : i32
        %swap3A_711 = arith.index_cast %scan3A_526 : i32 to index
        %swap3A_712 = arith.index_cast %swap3A_710 : i32 to index
        %swap3A_713 = arith.constant 64 : index
        %swap3A_714 = tpu.vector_load %arg6[%swap3A_711, %swap3A_712, %swap3A_713] {strides = array<i32>} : memref<50x8x128xf32, #tpu.memory_space<vmem>>, vector<16xf32>,
        tpu.vector_store %arg6[%swap3A_711, %swap3A_712, %swap3A_713], %get3A_699 {strides = array<i32>} : memref<50x8x128xf32, #tpu.memory_space<vmem>>, vector<16xf32>,
        %swap3A_715 = arith.constant 3 : i32
        %swap3A_716 = arith.index_cast %scan3A_526 : i32 to index
        %swap3A_717 = arith.index_cast %swap3A_715 : i32 to index
        %swap3A_718 = arith.constant 64 : index
        %swap3A_719 = tpu.vector_load %arg6[%swap3A_716, %swap3A_717, %swap3A_718] {strides = array<i32>} : memref<50x8x128xf32, #tpu.memory_space<vmem>>, vector<16xf32>,
        tpu.vector_store %arg6[%swap3A_716, %swap3A_717, %swap3A_718], %get3A_699 {strides = array<i32>} : memref<50x8x128xf32, #tpu.memory_space<vmem>>, vector<16xf32>,
        %swap3A_720 = arith.constant 4 : i32
        %swap3A_721 = arith.index_cast %scan3A_526 : i32 to index
        %swap3A_722 = arith.index_cast %swap3A_720 : i32 to index
        %swap3A_723 = arith.constant 64 : index
        %swap3A_724 = tpu.vector_load %arg6[%swap3A_721, %swap3A_722, %swap3A_723] {strides = array<i32>} : memref<50x8x128xf32, #tpu.memory_space<vmem>>, vector<16xf32>,
        tpu.vector_store %arg6[%swap3A_721, %swap3A_722, %swap3A_723], %get3A_699 {strides = array<i32>} : memref<50x8x128xf32, #tpu.memory_space<vmem>>, vector<16xf32>,
        %swap3A_725 = arith.constant 5 : i32
        %swap3A_726 = arith.index_cast %scan3A_526 : i32 to index
        %swap3A_727 = arith.index_cast %swap3A_725 : i32 to index
        %swap3A_728 = arith.constant 64 : index
        %swap3A_729 = tpu.vector_load %arg6[%swap3A_726, %swap3A_727, %swap3A_728] {strides = array<i32>} : memref<50x8x128xf32, #tpu.memory_space<vmem>>, vector<16xf32>,
        tpu.vector_store %arg6[%swap3A_726, %swap3A_727, %swap3A_728], %get3A_699 {strides = array<i32>} : memref<50x8x128xf32, #tpu.memory_space<vmem>>, vector<16xf32>,
        %swap3A_730 = arith.constant 6 : i32
        %swap3A_731 = arith.index_cast %scan3A_526 : i32 to index
        %swap3A_732 = arith.index_cast %swap3A_730 : i32 to index
        %swap3A_733 = arith.constant 64 : index
        %swap3A_734 = tpu.vector_load %arg6[%swap3A_731, %swap3A_732, %swap3A_733] {strides = array<i32>} : memref<50x8x128xf32, #tpu.memory_space<vmem>>, vector<16xf32>,
        tpu.vector_store %arg6[%swap3A_731, %swap3A_732, %swap3A_733], %get3A_699 {strides = array<i32>} : memref<50x8x128xf32, #tpu.memory_space<vmem>>, vector<16xf32>,
        %swap3A_735 = arith.constant 7 : i32
        %swap3A_736 = arith.index_cast %scan3A_526 : i32 to index
        %swap3A_737 = arith.index_cast %swap3A_735 : i32 to index
        %swap3A_738 = arith.constant 64 : index
        %swap3A_739 = tpu.vector_load %arg6[%swap3A_736, %swap3A_737, %swap3A_738] {strides = array<i32>} : memref<50x8x128xf32, #tpu.memory_space<vmem>>, vector<16xf32>,
        tpu.vector_store %arg6[%swap3A_736, %swap3A_737, %swap3A_738], %get3A_699 {strides = array<i32>} : memref<50x8x128xf32, #tpu.memory_space<vmem>>, vector<16xf32>,
        %get3A_740 = arith.index_cast %scan3A_526 : i32 to index
        %get3A_741 = arith.constant 80 : index
        %get3A_742 = tpu.vector_load %arg5[%get3A_740, %get3A_741] {strides = array<i32>} : memref<50x128xf32, #tpu.memory_space<vmem>>, vector<16xf32>,
        %swap3A_743 = arith.constant 0 : i32
        %swap3A_744 = arith.index_cast %scan3A_526 : i32 to index
        %swap3A_745 = arith.index_cast %swap3A_743 : i32 to index
        %swap3A_746 = arith.constant 80 : index
        %swap3A_747 = tpu.vector_load %arg6[%swap3A_744, %swap3A_745, %swap3A_746] {strides = array<i32>} : memref<50x8x128xf32, #tpu.memory_space<vmem>>, vector<16xf32>,
        tpu.vector_store %arg6[%swap3A_744, %swap3A_745, %swap3A_746], %get3A_742 {strides = array<i32>} : memref<50x8x128xf32, #tpu.memory_space<vmem>>, vector<16xf32>,
        %swap3A_748 = arith.constant 1 : i32
        %swap3A_749 = arith.index_cast %scan3A_526 : i32 to index
        %swap3A_750 = arith.index_cast %swap3A_748 : i32 to index
        %swap3A_751 = arith.constant 80 : index
        %swap3A_752 = tpu.vector_load %arg6[%swap3A_749, %swap3A_750, %swap3A_751] {strides = array<i32>} : memref<50x8x128xf32, #tpu.memory_space<vmem>>, vector<16xf32>,
        tpu.vector_store %arg6[%swap3A_749, %swap3A_750, %swap3A_751], %get3A_742 {strides = array<i32>} : memref<50x8x128xf32, #tpu.memory_space<vmem>>, vector<16xf32>,
        %swap3A_753 = arith.constant 2 : i32
        %swap3A_754 = arith.index_cast %scan3A_526 : i32 to index
        %swap3A_755 = arith.index_cast %swap3A_753 : i32 to index
        %swap3A_756 = arith.constant 80 : index
        %swap3A_757 = tpu.vector_load %arg6[%swap3A_754, %swap3A_755, %swap3A_756] {strides = array<i32>} : memref<50x8x128xf32, #tpu.memory_space<vmem>>, vector<16xf32>,
        tpu.vector_store %arg6[%swap3A_754, %swap3A_755, %swap3A_756], %get3A_742 {strides = array<i32>} : memref<50x8x128xf32, #tpu.memory_space<vmem>>, vector<16xf32>,
        %swap3A_758 = arith.constant 3 : i32
        %swap3A_759 = arith.index_cast %scan3A_526 : i32 to index
        %swap3A_760 = arith.index_cast %swap3A_758 : i32 to index
        %swap3A_761 = arith.constant 80 : index
        %swap3A_762 = tpu.vector_load %arg6[%swap3A_759, %swap3A_760, %swap3A_761] {strides = array<i32>} : memref<50x8x128xf32, #tpu.memory_space<vmem>>, vector<16xf32>,
        tpu.vector_store %arg6[%swap3A_759, %swap3A_760, %swap3A_761], %get3A_742 {strides = array<i32>} : memref<50x8x128xf32, #tpu.memory_space<vmem>>, vector<16xf32>,
        %swap3A_763 = arith.constant 4 : i32
        %swap3A_764 = arith.index_cast %scan3A_526 : i32 to index
        %swap3A_765 = arith.index_cast %swap3A_763 : i32 to index
        %swap3A_766 = arith.constant 80 : index
        %swap3A_767 = tpu.vector_load %arg6[%swap3A_764, %swap3A_765, %swap3A_766] {strides = array<i32>} : memref<50x8x128xf32, #tpu.memory_space<vmem>>, vector<16xf32>,
        tpu.vector_store %arg6[%swap3A_764, %swap3A_765, %swap3A_766], %get3A_742 {strides = array<i32>} : memref<50x8x128xf32, #tpu.memory_space<vmem>>, vector<16xf32>,
        %swap3A_768 = arith.constant 5 : i32
        %swap3A_769 = arith.index_cast %scan3A_526 : i32 to index
        %swap3A_770 = arith.index_cast %swap3A_768 : i32 to index
        %swap3A_771 = arith.constant 80 : index
        %swap3A_772 = tpu.vector_load %arg6[%swap3A_769, %swap3A_770, %swap3A_771] {strides = array<i32>} : memref<50x8x128xf32, #tpu.memory_space<vmem>>, vector<16xf32>,
        tpu.vector_store %arg6[%swap3A_769, %swap3A_770, %swap3A_771], %get3A_742 {strides = array<i32>} : memref<50x8x128xf32, #tpu.memory_space<vmem>>, vector<16xf32>,
        %swap3A_773 = arith.constant 6 : i32
        %swap3A_774 = arith.index_cast %scan3A_526 : i32 to index
        %swap3A_775 = arith.index_cast %swap3A_773 : i32 to index
        %swap3A_776 = arith.constant 80 : index
        %swap3A_777 = tpu.vector_load %arg6[%swap3A_774, %swap3A_775, %swap3A_776] {strides = array<i32>} : memref<50x8x128xf32, #tpu.memory_space<vmem>>, vector<16xf32>,
        tpu.vector_store %arg6[%swap3A_774, %swap3A_775, %swap3A_776], %get3A_742 {strides = array<i32>} : memref<50x8x128xf32, #tpu.memory_space<vmem>>, vector<16xf32>,
        %swap3A_778 = arith.constant 7 : i32
        %swap3A_779 = arith.index_cast %scan3A_526 : i32 to index
        %swap3A_780 = arith.index_cast %swap3A_778 : i32 to index
        %swap3A_781 = arith.constant 80 : index
        %swap3A_782 = tpu.vector_load %arg6[%swap3A_779, %swap3A_780, %swap3A_781] {strides = array<i32>} : memref<50x8x128xf32, #tpu.memory_space<vmem>>, vector<16xf32>,
        tpu.vector_store %arg6[%swap3A_779, %swap3A_780, %swap3A_781], %get3A_742 {strides = array<i32>} : memref<50x8x128xf32, #tpu.memory_space<vmem>>, vector<16xf32>,
        %get3A_783 = arith.index_cast %scan3A_526 : i32 to index
        %get3A_784 = arith.constant 96 : index
        %get3A_785 = tpu.vector_load %arg5[%get3A_783, %get3A_784] {strides = array<i32>} : memref<50x128xf32, #tpu.memory_space<vmem>>, vector<16xf32>,
        %swap3A_786 = arith.constant 0 : i32
        %swap3A_787 = arith.index_cast %scan3A_526 : i32 to index
        %swap3A_788 = arith.index_cast %swap3A_786 : i32 to index
        %swap3A_789 = arith.constant 96 : index
        %swap3A_790 = tpu.vector_load %arg6[%swap3A_787, %swap3A_788, %swap3A_789] {strides = array<i32>} : memref<50x8x128xf32, #tpu.memory_space<vmem>>, vector<16xf32>,
        tpu.vector_store %arg6[%swap3A_787, %swap3A_788, %swap3A_789], %get3A_785 {strides = array<i32>} : memref<50x8x128xf32, #tpu.memory_space<vmem>>, vector<16xf32>,
        %swap3A_791 = arith.constant 1 : i32
        %swap3A_792 = arith.index_cast %scan3A_526 : i32 to index
        %swap3A_793 = arith.index_cast %swap3A_791 : i32 to index
        %swap3A_794 = arith.constant 96 : index
        %swap3A_795 = tpu.vector_load %arg6[%swap3A_792, %swap3A_793, %swap3A_794] {strides = array<i32>} : memref<50x8x128xf32, #tpu.memory_space<vmem>>, vector<16xf32>,
        tpu.vector_store %arg6[%swap3A_792, %swap3A_793, %swap3A_794], %get3A_785 {strides = array<i32>} : memref<50x8x128xf32, #tpu.memory_space<vmem>>, vector<16xf32>,
        %swap3A_796 = arith.constant 2 : i32
        %swap3A_797 = arith.index_cast %scan3A_526 : i32 to index
        %swap3A_798 = arith.index_cast %swap3A_796 : i32 to index
        %swap3A_799 = arith.constant 96 : index
        %swap3A_800 = tpu.vector_load %arg6[%swap3A_797, %swap3A_798, %swap3A_799] {strides = array<i32>} : memref<50x8x128xf32, #tpu.memory_space<vmem>>, vector<16xf32>,
        tpu.vector_store %arg6[%swap3A_797, %swap3A_798, %swap3A_799], %get3A_785 {strides = array<i32>} : memref<50x8x128xf32, #tpu.memory_space<vmem>>, vector<16xf32>,
        %swap3A_801 = arith.constant 3 : i32
        %swap3A_802 = arith.index_cast %scan3A_526 : i32 to index
        %swap3A_803 = arith.index_cast %swap3A_801 : i32 to index
        %swap3A_804 = arith.constant 96 : index
        %swap3A_805 = tpu.vector_load %arg6[%swap3A_802, %swap3A_803, %swap3A_804] {strides = array<i32>} : memref<50x8x128xf32, #tpu.memory_space<vmem>>, vector<16xf32>,
        tpu.vector_store %arg6[%swap3A_802, %swap3A_803, %swap3A_804], %get3A_785 {strides = array<i32>} : memref<50x8x128xf32, #tpu.memory_space<vmem>>, vector<16xf32>,
        %swap3A_806 = arith.constant 4 : i32
        %swap3A_807 = arith.index_cast %scan3A_526 : i32 to index
        %swap3A_808 = arith.index_cast %swap3A_806 : i32 to index
        %swap3A_809 = arith.constant 96 : index
        %swap3A_810 = tpu.vector_load %arg6[%swap3A_807, %swap3A_808, %swap3A_809] {strides = array<i32>} : memref<50x8x128xf32, #tpu.memory_space<vmem>>, vector<16xf32>,
        tpu.vector_store %arg6[%swap3A_807, %swap3A_808, %swap3A_809], %get3A_785 {strides = array<i32>} : memref<50x8x128xf32, #tpu.memory_space<vmem>>, vector<16xf32>,
        %swap3A_811 = arith.constant 5 : i32
        %swap3A_812 = arith.index_cast %scan3A_526 : i32 to index
        %swap3A_813 = arith.index_cast %swap3A_811 : i32 to index
        %swap3A_814 = arith.constant 96 : index
        %swap3A_815 = tpu.vector_load %arg6[%swap3A_812, %swap3A_813, %swap3A_814] {strides = array<i32>} : memref<50x8x128xf32, #tpu.memory_space<vmem>>, vector<16xf32>,
        tpu.vector_store %arg6[%swap3A_812, %swap3A_813, %swap3A_814], %get3A_785 {strides = array<i32>} : memref<50x8x128xf32, #tpu.memory_space<vmem>>, vector<16xf32>,
        %swap3A_816 = arith.constant 6 : i32
        %swap3A_817 = arith.index_cast %scan3A_526 : i32 to index
        %swap3A_818 = arith.index_cast %swap3A_816 : i32 to index
        %swap3A_819 = arith.constant 96 : index
        %swap3A_820 = tpu.vector_load %arg6[%swap3A_817, %swap3A_818, %swap3A_819] {strides = array<i32>} : memref<50x8x128xf32, #tpu.memory_space<vmem>>, vector<16xf32>,
        tpu.vector_store %arg6[%swap3A_817, %swap3A_818, %swap3A_819], %get3A_785 {strides = array<i32>} : memref<50x8x128xf32, #tpu.memory_space<vmem>>, vector<16xf32>,
        %swap3A_821 = arith.constant 7 : i32
        %swap3A_822 = arith.index_cast %scan3A_526 : i32 to index
        %swap3A_823 = arith.index_cast %swap3A_821 : i32 to index
        %swap3A_824 = arith.constant 96 : index
        %swap3A_825 = tpu.vector_load %arg6[%swap3A_822, %swap3A_823, %swap3A_824] {strides = array<i32>} : memref<50x8x128xf32, #tpu.memory_space<vmem>>, vector<16xf32>,
        tpu.vector_store %arg6[%swap3A_822, %swap3A_823, %swap3A_824], %get3A_785 {strides = array<i32>} : memref<50x8x128xf32, #tpu.memory_space<vmem>>, vector<16xf32>,
        %get3A_826 = arith.index_cast %scan3A_526 : i32 to index
        %get3A_827 = arith.constant 112 : index
        %get3A_828 = tpu.vector_load %arg5[%get3A_826, %get3A_827] {strides = array<i32>} : memref<50x128xf32, #tpu.memory_space<vmem>>, vector<16xf32>,
        %swap3A_829 = arith.constant 0 : i32
        %swap3A_830 = arith.index_cast %scan3A_526 : i32 to index
        %swap3A_831 = arith.index_cast %swap3A_829 : i32 to index
        %swap3A_832 = arith.constant 112 : index
        %swap3A_833 = tpu.vector_load %arg6[%swap3A_830, %swap3A_831, %swap3A_832] {strides = array<i32>} : memref<50x8x128xf32, #tpu.memory_space<vmem>>, vector<16xf32>,
        tpu.vector_store %arg6[%swap3A_830, %swap3A_831, %swap3A_832], %get3A_828 {strides = array<i32>} : memref<50x8x128xf32, #tpu.memory_space<vmem>>, vector<16xf32>,
        %swap3A_834 = arith.constant 1 : i32
        %swap3A_835 = arith.index_cast %scan3A_526 : i32 to index
        %swap3A_836 = arith.index_cast %swap3A_834 : i32 to index
        %swap3A_837 = arith.constant 112 : index
        %swap3A_838 = tpu.vector_load %arg6[%swap3A_835, %swap3A_836, %swap3A_837] {strides = array<i32>} : memref<50x8x128xf32, #tpu.memory_space<vmem>>, vector<16xf32>,
        tpu.vector_store %arg6[%swap3A_835, %swap3A_836, %swap3A_837], %get3A_828 {strides = array<i32>} : memref<50x8x128xf32, #tpu.memory_space<vmem>>, vector<16xf32>,
        %swap3A_839 = arith.constant 2 : i32
        %swap3A_840 = arith.index_cast %scan3A_526 : i32 to index
        %swap3A_841 = arith.index_cast %swap3A_839 : i32 to index
        %swap3A_842 = arith.constant 112 : index
        %swap3A_843 = tpu.vector_load %arg6[%swap3A_840, %swap3A_841, %swap3A_842] {strides = array<i32>} : memref<50x8x128xf32, #tpu.memory_space<vmem>>, vector<16xf32>,
        tpu.vector_store %arg6[%swap3A_840, %swap3A_841, %swap3A_842], %get3A_828 {strides = array<i32>} : memref<50x8x128xf32, #tpu.memory_space<vmem>>, vector<16xf32>,
        %swap3A_844 = arith.constant 3 : i32
        %swap3A_845 = arith.index_cast %scan3A_526 : i32 to index
        %swap3A_846 = arith.index_cast %swap3A_844 : i32 to index
        %swap3A_847 = arith.constant 112 : index
        %swap3A_848 = tpu.vector_load %arg6[%swap3A_845, %swap3A_846, %swap3A_847] {strides = array<i32>} : memref<50x8x128xf32, #tpu.memory_space<vmem>>, vector<16xf32>,
        tpu.vector_store %arg6[%swap3A_845, %swap3A_846, %swap3A_847], %get3A_828 {strides = array<i32>} : memref<50x8x128xf32, #tpu.memory_space<vmem>>, vector<16xf32>,
        %swap3A_849 = arith.constant 4 : i32
        %swap3A_850 = arith.index_cast %scan3A_526 : i32 to index
        %swap3A_851 = arith.index_cast %swap3A_849 : i32 to index
        %swap3A_852 = arith.constant 112 : index
        %swap3A_853 = tpu.vector_load %arg6[%swap3A_850, %swap3A_851, %swap3A_852] {strides = array<i32>} : memref<50x8x128xf32, #tpu.memory_space<vmem>>, vector<16xf32>,
        tpu.vector_store %arg6[%swap3A_850, %swap3A_851, %swap3A_852], %get3A_828 {strides = array<i32>} : memref<50x8x128xf32, #tpu.memory_space<vmem>>, vector<16xf32>,
        %swap3A_854 = arith.constant 5 : i32
        %swap3A_855 = arith.index_cast %scan3A_526 : i32 to index
        %swap3A_856 = arith.index_cast %swap3A_854 : i32 to index
        %swap3A_857 = arith.constant 112 : index
        %swap3A_858 = tpu.vector_load %arg6[%swap3A_855, %swap3A_856, %swap3A_857] {strides = array<i32>} : memref<50x8x128xf32, #tpu.memory_space<vmem>>, vector<16xf32>,
        tpu.vector_store %arg6[%swap3A_855, %swap3A_856, %swap3A_857], %get3A_828 {strides = array<i32>} : memref<50x8x128xf32, #tpu.memory_space<vmem>>, vector<16xf32>,
        %swap3A_859 = arith.constant 6 : i32
        %swap3A_860 = arith.index_cast %scan3A_526 : i32 to index
        %swap3A_861 = arith.index_cast %swap3A_859 : i32 to index
        %swap3A_862 = arith.constant 112 : index
        %swap3A_863 = tpu.vector_load %arg6[%swap3A_860, %swap3A_861, %swap3A_862] {strides = array<i32>} : memref<50x8x128xf32, #tpu.memory_space<vmem>>, vector<16xf32>,
        tpu.vector_store %arg6[%swap3A_860, %swap3A_861, %swap3A_862], %get3A_828 {strides = array<i32>} : memref<50x8x128xf32, #tpu.memory_space<vmem>>, vector<16xf32>,
        %swap3A_864 = arith.constant 7 : i32
        %swap3A_865 = arith.index_cast %scan3A_526 : i32 to index
        %swap3A_866 = arith.index_cast %swap3A_864 : i32 to index
        %swap3A_867 = arith.constant 112 : index
        %swap3A_868 = tpu.vector_load %arg6[%swap3A_865, %swap3A_866, %swap3A_867] {strides = array<i32>} : memref<50x8x128xf32, #tpu.memory_space<vmem>>, vector<16xf32>,
        tpu.vector_store %arg6[%swap3A_865, %swap3A_866, %swap3A_867], %get3A_828 {strides = array<i32>} : memref<50x8x128xf32, #tpu.memory_space<vmem>>, vector<16xf32>,
      }
      %scan3A_156 = arith.constant 12 : i32
      %add3A_157 = arith.constant 0 : i32
      %add3A_158 = arith.addi %arg1, %add3A_157 : i32
      %dma_start3A_159 = arith.constant 1 : i32
      %dma_start3A_160 = arith.constant 26 : i32
      %dma_start3A_161 = arith.constant 0 : i32
      %dma_start3A_162 = arith.constant 0 : i32
      %dma_start3A_163 = tpu.memref_slice %arg6[%dma_start3A_160, %dma_start3A_161, %dma_start3A_162] : memref<50x8x128xf32, #tpu.memory_space<vmem>> -> memref<12x8x128xf32, #tpu.memory_space<vmem>>
      %dma_start3A_164 = arith.constant 26 : i32
      %dma_start3A_165 = arith.constant 0 : i32
      %dma_start3A_166 = arith.constant 0 : i32
      %dma_start3A_167 = tpu.memref_slice %arg4[%dma_start3A_164, %add3A_158, %dma_start3A_159, %dma_start3A_165, %dma_start3A_166] : memref<50x50x2x8x128xf32, #tpu.memory_space<hbm>> -> memref<12x1x1x8x128xf32, #tpu.memory_space<hbm>>
      %dma_start3A_168 = tpu.memref_squeeze %dma_start3A_167 : memref<12x1x1x8x128xf32, #tpu.memory_space<hbm>> -> memref<12x8x128xf32, #tpu.memory_space<hbm>>
      %dma_start3A_169 = arith.constant 26 : i32
      %dma_start3A_170 = arith.constant 0 : i32
      %dma_start3A_171 = arith.constant 0 : i32
      %dma_start3A_172 = tpu.memref_slice %arg4[%dma_start3A_169, %add3A_158, %dma_start3A_159, %dma_start3A_170, %dma_start3A_171] : memref<50x50x2x8x128xf32, #tpu.memory_space<hbm>> -> memref<12x1x1x8x128xf32, #tpu.memory_space<hbm>>
      %dma_start3A_173 = tpu.memref_squeeze %dma_start3A_172 : memref<12x1x1x8x128xf32, #tpu.memory_space<hbm>> -> memref<12x8x128xf32, #tpu.memory_space<hbm>>
      %dma_start3A_174 = arith.constant 26 : i32
      %dma_start3A_175 = arith.constant 0 : i32
      %dma_start3A_176 = arith.constant 0 : i32
      %dma_start3A_177 = tpu.memref_slice %arg6[%dma_start3A_174, %dma_start3A_175, %dma_start3A_176] : memref<50x8x128xf32, #tpu.memory_space<vmem>> -> memref<12x8x128xf32, #tpu.memory_space<vmem>>
      tpu.enqueue_dma source(%dma_start3A_177 : memref<12x8x128xf32, #tpu.memory_space<vmem>>) target(%dma_start3A_173 : memref<12x8x128xf32, #tpu.memory_space<hbm>>) target_semaphore(%arg8 : memref<!tpu.dma_semaphore, #tpu.memory_space<semaphore_mem>>)
      %add3A_178 = arith.constant 16 : i32
      %add3A_179 = arith.addi %arg1, %add3A_178 : i32
      %dma_start3A_180 = arith.constant 1 : i32
      %dma_start3A_181 = arith.constant 26 : i32
      %dma_start3A_182 = arith.constant 0 : i32
      %dma_start3A_183 = arith.constant 0 : i32
      %dma_start3A_184 = tpu.memref_slice %arg6[%dma_start3A_181, %dma_start3A_182, %dma_start3A_183] : memref<50x8x128xf32, #tpu.memory_space<vmem>> -> memref<12x8x128xf32, #tpu.memory_space<vmem>>
      %dma_start3A_185 = arith.constant 26 : i32
      %dma_start3A_186 = arith.constant 0 : i32
      %dma_start3A_187 = arith.constant 0 : i32
      %dma_start3A_188 = tpu.memref_slice %arg4[%dma_start3A_185, %add3A_179, %dma_start3A_180, %dma_start3A_186, %dma_start3A_187] : memref<50x50x2x8x128xf32, #tpu.memory_space<hbm>> -> memref<12x1x1x8x128xf32, #tpu.memory_space<hbm>>
      %dma_start3A_189 = tpu.memref_squeeze %dma_start3A_188 : memref<12x1x1x8x128xf32, #tpu.memory_space<hbm>> -> memref<12x8x128xf32, #tpu.memory_space<hbm>>
      %dma_start3A_190 = arith.constant 26 : i32
      %dma_start3A_191 = arith.constant 0 : i32
      %dma_start3A_192 = arith.constant 0 : i32
      %dma_start3A_193 = tpu.memref_slice %arg4[%dma_start3A_190, %add3A_179, %dma_start3A_180, %dma_start3A_191, %dma_start3A_192] : memref<50x50x2x8x128xf32, #tpu.memory_space<hbm>> -> memref<12x1x1x8x128xf32, #tpu.memory_space<hbm>>
      %dma_start3A_194 = tpu.memref_squeeze %dma_start3A_193 : memref<12x1x1x8x128xf32, #tpu.memory_space<hbm>> -> memref<12x8x128xf32, #tpu.memory_space<hbm>>
      %dma_start3A_195 = arith.constant 26 : i32
      %dma_start3A_196 = arith.constant 0 : i32
      %dma_start3A_197 = arith.constant 0 : i32
      %dma_start3A_198 = tpu.memref_slice %arg6[%dma_start3A_195, %dma_start3A_196, %dma_start3A_197] : memref<50x8x128xf32, #tpu.memory_space<vmem>> -> memref<12x8x128xf32, #tpu.memory_space<vmem>>
      tpu.enqueue_dma source(%dma_start3A_198 : memref<12x8x128xf32, #tpu.memory_space<vmem>>) target(%dma_start3A_194 : memref<12x8x128xf32, #tpu.memory_space<hbm>>) target_semaphore(%arg8 : memref<!tpu.dma_semaphore, #tpu.memory_space<semaphore_mem>>)
      %add3A_199 = arith.constant 32 : i32
      %add3A_200 = arith.addi %arg1, %add3A_199 : i32
      %dma_start3A_201 = arith.constant 1 : i32
      %dma_start3A_202 = arith.constant 26 : i32
      %dma_start3A_203 = arith.constant 0 : i32
      %dma_start3A_204 = arith.constant 0 : i32
      %dma_start3A_205 = tpu.memref_slice %arg6[%dma_start3A_202, %dma_start3A_203, %dma_start3A_204] : memref<50x8x128xf32, #tpu.memory_space<vmem>> -> memref<12x8x128xf32, #tpu.memory_space<vmem>>
      %dma_start3A_206 = arith.constant 26 : i32
      %dma_start3A_207 = arith.constant 0 : i32
      %dma_start3A_208 = arith.constant 0 : i32
      %dma_start3A_209 = tpu.memref_slice %arg4[%dma_start3A_206, %add3A_200, %dma_start3A_201, %dma_start3A_207, %dma_start3A_208] : memref<50x50x2x8x128xf32, #tpu.memory_space<hbm>> -> memref<12x1x1x8x128xf32, #tpu.memory_space<hbm>>
      %dma_start3A_210 = tpu.memref_squeeze %dma_start3A_209 : memref<12x1x1x8x128xf32, #tpu.memory_space<hbm>> -> memref<12x8x128xf32, #tpu.memory_space<hbm>>
      %dma_start3A_211 = arith.constant 26 : i32
      %dma_start3A_212 = arith.constant 0 : i32
      %dma_start3A_213 = arith.constant 0 : i32
      %dma_start3A_214 = tpu.memref_slice %arg4[%dma_start3A_211, %add3A_200, %dma_start3A_201, %dma_start3A_212, %dma_start3A_213] : memref<50x50x2x8x128xf32, #tpu.memory_space<hbm>> -> memref<12x1x1x8x128xf32, #tpu.memory_space<hbm>>
      %dma_start3A_215 = tpu.memref_squeeze %dma_start3A_214 : memref<12x1x1x8x128xf32, #tpu.memory_space<hbm>> -> memref<12x8x128xf32, #tpu.memory_space<hbm>>
      %dma_start3A_216 = arith.constant 26 : i32
      %dma_start3A_217 = arith.constant 0 : i32
      %dma_start3A_218 = arith.constant 0 : i32
      %dma_start3A_219 = tpu.memref_slice %arg6[%dma_start3A_216, %dma_start3A_217, %dma_start3A_218] : memref<50x8x128xf32, #tpu.memory_space<vmem>> -> memref<12x8x128xf32, #tpu.memory_space<vmem>>
      tpu.enqueue_dma source(%dma_start3A_219 : memref<12x8x128xf32, #tpu.memory_space<vmem>>) target(%dma_start3A_215 : memref<12x8x128xf32, #tpu.memory_space<hbm>>) target_semaphore(%arg8 : memref<!tpu.dma_semaphore, #tpu.memory_space<semaphore_mem>>)
      %lt3A_220 = arith.constant 2 : i32
      %lt3A_221 = arith.cmpi slt, %arg1, %lt3A_220 : i32
      %convert_element_type3A_222 = arith.extui %lt3A_221 : i1 to i32
      %cond3A_223 = arith.constant 0 : i32
      %cond3A_224 = arith.cmpi ne, %convert_element_type3A_222, %cond3A_223 : i32
      scf.if %cond3A_224 {
        %add3A_526 = arith.constant 48 : i32
        %add3A_527 = arith.addi %add3A_526, %arg1 : i32
        %dma_start3A_528 = arith.constant 1 : i32
        %dma_start3A_529 = arith.constant 26 : i32
        %dma_start3A_530 = arith.constant 0 : i32
        %dma_start3A_531 = arith.constant 0 : i32
        %dma_start3A_532 = tpu.memref_slice %arg6[%dma_start3A_529, %dma_start3A_530, %dma_start3A_531] : memref<50x8x128xf32, #tpu.memory_space<vmem>> -> memref<12x8x128xf32, #tpu.memory_space<vmem>>
        %dma_start3A_533 = arith.constant 26 : i32
        %dma_start3A_534 = arith.constant 0 : i32
        %dma_start3A_535 = arith.constant 0 : i32
        %dma_start3A_536 = tpu.memref_slice %arg4[%dma_start3A_533, %add3A_527, %dma_start3A_528, %dma_start3A_534, %dma_start3A_535] : memref<50x50x2x8x128xf32, #tpu.memory_space<hbm>> -> memref<12x1x1x8x128xf32, #tpu.memory_space<hbm>>
        %dma_start3A_537 = tpu.memref_squeeze %dma_start3A_536 : memref<12x1x1x8x128xf32, #tpu.memory_space<hbm>> -> memref<12x8x128xf32, #tpu.memory_space<hbm>>
        %dma_start3A_538 = arith.constant 26 : i32
        %dma_start3A_539 = arith.constant 0 : i32
        %dma_start3A_540 = arith.constant 0 : i32
        %dma_start3A_541 = tpu.memref_slice %arg4[%dma_start3A_538, %add3A_527, %dma_start3A_528, %dma_start3A_539, %dma_start3A_540] : memref<50x50x2x8x128xf32, #tpu.memory_space<hbm>> -> memref<12x1x1x8x128xf32, #tpu.memory_space<hbm>>
        %dma_start3A_542 = tpu.memref_squeeze %dma_start3A_541 : memref<12x1x1x8x128xf32, #tpu.memory_space<hbm>> -> memref<12x8x128xf32, #tpu.memory_space<hbm>>
        %dma_start3A_543 = arith.constant 26 : i32
        %dma_start3A_544 = arith.constant 0 : i32
        %dma_start3A_545 = arith.constant 0 : i32
        %dma_start3A_546 = tpu.memref_slice %arg6[%dma_start3A_543, %dma_start3A_544, %dma_start3A_545] : memref<50x8x128xf32, #tpu.memory_space<vmem>> -> memref<12x8x128xf32, #tpu.memory_space<vmem>>
        tpu.enqueue_dma source(%dma_start3A_546 : memref<12x8x128xf32, #tpu.memory_space<vmem>>) target(%dma_start3A_542 : memref<12x8x128xf32, #tpu.memory_space<hbm>>) target_semaphore(%arg8 : memref<!tpu.dma_semaphore, #tpu.memory_space<semaphore_mem>>)
        %dma_wait3A_547 = arith.constant 1 : i32
        %dma_wait3A_548 = arith.constant 26 : i32
        %dma_wait3A_549 = arith.constant 0 : i32
        %dma_wait3A_550 = arith.constant 0 : i32
        %dma_wait3A_551 = tpu.memref_slice %arg6[%dma_wait3A_548, %dma_wait3A_549, %dma_wait3A_550] : memref<50x8x128xf32, #tpu.memory_space<vmem>> -> memref<12x8x128xf32, #tpu.memory_space<vmem>>
        %dma_wait3A_552 = arith.constant 26 : i32
        %dma_wait3A_553 = arith.constant 0 : i32
        %dma_wait3A_554 = arith.constant 0 : i32
        %dma_wait3A_555 = tpu.memref_slice %arg4[%dma_wait3A_552, %add3A_527, %dma_wait3A_547, %dma_wait3A_553, %dma_wait3A_554] : memref<50x50x2x8x128xf32, #tpu.memory_space<hbm>> -> memref<12x1x1x8x128xf32, #tpu.memory_space<hbm>>
        %dma_wait3A_556 = tpu.memref_squeeze %dma_wait3A_555 : memref<12x1x1x8x128xf32, #tpu.memory_space<hbm>> -> memref<12x8x128xf32, #tpu.memory_space<hbm>>
        %dma_wait3A_557 = arith.constant 26 : i32
        %dma_wait3A_558 = arith.constant 0 : i32
        %dma_wait3A_559 = arith.constant 0 : i32
        %dma_wait3A_560 = tpu.memref_slice %arg4[%dma_wait3A_557, %add3A_527, %dma_wait3A_547, %dma_wait3A_558, %dma_wait3A_559] : memref<50x50x2x8x128xf32, #tpu.memory_space<hbm>> -> memref<12x1x1x8x128xf32, #tpu.memory_space<hbm>>
        %dma_wait3A_561 = tpu.memref_squeeze %dma_wait3A_560 : memref<12x1x1x8x128xf32, #tpu.memory_space<hbm>> -> memref<12x8x128xf32, #tpu.memory_space<hbm>>
        %dma_wait3A_562 = arith.constant 26 : i32
        %dma_wait3A_563 = arith.constant 0 : i32
        %dma_wait3A_564 = arith.constant 0 : i32
        %dma_wait3A_565 = tpu.memref_slice %arg6[%dma_wait3A_562, %dma_wait3A_563, %dma_wait3A_564] : memref<50x8x128xf32, #tpu.memory_space<vmem>> -> memref<12x8x128xf32, #tpu.memory_space<vmem>>
        tpu.wait_dma2 semaphore(%arg8 : memref<!tpu.dma_semaphore, #tpu.memory_space<semaphore_mem>>) src(%dma_wait3A_565 : memref<12x8x128xf32, #tpu.memory_space<vmem>>) dst(%dma_wait3A_561 : memref<12x8x128xf32, #tpu.memory_space<hbm>>)
      } else {
      }
      %scan3A_225 = arith.constant 0 : i32
      %scan3A_226 = arith.constant 38 : i32
      %scan3A_227 = arith.constant 12 : i32
      %scan3A_228 = arith.addi %scan3A_226, %scan3A_227 : i32
      %scan3A_229 = arith.constant 1 : i32
      scf.for %scan3A_526 = %scan3A_226 to %scan3A_228 step %scan3A_229  : i32 {
        %get3A = arith.index_cast %scan3A_526 : i32 to index
        %get3A_527 = arith.constant 0 : index
        %get3A_528 = tpu.vector_load %arg5[%get3A, %get3A_527] {strides = array<i32>} : memref<50x128xf32, #tpu.memory_space<vmem>>, vector<16xf32>,
        %swap3A = arith.constant 0 : i32
        %swap3A_529 = arith.index_cast %scan3A_526 : i32 to index
        %swap3A_530 = arith.index_cast %swap3A : i32 to index
        %swap3A_531 = arith.constant 0 : index
        %swap3A_532 = tpu.vector_load %arg6[%swap3A_529, %swap3A_530, %swap3A_531] {strides = array<i32>} : memref<50x8x128xf32, #tpu.memory_space<vmem>>, vector<16xf32>,
        tpu.vector_store %arg6[%swap3A_529, %swap3A_530, %swap3A_531], %get3A_528 {strides = array<i32>} : memref<50x8x128xf32, #tpu.memory_space<vmem>>, vector<16xf32>,
        %swap3A_533 = arith.constant 1 : i32
        %swap3A_534 = arith.index_cast %scan3A_526 : i32 to index
        %swap3A_535 = arith.index_cast %swap3A_533 : i32 to index
        %swap3A_536 = arith.constant 0 : index
        %swap3A_537 = tpu.vector_load %arg6[%swap3A_534, %swap3A_535, %swap3A_536] {strides = array<i32>} : memref<50x8x128xf32, #tpu.memory_space<vmem>>, vector<16xf32>,
        tpu.vector_store %arg6[%swap3A_534, %swap3A_535, %swap3A_536], %get3A_528 {strides = array<i32>} : memref<50x8x128xf32, #tpu.memory_space<vmem>>, vector<16xf32>,
        %swap3A_538 = arith.constant 2 : i32
        %swap3A_539 = arith.index_cast %scan3A_526 : i32 to index
        %swap3A_540 = arith.index_cast %swap3A_538 : i32 to index
        %swap3A_541 = arith.constant 0 : index
        %swap3A_542 = tpu.vector_load %arg6[%swap3A_539, %swap3A_540, %swap3A_541] {strides = array<i32>} : memref<50x8x128xf32, #tpu.memory_space<vmem>>, vector<16xf32>,
        tpu.vector_store %arg6[%swap3A_539, %swap3A_540, %swap3A_541], %get3A_528 {strides = array<i32>} : memref<50x8x128xf32, #tpu.memory_space<vmem>>, vector<16xf32>,
        %swap3A_543 = arith.constant 3 : i32
        %swap3A_544 = arith.index_cast %scan3A_526 : i32 to index
        %swap3A_545 = arith.index_cast %swap3A_543 : i32 to index
        %swap3A_546 = arith.constant 0 : index
        %swap3A_547 = tpu.vector_load %arg6[%swap3A_544, %swap3A_545, %swap3A_546] {strides = array<i32>} : memref<50x8x128xf32, #tpu.memory_space<vmem>>, vector<16xf32>,
        tpu.vector_store %arg6[%swap3A_544, %swap3A_545, %swap3A_546], %get3A_528 {strides = array<i32>} : memref<50x8x128xf32, #tpu.memory_space<vmem>>, vector<16xf32>,
        %swap3A_548 = arith.constant 4 : i32
        %swap3A_549 = arith.index_cast %scan3A_526 : i32 to index
        %swap3A_550 = arith.index_cast %swap3A_548 : i32 to index
        %swap3A_551 = arith.constant 0 : index
        %swap3A_552 = tpu.vector_load %arg6[%swap3A_549, %swap3A_550, %swap3A_551] {strides = array<i32>} : memref<50x8x128xf32, #tpu.memory_space<vmem>>, vector<16xf32>,
        tpu.vector_store %arg6[%swap3A_549, %swap3A_550, %swap3A_551], %get3A_528 {strides = array<i32>} : memref<50x8x128xf32, #tpu.memory_space<vmem>>, vector<16xf32>,
        %swap3A_553 = arith.constant 5 : i32
        %swap3A_554 = arith.index_cast %scan3A_526 : i32 to index
        %swap3A_555 = arith.index_cast %swap3A_553 : i32 to index
        %swap3A_556 = arith.constant 0 : index
        %swap3A_557 = tpu.vector_load %arg6[%swap3A_554, %swap3A_555, %swap3A_556] {strides = array<i32>} : memref<50x8x128xf32, #tpu.memory_space<vmem>>, vector<16xf32>,
        tpu.vector_store %arg6[%swap3A_554, %swap3A_555, %swap3A_556], %get3A_528 {strides = array<i32>} : memref<50x8x128xf32, #tpu.memory_space<vmem>>, vector<16xf32>,
        %swap3A_558 = arith.constant 6 : i32
        %swap3A_559 = arith.index_cast %scan3A_526 : i32 to index
        %swap3A_560 = arith.index_cast %swap3A_558 : i32 to index
        %swap3A_561 = arith.constant 0 : index
        %swap3A_562 = tpu.vector_load %arg6[%swap3A_559, %swap3A_560, %swap3A_561] {strides = array<i32>} : memref<50x8x128xf32, #tpu.memory_space<vmem>>, vector<16xf32>,
        tpu.vector_store %arg6[%swap3A_559, %swap3A_560, %swap3A_561], %get3A_528 {strides = array<i32>} : memref<50x8x128xf32, #tpu.memory_space<vmem>>, vector<16xf32>,
        %swap3A_563 = arith.constant 7 : i32
        %swap3A_564 = arith.index_cast %scan3A_526 : i32 to index
        %swap3A_565 = arith.index_cast %swap3A_563 : i32 to index
        %swap3A_566 = arith.constant 0 : index
        %swap3A_567 = tpu.vector_load %arg6[%swap3A_564, %swap3A_565, %swap3A_566] {strides = array<i32>} : memref<50x8x128xf32, #tpu.memory_space<vmem>>, vector<16xf32>,
        tpu.vector_store %arg6[%swap3A_564, %swap3A_565, %swap3A_566], %get3A_528 {strides = array<i32>} : memref<50x8x128xf32, #tpu.memory_space<vmem>>, vector<16xf32>,
        %get3A_568 = arith.index_cast %scan3A_526 : i32 to index
        %get3A_569 = arith.constant 16 : index
        %get3A_570 = tpu.vector_load %arg5[%get3A_568, %get3A_569] {strides = array<i32>} : memref<50x128xf32, #tpu.memory_space<vmem>>, vector<16xf32>,
        %swap3A_571 = arith.constant 0 : i32
        %swap3A_572 = arith.index_cast %scan3A_526 : i32 to index
        %swap3A_573 = arith.index_cast %swap3A_571 : i32 to index
        %swap3A_574 = arith.constant 16 : index
        %swap3A_575 = tpu.vector_load %arg6[%swap3A_572, %swap3A_573, %swap3A_574] {strides = array<i32>} : memref<50x8x128xf32, #tpu.memory_space<vmem>>, vector<16xf32>,
        tpu.vector_store %arg6[%swap3A_572, %swap3A_573, %swap3A_574], %get3A_570 {strides = array<i32>} : memref<50x8x128xf32, #tpu.memory_space<vmem>>, vector<16xf32>,
        %swap3A_576 = arith.constant 1 : i32
        %swap3A_577 = arith.index_cast %scan3A_526 : i32 to index
        %swap3A_578 = arith.index_cast %swap3A_576 : i32 to index
        %swap3A_579 = arith.constant 16 : index
        %swap3A_580 = tpu.vector_load %arg6[%swap3A_577, %swap3A_578, %swap3A_579] {strides = array<i32>} : memref<50x8x128xf32, #tpu.memory_space<vmem>>, vector<16xf32>,
        tpu.vector_store %arg6[%swap3A_577, %swap3A_578, %swap3A_579], %get3A_570 {strides = array<i32>} : memref<50x8x128xf32, #tpu.memory_space<vmem>>, vector<16xf32>,
        %swap3A_581 = arith.constant 2 : i32
        %swap3A_582 = arith.index_cast %scan3A_526 : i32 to index
        %swap3A_583 = arith.index_cast %swap3A_581 : i32 to index
        %swap3A_584 = arith.constant 16 : index
        %swap3A_585 = tpu.vector_load %arg6[%swap3A_582, %swap3A_583, %swap3A_584] {strides = array<i32>} : memref<50x8x128xf32, #tpu.memory_space<vmem>>, vector<16xf32>,
        tpu.vector_store %arg6[%swap3A_582, %swap3A_583, %swap3A_584], %get3A_570 {strides = array<i32>} : memref<50x8x128xf32, #tpu.memory_space<vmem>>, vector<16xf32>,
        %swap3A_586 = arith.constant 3 : i32
        %swap3A_587 = arith.index_cast %scan3A_526 : i32 to index
        %swap3A_588 = arith.index_cast %swap3A_586 : i32 to index
        %swap3A_589 = arith.constant 16 : index
        %swap3A_590 = tpu.vector_load %arg6[%swap3A_587, %swap3A_588, %swap3A_589] {strides = array<i32>} : memref<50x8x128xf32, #tpu.memory_space<vmem>>, vector<16xf32>,
        tpu.vector_store %arg6[%swap3A_587, %swap3A_588, %swap3A_589], %get3A_570 {strides = array<i32>} : memref<50x8x128xf32, #tpu.memory_space<vmem>>, vector<16xf32>,
        %swap3A_591 = arith.constant 4 : i32
        %swap3A_592 = arith.index_cast %scan3A_526 : i32 to index
        %swap3A_593 = arith.index_cast %swap3A_591 : i32 to index
        %swap3A_594 = arith.constant 16 : index
        %swap3A_595 = tpu.vector_load %arg6[%swap3A_592, %swap3A_593, %swap3A_594] {strides = array<i32>} : memref<50x8x128xf32, #tpu.memory_space<vmem>>, vector<16xf32>,
        tpu.vector_store %arg6[%swap3A_592, %swap3A_593, %swap3A_594], %get3A_570 {strides = array<i32>} : memref<50x8x128xf32, #tpu.memory_space<vmem>>, vector<16xf32>,
        %swap3A_596 = arith.constant 5 : i32
        %swap3A_597 = arith.index_cast %scan3A_526 : i32 to index
        %swap3A_598 = arith.index_cast %swap3A_596 : i32 to index
        %swap3A_599 = arith.constant 16 : index
        %swap3A_600 = tpu.vector_load %arg6[%swap3A_597, %swap3A_598, %swap3A_599] {strides = array<i32>} : memref<50x8x128xf32, #tpu.memory_space<vmem>>, vector<16xf32>,
        tpu.vector_store %arg6[%swap3A_597, %swap3A_598, %swap3A_599], %get3A_570 {strides = array<i32>} : memref<50x8x128xf32, #tpu.memory_space<vmem>>, vector<16xf32>,
        %swap3A_601 = arith.constant 6 : i32
        %swap3A_602 = arith.index_cast %scan3A_526 : i32 to index
        %swap3A_603 = arith.index_cast %swap3A_601 : i32 to index
        %swap3A_604 = arith.constant 16 : index
        %swap3A_605 = tpu.vector_load %arg6[%swap3A_602, %swap3A_603, %swap3A_604] {strides = array<i32>} : memref<50x8x128xf32, #tpu.memory_space<vmem>>, vector<16xf32>,
        tpu.vector_store %arg6[%swap3A_602, %swap3A_603, %swap3A_604], %get3A_570 {strides = array<i32>} : memref<50x8x128xf32, #tpu.memory_space<vmem>>, vector<16xf32>,
        %swap3A_606 = arith.constant 7 : i32
        %swap3A_607 = arith.index_cast %scan3A_526 : i32 to index
        %swap3A_608 = arith.index_cast %swap3A_606 : i32 to index
        %swap3A_609 = arith.constant 16 : index
        %swap3A_610 = tpu.vector_load %arg6[%swap3A_607, %swap3A_608, %swap3A_609] {strides = array<i32>} : memref<50x8x128xf32, #tpu.memory_space<vmem>>, vector<16xf32>,
        tpu.vector_store %arg6[%swap3A_607, %swap3A_608, %swap3A_609], %get3A_570 {strides = array<i32>} : memref<50x8x128xf32, #tpu.memory_space<vmem>>, vector<16xf32>,
        %get3A_611 = arith.index_cast %scan3A_526 : i32 to index
        %get3A_612 = arith.constant 32 : index
        %get3A_613 = tpu.vector_load %arg5[%get3A_611, %get3A_612] {strides = array<i32>} : memref<50x128xf32, #tpu.memory_space<vmem>>, vector<16xf32>,
        %swap3A_614 = arith.constant 0 : i32
        %swap3A_615 = arith.index_cast %scan3A_526 : i32 to index
        %swap3A_616 = arith.index_cast %swap3A_614 : i32 to index
        %swap3A_617 = arith.constant 32 : index
        %swap3A_618 = tpu.vector_load %arg6[%swap3A_615, %swap3A_616, %swap3A_617] {strides = array<i32>} : memref<50x8x128xf32, #tpu.memory_space<vmem>>, vector<16xf32>,
        tpu.vector_store %arg6[%swap3A_615, %swap3A_616, %swap3A_617], %get3A_613 {strides = array<i32>} : memref<50x8x128xf32, #tpu.memory_space<vmem>>, vector<16xf32>,
        %swap3A_619 = arith.constant 1 : i32
        %swap3A_620 = arith.index_cast %scan3A_526 : i32 to index
        %swap3A_621 = arith.index_cast %swap3A_619 : i32 to index
        %swap3A_622 = arith.constant 32 : index
        %swap3A_623 = tpu.vector_load %arg6[%swap3A_620, %swap3A_621, %swap3A_622] {strides = array<i32>} : memref<50x8x128xf32, #tpu.memory_space<vmem>>, vector<16xf32>,
        tpu.vector_store %arg6[%swap3A_620, %swap3A_621, %swap3A_622], %get3A_613 {strides = array<i32>} : memref<50x8x128xf32, #tpu.memory_space<vmem>>, vector<16xf32>,
        %swap3A_624 = arith.constant 2 : i32
        %swap3A_625 = arith.index_cast %scan3A_526 : i32 to index
        %swap3A_626 = arith.index_cast %swap3A_624 : i32 to index
        %swap3A_627 = arith.constant 32 : index
        %swap3A_628 = tpu.vector_load %arg6[%swap3A_625, %swap3A_626, %swap3A_627] {strides = array<i32>} : memref<50x8x128xf32, #tpu.memory_space<vmem>>, vector<16xf32>,
        tpu.vector_store %arg6[%swap3A_625, %swap3A_626, %swap3A_627], %get3A_613 {strides = array<i32>} : memref<50x8x128xf32, #tpu.memory_space<vmem>>, vector<16xf32>,
        %swap3A_629 = arith.constant 3 : i32
        %swap3A_630 = arith.index_cast %scan3A_526 : i32 to index
        %swap3A_631 = arith.index_cast %swap3A_629 : i32 to index
        %swap3A_632 = arith.constant 32 : index
        %swap3A_633 = tpu.vector_load %arg6[%swap3A_630, %swap3A_631, %swap3A_632] {strides = array<i32>} : memref<50x8x128xf32, #tpu.memory_space<vmem>>, vector<16xf32>,
        tpu.vector_store %arg6[%swap3A_630, %swap3A_631, %swap3A_632], %get3A_613 {strides = array<i32>} : memref<50x8x128xf32, #tpu.memory_space<vmem>>, vector<16xf32>,
        %swap3A_634 = arith.constant 4 : i32
        %swap3A_635 = arith.index_cast %scan3A_526 : i32 to index
        %swap3A_636 = arith.index_cast %swap3A_634 : i32 to index
        %swap3A_637 = arith.constant 32 : index
        %swap3A_638 = tpu.vector_load %arg6[%swap3A_635, %swap3A_636, %swap3A_637] {strides = array<i32>} : memref<50x8x128xf32, #tpu.memory_space<vmem>>, vector<16xf32>,
        tpu.vector_store %arg6[%swap3A_635, %swap3A_636, %swap3A_637], %get3A_613 {strides = array<i32>} : memref<50x8x128xf32, #tpu.memory_space<vmem>>, vector<16xf32>,
        %swap3A_639 = arith.constant 5 : i32
        %swap3A_640 = arith.index_cast %scan3A_526 : i32 to index
        %swap3A_641 = arith.index_cast %swap3A_639 : i32 to index
        %swap3A_642 = arith.constant 32 : index
        %swap3A_643 = tpu.vector_load %arg6[%swap3A_640, %swap3A_641, %swap3A_642] {strides = array<i32>} : memref<50x8x128xf32, #tpu.memory_space<vmem>>, vector<16xf32>,
        tpu.vector_store %arg6[%swap3A_640, %swap3A_641, %swap3A_642], %get3A_613 {strides = array<i32>} : memref<50x8x128xf32, #tpu.memory_space<vmem>>, vector<16xf32>,
        %swap3A_644 = arith.constant 6 : i32
        %swap3A_645 = arith.index_cast %scan3A_526 : i32 to index
        %swap3A_646 = arith.index_cast %swap3A_644 : i32 to index
        %swap3A_647 = arith.constant 32 : index
        %swap3A_648 = tpu.vector_load %arg6[%swap3A_645, %swap3A_646, %swap3A_647] {strides = array<i32>} : memref<50x8x128xf32, #tpu.memory_space<vmem>>, vector<16xf32>,
        tpu.vector_store %arg6[%swap3A_645, %swap3A_646, %swap3A_647], %get3A_613 {strides = array<i32>} : memref<50x8x128xf32, #tpu.memory_space<vmem>>, vector<16xf32>,
        %swap3A_649 = arith.constant 7 : i32
        %swap3A_650 = arith.index_cast %scan3A_526 : i32 to index
        %swap3A_651 = arith.index_cast %swap3A_649 : i32 to index
        %swap3A_652 = arith.constant 32 : index
        %swap3A_653 = tpu.vector_load %arg6[%swap3A_650, %swap3A_651, %swap3A_652] {strides = array<i32>} : memref<50x8x128xf32, #tpu.memory_space<vmem>>, vector<16xf32>,
        tpu.vector_store %arg6[%swap3A_650, %swap3A_651, %swap3A_652], %get3A_613 {strides = array<i32>} : memref<50x8x128xf32, #tpu.memory_space<vmem>>, vector<16xf32>,
        %get3A_654 = arith.index_cast %scan3A_526 : i32 to index
        %get3A_655 = arith.constant 48 : index
        %get3A_656 = tpu.vector_load %arg5[%get3A_654, %get3A_655] {strides = array<i32>} : memref<50x128xf32, #tpu.memory_space<vmem>>, vector<16xf32>,
        %swap3A_657 = arith.constant 0 : i32
        %swap3A_658 = arith.index_cast %scan3A_526 : i32 to index
        %swap3A_659 = arith.index_cast %swap3A_657 : i32 to index
        %swap3A_660 = arith.constant 48 : index
        %swap3A_661 = tpu.vector_load %arg6[%swap3A_658, %swap3A_659, %swap3A_660] {strides = array<i32>} : memref<50x8x128xf32, #tpu.memory_space<vmem>>, vector<16xf32>,
        tpu.vector_store %arg6[%swap3A_658, %swap3A_659, %swap3A_660], %get3A_656 {strides = array<i32>} : memref<50x8x128xf32, #tpu.memory_space<vmem>>, vector<16xf32>,
        %swap3A_662 = arith.constant 1 : i32
        %swap3A_663 = arith.index_cast %scan3A_526 : i32 to index
        %swap3A_664 = arith.index_cast %swap3A_662 : i32 to index
        %swap3A_665 = arith.constant 48 : index
        %swap3A_666 = tpu.vector_load %arg6[%swap3A_663, %swap3A_664, %swap3A_665] {strides = array<i32>} : memref<50x8x128xf32, #tpu.memory_space<vmem>>, vector<16xf32>,
        tpu.vector_store %arg6[%swap3A_663, %swap3A_664, %swap3A_665], %get3A_656 {strides = array<i32>} : memref<50x8x128xf32, #tpu.memory_space<vmem>>, vector<16xf32>,
        %swap3A_667 = arith.constant 2 : i32
        %swap3A_668 = arith.index_cast %scan3A_526 : i32 to index
        %swap3A_669 = arith.index_cast %swap3A_667 : i32 to index
        %swap3A_670 = arith.constant 48 : index
        %swap3A_671 = tpu.vector_load %arg6[%swap3A_668, %swap3A_669, %swap3A_670] {strides = array<i32>} : memref<50x8x128xf32, #tpu.memory_space<vmem>>, vector<16xf32>,
        tpu.vector_store %arg6[%swap3A_668, %swap3A_669, %swap3A_670], %get3A_656 {strides = array<i32>} : memref<50x8x128xf32, #tpu.memory_space<vmem>>, vector<16xf32>,
        %swap3A_672 = arith.constant 3 : i32
        %swap3A_673 = arith.index_cast %scan3A_526 : i32 to index
        %swap3A_674 = arith.index_cast %swap3A_672 : i32 to index
        %swap3A_675 = arith.constant 48 : index
        %swap3A_676 = tpu.vector_load %arg6[%swap3A_673, %swap3A_674, %swap3A_675] {strides = array<i32>} : memref<50x8x128xf32, #tpu.memory_space<vmem>>, vector<16xf32>,
        tpu.vector_store %arg6[%swap3A_673, %swap3A_674, %swap3A_675], %get3A_656 {strides = array<i32>} : memref<50x8x128xf32, #tpu.memory_space<vmem>>, vector<16xf32>,
        %swap3A_677 = arith.constant 4 : i32
        %swap3A_678 = arith.index_cast %scan3A_526 : i32 to index
        %swap3A_679 = arith.index_cast %swap3A_677 : i32 to index
        %swap3A_680 = arith.constant 48 : index
        %swap3A_681 = tpu.vector_load %arg6[%swap3A_678, %swap3A_679, %swap3A_680] {strides = array<i32>} : memref<50x8x128xf32, #tpu.memory_space<vmem>>, vector<16xf32>,
        tpu.vector_store %arg6[%swap3A_678, %swap3A_679, %swap3A_680], %get3A_656 {strides = array<i32>} : memref<50x8x128xf32, #tpu.memory_space<vmem>>, vector<16xf32>,
        %swap3A_682 = arith.constant 5 : i32
        %swap3A_683 = arith.index_cast %scan3A_526 : i32 to index
        %swap3A_684 = arith.index_cast %swap3A_682 : i32 to index
        %swap3A_685 = arith.constant 48 : index
        %swap3A_686 = tpu.vector_load %arg6[%swap3A_683, %swap3A_684, %swap3A_685] {strides = array<i32>} : memref<50x8x128xf32, #tpu.memory_space<vmem>>, vector<16xf32>,
        tpu.vector_store %arg6[%swap3A_683, %swap3A_684, %swap3A_685], %get3A_656 {strides = array<i32>} : memref<50x8x128xf32, #tpu.memory_space<vmem>>, vector<16xf32>,
        %swap3A_687 = arith.constant 6 : i32
        %swap3A_688 = arith.index_cast %scan3A_526 : i32 to index
        %swap3A_689 = arith.index_cast %swap3A_687 : i32 to index
        %swap3A_690 = arith.constant 48 : index
        %swap3A_691 = tpu.vector_load %arg6[%swap3A_688, %swap3A_689, %swap3A_690] {strides = array<i32>} : memref<50x8x128xf32, #tpu.memory_space<vmem>>, vector<16xf32>,
        tpu.vector_store %arg6[%swap3A_688, %swap3A_689, %swap3A_690], %get3A_656 {strides = array<i32>} : memref<50x8x128xf32, #tpu.memory_space<vmem>>, vector<16xf32>,
        %swap3A_692 = arith.constant 7 : i32
        %swap3A_693 = arith.index_cast %scan3A_526 : i32 to index
        %swap3A_694 = arith.index_cast %swap3A_692 : i32 to index
        %swap3A_695 = arith.constant 48 : index
        %swap3A_696 = tpu.vector_load %arg6[%swap3A_693, %swap3A_694, %swap3A_695] {strides = array<i32>} : memref<50x8x128xf32, #tpu.memory_space<vmem>>, vector<16xf32>,
        tpu.vector_store %arg6[%swap3A_693, %swap3A_694, %swap3A_695], %get3A_656 {strides = array<i32>} : memref<50x8x128xf32, #tpu.memory_space<vmem>>, vector<16xf32>,
        %get3A_697 = arith.index_cast %scan3A_526 : i32 to index
        %get3A_698 = arith.constant 64 : index
        %get3A_699 = tpu.vector_load %arg5[%get3A_697, %get3A_698] {strides = array<i32>} : memref<50x128xf32, #tpu.memory_space<vmem>>, vector<16xf32>,
        %swap3A_700 = arith.constant 0 : i32
        %swap3A_701 = arith.index_cast %scan3A_526 : i32 to index
        %swap3A_702 = arith.index_cast %swap3A_700 : i32 to index
        %swap3A_703 = arith.constant 64 : index
        %swap3A_704 = tpu.vector_load %arg6[%swap3A_701, %swap3A_702, %swap3A_703] {strides = array<i32>} : memref<50x8x128xf32, #tpu.memory_space<vmem>>, vector<16xf32>,
        tpu.vector_store %arg6[%swap3A_701, %swap3A_702, %swap3A_703], %get3A_699 {strides = array<i32>} : memref<50x8x128xf32, #tpu.memory_space<vmem>>, vector<16xf32>,
        %swap3A_705 = arith.constant 1 : i32
        %swap3A_706 = arith.index_cast %scan3A_526 : i32 to index
        %swap3A_707 = arith.index_cast %swap3A_705 : i32 to index
        %swap3A_708 = arith.constant 64 : index
        %swap3A_709 = tpu.vector_load %arg6[%swap3A_706, %swap3A_707, %swap3A_708] {strides = array<i32>} : memref<50x8x128xf32, #tpu.memory_space<vmem>>, vector<16xf32>,
        tpu.vector_store %arg6[%swap3A_706, %swap3A_707, %swap3A_708], %get3A_699 {strides = array<i32>} : memref<50x8x128xf32, #tpu.memory_space<vmem>>, vector<16xf32>,
        %swap3A_710 = arith.constant 2 : i32
        %swap3A_711 = arith.index_cast %scan3A_526 : i32 to index
        %swap3A_712 = arith.index_cast %swap3A_710 : i32 to index
        %swap3A_713 = arith.constant 64 : index
        %swap3A_714 = tpu.vector_load %arg6[%swap3A_711, %swap3A_712, %swap3A_713] {strides = array<i32>} : memref<50x8x128xf32, #tpu.memory_space<vmem>>, vector<16xf32>,
        tpu.vector_store %arg6[%swap3A_711, %swap3A_712, %swap3A_713], %get3A_699 {strides = array<i32>} : memref<50x8x128xf32, #tpu.memory_space<vmem>>, vector<16xf32>,
        %swap3A_715 = arith.constant 3 : i32
        %swap3A_716 = arith.index_cast %scan3A_526 : i32 to index
        %swap3A_717 = arith.index_cast %swap3A_715 : i32 to index
        %swap3A_718 = arith.constant 64 : index
        %swap3A_719 = tpu.vector_load %arg6[%swap3A_716, %swap3A_717, %swap3A_718] {strides = array<i32>} : memref<50x8x128xf32, #tpu.memory_space<vmem>>, vector<16xf32>,
        tpu.vector_store %arg6[%swap3A_716, %swap3A_717, %swap3A_718], %get3A_699 {strides = array<i32>} : memref<50x8x128xf32, #tpu.memory_space<vmem>>, vector<16xf32>,
        %swap3A_720 = arith.constant 4 : i32
        %swap3A_721 = arith.index_cast %scan3A_526 : i32 to index
        %swap3A_722 = arith.index_cast %swap3A_720 : i32 to index
        %swap3A_723 = arith.constant 64 : index
        %swap3A_724 = tpu.vector_load %arg6[%swap3A_721, %swap3A_722, %swap3A_723] {strides = array<i32>} : memref<50x8x128xf32, #tpu.memory_space<vmem>>, vector<16xf32>,
        tpu.vector_store %arg6[%swap3A_721, %swap3A_722, %swap3A_723], %get3A_699 {strides = array<i32>} : memref<50x8x128xf32, #tpu.memory_space<vmem>>, vector<16xf32>,
        %swap3A_725 = arith.constant 5 : i32
        %swap3A_726 = arith.index_cast %scan3A_526 : i32 to index
        %swap3A_727 = arith.index_cast %swap3A_725 : i32 to index
        %swap3A_728 = arith.constant 64 : index
        %swap3A_729 = tpu.vector_load %arg6[%swap3A_726, %swap3A_727, %swap3A_728] {strides = array<i32>} : memref<50x8x128xf32, #tpu.memory_space<vmem>>, vector<16xf32>,
        tpu.vector_store %arg6[%swap3A_726, %swap3A_727, %swap3A_728], %get3A_699 {strides = array<i32>} : memref<50x8x128xf32, #tpu.memory_space<vmem>>, vector<16xf32>,
        %swap3A_730 = arith.constant 6 : i32
        %swap3A_731 = arith.index_cast %scan3A_526 : i32 to index
        %swap3A_732 = arith.index_cast %swap3A_730 : i32 to index
        %swap3A_733 = arith.constant 64 : index
        %swap3A_734 = tpu.vector_load %arg6[%swap3A_731, %swap3A_732, %swap3A_733] {strides = array<i32>} : memref<50x8x128xf32, #tpu.memory_space<vmem>>, vector<16xf32>,
        tpu.vector_store %arg6[%swap3A_731, %swap3A_732, %swap3A_733], %get3A_699 {strides = array<i32>} : memref<50x8x128xf32, #tpu.memory_space<vmem>>, vector<16xf32>,
        %swap3A_735 = arith.constant 7 : i32
        %swap3A_736 = arith.index_cast %scan3A_526 : i32 to index
        %swap3A_737 = arith.index_cast %swap3A_735 : i32 to index
        %swap3A_738 = arith.constant 64 : index
        %swap3A_739 = tpu.vector_load %arg6[%swap3A_736, %swap3A_737, %swap3A_738] {strides = array<i32>} : memref<50x8x128xf32, #tpu.memory_space<vmem>>, vector<16xf32>,
        tpu.vector_store %arg6[%swap3A_736, %swap3A_737, %swap3A_738], %get3A_699 {strides = array<i32>} : memref<50x8x128xf32, #tpu.memory_space<vmem>>, vector<16xf32>,
        %get3A_740 = arith.index_cast %scan3A_526 : i32 to index
        %get3A_741 = arith.constant 80 : index
        %get3A_742 = tpu.vector_load %arg5[%get3A_740, %get3A_741] {strides = array<i32>} : memref<50x128xf32, #tpu.memory_space<vmem>>, vector<16xf32>,
        %swap3A_743 = arith.constant 0 : i32
        %swap3A_744 = arith.index_cast %scan3A_526 : i32 to index
        %swap3A_745 = arith.index_cast %swap3A_743 : i32 to index
        %swap3A_746 = arith.constant 80 : index
        %swap3A_747 = tpu.vector_load %arg6[%swap3A_744, %swap3A_745, %swap3A_746] {strides = array<i32>} : memref<50x8x128xf32, #tpu.memory_space<vmem>>, vector<16xf32>,
        tpu.vector_store %arg6[%swap3A_744, %swap3A_745, %swap3A_746], %get3A_742 {strides = array<i32>} : memref<50x8x128xf32, #tpu.memory_space<vmem>>, vector<16xf32>,
        %swap3A_748 = arith.constant 1 : i32
        %swap3A_749 = arith.index_cast %scan3A_526 : i32 to index
        %swap3A_750 = arith.index_cast %swap3A_748 : i32 to index
        %swap3A_751 = arith.constant 80 : index
        %swap3A_752 = tpu.vector_load %arg6[%swap3A_749, %swap3A_750, %swap3A_751] {strides = array<i32>} : memref<50x8x128xf32, #tpu.memory_space<vmem>>, vector<16xf32>,
        tpu.vector_store %arg6[%swap3A_749, %swap3A_750, %swap3A_751], %get3A_742 {strides = array<i32>} : memref<50x8x128xf32, #tpu.memory_space<vmem>>, vector<16xf32>,
        %swap3A_753 = arith.constant 2 : i32
        %swap3A_754 = arith.index_cast %scan3A_526 : i32 to index
        %swap3A_755 = arith.index_cast %swap3A_753 : i32 to index
        %swap3A_756 = arith.constant 80 : index
        %swap3A_757 = tpu.vector_load %arg6[%swap3A_754, %swap3A_755, %swap3A_756] {strides = array<i32>} : memref<50x8x128xf32, #tpu.memory_space<vmem>>, vector<16xf32>,
        tpu.vector_store %arg6[%swap3A_754, %swap3A_755, %swap3A_756], %get3A_742 {strides = array<i32>} : memref<50x8x128xf32, #tpu.memory_space<vmem>>, vector<16xf32>,
        %swap3A_758 = arith.constant 3 : i32
        %swap3A_759 = arith.index_cast %scan3A_526 : i32 to index
        %swap3A_760 = arith.index_cast %swap3A_758 : i32 to index
        %swap3A_761 = arith.constant 80 : index
        %swap3A_762 = tpu.vector_load %arg6[%swap3A_759, %swap3A_760, %swap3A_761] {strides = array<i32>} : memref<50x8x128xf32, #tpu.memory_space<vmem>>, vector<16xf32>,
        tpu.vector_store %arg6[%swap3A_759, %swap3A_760, %swap3A_761], %get3A_742 {strides = array<i32>} : memref<50x8x128xf32, #tpu.memory_space<vmem>>, vector<16xf32>,
        %swap3A_763 = arith.constant 4 : i32
        %swap3A_764 = arith.index_cast %scan3A_526 : i32 to index
        %swap3A_765 = arith.index_cast %swap3A_763 : i32 to index
        %swap3A_766 = arith.constant 80 : index
        %swap3A_767 = tpu.vector_load %arg6[%swap3A_764, %swap3A_765, %swap3A_766] {strides = array<i32>} : memref<50x8x128xf32, #tpu.memory_space<vmem>>, vector<16xf32>,
        tpu.vector_store %arg6[%swap3A_764, %swap3A_765, %swap3A_766], %get3A_742 {strides = array<i32>} : memref<50x8x128xf32, #tpu.memory_space<vmem>>, vector<16xf32>,
        %swap3A_768 = arith.constant 5 : i32
        %swap3A_769 = arith.index_cast %scan3A_526 : i32 to index
        %swap3A_770 = arith.index_cast %swap3A_768 : i32 to index
        %swap3A_771 = arith.constant 80 : index
        %swap3A_772 = tpu.vector_load %arg6[%swap3A_769, %swap3A_770, %swap3A_771] {strides = array<i32>} : memref<50x8x128xf32, #tpu.memory_space<vmem>>, vector<16xf32>,
        tpu.vector_store %arg6[%swap3A_769, %swap3A_770, %swap3A_771], %get3A_742 {strides = array<i32>} : memref<50x8x128xf32, #tpu.memory_space<vmem>>, vector<16xf32>,
        %swap3A_773 = arith.constant 6 : i32
        %swap3A_774 = arith.index_cast %scan3A_526 : i32 to index
        %swap3A_775 = arith.index_cast %swap3A_773 : i32 to index
        %swap3A_776 = arith.constant 80 : index
        %swap3A_777 = tpu.vector_load %arg6[%swap3A_774, %swap3A_775, %swap3A_776] {strides = array<i32>} : memref<50x8x128xf32, #tpu.memory_space<vmem>>, vector<16xf32>,
        tpu.vector_store %arg6[%swap3A_774, %swap3A_775, %swap3A_776], %get3A_742 {strides = array<i32>} : memref<50x8x128xf32, #tpu.memory_space<vmem>>, vector<16xf32>,
        %swap3A_778 = arith.constant 7 : i32
        %swap3A_779 = arith.index_cast %scan3A_526 : i32 to index
        %swap3A_780 = arith.index_cast %swap3A_778 : i32 to index
        %swap3A_781 = arith.constant 80 : index
        %swap3A_782 = tpu.vector_load %arg6[%swap3A_779, %swap3A_780, %swap3A_781] {strides = array<i32>} : memref<50x8x128xf32, #tpu.memory_space<vmem>>, vector<16xf32>,
        tpu.vector_store %arg6[%swap3A_779, %swap3A_780, %swap3A_781], %get3A_742 {strides = array<i32>} : memref<50x8x128xf32, #tpu.memory_space<vmem>>, vector<16xf32>,
        %get3A_783 = arith.index_cast %scan3A_526 : i32 to index
        %get3A_784 = arith.constant 96 : index
        %get3A_785 = tpu.vector_load %arg5[%get3A_783, %get3A_784] {strides = array<i32>} : memref<50x128xf32, #tpu.memory_space<vmem>>, vector<16xf32>,
        %swap3A_786 = arith.constant 0 : i32
        %swap3A_787 = arith.index_cast %scan3A_526 : i32 to index
        %swap3A_788 = arith.index_cast %swap3A_786 : i32 to index
        %swap3A_789 = arith.constant 96 : index
        %swap3A_790 = tpu.vector_load %arg6[%swap3A_787, %swap3A_788, %swap3A_789] {strides = array<i32>} : memref<50x8x128xf32, #tpu.memory_space<vmem>>, vector<16xf32>,
        tpu.vector_store %arg6[%swap3A_787, %swap3A_788, %swap3A_789], %get3A_785 {strides = array<i32>} : memref<50x8x128xf32, #tpu.memory_space<vmem>>, vector<16xf32>,
        %swap3A_791 = arith.constant 1 : i32
        %swap3A_792 = arith.index_cast %scan3A_526 : i32 to index
        %swap3A_793 = arith.index_cast %swap3A_791 : i32 to index
        %swap3A_794 = arith.constant 96 : index
        %swap3A_795 = tpu.vector_load %arg6[%swap3A_792, %swap3A_793, %swap3A_794] {strides = array<i32>} : memref<50x8x128xf32, #tpu.memory_space<vmem>>, vector<16xf32>,
        tpu.vector_store %arg6[%swap3A_792, %swap3A_793, %swap3A_794], %get3A_785 {strides = array<i32>} : memref<50x8x128xf32, #tpu.memory_space<vmem>>, vector<16xf32>,
        %swap3A_796 = arith.constant 2 : i32
        %swap3A_797 = arith.index_cast %scan3A_526 : i32 to index
        %swap3A_798 = arith.index_cast %swap3A_796 : i32 to index
        %swap3A_799 = arith.constant 96 : index
        %swap3A_800 = tpu.vector_load %arg6[%swap3A_797, %swap3A_798, %swap3A_799] {strides = array<i32>} : memref<50x8x128xf32, #tpu.memory_space<vmem>>, vector<16xf32>,
        tpu.vector_store %arg6[%swap3A_797, %swap3A_798, %swap3A_799], %get3A_785 {strides = array<i32>} : memref<50x8x128xf32, #tpu.memory_space<vmem>>, vector<16xf32>,
        %swap3A_801 = arith.constant 3 : i32
        %swap3A_802 = arith.index_cast %scan3A_526 : i32 to index
        %swap3A_803 = arith.index_cast %swap3A_801 : i32 to index
        %swap3A_804 = arith.constant 96 : index
        %swap3A_805 = tpu.vector_load %arg6[%swap3A_802, %swap3A_803, %swap3A_804] {strides = array<i32>} : memref<50x8x128xf32, #tpu.memory_space<vmem>>, vector<16xf32>,
        tpu.vector_store %arg6[%swap3A_802, %swap3A_803, %swap3A_804], %get3A_785 {strides = array<i32>} : memref<50x8x128xf32, #tpu.memory_space<vmem>>, vector<16xf32>,
        %swap3A_806 = arith.constant 4 : i32
        %swap3A_807 = arith.index_cast %scan3A_526 : i32 to index
        %swap3A_808 = arith.index_cast %swap3A_806 : i32 to index
        %swap3A_809 = arith.constant 96 : index
        %swap3A_810 = tpu.vector_load %arg6[%swap3A_807, %swap3A_808, %swap3A_809] {strides = array<i32>} : memref<50x8x128xf32, #tpu.memory_space<vmem>>, vector<16xf32>,
        tpu.vector_store %arg6[%swap3A_807, %swap3A_808, %swap3A_809], %get3A_785 {strides = array<i32>} : memref<50x8x128xf32, #tpu.memory_space<vmem>>, vector<16xf32>,
        %swap3A_811 = arith.constant 5 : i32
        %swap3A_812 = arith.index_cast %scan3A_526 : i32 to index
        %swap3A_813 = arith.index_cast %swap3A_811 : i32 to index
        %swap3A_814 = arith.constant 96 : index
        %swap3A_815 = tpu.vector_load %arg6[%swap3A_812, %swap3A_813, %swap3A_814] {strides = array<i32>} : memref<50x8x128xf32, #tpu.memory_space<vmem>>, vector<16xf32>,
        tpu.vector_store %arg6[%swap3A_812, %swap3A_813, %swap3A_814], %get3A_785 {strides = array<i32>} : memref<50x8x128xf32, #tpu.memory_space<vmem>>, vector<16xf32>,
        %swap3A_816 = arith.constant 6 : i32
        %swap3A_817 = arith.index_cast %scan3A_526 : i32 to index
        %swap3A_818 = arith.index_cast %swap3A_816 : i32 to index
        %swap3A_819 = arith.constant 96 : index
        %swap3A_820 = tpu.vector_load %arg6[%swap3A_817, %swap3A_818, %swap3A_819] {strides = array<i32>} : memref<50x8x128xf32, #tpu.memory_space<vmem>>, vector<16xf32>,
        tpu.vector_store %arg6[%swap3A_817, %swap3A_818, %swap3A_819], %get3A_785 {strides = array<i32>} : memref<50x8x128xf32, #tpu.memory_space<vmem>>, vector<16xf32>,
        %swap3A_821 = arith.constant 7 : i32
        %swap3A_822 = arith.index_cast %scan3A_526 : i32 to index
        %swap3A_823 = arith.index_cast %swap3A_821 : i32 to index
        %swap3A_824 = arith.constant 96 : index
        %swap3A_825 = tpu.vector_load %arg6[%swap3A_822, %swap3A_823, %swap3A_824] {strides = array<i32>} : memref<50x8x128xf32, #tpu.memory_space<vmem>>, vector<16xf32>,
        tpu.vector_store %arg6[%swap3A_822, %swap3A_823, %swap3A_824], %get3A_785 {strides = array<i32>} : memref<50x8x128xf32, #tpu.memory_space<vmem>>, vector<16xf32>,
        %get3A_826 = arith.index_cast %scan3A_526 : i32 to index
        %get3A_827 = arith.constant 112 : index
        %get3A_828 = tpu.vector_load %arg5[%get3A_826, %get3A_827] {strides = array<i32>} : memref<50x128xf32, #tpu.memory_space<vmem>>, vector<16xf32>,
        %swap3A_829 = arith.constant 0 : i32
        %swap3A_830 = arith.index_cast %scan3A_526 : i32 to index
        %swap3A_831 = arith.index_cast %swap3A_829 : i32 to index
        %swap3A_832 = arith.constant 112 : index
        %swap3A_833 = tpu.vector_load %arg6[%swap3A_830, %swap3A_831, %swap3A_832] {strides = array<i32>} : memref<50x8x128xf32, #tpu.memory_space<vmem>>, vector<16xf32>,
        tpu.vector_store %arg6[%swap3A_830, %swap3A_831, %swap3A_832], %get3A_828 {strides = array<i32>} : memref<50x8x128xf32, #tpu.memory_space<vmem>>, vector<16xf32>,
        %swap3A_834 = arith.constant 1 : i32
        %swap3A_835 = arith.index_cast %scan3A_526 : i32 to index
        %swap3A_836 = arith.index_cast %swap3A_834 : i32 to index
        %swap3A_837 = arith.constant 112 : index
        %swap3A_838 = tpu.vector_load %arg6[%swap3A_835, %swap3A_836, %swap3A_837] {strides = array<i32>} : memref<50x8x128xf32, #tpu.memory_space<vmem>>, vector<16xf32>,
        tpu.vector_store %arg6[%swap3A_835, %swap3A_836, %swap3A_837], %get3A_828 {strides = array<i32>} : memref<50x8x128xf32, #tpu.memory_space<vmem>>, vector<16xf32>,
        %swap3A_839 = arith.constant 2 : i32
        %swap3A_840 = arith.index_cast %scan3A_526 : i32 to index
        %swap3A_841 = arith.index_cast %swap3A_839 : i32 to index
        %swap3A_842 = arith.constant 112 : index
        %swap3A_843 = tpu.vector_load %arg6[%swap3A_840, %swap3A_841, %swap3A_842] {strides = array<i32>} : memref<50x8x128xf32, #tpu.memory_space<vmem>>, vector<16xf32>,
        tpu.vector_store %arg6[%swap3A_840, %swap3A_841, %swap3A_842], %get3A_828 {strides = array<i32>} : memref<50x8x128xf32, #tpu.memory_space<vmem>>, vector<16xf32>,
        %swap3A_844 = arith.constant 3 : i32
        %swap3A_845 = arith.index_cast %scan3A_526 : i32 to index
        %swap3A_846 = arith.index_cast %swap3A_844 : i32 to index
        %swap3A_847 = arith.constant 112 : index
        %swap3A_848 = tpu.vector_load %arg6[%swap3A_845, %swap3A_846, %swap3A_847] {strides = array<i32>} : memref<50x8x128xf32, #tpu.memory_space<vmem>>, vector<16xf32>,
        tpu.vector_store %arg6[%swap3A_845, %swap3A_846, %swap3A_847], %get3A_828 {strides = array<i32>} : memref<50x8x128xf32, #tpu.memory_space<vmem>>, vector<16xf32>,
        %swap3A_849 = arith.constant 4 : i32
        %swap3A_850 = arith.index_cast %scan3A_526 : i32 to index
        %swap3A_851 = arith.index_cast %swap3A_849 : i32 to index
        %swap3A_852 = arith.constant 112 : index
        %swap3A_853 = tpu.vector_load %arg6[%swap3A_850, %swap3A_851, %swap3A_852] {strides = array<i32>} : memref<50x8x128xf32, #tpu.memory_space<vmem>>, vector<16xf32>,
        tpu.vector_store %arg6[%swap3A_850, %swap3A_851, %swap3A_852], %get3A_828 {strides = array<i32>} : memref<50x8x128xf32, #tpu.memory_space<vmem>>, vector<16xf32>,
        %swap3A_854 = arith.constant 5 : i32
        %swap3A_855 = arith.index_cast %scan3A_526 : i32 to index
        %swap3A_856 = arith.index_cast %swap3A_854 : i32 to index
        %swap3A_857 = arith.constant 112 : index
        %swap3A_858 = tpu.vector_load %arg6[%swap3A_855, %swap3A_856, %swap3A_857] {strides = array<i32>} : memref<50x8x128xf32, #tpu.memory_space<vmem>>, vector<16xf32>,
        tpu.vector_store %arg6[%swap3A_855, %swap3A_856, %swap3A_857], %get3A_828 {strides = array<i32>} : memref<50x8x128xf32, #tpu.memory_space<vmem>>, vector<16xf32>,
        %swap3A_859 = arith.constant 6 : i32
        %swap3A_860 = arith.index_cast %scan3A_526 : i32 to index
        %swap3A_861 = arith.index_cast %swap3A_859 : i32 to index
        %swap3A_862 = arith.constant 112 : index
        %swap3A_863 = tpu.vector_load %arg6[%swap3A_860, %swap3A_861, %swap3A_862] {strides = array<i32>} : memref<50x8x128xf32, #tpu.memory_space<vmem>>, vector<16xf32>,
        tpu.vector_store %arg6[%swap3A_860, %swap3A_861, %swap3A_862], %get3A_828 {strides = array<i32>} : memref<50x8x128xf32, #tpu.memory_space<vmem>>, vector<16xf32>,
        %swap3A_864 = arith.constant 7 : i32
        %swap3A_865 = arith.index_cast %scan3A_526 : i32 to index
        %swap3A_866 = arith.index_cast %swap3A_864 : i32 to index
        %swap3A_867 = arith.constant 112 : index
        %swap3A_868 = tpu.vector_load %arg6[%swap3A_865, %swap3A_866, %swap3A_867] {strides = array<i32>} : memref<50x8x128xf32, #tpu.memory_space<vmem>>, vector<16xf32>,
        tpu.vector_store %arg6[%swap3A_865, %swap3A_866, %swap3A_867], %get3A_828 {strides = array<i32>} : memref<50x8x128xf32, #tpu.memory_space<vmem>>, vector<16xf32>,
      }
      %scan3A_230 = arith.constant 12 : i32
      %add3A_231 = arith.constant 0 : i32
      %add3A_232 = arith.addi %arg1, %add3A_231 : i32
      %dma_start3A_233 = arith.constant 1 : i32
      %dma_start3A_234 = arith.constant 38 : i32
      %dma_start3A_235 = arith.constant 0 : i32
      %dma_start3A_236 = arith.constant 0 : i32
      %dma_start3A_237 = tpu.memref_slice %arg6[%dma_start3A_234, %dma_start3A_235, %dma_start3A_236] : memref<50x8x128xf32, #tpu.memory_space<vmem>> -> memref<12x8x128xf32, #tpu.memory_space<vmem>>
      %dma_start3A_238 = arith.constant 38 : i32
      %dma_start3A_239 = arith.constant 0 : i32
      %dma_start3A_240 = arith.constant 0 : i32
      %dma_start3A_241 = tpu.memref_slice %arg4[%dma_start3A_238, %add3A_232, %dma_start3A_233, %dma_start3A_239, %dma_start3A_240] : memref<50x50x2x8x128xf32, #tpu.memory_space<hbm>> -> memref<12x1x1x8x128xf32, #tpu.memory_space<hbm>>
      %dma_start3A_242 = tpu.memref_squeeze %dma_start3A_241 : memref<12x1x1x8x128xf32, #tpu.memory_space<hbm>> -> memref<12x8x128xf32, #tpu.memory_space<hbm>>
      %dma_start3A_243 = arith.constant 38 : i32
      %dma_start3A_244 = arith.constant 0 : i32
      %dma_start3A_245 = arith.constant 0 : i32
      %dma_start3A_246 = tpu.memref_slice %arg4[%dma_start3A_243, %add3A_232, %dma_start3A_233, %dma_start3A_244, %dma_start3A_245] : memref<50x50x2x8x128xf32, #tpu.memory_space<hbm>> -> memref<12x1x1x8x128xf32, #tpu.memory_space<hbm>>
      %dma_start3A_247 = tpu.memref_squeeze %dma_start3A_246 : memref<12x1x1x8x128xf32, #tpu.memory_space<hbm>> -> memref<12x8x128xf32, #tpu.memory_space<hbm>>
      %dma_start3A_248 = arith.constant 38 : i32
      %dma_start3A_249 = arith.constant 0 : i32
      %dma_start3A_250 = arith.constant 0 : i32
      %dma_start3A_251 = tpu.memref_slice %arg6[%dma_start3A_248, %dma_start3A_249, %dma_start3A_250] : memref<50x8x128xf32, #tpu.memory_space<vmem>> -> memref<12x8x128xf32, #tpu.memory_space<vmem>>
      tpu.enqueue_dma source(%dma_start3A_251 : memref<12x8x128xf32, #tpu.memory_space<vmem>>) target(%dma_start3A_247 : memref<12x8x128xf32, #tpu.memory_space<hbm>>) target_semaphore(%arg8 : memref<!tpu.dma_semaphore, #tpu.memory_space<semaphore_mem>>)
      %add3A_252 = arith.constant 16 : i32
      %add3A_253 = arith.addi %arg1, %add3A_252 : i32
      %dma_start3A_254 = arith.constant 1 : i32
      %dma_start3A_255 = arith.constant 38 : i32
      %dma_start3A_256 = arith.constant 0 : i32
      %dma_start3A_257 = arith.constant 0 : i32
      %dma_start3A_258 = tpu.memref_slice %arg6[%dma_start3A_255, %dma_start3A_256, %dma_start3A_257] : memref<50x8x128xf32, #tpu.memory_space<vmem>> -> memref<12x8x128xf32, #tpu.memory_space<vmem>>
      %dma_start3A_259 = arith.constant 38 : i32
      %dma_start3A_260 = arith.constant 0 : i32
      %dma_start3A_261 = arith.constant 0 : i32
      %dma_start3A_262 = tpu.memref_slice %arg4[%dma_start3A_259, %add3A_253, %dma_start3A_254, %dma_start3A_260, %dma_start3A_261] : memref<50x50x2x8x128xf32, #tpu.memory_space<hbm>> -> memref<12x1x1x8x128xf32, #tpu.memory_space<hbm>>
      %dma_start3A_263 = tpu.memref_squeeze %dma_start3A_262 : memref<12x1x1x8x128xf32, #tpu.memory_space<hbm>> -> memref<12x8x128xf32, #tpu.memory_space<hbm>>
      %dma_start3A_264 = arith.constant 38 : i32
      %dma_start3A_265 = arith.constant 0 : i32
      %dma_start3A_266 = arith.constant 0 : i32
      %dma_start3A_267 = tpu.memref_slice %arg4[%dma_start3A_264, %add3A_253, %dma_start3A_254, %dma_start3A_265, %dma_start3A_266] : memref<50x50x2x8x128xf32, #tpu.memory_space<hbm>> -> memref<12x1x1x8x128xf32, #tpu.memory_space<hbm>>
      %dma_start3A_268 = tpu.memref_squeeze %dma_start3A_267 : memref<12x1x1x8x128xf32, #tpu.memory_space<hbm>> -> memref<12x8x128xf32, #tpu.memory_space<hbm>>
      %dma_start3A_269 = arith.constant 38 : i32
      %dma_start3A_270 = arith.constant 0 : i32
      %dma_start3A_271 = arith.constant 0 : i32
      %dma_start3A_272 = tpu.memref_slice %arg6[%dma_start3A_269, %dma_start3A_270, %dma_start3A_271] : memref<50x8x128xf32, #tpu.memory_space<vmem>> -> memref<12x8x128xf32, #tpu.memory_space<vmem>>
      tpu.enqueue_dma source(%dma_start3A_272 : memref<12x8x128xf32, #tpu.memory_space<vmem>>) target(%dma_start3A_268 : memref<12x8x128xf32, #tpu.memory_space<hbm>>) target_semaphore(%arg8 : memref<!tpu.dma_semaphore, #tpu.memory_space<semaphore_mem>>)
      %add3A_273 = arith.constant 32 : i32
      %add3A_274 = arith.addi %arg1, %add3A_273 : i32
      %dma_start3A_275 = arith.constant 1 : i32
      %dma_start3A_276 = arith.constant 38 : i32
      %dma_start3A_277 = arith.constant 0 : i32
      %dma_start3A_278 = arith.constant 0 : i32
      %dma_start3A_279 = tpu.memref_slice %arg6[%dma_start3A_276, %dma_start3A_277, %dma_start3A_278] : memref<50x8x128xf32, #tpu.memory_space<vmem>> -> memref<12x8x128xf32, #tpu.memory_space<vmem>>
      %dma_start3A_280 = arith.constant 38 : i32
      %dma_start3A_281 = arith.constant 0 : i32
      %dma_start3A_282 = arith.constant 0 : i32
      %dma_start3A_283 = tpu.memref_slice %arg4[%dma_start3A_280, %add3A_274, %dma_start3A_275, %dma_start3A_281, %dma_start3A_282] : memref<50x50x2x8x128xf32, #tpu.memory_space<hbm>> -> memref<12x1x1x8x128xf32, #tpu.memory_space<hbm>>
      %dma_start3A_284 = tpu.memref_squeeze %dma_start3A_283 : memref<12x1x1x8x128xf32, #tpu.memory_space<hbm>> -> memref<12x8x128xf32, #tpu.memory_space<hbm>>
      %dma_start3A_285 = arith.constant 38 : i32
      %dma_start3A_286 = arith.constant 0 : i32
      %dma_start3A_287 = arith.constant 0 : i32
      %dma_start3A_288 = tpu.memref_slice %arg4[%dma_start3A_285, %add3A_274, %dma_start3A_275, %dma_start3A_286, %dma_start3A_287] : memref<50x50x2x8x128xf32, #tpu.memory_space<hbm>> -> memref<12x1x1x8x128xf32, #tpu.memory_space<hbm>>
      %dma_start3A_289 = tpu.memref_squeeze %dma_start3A_288 : memref<12x1x1x8x128xf32, #tpu.memory_space<hbm>> -> memref<12x8x128xf32, #tpu.memory_space<hbm>>
      %dma_start3A_290 = arith.constant 38 : i32
      %dma_start3A_291 = arith.constant 0 : i32
      %dma_start3A_292 = arith.constant 0 : i32
      %dma_start3A_293 = tpu.memref_slice %arg6[%dma_start3A_290, %dma_start3A_291, %dma_start3A_292] : memref<50x8x128xf32, #tpu.memory_space<vmem>> -> memref<12x8x128xf32, #tpu.memory_space<vmem>>
      tpu.enqueue_dma source(%dma_start3A_293 : memref<12x8x128xf32, #tpu.memory_space<vmem>>) target(%dma_start3A_289 : memref<12x8x128xf32, #tpu.memory_space<hbm>>) target_semaphore(%arg8 : memref<!tpu.dma_semaphore, #tpu.memory_space<semaphore_mem>>)
      %lt3A_294 = arith.constant 2 : i32
      %lt3A_295 = arith.cmpi slt, %arg1, %lt3A_294 : i32
      %convert_element_type3A_296 = arith.extui %lt3A_295 : i1 to i32
      %cond3A_297 = arith.constant 0 : i32
      %cond3A_298 = arith.cmpi ne, %convert_element_type3A_296, %cond3A_297 : i32
      scf.if %cond3A_298 {
        %add3A_526 = arith.constant 48 : i32
        %add3A_527 = arith.addi %add3A_526, %arg1 : i32
        %dma_start3A_528 = arith.constant 1 : i32
        %dma_start3A_529 = arith.constant 38 : i32
        %dma_start3A_530 = arith.constant 0 : i32
        %dma_start3A_531 = arith.constant 0 : i32
        %dma_start3A_532 = tpu.memref_slice %arg6[%dma_start3A_529, %dma_start3A_530, %dma_start3A_531] : memref<50x8x128xf32, #tpu.memory_space<vmem>> -> memref<12x8x128xf32, #tpu.memory_space<vmem>>
        %dma_start3A_533 = arith.constant 38 : i32
        %dma_start3A_534 = arith.constant 0 : i32
        %dma_start3A_535 = arith.constant 0 : i32
        %dma_start3A_536 = tpu.memref_slice %arg4[%dma_start3A_533, %add3A_527, %dma_start3A_528, %dma_start3A_534, %dma_start3A_535] : memref<50x50x2x8x128xf32, #tpu.memory_space<hbm>> -> memref<12x1x1x8x128xf32, #tpu.memory_space<hbm>>
        %dma_start3A_537 = tpu.memref_squeeze %dma_start3A_536 : memref<12x1x1x8x128xf32, #tpu.memory_space<hbm>> -> memref<12x8x128xf32, #tpu.memory_space<hbm>>
        %dma_start3A_538 = arith.constant 38 : i32
        %dma_start3A_539 = arith.constant 0 : i32
        %dma_start3A_540 = arith.constant 0 : i32
        %dma_start3A_541 = tpu.memref_slice %arg4[%dma_start3A_538, %add3A_527, %dma_start3A_528, %dma_start3A_539, %dma_start3A_540] : memref<50x50x2x8x128xf32, #tpu.memory_space<hbm>> -> memref<12x1x1x8x128xf32, #tpu.memory_space<hbm>>
        %dma_start3A_542 = tpu.memref_squeeze %dma_start3A_541 : memref<12x1x1x8x128xf32, #tpu.memory_space<hbm>> -> memref<12x8x128xf32, #tpu.memory_space<hbm>>
        %dma_start3A_543 = arith.constant 38 : i32
        %dma_start3A_544 = arith.constant 0 : i32
        %dma_start3A_545 = arith.constant 0 : i32
        %dma_start3A_546 = tpu.memref_slice %arg6[%dma_start3A_543, %dma_start3A_544, %dma_start3A_545] : memref<50x8x128xf32, #tpu.memory_space<vmem>> -> memref<12x8x128xf32, #tpu.memory_space<vmem>>
        tpu.enqueue_dma source(%dma_start3A_546 : memref<12x8x128xf32, #tpu.memory_space<vmem>>) target(%dma_start3A_542 : memref<12x8x128xf32, #tpu.memory_space<hbm>>) target_semaphore(%arg8 : memref<!tpu.dma_semaphore, #tpu.memory_space<semaphore_mem>>)
        %dma_wait3A_547 = arith.constant 1 : i32
        %dma_wait3A_548 = arith.constant 38 : i32
        %dma_wait3A_549 = arith.constant 0 : i32
        %dma_wait3A_550 = arith.constant 0 : i32
        %dma_wait3A_551 = tpu.memref_slice %arg6[%dma_wait3A_548, %dma_wait3A_549, %dma_wait3A_550] : memref<50x8x128xf32, #tpu.memory_space<vmem>> -> memref<12x8x128xf32, #tpu.memory_space<vmem>>
        %dma_wait3A_552 = arith.constant 38 : i32
        %dma_wait3A_553 = arith.constant 0 : i32
        %dma_wait3A_554 = arith.constant 0 : i32
        %dma_wait3A_555 = tpu.memref_slice %arg4[%dma_wait3A_552, %add3A_527, %dma_wait3A_547, %dma_wait3A_553, %dma_wait3A_554] : memref<50x50x2x8x128xf32, #tpu.memory_space<hbm>> -> memref<12x1x1x8x128xf32, #tpu.memory_space<hbm>>
        %dma_wait3A_556 = tpu.memref_squeeze %dma_wait3A_555 : memref<12x1x1x8x128xf32, #tpu.memory_space<hbm>> -> memref<12x8x128xf32, #tpu.memory_space<hbm>>
        %dma_wait3A_557 = arith.constant 38 : i32
        %dma_wait3A_558 = arith.constant 0 : i32
        %dma_wait3A_559 = arith.constant 0 : i32
        %dma_wait3A_560 = tpu.memref_slice %arg4[%dma_wait3A_557, %add3A_527, %dma_wait3A_547, %dma_wait3A_558, %dma_wait3A_559] : memref<50x50x2x8x128xf32, #tpu.memory_space<hbm>> -> memref<12x1x1x8x128xf32, #tpu.memory_space<hbm>>
        %dma_wait3A_561 = tpu.memref_squeeze %dma_wait3A_560 : memref<12x1x1x8x128xf32, #tpu.memory_space<hbm>> -> memref<12x8x128xf32, #tpu.memory_space<hbm>>
        %dma_wait3A_562 = arith.constant 38 : i32
        %dma_wait3A_563 = arith.constant 0 : i32
        %dma_wait3A_564 = arith.constant 0 : i32
        %dma_wait3A_565 = tpu.memref_slice %arg6[%dma_wait3A_562, %dma_wait3A_563, %dma_wait3A_564] : memref<50x8x128xf32, #tpu.memory_space<vmem>> -> memref<12x8x128xf32, #tpu.memory_space<vmem>>
        tpu.wait_dma2 semaphore(%arg8 : memref<!tpu.dma_semaphore, #tpu.memory_space<semaphore_mem>>) src(%dma_wait3A_565 : memref<12x8x128xf32, #tpu.memory_space<vmem>>) dst(%dma_wait3A_561 : memref<12x8x128xf32, #tpu.memory_space<hbm>>)
      } else {
      }
      %dma_wait3A = arith.constant 1 : i32
      %dma_wait3A_299 = arith.constant 0 : i32
      %dma_wait3A_300 = arith.constant 0 : i32
      %dma_wait3A_301 = arith.constant 0 : i32
      %dma_wait3A_302 = tpu.memref_slice %arg6[%dma_wait3A_299, %dma_wait3A_300, %dma_wait3A_301] : memref<50x8x128xf32, #tpu.memory_space<vmem>> -> memref<13x8x128xf32, #tpu.memory_space<vmem>>
      %dma_wait3A_303 = arith.constant 0 : i32
      %dma_wait3A_304 = arith.constant 0 : i32
      %dma_wait3A_305 = arith.constant 0 : i32
      %dma_wait3A_306 = tpu.memref_slice %arg4[%dma_wait3A_303, %add3A_12, %dma_wait3A, %dma_wait3A_304, %dma_wait3A_305] : memref<50x50x2x8x128xf32, #tpu.memory_space<hbm>> -> memref<13x1x1x8x128xf32, #tpu.memory_space<hbm>>
      %dma_wait3A_307 = tpu.memref_squeeze %dma_wait3A_306 : memref<13x1x1x8x128xf32, #tpu.memory_space<hbm>> -> memref<13x8x128xf32, #tpu.memory_space<hbm>>
      %dma_wait3A_308 = arith.constant 0 : i32
      %dma_wait3A_309 = arith.constant 0 : i32
      %dma_wait3A_310 = arith.constant 0 : i32
      %dma_wait3A_311 = tpu.memref_slice %arg4[%dma_wait3A_308, %add3A_12, %dma_wait3A, %dma_wait3A_309, %dma_wait3A_310] : memref<50x50x2x8x128xf32, #tpu.memory_space<hbm>> -> memref<13x1x1x8x128xf32, #tpu.memory_space<hbm>>
      %dma_wait3A_312 = tpu.memref_squeeze %dma_wait3A_311 : memref<13x1x1x8x128xf32, #tpu.memory_space<hbm>> -> memref<13x8x128xf32, #tpu.memory_space<hbm>>
      %dma_wait3A_313 = arith.constant 0 : i32
      %dma_wait3A_314 = arith.constant 0 : i32
      %dma_wait3A_315 = arith.constant 0 : i32
      %dma_wait3A_316 = tpu.memref_slice %arg6[%dma_wait3A_313, %dma_wait3A_314, %dma_wait3A_315] : memref<50x8x128xf32, #tpu.memory_space<vmem>> -> memref<13x8x128xf32, #tpu.memory_space<vmem>>
      tpu.wait_dma2 semaphore(%arg8 : memref<!tpu.dma_semaphore, #tpu.memory_space<semaphore_mem>>) src(%dma_wait3A_316 : memref<13x8x128xf32, #tpu.memory_space<vmem>>) dst(%dma_wait3A_312 : memref<13x8x128xf32, #tpu.memory_space<hbm>>)
      %dma_wait3A_317 = arith.constant 1 : i32
      %dma_wait3A_318 = arith.constant 0 : i32
      %dma_wait3A_319 = arith.constant 0 : i32
      %dma_wait3A_320 = arith.constant 0 : i32
      %dma_wait3A_321 = tpu.memref_slice %arg6[%dma_wait3A_318, %dma_wait3A_319, %dma_wait3A_320] : memref<50x8x128xf32, #tpu.memory_space<vmem>> -> memref<13x8x128xf32, #tpu.memory_space<vmem>>
      %dma_wait3A_322 = arith.constant 0 : i32
      %dma_wait3A_323 = arith.constant 0 : i32
      %dma_wait3A_324 = arith.constant 0 : i32
      %dma_wait3A_325 = tpu.memref_slice %arg4[%dma_wait3A_322, %add3A_32, %dma_wait3A_317, %dma_wait3A_323, %dma_wait3A_324] : memref<50x50x2x8x128xf32, #tpu.memory_space<hbm>> -> memref<13x1x1x8x128xf32, #tpu.memory_space<hbm>>
      %dma_wait3A_326 = tpu.memref_squeeze %dma_wait3A_325 : memref<13x1x1x8x128xf32, #tpu.memory_space<hbm>> -> memref<13x8x128xf32, #tpu.memory_space<hbm>>
      %dma_wait3A_327 = arith.constant 0 : i32
      %dma_wait3A_328 = arith.constant 0 : i32
      %dma_wait3A_329 = arith.constant 0 : i32
      %dma_wait3A_330 = tpu.memref_slice %arg4[%dma_wait3A_327, %add3A_32, %dma_wait3A_317, %dma_wait3A_328, %dma_wait3A_329] : memref<50x50x2x8x128xf32, #tpu.memory_space<hbm>> -> memref<13x1x1x8x128xf32, #tpu.memory_space<hbm>>
      %dma_wait3A_331 = tpu.memref_squeeze %dma_wait3A_330 : memref<13x1x1x8x128xf32, #tpu.memory_space<hbm>> -> memref<13x8x128xf32, #tpu.memory_space<hbm>>
      %dma_wait3A_332 = arith.constant 0 : i32
      %dma_wait3A_333 = arith.constant 0 : i32
      %dma_wait3A_334 = arith.constant 0 : i32
      %dma_wait3A_335 = tpu.memref_slice %arg6[%dma_wait3A_332, %dma_wait3A_333, %dma_wait3A_334] : memref<50x8x128xf32, #tpu.memory_space<vmem>> -> memref<13x8x128xf32, #tpu.memory_space<vmem>>
      tpu.wait_dma2 semaphore(%arg8 : memref<!tpu.dma_semaphore, #tpu.memory_space<semaphore_mem>>) src(%dma_wait3A_335 : memref<13x8x128xf32, #tpu.memory_space<vmem>>) dst(%dma_wait3A_331 : memref<13x8x128xf32, #tpu.memory_space<hbm>>)
      %dma_wait3A_336 = arith.constant 1 : i32
      %dma_wait3A_337 = arith.constant 0 : i32
      %dma_wait3A_338 = arith.constant 0 : i32
      %dma_wait3A_339 = arith.constant 0 : i32
      %dma_wait3A_340 = tpu.memref_slice %arg6[%dma_wait3A_337, %dma_wait3A_338, %dma_wait3A_339] : memref<50x8x128xf32, #tpu.memory_space<vmem>> -> memref<13x8x128xf32, #tpu.memory_space<vmem>>
      %dma_wait3A_341 = arith.constant 0 : i32
      %dma_wait3A_342 = arith.constant 0 : i32
      %dma_wait3A_343 = arith.constant 0 : i32
      %dma_wait3A_344 = tpu.memref_slice %arg4[%dma_wait3A_341, %add3A_53, %dma_wait3A_336, %dma_wait3A_342, %dma_wait3A_343] : memref<50x50x2x8x128xf32, #tpu.memory_space<hbm>> -> memref<13x1x1x8x128xf32, #tpu.memory_space<hbm>>
      %dma_wait3A_345 = tpu.memref_squeeze %dma_wait3A_344 : memref<13x1x1x8x128xf32, #tpu.memory_space<hbm>> -> memref<13x8x128xf32, #tpu.memory_space<hbm>>
      %dma_wait3A_346 = arith.constant 0 : i32
      %dma_wait3A_347 = arith.constant 0 : i32
      %dma_wait3A_348 = arith.constant 0 : i32
      %dma_wait3A_349 = tpu.memref_slice %arg4[%dma_wait3A_346, %add3A_53, %dma_wait3A_336, %dma_wait3A_347, %dma_wait3A_348] : memref<50x50x2x8x128xf32, #tpu.memory_space<hbm>> -> memref<13x1x1x8x128xf32, #tpu.memory_space<hbm>>
      %dma_wait3A_350 = tpu.memref_squeeze %dma_wait3A_349 : memref<13x1x1x8x128xf32, #tpu.memory_space<hbm>> -> memref<13x8x128xf32, #tpu.memory_space<hbm>>
      %dma_wait3A_351 = arith.constant 0 : i32
      %dma_wait3A_352 = arith.constant 0 : i32
      %dma_wait3A_353 = arith.constant 0 : i32
      %dma_wait3A_354 = tpu.memref_slice %arg6[%dma_wait3A_351, %dma_wait3A_352, %dma_wait3A_353] : memref<50x8x128xf32, #tpu.memory_space<vmem>> -> memref<13x8x128xf32, #tpu.memory_space<vmem>>
      tpu.wait_dma2 semaphore(%arg8 : memref<!tpu.dma_semaphore, #tpu.memory_space<semaphore_mem>>) src(%dma_wait3A_354 : memref<13x8x128xf32, #tpu.memory_space<vmem>>) dst(%dma_wait3A_350 : memref<13x8x128xf32, #tpu.memory_space<hbm>>)
      %dma_wait3A_355 = arith.constant 1 : i32
      %dma_wait3A_356 = arith.constant 13 : i32
      %dma_wait3A_357 = arith.constant 0 : i32
      %dma_wait3A_358 = arith.constant 0 : i32
      %dma_wait3A_359 = tpu.memref_slice %arg6[%dma_wait3A_356, %dma_wait3A_357, %dma_wait3A_358] : memref<50x8x128xf32, #tpu.memory_space<vmem>> -> memref<13x8x128xf32, #tpu.memory_space<vmem>>
      %dma_wait3A_360 = arith.constant 13 : i32
      %dma_wait3A_361 = arith.constant 0 : i32
      %dma_wait3A_362 = arith.constant 0 : i32
      %dma_wait3A_363 = tpu.memref_slice %arg4[%dma_wait3A_360, %add3A_84, %dma_wait3A_355, %dma_wait3A_361, %dma_wait3A_362] : memref<50x50x2x8x128xf32, #tpu.memory_space<hbm>> -> memref<13x1x1x8x128xf32, #tpu.memory_space<hbm>>
      %dma_wait3A_364 = tpu.memref_squeeze %dma_wait3A_363 : memref<13x1x1x8x128xf32, #tpu.memory_space<hbm>> -> memref<13x8x128xf32, #tpu.memory_space<hbm>>
      %dma_wait3A_365 = arith.constant 13 : i32
      %dma_wait3A_366 = arith.constant 0 : i32
      %dma_wait3A_367 = arith.constant 0 : i32
      %dma_wait3A_368 = tpu.memref_slice %arg4[%dma_wait3A_365, %add3A_84, %dma_wait3A_355, %dma_wait3A_366, %dma_wait3A_367] : memref<50x50x2x8x128xf32, #tpu.memory_space<hbm>> -> memref<13x1x1x8x128xf32, #tpu.memory_space<hbm>>
      %dma_wait3A_369 = tpu.memref_squeeze %dma_wait3A_368 : memref<13x1x1x8x128xf32, #tpu.memory_space<hbm>> -> memref<13x8x128xf32, #tpu.memory_space<hbm>>
      %dma_wait3A_370 = arith.constant 13 : i32
      %dma_wait3A_371 = arith.constant 0 : i32
      %dma_wait3A_372 = arith.constant 0 : i32
      %dma_wait3A_373 = tpu.memref_slice %arg6[%dma_wait3A_370, %dma_wait3A_371, %dma_wait3A_372] : memref<50x8x128xf32, #tpu.memory_space<vmem>> -> memref<13x8x128xf32, #tpu.memory_space<vmem>>
      tpu.wait_dma2 semaphore(%arg8 : memref<!tpu.dma_semaphore, #tpu.memory_space<semaphore_mem>>) src(%dma_wait3A_373 : memref<13x8x128xf32, #tpu.memory_space<vmem>>) dst(%dma_wait3A_369 : memref<13x8x128xf32, #tpu.memory_space<hbm>>)
      %dma_wait3A_374 = arith.constant 1 : i32
      %dma_wait3A_375 = arith.constant 13 : i32
      %dma_wait3A_376 = arith.constant 0 : i32
      %dma_wait3A_377 = arith.constant 0 : i32
      %dma_wait3A_378 = tpu.memref_slice %arg6[%dma_wait3A_375, %dma_wait3A_376, %dma_wait3A_377] : memref<50x8x128xf32, #tpu.memory_space<vmem>> -> memref<13x8x128xf32, #tpu.memory_space<vmem>>
      %dma_wait3A_379 = arith.constant 13 : i32
      %dma_wait3A_380 = arith.constant 0 : i32
      %dma_wait3A_381 = arith.constant 0 : i32
      %dma_wait3A_382 = tpu.memref_slice %arg4[%dma_wait3A_379, %add3A_105, %dma_wait3A_374, %dma_wait3A_380, %dma_wait3A_381] : memref<50x50x2x8x128xf32, #tpu.memory_space<hbm>> -> memref<13x1x1x8x128xf32, #tpu.memory_space<hbm>>
      %dma_wait3A_383 = tpu.memref_squeeze %dma_wait3A_382 : memref<13x1x1x8x128xf32, #tpu.memory_space<hbm>> -> memref<13x8x128xf32, #tpu.memory_space<hbm>>
      %dma_wait3A_384 = arith.constant 13 : i32
      %dma_wait3A_385 = arith.constant 0 : i32
      %dma_wait3A_386 = arith.constant 0 : i32
      %dma_wait3A_387 = tpu.memref_slice %arg4[%dma_wait3A_384, %add3A_105, %dma_wait3A_374, %dma_wait3A_385, %dma_wait3A_386] : memref<50x50x2x8x128xf32, #tpu.memory_space<hbm>> -> memref<13x1x1x8x128xf32, #tpu.memory_space<hbm>>
      %dma_wait3A_388 = tpu.memref_squeeze %dma_wait3A_387 : memref<13x1x1x8x128xf32, #tpu.memory_space<hbm>> -> memref<13x8x128xf32, #tpu.memory_space<hbm>>
      %dma_wait3A_389 = arith.constant 13 : i32
      %dma_wait3A_390 = arith.constant 0 : i32
      %dma_wait3A_391 = arith.constant 0 : i32
      %dma_wait3A_392 = tpu.memref_slice %arg6[%dma_wait3A_389, %dma_wait3A_390, %dma_wait3A_391] : memref<50x8x128xf32, #tpu.memory_space<vmem>> -> memref<13x8x128xf32, #tpu.memory_space<vmem>>
      tpu.wait_dma2 semaphore(%arg8 : memref<!tpu.dma_semaphore, #tpu.memory_space<semaphore_mem>>) src(%dma_wait3A_392 : memref<13x8x128xf32, #tpu.memory_space<vmem>>) dst(%dma_wait3A_388 : memref<13x8x128xf32, #tpu.memory_space<hbm>>)
      %dma_wait3A_393 = arith.constant 1 : i32
      %dma_wait3A_394 = arith.constant 13 : i32
      %dma_wait3A_395 = arith.constant 0 : i32
      %dma_wait3A_396 = arith.constant 0 : i32
      %dma_wait3A_397 = tpu.memref_slice %arg6[%dma_wait3A_394, %dma_wait3A_395, %dma_wait3A_396] : memref<50x8x128xf32, #tpu.memory_space<vmem>> -> memref<13x8x128xf32, #tpu.memory_space<vmem>>
      %dma_wait3A_398 = arith.constant 13 : i32
      %dma_wait3A_399 = arith.constant 0 : i32
      %dma_wait3A_400 = arith.constant 0 : i32
      %dma_wait3A_401 = tpu.memref_slice %arg4[%dma_wait3A_398, %add3A_126, %dma_wait3A_393, %dma_wait3A_399, %dma_wait3A_400] : memref<50x50x2x8x128xf32, #tpu.memory_space<hbm>> -> memref<13x1x1x8x128xf32, #tpu.memory_space<hbm>>
      %dma_wait3A_402 = tpu.memref_squeeze %dma_wait3A_401 : memref<13x1x1x8x128xf32, #tpu.memory_space<hbm>> -> memref<13x8x128xf32, #tpu.memory_space<hbm>>
      %dma_wait3A_403 = arith.constant 13 : i32
      %dma_wait3A_404 = arith.constant 0 : i32
      %dma_wait3A_405 = arith.constant 0 : i32
      %dma_wait3A_406 = tpu.memref_slice %arg4[%dma_wait3A_403, %add3A_126, %dma_wait3A_393, %dma_wait3A_404, %dma_wait3A_405] : memref<50x50x2x8x128xf32, #tpu.memory_space<hbm>> -> memref<13x1x1x8x128xf32, #tpu.memory_space<hbm>>
      %dma_wait3A_407 = tpu.memref_squeeze %dma_wait3A_406 : memref<13x1x1x8x128xf32, #tpu.memory_space<hbm>> -> memref<13x8x128xf32, #tpu.memory_space<hbm>>
      %dma_wait3A_408 = arith.constant 13 : i32
      %dma_wait3A_409 = arith.constant 0 : i32
      %dma_wait3A_410 = arith.constant 0 : i32
      %dma_wait3A_411 = tpu.memref_slice %arg6[%dma_wait3A_408, %dma_wait3A_409, %dma_wait3A_410] : memref<50x8x128xf32, #tpu.memory_space<vmem>> -> memref<13x8x128xf32, #tpu.memory_space<vmem>>
      tpu.wait_dma2 semaphore(%arg8 : memref<!tpu.dma_semaphore, #tpu.memory_space<semaphore_mem>>) src(%dma_wait3A_411 : memref<13x8x128xf32, #tpu.memory_space<vmem>>) dst(%dma_wait3A_407 : memref<13x8x128xf32, #tpu.memory_space<hbm>>)
      %dma_wait3A_412 = arith.constant 1 : i32
      %dma_wait3A_413 = arith.constant 26 : i32
      %dma_wait3A_414 = arith.constant 0 : i32
      %dma_wait3A_415 = arith.constant 0 : i32
      %dma_wait3A_416 = tpu.memref_slice %arg6[%dma_wait3A_413, %dma_wait3A_414, %dma_wait3A_415] : memref<50x8x128xf32, #tpu.memory_space<vmem>> -> memref<12x8x128xf32, #tpu.memory_space<vmem>>
      %dma_wait3A_417 = arith.constant 26 : i32
      %dma_wait3A_418 = arith.constant 0 : i32
      %dma_wait3A_419 = arith.constant 0 : i32
      %dma_wait3A_420 = tpu.memref_slice %arg4[%dma_wait3A_417, %add3A_158, %dma_wait3A_412, %dma_wait3A_418, %dma_wait3A_419] : memref<50x50x2x8x128xf32, #tpu.memory_space<hbm>> -> memref<12x1x1x8x128xf32, #tpu.memory_space<hbm>>
      %dma_wait3A_421 = tpu.memref_squeeze %dma_wait3A_420 : memref<12x1x1x8x128xf32, #tpu.memory_space<hbm>> -> memref<12x8x128xf32, #tpu.memory_space<hbm>>
      %dma_wait3A_422 = arith.constant 26 : i32
      %dma_wait3A_423 = arith.constant 0 : i32
      %dma_wait3A_424 = arith.constant 0 : i32
      %dma_wait3A_425 = tpu.memref_slice %arg4[%dma_wait3A_422, %add3A_158, %dma_wait3A_412, %dma_wait3A_423, %dma_wait3A_424] : memref<50x50x2x8x128xf32, #tpu.memory_space<hbm>> -> memref<12x1x1x8x128xf32, #tpu.memory_space<hbm>>
      %dma_wait3A_426 = tpu.memref_squeeze %dma_wait3A_425 : memref<12x1x1x8x128xf32, #tpu.memory_space<hbm>> -> memref<12x8x128xf32, #tpu.memory_space<hbm>>
      %dma_wait3A_427 = arith.constant 26 : i32
      %dma_wait3A_428 = arith.constant 0 : i32
      %dma_wait3A_429 = arith.constant 0 : i32
      %dma_wait3A_430 = tpu.memref_slice %arg6[%dma_wait3A_427, %dma_wait3A_428, %dma_wait3A_429] : memref<50x8x128xf32, #tpu.memory_space<vmem>> -> memref<12x8x128xf32, #tpu.memory_space<vmem>>
      tpu.wait_dma2 semaphore(%arg8 : memref<!tpu.dma_semaphore, #tpu.memory_space<semaphore_mem>>) src(%dma_wait3A_430 : memref<12x8x128xf32, #tpu.memory_space<vmem>>) dst(%dma_wait3A_426 : memref<12x8x128xf32, #tpu.memory_space<hbm>>)
      %dma_wait3A_431 = arith.constant 1 : i32
      %dma_wait3A_432 = arith.constant 26 : i32
      %dma_wait3A_433 = arith.constant 0 : i32
      %dma_wait3A_434 = arith.constant 0 : i32
      %dma_wait3A_435 = tpu.memref_slice %arg6[%dma_wait3A_432, %dma_wait3A_433, %dma_wait3A_434] : memref<50x8x128xf32, #tpu.memory_space<vmem>> -> memref<12x8x128xf32, #tpu.memory_space<vmem>>
      %dma_wait3A_436 = arith.constant 26 : i32
      %dma_wait3A_437 = arith.constant 0 : i32
      %dma_wait3A_438 = arith.constant 0 : i32
      %dma_wait3A_439 = tpu.memref_slice %arg4[%dma_wait3A_436, %add3A_179, %dma_wait3A_431, %dma_wait3A_437, %dma_wait3A_438] : memref<50x50x2x8x128xf32, #tpu.memory_space<hbm>> -> memref<12x1x1x8x128xf32, #tpu.memory_space<hbm>>
      %dma_wait3A_440 = tpu.memref_squeeze %dma_wait3A_439 : memref<12x1x1x8x128xf32, #tpu.memory_space<hbm>> -> memref<12x8x128xf32, #tpu.memory_space<hbm>>
      %dma_wait3A_441 = arith.constant 26 : i32
      %dma_wait3A_442 = arith.constant 0 : i32
      %dma_wait3A_443 = arith.constant 0 : i32
      %dma_wait3A_444 = tpu.memref_slice %arg4[%dma_wait3A_441, %add3A_179, %dma_wait3A_431, %dma_wait3A_442, %dma_wait3A_443] : memref<50x50x2x8x128xf32, #tpu.memory_space<hbm>> -> memref<12x1x1x8x128xf32, #tpu.memory_space<hbm>>
      %dma_wait3A_445 = tpu.memref_squeeze %dma_wait3A_444 : memref<12x1x1x8x128xf32, #tpu.memory_space<hbm>> -> memref<12x8x128xf32, #tpu.memory_space<hbm>>
      %dma_wait3A_446 = arith.constant 26 : i32
      %dma_wait3A_447 = arith.constant 0 : i32
      %dma_wait3A_448 = arith.constant 0 : i32
      %dma_wait3A_449 = tpu.memref_slice %arg6[%dma_wait3A_446, %dma_wait3A_447, %dma_wait3A_448] : memref<50x8x128xf32, #tpu.memory_space<vmem>> -> memref<12x8x128xf32, #tpu.memory_space<vmem>>
      tpu.wait_dma2 semaphore(%arg8 : memref<!tpu.dma_semaphore, #tpu.memory_space<semaphore_mem>>) src(%dma_wait3A_449 : memref<12x8x128xf32, #tpu.memory_space<vmem>>) dst(%dma_wait3A_445 : memref<12x8x128xf32, #tpu.memory_space<hbm>>)
      %dma_wait3A_450 = arith.constant 1 : i32
      %dma_wait3A_451 = arith.constant 26 : i32
      %dma_wait3A_452 = arith.constant 0 : i32
      %dma_wait3A_453 = arith.constant 0 : i32
      %dma_wait3A_454 = tpu.memref_slice %arg6[%dma_wait3A_451, %dma_wait3A_452, %dma_wait3A_453] : memref<50x8x128xf32, #tpu.memory_space<vmem>> -> memref<12x8x128xf32, #tpu.memory_space<vmem>>
      %dma_wait3A_455 = arith.constant 26 : i32
      %dma_wait3A_456 = arith.constant 0 : i32
      %dma_wait3A_457 = arith.constant 0 : i32
      %dma_wait3A_458 = tpu.memref_slice %arg4[%dma_wait3A_455, %add3A_200, %dma_wait3A_450, %dma_wait3A_456, %dma_wait3A_457] : memref<50x50x2x8x128xf32, #tpu.memory_space<hbm>> -> memref<12x1x1x8x128xf32, #tpu.memory_space<hbm>>
      %dma_wait3A_459 = tpu.memref_squeeze %dma_wait3A_458 : memref<12x1x1x8x128xf32, #tpu.memory_space<hbm>> -> memref<12x8x128xf32, #tpu.memory_space<hbm>>
      %dma_wait3A_460 = arith.constant 26 : i32
      %dma_wait3A_461 = arith.constant 0 : i32
      %dma_wait3A_462 = arith.constant 0 : i32
      %dma_wait3A_463 = tpu.memref_slice %arg4[%dma_wait3A_460, %add3A_200, %dma_wait3A_450, %dma_wait3A_461, %dma_wait3A_462] : memref<50x50x2x8x128xf32, #tpu.memory_space<hbm>> -> memref<12x1x1x8x128xf32, #tpu.memory_space<hbm>>
      %dma_wait3A_464 = tpu.memref_squeeze %dma_wait3A_463 : memref<12x1x1x8x128xf32, #tpu.memory_space<hbm>> -> memref<12x8x128xf32, #tpu.memory_space<hbm>>
      %dma_wait3A_465 = arith.constant 26 : i32
      %dma_wait3A_466 = arith.constant 0 : i32
      %dma_wait3A_467 = arith.constant 0 : i32
      %dma_wait3A_468 = tpu.memref_slice %arg6[%dma_wait3A_465, %dma_wait3A_466, %dma_wait3A_467] : memref<50x8x128xf32, #tpu.memory_space<vmem>> -> memref<12x8x128xf32, #tpu.memory_space<vmem>>
      tpu.wait_dma2 semaphore(%arg8 : memref<!tpu.dma_semaphore, #tpu.memory_space<semaphore_mem>>) src(%dma_wait3A_468 : memref<12x8x128xf32, #tpu.memory_space<vmem>>) dst(%dma_wait3A_464 : memref<12x8x128xf32, #tpu.memory_space<hbm>>)
      %dma_wait3A_469 = arith.constant 1 : i32
      %dma_wait3A_470 = arith.constant 38 : i32
      %dma_wait3A_471 = arith.constant 0 : i32
      %dma_wait3A_472 = arith.constant 0 : i32
      %dma_wait3A_473 = tpu.memref_slice %arg6[%dma_wait3A_470, %dma_wait3A_471, %dma_wait3A_472] : memref<50x8x128xf32, #tpu.memory_space<vmem>> -> memref<12x8x128xf32, #tpu.memory_space<vmem>>
      %dma_wait3A_474 = arith.constant 38 : i32
      %dma_wait3A_475 = arith.constant 0 : i32
      %dma_wait3A_476 = arith.constant 0 : i32
      %dma_wait3A_477 = tpu.memref_slice %arg4[%dma_wait3A_474, %add3A_232, %dma_wait3A_469, %dma_wait3A_475, %dma_wait3A_476] : memref<50x50x2x8x128xf32, #tpu.memory_space<hbm>> -> memref<12x1x1x8x128xf32, #tpu.memory_space<hbm>>
      %dma_wait3A_478 = tpu.memref_squeeze %dma_wait3A_477 : memref<12x1x1x8x128xf32, #tpu.memory_space<hbm>> -> memref<12x8x128xf32, #tpu.memory_space<hbm>>
      %dma_wait3A_479 = arith.constant 38 : i32
      %dma_wait3A_480 = arith.constant 0 : i32
      %dma_wait3A_481 = arith.constant 0 : i32
      %dma_wait3A_482 = tpu.memref_slice %arg4[%dma_wait3A_479, %add3A_232, %dma_wait3A_469, %dma_wait3A_480, %dma_wait3A_481] : memref<50x50x2x8x128xf32, #tpu.memory_space<hbm>> -> memref<12x1x1x8x128xf32, #tpu.memory_space<hbm>>
      %dma_wait3A_483 = tpu.memref_squeeze %dma_wait3A_482 : memref<12x1x1x8x128xf32, #tpu.memory_space<hbm>> -> memref<12x8x128xf32, #tpu.memory_space<hbm>>
      %dma_wait3A_484 = arith.constant 38 : i32
      %dma_wait3A_485 = arith.constant 0 : i32
      %dma_wait3A_486 = arith.constant 0 : i32
      %dma_wait3A_487 = tpu.memref_slice %arg6[%dma_wait3A_484, %dma_wait3A_485, %dma_wait3A_486] : memref<50x8x128xf32, #tpu.memory_space<vmem>> -> memref<12x8x128xf32, #tpu.memory_space<vmem>>
      tpu.wait_dma2 semaphore(%arg8 : memref<!tpu.dma_semaphore, #tpu.memory_space<semaphore_mem>>) src(%dma_wait3A_487 : memref<12x8x128xf32, #tpu.memory_space<vmem>>) dst(%dma_wait3A_483 : memref<12x8x128xf32, #tpu.memory_space<hbm>>)
      %dma_wait3A_488 = arith.constant 1 : i32
      %dma_wait3A_489 = arith.constant 38 : i32
      %dma_wait3A_490 = arith.constant 0 : i32
      %dma_wait3A_491 = arith.constant 0 : i32
      %dma_wait3A_492 = tpu.memref_slice %arg6[%dma_wait3A_489, %dma_wait3A_490, %dma_wait3A_491] : memref<50x8x128xf32, #tpu.memory_space<vmem>> -> memref<12x8x128xf32, #tpu.memory_space<vmem>>
      %dma_wait3A_493 = arith.constant 38 : i32
      %dma_wait3A_494 = arith.constant 0 : i32
      %dma_wait3A_495 = arith.constant 0 : i32
      %dma_wait3A_496 = tpu.memref_slice %arg4[%dma_wait3A_493, %add3A_253, %dma_wait3A_488, %dma_wait3A_494, %dma_wait3A_495] : memref<50x50x2x8x128xf32, #tpu.memory_space<hbm>> -> memref<12x1x1x8x128xf32, #tpu.memory_space<hbm>>
      %dma_wait3A_497 = tpu.memref_squeeze %dma_wait3A_496 : memref<12x1x1x8x128xf32, #tpu.memory_space<hbm>> -> memref<12x8x128xf32, #tpu.memory_space<hbm>>
      %dma_wait3A_498 = arith.constant 38 : i32
      %dma_wait3A_499 = arith.constant 0 : i32
      %dma_wait3A_500 = arith.constant 0 : i32
      %dma_wait3A_501 = tpu.memref_slice %arg4[%dma_wait3A_498, %add3A_253, %dma_wait3A_488, %dma_wait3A_499, %dma_wait3A_500] : memref<50x50x2x8x128xf32, #tpu.memory_space<hbm>> -> memref<12x1x1x8x128xf32, #tpu.memory_space<hbm>>
      %dma_wait3A_502 = tpu.memref_squeeze %dma_wait3A_501 : memref<12x1x1x8x128xf32, #tpu.memory_space<hbm>> -> memref<12x8x128xf32, #tpu.memory_space<hbm>>
      %dma_wait3A_503 = arith.constant 38 : i32
      %dma_wait3A_504 = arith.constant 0 : i32
      %dma_wait3A_505 = arith.constant 0 : i32
      %dma_wait3A_506 = tpu.memref_slice %arg6[%dma_wait3A_503, %dma_wait3A_504, %dma_wait3A_505] : memref<50x8x128xf32, #tpu.memory_space<vmem>> -> memref<12x8x128xf32, #tpu.memory_space<vmem>>
      tpu.wait_dma2 semaphore(%arg8 : memref<!tpu.dma_semaphore, #tpu.memory_space<semaphore_mem>>) src(%dma_wait3A_506 : memref<12x8x128xf32, #tpu.memory_space<vmem>>) dst(%dma_wait3A_502 : memref<12x8x128xf32, #tpu.memory_space<hbm>>)
      %dma_wait3A_507 = arith.constant 1 : i32
      %dma_wait3A_508 = arith.constant 38 : i32
      %dma_wait3A_509 = arith.constant 0 : i32
      %dma_wait3A_510 = arith.constant 0 : i32
      %dma_wait3A_511 = tpu.memref_slice %arg6[%dma_wait3A_508, %dma_wait3A_509, %dma_wait3A_510] : memref<50x8x128xf32, #tpu.memory_space<vmem>> -> memref<12x8x128xf32, #tpu.memory_space<vmem>>
      %dma_wait3A_512 = arith.constant 38 : i32
      %dma_wait3A_513 = arith.constant 0 : i32
      %dma_wait3A_514 = arith.constant 0 : i32
      %dma_wait3A_515 = tpu.memref_slice %arg4[%dma_wait3A_512, %add3A_274, %dma_wait3A_507, %dma_wait3A_513, %dma_wait3A_514] : memref<50x50x2x8x128xf32, #tpu.memory_space<hbm>> -> memref<12x1x1x8x128xf32, #tpu.memory_space<hbm>>
      %dma_wait3A_516 = tpu.memref_squeeze %dma_wait3A_515 : memref<12x1x1x8x128xf32, #tpu.memory_space<hbm>> -> memref<12x8x128xf32, #tpu.memory_space<hbm>>
      %dma_wait3A_517 = arith.constant 38 : i32
      %dma_wait3A_518 = arith.constant 0 : i32
      %dma_wait3A_519 = arith.constant 0 : i32
      %dma_wait3A_520 = tpu.memref_slice %arg4[%dma_wait3A_517, %add3A_274, %dma_wait3A_507, %dma_wait3A_518, %dma_wait3A_519] : memref<50x50x2x8x128xf32, #tpu.memory_space<hbm>> -> memref<12x1x1x8x128xf32, #tpu.memory_space<hbm>>
      %dma_wait3A_521 = tpu.memref_squeeze %dma_wait3A_520 : memref<12x1x1x8x128xf32, #tpu.memory_space<hbm>> -> memref<12x8x128xf32, #tpu.memory_space<hbm>>
      %dma_wait3A_522 = arith.constant 38 : i32
      %dma_wait3A_523 = arith.constant 0 : i32
      %dma_wait3A_524 = arith.constant 0 : i32
      %dma_wait3A_525 = tpu.memref_slice %arg6[%dma_wait3A_522, %dma_wait3A_523, %dma_wait3A_524] : memref<50x8x128xf32, #tpu.memory_space<vmem>> -> memref<12x8x128xf32, #tpu.memory_space<vmem>>
      tpu.wait_dma2 semaphore(%arg8 : memref<!tpu.dma_semaphore, #tpu.memory_space<semaphore_mem>>) src(%dma_wait3A_525 : memref<12x8x128xf32, #tpu.memory_space<vmem>>) dst(%dma_wait3A_521 : memref<12x8x128xf32, #tpu.memory_space<hbm>>)
    } else {
    }
    return
  }
}

</mosaic_0001>

<sc_bundles>
// kernel: _build_pos.3.cloned.1.call-start
scs
__scs_entry_jumppad:
0x0: {  	(pc) =	sbr.rel $0x88, $3  }
0x1: {  	(tag) =	ssettag $0x0;
	lr =	simm.s32 $0x1  }
0x2: {  	[smem:$0x3F9F] =	sst lr;
	_ =	strace $0xD0000000  }
0x3: {  	_ = 	snop  }
0x4: {  	_ = 	snop  }
0x5: {  	_ = 	snop  }
0x6: {  	_ = 	snop  }
0x7: {  	_ = 	snop  }
__scs_overlays_trampoline_lowered:
0x8: {  	[smem:$0x3FAE] =	sst s0  }
0x9: {  	[smem:$0x3FAF] =	sst s1  }
0xa: {  	[smem:$0x3FB0] =	sst s2  }
0xb: {  	[smem:$0x3FB1] =	sst s3  }
0xc: {  	[smem:$0x3FB2] =	sst s4  }
0xd: {  	[smem:$0x3FB3] =	sst s5  }
0xe: {  	[smem:$0x3FB4] =	sst s6  }
0xf: {  	[smem:$0x3FB5] =	sst s7  }
0x10: {  	[smem:$0x3FB6] =	sst s8  }
0x11: {  	[smem:$0x3FB7] =	sst s9;
	s0 =	simm.s32 @!p0 $0x0  }
0x12: {  	s1 =	sld [smem:$0x3F9D];
	s0 =	simm.s32 @p0 $0x1  }
0x13: {  	[smem:$0x3FB8] =	sst s0;
	s0 =	simm.s32 @!p1 $0x0  }
0x14: {  	s2 =	sld [smem:$0x3F9C];
	s0 =	simm.s32 @p1 $0x1  }
0x15: {  	[smem:$0x3FB9] =	sst s0;
	s0 =	simm.s32 @!p2 $0x0  }
0x16: {  	s3 =	sld [smem:$0x3FDB];
	s0 =	simm.s32 @p2 $0x1  }
0x17: {  	s4 =	simm.s32 $0x1BF5;
	[smem:$0x3FBB] =	sst s0  }
0x18: {  	s0 =	sld [smem:$0x3F9E];
	_ =	swait.ge [sflag:s4], $0x0  }
0x19: {  	s7 =	sld [smem:$0x3F9F]  }
0x1a: {  	s8 =	sadd.s32 $0xFFFFE003, lr  }
0x1b: {  	s9 =	sadd.s32 $0xFFFFFEF7, lr;
	s5 =	simm.s32 $0xFFFFFFFF;
	p2 =	slt.u32 s8, $0xFFFFF086  }
0x1c: {  	p1 =	slt.u32 s9, $0xF7A;
	s5 =	simm.s32 @!p2 $0x0  }
0x1d: {  	s5 =	simm.s32 @p1 $0x1;
	p0 =	seq.s32 s7, s2  }
0x1e: {  	s7 =	smul.u32 @!p0 $0xF7A, s2;
	p2 =	seq.s32 @!p0 s5, $0x0  }
0x1f: {  	s9 =	smul.u32 $0xF7A, s1;
	s8 =	simm.s32 @!p0 $0x1BF5;
	p2 =	por !p2, p0  }
0x20: {  	[sflag:s8] =	ssyncset.s32 @!p0 $0xFFFFF086;
	s6 =	sadd.s32 @!p0 s3, s7;
	s7 =	simm.s32 @!p0 $0x108  }
0x21: {  	s3 =	sadd.s32 s3, s9;
	s6 =	sadd.s32 @!p0 $0x88, s6;
	s7 =	simm.s32 @p2 $0x1082  }
0x22: {  	[simem:s7], [sflag:s8] =	dma.local @!p0 [hbm:s6], $0xF7A  }
0x23: {  	s9 =	sor.u32 $0xD0000000, s2;
	s6 =	simm.s32 $0x108;
	_ =	swait.ge @!p0 [sflag:s8], $0x0  }
0x24: {  	s3 =	sadd.s32 $0x88, s3;
	s6 =	simm.s32 @!p1 $0x1082;
	[sflag:s4] =	ssyncset.s32 $0xFFFFF086  }
0x25: {  	[simem:s6], [sflag:s4] =	dma.local [hbm:s3], $0xF7A  }
0x26: {  	[smem:$0x3F9F] =	sst s1;
	(tag) =	ssettag s2;
	_ =	strace s9  }
0x27: {  	s1 =	sld [smem:$0x3FAF]  }
0x28: {  	s2 =	sld [smem:$0x3FB0]  }
0x29: {  	s4 =	sld [smem:$0x3FB2]  }
0x2a: {  	p0 =	seq.s32 s5, $0x0;
	s5 =	sld [smem:$0x3FB3]  }
0x2b: {  	s6 =	sld [smem:$0x3FB4]  }
0x2c: {  	s7 =	sld [smem:$0x3FB5]  }
0x2d: {  	s3 =	simm.s32 $0x108;
	s8 =	sld [smem:$0x3FB6]  }
0x2e: {  	s3 =	simm.s32 @!p0 $0x1082;
	s9 =	sld [smem:$0x3FB7]  }
0x2f: {  	lr =	sadd.s32 s0, s3;
	s0 =	sld [smem:$0x3FAE]  }
0x30: {  	s3 =	sld [smem:$0x3FB1]  }
0x31: {  	[smem:$0x3FBA] =	sst s10  }
0x32: {  	s10 =	sld [smem:$0x3FB8];
	_ =	sdelay $0x3  }
0x33: {  	p0 =	seq.s32 s10, $0x1;
	s10 =	sld [smem:$0x3FBA];
	_ =	sdelay $0x3  }
0x34: {  	[smem:$0x3FBA] =	sst s10  }
0x35: {  	s10 =	sld [smem:$0x3FB9];
	_ =	sdelay $0x3  }
0x36: {  	p1 =	seq.s32 s10, $0x1;
	s10 =	sld [smem:$0x3FBA];
	_ =	sdelay $0x3  }
0x37: {  	[smem:$0x3FBA] =	sst s10  }
0x38: {  	s10 =	sld [smem:$0x3FBB]  }
0x39: {  	_ = 	snop;
	(pc) =	sbr.ind lr, $3  }
0x3a: {  	_ = 	snop  }
0x3b: {  	_ = 	snop  }
0x3c: {  	p2 =	seq.s32 s10, $0x1;
	s10 =	sld [smem:$0x3FBA]  }
0x3d: {  	_ =	shalt  }
0x3e: {  	_ =	shalt  }
0x3f: {  	_ =	shalt  }
0x40: {  	_ =	shalt  }
0x41: {  	_ =	shalt  }
0x42: {  	_ =	shalt  }
0x43: {  	_ =	shalt  }
0x44: {  	_ =	shalt  }
0x45: {  	_ =	shalt  }
0x46: {  	_ =	shalt  }
0x47: {  	_ =	shalt  }
0x48: {  	_ =	shalt  }
0x49: {  	_ =	shalt  }
0x4a: {  	_ =	shalt  }
0x4b: {  	_ =	shalt  }
0x4c: {  	_ =	shalt  }
0x4d: {  	_ =	shalt  }
0x4e: {  	_ =	shalt  }
0x4f: {  	_ =	shalt  }
0x50: {  	_ =	shalt  }
0x51: {  	_ =	shalt  }
0x52: {  	_ =	shalt  }
0x53: {  	_ =	shalt  }
0x54: {  	_ =	shalt  }
0x55: {  	_ =	shalt  }
0x56: {  	_ =	shalt  }
0x57: {  	_ =	shalt  }
0x58: {  	_ =	shalt  }
0x59: {  	_ =	shalt  }
0x5a: {  	_ =	shalt  }
0x5b: {  	_ =	shalt  }
0x5c: {  	_ =	shalt  }
0x5d: {  	_ =	shalt  }
0x5e: {  	_ =	shalt  }
0x5f: {  	_ =	shalt  }
0x60: {  	_ =	shalt  }
0x61: {  	_ =	shalt  }
0x62: {  	_ =	shalt  }
0x63: {  	_ =	shalt  }
0x64: {  	_ =	shalt  }
0x65: {  	_ =	shalt  }
0x66: {  	_ =	shalt  }
0x67: {  	_ =	shalt  }
0x68: {  	_ =	shalt  }
0x69: {  	_ =	shalt  }
0x6a: {  	_ =	shalt  }
0x6b: {  	_ =	shalt  }
0x6c: {  	_ =	shalt  }
0x6d: {  	_ =	shalt  }
0x6e: {  	_ =	shalt  }
0x6f: {  	_ =	shalt  }
0x70: {  	_ =	shalt  }
0x71: {  	_ =	shalt  }
0x72: {  	_ =	shalt  }
0x73: {  	_ =	shalt  }
0x74: {  	_ =	shalt  }
0x75: {  	_ =	shalt  }
0x76: {  	_ =	shalt  }
0x77: {  	_ =	shalt  }
0x78: {  	_ =	shalt  }
0x79: {  	_ =	shalt  }
0x7a: {  	_ =	shalt  }
0x7b: {  	_ =	shalt  }
0x7c: {  	_ =	shalt  }
0x7d: {  	_ =	shalt  }
0x7e: {  	_ =	shalt  }
0x7f: {  	_ =	shalt  }
0x80: {  	_ =	shalt  }
0x81: {  	_ =	shalt  }
0x82: {  	_ =	shalt  }
0x83: {  	_ =	shalt  }
0x84: {  	_ =	shalt  }
0x85: {  	_ =	shalt  }
0x86: {  	_ =	shalt  }
0x87: {  	_ =	shalt  }
.Lfunc_end0:
.L_simem_size_0:
called_computation_lowered:
.L_overlay_start_0:
0x88: {  	s2 =	sld [smem:$0x3FD9]  }
0x89: {  	s3 =	sld [smem:$0x3FFE];
	_ =	sdelay $0x1  }
0x8a: {  	s1 =	srdreg.scid  }
0x8b: {  	s0 =	sand.u32 $0x1, s1  }
0x8c: {  	s18 =	sshll.u32 s0, $0xA;
	s2 =	sadd.s32 s3, s2  }
0x8d: {  	s2 =	sadd.s32 s2, s18  }
0x8e: {  	[smem:$0x3FC6] =	sst s2  }
0x8f: {  	_ = 	snop  }
0x90: {  	s2 =	sld [smem:$0x3FC9]  }
0x91: {  	s19 =	sld [smem:$0x3FC8]  }
0x92: {  	s4 =	sld [smem:$0x3FD0];
	(tm) =	ssettm $0x1  }
0x93: {  	s5 =	sld [smem:$0x3FFB];
	_ =	sdelay $0x3  }
0x94: {  	_ =	strace s5  }
0x95: {  	s5 =	sld [smem:$0x3FFC];
	_ =	sdelay $0x3  }
0x96: {  	_ =	strace s5  }
0x97: {  	s5 =	sld [smem:$0x3FFD];
	_ =	sdelay $0x3  }
0x98: {  	_ =	strace s5  }
0x99: {  	_ =	strace $0x8FFFFFFF  }
0x9a: {  	s20 =	sld [smem:$0x3FDB];
	_ =	sdelay $0x1  }
0x9b: {  	s6 =	simm.s32 $_scs_section_size  }
0x9c: {  	s7 =	simm.s32 $_size__tile_overlayer_lowered;
	s8 =	simm.s32 $_tile_overlayer_lowered  }
0x9d: {  	s23 =	simm.s32 $0x1BFF;
	s22 =	sshll.u32 s8, $0x1;
	s5 =	sadd.s32 s6, s20  }
0x9e: {  	s9 =	simm.s32 $0x0;
	s21 =	sshll.u32 s7, $0x1;
	s7 =	sadd.s32 s22, s5  }
0x9f: {  	[timem:s9], [sflag:s23] =	dma.local [hbm:s7], s21  }
0xa0: {  	_ =	swait.ge [sflag:s23], s21  }
0xa1: {  	s6 =	ssub.s32 $0x0, s21;
	[sflag:s23] =	ssyncset.done $0x0  }
0xa2: {  	[sflag:s23] =	ssyncadd.s32 s6;
	_ =	sdelay $0x1  }
0xa3: {  	s24 =	simm.s32 $0x1B8B  }
0xa4: {  	_ =	swait.ge [sflag:s24], $0x1  }
0xa5: {  	[sflag:s24] =	ssyncset.done $0x0  }
0xa6: {  	s25 =	simm.s32 $0x1B8E;
	[sflag:s24] =	ssyncadd.s32 $0xFFFFFFFF  }
0xa7: {  	s26 =	simm.s32 $execute0_lowered;
	[smem:$0x3FD2] =	sst s25  }
0xa8: {  	s6 =	sshll.u32 s26, $0x1;
	_ =	strace $0x80000046;
	[dreg:$0x1] =	wrdreg $0xFFFFFFFF  }
0xa9: {  	s28 =	simm.s32 $_size_execute0_lowered;
	s5 =	sadd.s32 s5, s6;
	[dreg:$0x0] =	wrdreg $0x0  }
0xaa: {  	s6 =	sshll.u32 s28, $0x1;
	[dreg:$0x2] =	wrdreg s5  }
0xab: {  	[dreg:$0x3] =	wrdreg s6  }
0xac: {  	[dreg:$0x4] =	wrdreg $0xC0  }
0xad: {  	_ =	task [dreg:s9], $0x5FFFF  }
0xae: {  	[dreg:$0x1] =	wrdreg $0xFFFFFFFF  }
0xaf: {  	[dreg:$0x0] =	wrdreg $0x60  }
0xb0: {  	[dreg:$0x2] =	wrdreg s2  }
0xb1: {  	[dreg:$0x3] =	wrdreg s19  }
0xb2: {  	[dreg:$0x4] =	wrdreg s4  }
0xb3: {  	[dreg:$0x5] =	wrdreg $0x9  }
0xb4: {  	_ =	task.clear_ibuf [dreg:s9], $0x6FFFF;
	_ =	strace $0x90000046  }
0xb5: {  	s29 =	simm.s32 $0x9;
	_ =	strace $0x80000048  }
0xb6: {  	_ =	swait.ge [sflag:s29], $0x1  }
0xb7: {  	[sflag:s29] =	ssyncadd.s32 $0xFFFFFFFF  }
0xb8: {  	_ =	strace $0x90000048  }
0xb9: {  	_ =	sfence  }
0xba: {  	s30 =	sld [smem:$0x0];
	_ =	sdelay $0x2  }
0xbb: {  	s31 =	sshll.u32 s1, $0xD;
	s1 =	sshrl.u32 s1, $0x2  }
0xbc: {  	s3 =	sand.u32 $0x4000, s31;
	s1 =	sadd.s32 s1, s30  }
0xbd: {  	s0 =	sor.u32 s3, s0;
	s1 =	sshll.u32 s1, $0x11  }
0xbe: {  	s0 =	sor.u32 s1, s0  }
0xbf: {  	s0 =	sadd.s32 $0x8F2B, s0  }
0xc0: {  	[sflag:s0] =	ssyncadd.remote.s32 $0x1  }
0xc1: {  	_ =	sfence.sel $0xFFFF  }
0xc2: {  	[dreg:$0x0] =	wrdreg $0xFFFFFFFF;
	(pc) =	sbr.abs _section_cstart, $3  }
0xc3: {  	[dreg:$0x1] =	wrdreg $0xFFFFFFFF  }
0xc4: {  	_ =	task.clear_ibuf [dreg:s9], $0x2FFFF;
	_ =	strace $0x9FFFFFFF  }
0xc5: {  	(tm) =	ssettm $0x7FFFFFFF  }
tec
execute0_lowered:
.L_overlay_start_1:
0x0: {  	(tag) =	ssettag $0x1  }
0x1: {  	s0 =	srdreg.scid  }
0x2: {  	s6 =	stileid.u32;
	s1 =	rddreg [dreg:$0x2];
	s4 =	simm.s32 $0x0  }
0x3: {  	s8 =	simm.s32 $0x400;
	s0 =	sand.u32 $0x1, s0;
	s14 =	sshll.u32 s6, $0x8  }
0x4: {  	s3 =	ssub.s32 $0x2, s0;
	p0 =	seq.s32 s0, $0x1;
	s0 =	sadd.s32 s1, s14  }
0x5: {  	s9 =	simm.s32 $0x19000;
	[smem:$0x7FF] =	sst s4;
	s16 =	sadd.s32 $0x1080, s0  }
0x6: {  	_ =	strace $0x80000047;
	s17 =	sadd.s32 $0x2080, s0;
	[dreg:$0x8] =	wrdreg s16  }
0x7: {  	s10 =	simm.s32 $0x1C00;
	s18 =	sadd.s32 $0x3080, s0;
	[dreg:$0x9] =	wrdreg s17  }
0x8: {  	s11 =	simm.s32 $0x5000;
	s19 =	sadd.s32 $0x28A80, s0;
	[dreg:$0xa] =	wrdreg s18  }
0x9: {  	s12 =	simm.s32 $0x8400;
	s20 =	sadd.s32 $0x29A80, s0;
	[dreg:$0xb] =	wrdreg s19  }
0xa: {  	s2 =	smul.u32 $0x19000, s6;
	s21 =	sadd.s32 $0x2AA80, s0;
	[dreg:$0xc] =	wrdreg s20  }
0xb: {  	p1 =	sgt.u32 s6, $0x1;
	s22 =	sadd.s32 $0x2BA80, s0;
	[dreg:$0xd] =	wrdreg s21  }
0xc: {  	s14 =	simm.s32 $0x2;
	s23 =	sadd.s32 $0x51480, s0;
	[dreg:$0xe] =	wrdreg s22  }
0xd: {  	s5 =	sshrl.u32 s3, $0x1;
	s24 =	sadd.s32 $0x52480, s0;
	[dreg:$0xf] =	wrdreg s23  }
0xe: {  	s2 =	sshrl.u32 s2, $0x3;
	s25 =	sadd.s32 $0x53480, s0;
	[dreg:$0x10] =	wrdreg s24  }
0xf: {  	s26 =	sadd.s32 $0x54480, s0;
	s3 =	ssub.s32 s3, s5;
	[dreg:$0x11] =	wrdreg s25  }
0x10: {  	s5 =	sadd.s32 s1, s2;
	s1 =	sadd.s32 $0x80, s0;
	[dreg:$0x12] =	wrdreg s26  }
0x11: {  	s21 =	sadd.s32 $0x76C80, s0;
	s22 =	sadd.s32 $0x77C80, s0;
	s23 =	sadd.s32 $0x78C80, s0  }
0x12: {  	s0 =	sadd.s32 $0x79C80, s0;
	s13 =	sadd.s32 $0x32000, s5;
	[dreg:$0x7] =	wrdreg s1  }
0x13: {  	s2 =	sadd.s32 $0x64000, s5;
	s15 =	sadd.s32 $0x96000, s5;
	[dreg:$0x13] =	wrdreg s0  }
0x14: {  	s25 =	smax.u32 s3, $0x1;
	s26 =	sadd.s32 $0xD00, s5;
	s28 =	sadd.s32 $0x32D00, s5  }
0x15: {  	s29 =	sadd.s32 $0x64D00, s5;
	s30 =	sadd.s32 $0x96D00, s5;
	s31 =	sadd.s32 $0x1A00, s5  }
.Ltmp0:
0x16: {  	s0 =	sadd.s32 $0x65A00, s5;
	[dreg:$0x4] =	wrdreg s13;
	(pc) =	sbr.rel .LBB2_1-.Ltmp0, $4  }
0x17: {  	s1 =	sadd.s32 $0x97A00, s5;
	s3 =	sadd.s32 $0x2600, s5;
	[dreg:$0x5] =	wrdreg s2  }
0x18: {  	s24 =	sadd.s32 $0x34600, s5;
	s7 =	sadd.s32 $0x98600, s5;
	[dreg:$0x6] =	wrdreg s15  }
0x19: {  	s6 =	sadd.s32 $0x66600, s5;
	s2 =	sadd.s32 $0x33A00, s5;
	[dreg:$0x14] =	wrdreg s7  }
0x1a: {  	s7 =	simm.s32 $0x1;
	s13 =	simm.s32 $0xB400;
	s15 =	simm.s32 $0x800  }
.LBB2_22:
0x1b: {  	_ =	swait.ge [sflag:s14], $0x3000  }
0x1c: {  	[sflag:s14] =	ssyncset.done $0x0  }
0x1d: {  	[sflag:s14] =	ssyncadd.s32 $0xFFFFD000  }
.LBB2_23:
0x1e: {  	_ =	swait.ge [sflag:s14], $0x3400  }
0x1f: {  	[sflag:s14] =	ssyncset.done $0x0  }
0x20: {  	[sflag:s14] =	ssyncadd.s32 $0xFFFFCC00  }
0x21: {  	_ =	swait.ge [sflag:s14], $0x3400  }
0x22: {  	[sflag:s14] =	ssyncset.done $0x0  }
0x23: {  	[sflag:s14] =	ssyncadd.s32 $0xFFFFCC00  }
0x24: {  	_ =	swait.ge [sflag:s14], $0x3400  }
0x25: {  	[sflag:s14] =	ssyncset.done $0x0  }
0x26: {  	[sflag:s14] =	ssyncadd.s32 $0xFFFFCC00  }
0x27: {  	_ =	swait.ge [sflag:s14], $0x3400  }
0x28: {  	[sflag:s14] =	ssyncset.done $0x0  }
0x29: {  	[sflag:s14] =	ssyncadd.s32 $0xFFFFCC00  }
0x2a: {  	_ =	swait.ge [sflag:s14], $0x3400  }
0x2b: {  	[sflag:s14] =	ssyncset.done $0x0  }
0x2c: {  	[sflag:s14] =	ssyncadd.s32 $0xFFFFCC00  }
0x2d: {  	_ =	swait.ge [sflag:s14], $0x3400  }
0x2e: {  	[sflag:s14] =	ssyncset.done $0x0  }
0x2f: {  	[sflag:s14] =	ssyncadd.s32 $0xFFFFCC00  }
0x30: {  	_ =	swait.ge [sflag:s14], $0x3000  }
0x31: {  	[sflag:s14] =	ssyncset.done $0x0  }
0x32: {  	[sflag:s14] =	ssyncadd.s32 $0xFFFFD000  }
0x33: {  	_ =	swait.ge [sflag:s14], $0x3000  }
0x34: {  	[sflag:s14] =	ssyncset.done $0x0  }
0x35: {  	[sflag:s14] =	ssyncadd.s32 $0xFFFFD000  }
0x36: {  	_ =	swait.ge [sflag:s14], $0x3000  }
0x37: {  	[sflag:s14] =	ssyncset.done $0x0  }
0x38: {  	[sflag:s14] =	ssyncadd.s32 $0xFFFFD000  }
0x39: {  	_ =	swait.ge [sflag:s14], $0x3000  }
0x3a: {  	[sflag:s14] =	ssyncset.done $0x0  }
0x3b: {  	s4 =	sadd.s32 $0x1, s4;
	[sflag:s14] =	ssyncadd.s32 $0xFFFFD000  }
0x3c: {  	p2 =	sne.s32 s4, s25;
	_ =	swait.ge [sflag:s14], $0x3000  }
.Ltmp1:
0x3d: {  	[sflag:s14] =	ssyncset.done $0x0;
	(pc) =	sbr.rel @!p2 .LBB2_24-.Ltmp1, $4  }
0x3e: {  	[sflag:s14] =	ssyncadd.s32 $0xFFFFD000  }
0x3f: {  	_ =	swait.ge [sflag:s14], $0x3000  }
0x40: {  	[sflag:s14] =	ssyncset.done $0x0  }
0x41: {  	[sflag:s14] =	ssyncadd.s32 $0xFFFFD000  }
.LBB2_1:
.Ltmp2:
0x42: {  	(pc) =	sbr.rel @!p0 .LBB2_2-.Ltmp2, $2  }
0x43: {  	_ =	sdelay $0x2  }
0x44: {  	s16 =	simm.s32 $0x0  }
0x45: {  	s17 =	rddreg [dreg:$0x1]  }
0x46: {  	[tilespmem:s16], [sflag:$0x1] =	stream.linear.gather [hbm4b:s17+s16], $0x1900, $0x38;
	[tilespmem:$0xE400] =	vst v63  }
0x47: {  	_ =	swait.ge [sflag:s7], $0x1900  }
0x48: {  	[sflag:s7] =	ssyncset.done $0x0  }
0x49: {  	s17 =	simm.s32 $0x0;
	[sflag:s7] =	ssyncadd.s32 $0xFFFFE700  }
0x4a: {  	v0 =	vld [tilespmem:s17+$0x0];
	_ =	sdelay $0x3  }
0x4b: {  	s16 =	simm.s32 $0x1E00  }
0x4c: {  	[tilespmem:s16+$0x180] =	vst v0  }
0x4d: {  	[tilespmem:s16+$0x100] =	vst v0  }
0x4e: {  	[tilespmem:s16+$0x80] =	vst v0  }
0x4f: {  	[tilespmem:s16+$0x0] =	vst v0  }
0x50: {  	[tilespmem:s16+$0xFFFFFF80] =	vst v0  }
0x51: {  	[tilespmem:s16+$0xFFFFFF00] =	vst v0  }
0x52: {  	[tilespmem:s16+$0xFFFFFE00] =	vst v0  }
0x53: {  	[tilespmem:s16+$0xFFFFFE80] =	vst v0  }
0x54: {  	v0 =	vld [tilespmem:s17+$0x10];
	_ =	sdelay $0x4  }
0x55: {  	[tilespmem:s16+$0x190] =	vst v0  }
0x56: {  	[tilespmem:s16+$0x110] =	vst v0  }
0x57: {  	[tilespmem:s16+$0xFFFFFE90] =	vst v0  }
0x58: {  	[tilespmem:s16+$0x90] =	vst v0  }
0x59: {  	[tilespmem:s16+$0x10] =	vst v0  }
0x5a: {  	[tilespmem:s16+$0xFFFFFF10] =	vst v0  }
0x5b: {  	[tilespmem:s16+$0xFFFFFF90] =	vst v0  }
0x5c: {  	[tilespmem:s16+$0xFFFFFE10] =	vst v0  }
0x5d: {  	v0 =	vld [tilespmem:s17+$0x20];
	_ =	sdelay $0x4  }
0x5e: {  	[tilespmem:s16+$0x1A0] =	vst v0  }
0x5f: {  	[tilespmem:s16+$0x120] =	vst v0  }
0x60: {  	[tilespmem:s16+$0xFFFFFEA0] =	vst v0  }
0x61: {  	[tilespmem:s16+$0xFFFFFF20] =	vst v0  }
0x62: {  	[tilespmem:s16+$0xFFFFFFA0] =	vst v0  }
0x63: {  	[tilespmem:s16+$0xA0] =	vst v0  }
0x64: {  	[tilespmem:s16+$0xFFFFFE20] =	vst v0  }
0x65: {  	[tilespmem:s16+$0x20] =	vst v0  }
0x66: {  	v0 =	vld [tilespmem:s17+$0x30];
	_ =	sdelay $0x4  }
0x67: {  	[tilespmem:s16+$0x1B0] =	vst v0  }
0x68: {  	[tilespmem:s16+$0x130] =	vst v0  }
0x69: {  	s18 =	simm.s32 $0x200;
	s19 =	simm.s32 $0x1E00;
	[tilespmem:s16+$0xFFFFFF30] =	vst v0  }
.LBB2_13:
0x6a: {  	p2 =	sne.s32 s18, $0x1800  }
0x6b: {  	[tilespmem:s16+$0xB0] =	vst v0;
	s19 =	sadd.s32 $0x400, s19;
	s20 =	smov.u32 s18;
	s18 =	sadd.s32 $0x200, s18  }
0x6c: {  	[tilespmem:s16+$0xFFFFFFB0] =	vst v0  }
0x6d: {  	[tilespmem:s16+$0xFFFFFEB0] =	vst v0  }
0x6e: {  	[tilespmem:s16+$0x30] =	vst v0  }
0x6f: {  	[tilespmem:s16+$0xFFFFFE30] =	vst v0  }
0x70: {  	v0 =	vld [tilespmem:s17+$0x40];
	_ =	sdelay $0x4  }
0x71: {  	[tilespmem:s16+$0x1C0] =	vst v0  }
0x72: {  	[tilespmem:s16+$0x140] =	vst v0  }
0x73: {  	[tilespmem:s16+$0xFFFFFF40] =	vst v0  }
0x74: {  	[tilespmem:s16+$0xFFFFFEC0] =	vst v0  }
0x75: {  	[tilespmem:s16+$0xFFFFFFC0] =	vst v0  }
0x76: {  	[tilespmem:s16+$0xC0] =	vst v0  }
0x77: {  	[tilespmem:s16+$0xFFFFFE40] =	vst v0  }
0x78: {  	[tilespmem:s16+$0x40] =	vst v0  }
0x79: {  	v0 =	vld [tilespmem:s17+$0x50];
	_ =	sdelay $0x4  }
0x7a: {  	[tilespmem:s16+$0x1D0] =	vst v0  }
0x7b: {  	[tilespmem:s16+$0xD0] =	vst v0  }
0x7c: {  	[tilespmem:s16+$0x150] =	vst v0  }
0x7d: {  	[tilespmem:s16+$0xFFFFFF50] =	vst v0  }
0x7e: {  	[tilespmem:s16+$0x50] =	vst v0  }
0x7f: {  	[tilespmem:s16+$0xFFFFFFD0] =	vst v0  }
0x80: {  	[tilespmem:s16+$0xFFFFFED0] =	vst v0  }
0x81: {  	[tilespmem:s16+$0xFFFFFE50] =	vst v0  }
0x82: {  	v0 =	vld [tilespmem:s17+$0x60];
	_ =	sdelay $0x4  }
0x83: {  	[tilespmem:s16+$0x1E0] =	vst v0  }
0x84: {  	[tilespmem:s16+$0x160] =	vst v0  }
0x85: {  	[tilespmem:s16+$0xE0] =	vst v0  }
0x86: {  	[tilespmem:s16+$0x60] =	vst v0  }
0x87: {  	[tilespmem:s16+$0xFFFFFEE0] =	vst v0  }
0x88: {  	[tilespmem:s16+$0xFFFFFF60] =	vst v0  }
0x89: {  	[tilespmem:s16+$0xFFFFFE60] =	vst v0  }
0x8a: {  	[tilespmem:s16+$0xFFFFFFE0] =	vst v0  }
0x8b: {  	v0 =	vld [tilespmem:s17+$0x70];
	_ =	sdelay $0x4  }
0x8c: {  	[tilespmem:s16+$0xFFFFFE70] =	vst v0  }
0x8d: {  	[tilespmem:s16+$0xFFFFFF70] =	vst v0  }
0x8e: {  	[tilespmem:s16+$0x1F0] =	vst v0  }
0x8f: {  	[tilespmem:s16+$0x70] =	vst v0  }
0x90: {  	[tilespmem:s16+$0xF0] =	vst v0  }
0x91: {  	[tilespmem:s16+$0xFFFFFEF0] =	vst v0  }
0x92: {  	[tilespmem:s16+$0x170] =	vst v0  }
0x93: {  	s17 =	sshra.s32 s20, $0x2;
	[tilespmem:s16+$0xFFFFFFF0] =	vst v0;
	s16 =	smov.u32 s19  }
0x94: {  	v0 =	vld [tilespmem:s17+$0x0];
	_ =	sdelay $0x4  }
0x95: {  	[tilespmem:s19+$0x180] =	vst v0  }
0x96: {  	[tilespmem:s19+$0x100] =	vst v0  }
0x97: {  	[tilespmem:s19+$0x80] =	vst v0  }
0x98: {  	[tilespmem:s19+$0x0] =	vst v0  }
0x99: {  	[tilespmem:s19+$0xFFFFFF80] =	vst v0  }
0x9a: {  	[tilespmem:s19+$0xFFFFFF00] =	vst v0  }
0x9b: {  	[tilespmem:s19+$0xFFFFFE00] =	vst v0  }
0x9c: {  	[tilespmem:s19+$0xFFFFFE80] =	vst v0  }
0x9d: {  	v0 =	vld [tilespmem:s17+$0x10];
	_ =	sdelay $0x4  }
0x9e: {  	[tilespmem:s19+$0x190] =	vst v0  }
0x9f: {  	[tilespmem:s19+$0x110] =	vst v0  }
0xa0: {  	[tilespmem:s19+$0xFFFFFE90] =	vst v0  }
0xa1: {  	[tilespmem:s19+$0x90] =	vst v0  }
0xa2: {  	[tilespmem:s19+$0x10] =	vst v0  }
0xa3: {  	[tilespmem:s19+$0xFFFFFF10] =	vst v0  }
0xa4: {  	[tilespmem:s19+$0xFFFFFF90] =	vst v0  }
0xa5: {  	[tilespmem:s19+$0xFFFFFE10] =	vst v0  }
0xa6: {  	v0 =	vld [tilespmem:s17+$0x20];
	_ =	sdelay $0x4  }
0xa7: {  	[tilespmem:s19+$0x1A0] =	vst v0  }
0xa8: {  	[tilespmem:s19+$0x120] =	vst v0  }
0xa9: {  	[tilespmem:s19+$0xFFFFFEA0] =	vst v0  }
0xaa: {  	[tilespmem:s19+$0xFFFFFF20] =	vst v0  }
0xab: {  	[tilespmem:s19+$0xFFFFFFA0] =	vst v0  }
0xac: {  	[tilespmem:s19+$0xA0] =	vst v0  }
0xad: {  	[tilespmem:s19+$0xFFFFFE20] =	vst v0  }
0xae: {  	[tilespmem:s19+$0x20] =	vst v0  }
0xaf: {  	v0 =	vld [tilespmem:s17+$0x30];
	_ =	sdelay $0x2  }
.Ltmp3:
0xb0: {  	(pc) =	sbr.rel @p2 .LBB2_13-.Ltmp3, $4  }
0xb1: {  	_ = 	snop  }
0xb2: {  	[tilespmem:s19+$0x1B0] =	vst v0  }
0xb3: {  	[tilespmem:s19+$0x130] =	vst v0  }
0xb4: {  	[tilespmem:s19+$0xFFFFFF30] =	vst v0  }
0xb5: {  	[tilespmem:s16+$0xB0] =	vst v0  }
0xb6: {  	[tilespmem:s16+$0xFFFFFFB0] =	vst v0  }
0xb7: {  	[tilespmem:s16+$0xFFFFFEB0] =	vst v0  }
0xb8: {  	[tilespmem:s16+$0x30] =	vst v0  }
0xb9: {  	[tilespmem:s16+$0xFFFFFE30] =	vst v0  }
0xba: {  	v0 =	vld [tilespmem:s17+$0x40];
	_ =	sdelay $0x4  }
0xbb: {  	[tilespmem:s16+$0x1C0] =	vst v0  }
0xbc: {  	[tilespmem:s16+$0x140] =	vst v0  }
0xbd: {  	[tilespmem:s16+$0xFFFFFF40] =	vst v0  }
0xbe: {  	[tilespmem:s16+$0xFFFFFEC0] =	vst v0  }
0xbf: {  	[tilespmem:s16+$0xFFFFFFC0] =	vst v0  }
0xc0: {  	[tilespmem:s16+$0xC0] =	vst v0  }
0xc1: {  	[tilespmem:s16+$0xFFFFFE40] =	vst v0  }
0xc2: {  	[tilespmem:s16+$0x40] =	vst v0  }
0xc3: {  	v0 =	vld [tilespmem:s17+$0x50];
	_ =	sdelay $0x4  }
0xc4: {  	[tilespmem:s16+$0x1D0] =	vst v0  }
0xc5: {  	[tilespmem:s16+$0xD0] =	vst v0  }
0xc6: {  	[tilespmem:s16+$0x150] =	vst v0  }
0xc7: {  	[tilespmem:s16+$0xFFFFFF50] =	vst v0  }
0xc8: {  	[tilespmem:s16+$0x50] =	vst v0  }
0xc9: {  	[tilespmem:s16+$0xFFFFFFD0] =	vst v0  }
0xca: {  	[tilespmem:s16+$0xFFFFFED0] =	vst v0  }
0xcb: {  	[tilespmem:s16+$0xFFFFFE50] =	vst v0  }
0xcc: {  	v0 =	vld [tilespmem:s17+$0x60];
	_ =	sdelay $0x4  }
0xcd: {  	[tilespmem:s16+$0x1E0] =	vst v0  }
0xce: {  	[tilespmem:s16+$0x160] =	vst v0  }
0xcf: {  	[tilespmem:s16+$0xE0] =	vst v0  }
0xd0: {  	[tilespmem:s16+$0x60] =	vst v0  }
0xd1: {  	[tilespmem:s16+$0xFFFFFEE0] =	vst v0  }
0xd2: {  	[tilespmem:s16+$0xFFFFFF60] =	vst v0  }
0xd3: {  	[tilespmem:s16+$0xFFFFFE60] =	vst v0  }
0xd4: {  	[tilespmem:s16+$0xFFFFFFE0] =	vst v0  }
0xd5: {  	v0 =	vld [tilespmem:s17+$0x70];
	_ =	sdelay $0x4  }
0xd6: {  	[tilespmem:s16+$0xFFFFFE70] =	vst v0  }
0xd7: {  	[tilespmem:s16+$0xFFFFFF70] =	vst v0  }
0xd8: {  	[tilespmem:s16+$0x1F0] =	vst v0  }
0xd9: {  	[tilespmem:s16+$0x70] =	vst v0  }
0xda: {  	[tilespmem:s16+$0xF0] =	vst v0  }
0xdb: {  	[tilespmem:s16+$0xFFFFFEF0] =	vst v0  }
0xdc: {  	[tilespmem:s16+$0x170] =	vst v0  }
0xdd: {  	s18 =	rddreg [dreg:$0x7];
	[tilespmem:s16+$0xFFFFFFF0] =	vst v0  }
0xde: {  	[hbm4b:s18+s8] =	stream.strided.scatter [tilespmem:s10], [sflag:$0x2], $0x3400, s9, s8, $0x38;
	[tilespmem:$0xE400] =	vst v63  }
0xdf: {  	s19 =	rddreg [dreg:$0x8]  }
0xe0: {  	[hbm4b:s19+s8] =	stream.strided.scatter [tilespmem:s10], [sflag:$0x2], $0x3400, s9, s8, $0x38;
	[tilespmem:$0xE400] =	vst v63  }
0xe1: {  	s20 =	rddreg [dreg:$0x9];
	s17 =	simm.s32 @!p1 $0x19000  }
0xe2: {  	[hbm4b:s20+s8] =	stream.strided.scatter [tilespmem:s10], [sflag:$0x2], $0x3400, s9, s8, $0x38;
	[tilespmem:$0xE400] =	vst v63  }
0xe3: {  	s16 =	simm.s32 @!p1 $0x400;
	s18 =	simm.s32 @!p1 $0x1C00;
	s19 =	rddreg [dreg:$0xa]  }
0xe4: {  	[hbm4b:s19+s16] =	stream.strided.scatter @!p1 [tilespmem:s18], [sflag:$0x2], $0x3400, s17, s16, $0x38;
	[tilespmem:$0xE400] =	vst v63  }
0xe5: {  	s16 =	simm.s32 @!p1 $0x2  }
0xe6: {  	_ =	swait.ge @!p1 [sflag:s16], $0x3400  }
0xe7: {  	[sflag:s16] =	ssyncset.done @!p1 $0x0  }
0xe8: {  	s17 =	simm.s32 $0x0;
	[sflag:s16] =	ssyncadd.s32 @!p1 $0xFFFFCC00  }
0xe9: {  	v0 =	vld [tilespmem:s17+$0x680];
	_ =	sdelay $0x3  }
0xea: {  	s16 =	simm.s32 $0x53F0  }
0xeb: {  	[tilespmem:s16+$0xFFFFFF90] =	vst v0  }
0xec: {  	[tilespmem:s16+$0xFFFFFF10] =	vst v0  }
0xed: {  	[tilespmem:s16+$0xFFFFFE90] =	vst v0  }
0xee: {  	[tilespmem:s16+$0xFFFFFE10] =	vst v0  }
0xef: {  	[tilespmem:s16+$0xFFFFFD90] =	vst v0  }
0xf0: {  	[tilespmem:s16+$0xFFFFFD10] =	vst v0  }
0xf1: {  	[tilespmem:s16+$0xFFFFFC10] =	vst v0  }
0xf2: {  	[tilespmem:s16+$0xFFFFFC90] =	vst v0  }
0xf3: {  	v0 =	vld [tilespmem:s17+$0x690];
	_ =	sdelay $0x4  }
0xf4: {  	[tilespmem:s16+$0xFFFFFFA0] =	vst v0  }
0xf5: {  	[tilespmem:s16+$0xFFFFFF20] =	vst v0  }
0xf6: {  	[tilespmem:s16+$0xFFFFFCA0] =	vst v0  }
0xf7: {  	[tilespmem:s16+$0xFFFFFEA0] =	vst v0  }
0xf8: {  	[tilespmem:s16+$0xFFFFFE20] =	vst v0  }
0xf9: {  	[tilespmem:s16+$0xFFFFFD20] =	vst v0  }
0xfa: {  	[tilespmem:s16+$0xFFFFFDA0] =	vst v0  }
0xfb: {  	[tilespmem:s16+$0xFFFFFC20] =	vst v0  }
0xfc: {  	v0 =	vld [tilespmem:s17+$0x6A0];
	_ =	sdelay $0x4  }
0xfd: {  	[tilespmem:s16+$0xFFFFFFB0] =	vst v0  }
0xfe: {  	[tilespmem:s16+$0xFFFFFF30] =	vst v0  }
0xff: {  	[tilespmem:s16+$0xFFFFFCB0] =	vst v0  }
0x100: {  	[tilespmem:s16+$0xFFFFFD30] =	vst v0  }
0x101: {  	[tilespmem:s16+$0xFFFFFDB0] =	vst v0  }
0x102: {  	[tilespmem:s16+$0xFFFFFEB0] =	vst v0  }
0x103: {  	[tilespmem:s16+$0xFFFFFC30] =	vst v0  }
0x104: {  	[tilespmem:s16+$0xFFFFFE30] =	vst v0  }
0x105: {  	v0 =	vld [tilespmem:s17+$0x6B0];
	_ =	sdelay $0x4  }
0x106: {  	[tilespmem:s16+$0xFFFFFFC0] =	vst v0  }
0x107: {  	[tilespmem:s16+$0xFFFFFF40] =	vst v0  }
0x108: {  	s18 =	simm.s32 $0x200;
	s19 =	simm.s32 $0x53F0;
	[tilespmem:s16+$0xFFFFFD40] =	vst v0  }
.LBB2_15:
0x109: {  	p2 =	sne.s32 s18, $0x1800  }
0x10a: {  	[tilespmem:s16+$0xFFFFFEC0] =	vst v0;
	s19 =	sadd.s32 $0x400, s19;
	s20 =	smov.u32 s18;
	s18 =	sadd.s32 $0x200, s18  }
0x10b: {  	[tilespmem:s16+$0xFFFFFDC0] =	vst v0  }
0x10c: {  	[tilespmem:s16+$0xFFFFFCC0] =	vst v0  }
0x10d: {  	[tilespmem:s16+$0xFFFFFE40] =	vst v0  }
0x10e: {  	[tilespmem:s16+$0xFFFFFC40] =	vst v0  }
0x10f: {  	v0 =	vld [tilespmem:s17+$0x6C0];
	_ =	sdelay $0x4  }
0x110: {  	[tilespmem:s16+$0xFFFFFFD0] =	vst v0  }
0x111: {  	[tilespmem:s16+$0xFFFFFF50] =	vst v0  }
0x112: {  	[tilespmem:s16+$0xFFFFFD50] =	vst v0  }
0x113: {  	[tilespmem:s16+$0xFFFFFCD0] =	vst v0  }
0x114: {  	[tilespmem:s16+$0xFFFFFDD0] =	vst v0  }
0x115: {  	[tilespmem:s16+$0xFFFFFED0] =	vst v0  }
0x116: {  	[tilespmem:s16+$0xFFFFFC50] =	vst v0  }
0x117: {  	[tilespmem:s16+$0xFFFFFE50] =	vst v0  }
0x118: {  	v0 =	vld [tilespmem:s17+$0x6D0];
	_ =	sdelay $0x4  }
0x119: {  	[tilespmem:s16+$0xFFFFFFE0] =	vst v0  }
0x11a: {  	[tilespmem:s16+$0xFFFFFEE0] =	vst v0  }
0x11b: {  	[tilespmem:s16+$0xFFFFFF60] =	vst v0  }
0x11c: {  	[tilespmem:s16+$0xFFFFFD60] =	vst v0  }
0x11d: {  	[tilespmem:s16+$0xFFFFFE60] =	vst v0  }
0x11e: {  	[tilespmem:s16+$0xFFFFFDE0] =	vst v0  }
0x11f: {  	[tilespmem:s16+$0xFFFFFCE0] =	vst v0  }
0x120: {  	[tilespmem:s16+$0xFFFFFC60] =	vst v0  }
0x121: {  	v0 =	vld [tilespmem:s17+$0x6E0];
	_ =	sdelay $0x4  }
0x122: {  	[tilespmem:s16+$0xFFFFFFF0] =	vst v0  }
0x123: {  	[tilespmem:s16+$0xFFFFFF70] =	vst v0  }
0x124: {  	[tilespmem:s16+$0xFFFFFEF0] =	vst v0  }
0x125: {  	[tilespmem:s16+$0xFFFFFE70] =	vst v0  }
0x126: {  	[tilespmem:s16+$0xFFFFFCF0] =	vst v0  }
0x127: {  	[tilespmem:s16+$0xFFFFFD70] =	vst v0  }
0x128: {  	[tilespmem:s16+$0xFFFFFC70] =	vst v0  }
0x129: {  	[tilespmem:s16+$0xFFFFFDF0] =	vst v0  }
0x12a: {  	v0 =	vld [tilespmem:s17+$0x6F0];
	_ =	sdelay $0x4  }
0x12b: {  	[tilespmem:s16+$0xFFFFFC80] =	vst v0  }
0x12c: {  	[tilespmem:s16+$0xFFFFFD80] =	vst v0  }
0x12d: {  	[tilespmem:s16+$0x0] =	vst v0  }
0x12e: {  	[tilespmem:s16+$0xFFFFFE80] =	vst v0  }
0x12f: {  	[tilespmem:s16+$0xFFFFFF00] =	vst v0  }
0x130: {  	[tilespmem:s16+$0xFFFFFD00] =	vst v0  }
0x131: {  	[tilespmem:s16+$0xFFFFFF80] =	vst v0  }
0x132: {  	s17 =	sshra.s32 s20, $0x2;
	[tilespmem:s16+$0xFFFFFE00] =	vst v0;
	s16 =	smov.u32 s19  }
0x133: {  	v0 =	vld [tilespmem:s17+$0x680];
	_ =	sdelay $0x4  }
0x134: {  	[tilespmem:s19+$0xFFFFFF90] =	vst v0  }
0x135: {  	[tilespmem:s19+$0xFFFFFF10] =	vst v0  }
0x136: {  	[tilespmem:s19+$0xFFFFFE90] =	vst v0  }
0x137: {  	[tilespmem:s19+$0xFFFFFE10] =	vst v0  }
0x138: {  	[tilespmem:s19+$0xFFFFFD90] =	vst v0  }
0x139: {  	[tilespmem:s19+$0xFFFFFD10] =	vst v0  }
0x13a: {  	[tilespmem:s19+$0xFFFFFC10] =	vst v0  }
0x13b: {  	[tilespmem:s19+$0xFFFFFC90] =	vst v0  }
0x13c: {  	v0 =	vld [tilespmem:s17+$0x690];
	_ =	sdelay $0x4  }
0x13d: {  	[tilespmem:s19+$0xFFFFFFA0] =	vst v0  }
0x13e: {  	[tilespmem:s19+$0xFFFFFF20] =	vst v0  }
0x13f: {  	[tilespmem:s19+$0xFFFFFCA0] =	vst v0  }
0x140: {  	[tilespmem:s19+$0xFFFFFEA0] =	vst v0  }
0x141: {  	[tilespmem:s19+$0xFFFFFE20] =	vst v0  }
0x142: {  	[tilespmem:s19+$0xFFFFFD20] =	vst v0  }
0x143: {  	[tilespmem:s19+$0xFFFFFDA0] =	vst v0  }
0x144: {  	[tilespmem:s19+$0xFFFFFC20] =	vst v0  }
0x145: {  	v0 =	vld [tilespmem:s17+$0x6A0];
	_ =	sdelay $0x4  }
0x146: {  	[tilespmem:s19+$0xFFFFFFB0] =	vst v0  }
0x147: {  	[tilespmem:s19+$0xFFFFFF30] =	vst v0  }
0x148: {  	[tilespmem:s19+$0xFFFFFCB0] =	vst v0  }
0x149: {  	[tilespmem:s19+$0xFFFFFD30] =	vst v0  }
0x14a: {  	[tilespmem:s19+$0xFFFFFDB0] =	vst v0  }
0x14b: {  	[tilespmem:s19+$0xFFFFFEB0] =	vst v0  }
0x14c: {  	[tilespmem:s19+$0xFFFFFC30] =	vst v0  }
0x14d: {  	[tilespmem:s19+$0xFFFFFE30] =	vst v0  }
0x14e: {  	v0 =	vld [tilespmem:s17+$0x6B0];
	_ =	sdelay $0x2  }
.Ltmp4:
0x14f: {  	(pc) =	sbr.rel @p2 .LBB2_15-.Ltmp4, $4  }
0x150: {  	_ = 	snop  }
0x151: {  	[tilespmem:s19+$0xFFFFFFC0] =	vst v0  }
0x152: {  	[tilespmem:s19+$0xFFFFFF40] =	vst v0  }
0x153: {  	[tilespmem:s19+$0xFFFFFD40] =	vst v0  }
0x154: {  	[tilespmem:s16+$0xFFFFFEC0] =	vst v0  }
0x155: {  	[tilespmem:s16+$0xFFFFFDC0] =	vst v0  }
0x156: {  	[tilespmem:s16+$0xFFFFFCC0] =	vst v0  }
0x157: {  	[tilespmem:s16+$0xFFFFFE40] =	vst v0  }
0x158: {  	[tilespmem:s16+$0xFFFFFC40] =	vst v0  }
0x159: {  	v0 =	vld [tilespmem:s17+$0x6C0];
	_ =	sdelay $0x4  }
0x15a: {  	[tilespmem:s16+$0xFFFFFFD0] =	vst v0  }
0x15b: {  	[tilespmem:s16+$0xFFFFFF50] =	vst v0  }
0x15c: {  	[tilespmem:s16+$0xFFFFFD50] =	vst v0  }
0x15d: {  	[tilespmem:s16+$0xFFFFFCD0] =	vst v0  }
0x15e: {  	[tilespmem:s16+$0xFFFFFDD0] =	vst v0  }
0x15f: {  	[tilespmem:s16+$0xFFFFFED0] =	vst v0  }
0x160: {  	[tilespmem:s16+$0xFFFFFC50] =	vst v0  }
0x161: {  	[tilespmem:s16+$0xFFFFFE50] =	vst v0  }
0x162: {  	v0 =	vld [tilespmem:s17+$0x6D0];
	_ =	sdelay $0x4  }
0x163: {  	[tilespmem:s16+$0xFFFFFFE0] =	vst v0  }
0x164: {  	[tilespmem:s16+$0xFFFFFEE0] =	vst v0  }
0x165: {  	[tilespmem:s16+$0xFFFFFF60] =	vst v0  }
0x166: {  	[tilespmem:s16+$0xFFFFFD60] =	vst v0  }
0x167: {  	[tilespmem:s16+$0xFFFFFE60] =	vst v0  }
0x168: {  	[tilespmem:s16+$0xFFFFFDE0] =	vst v0  }
0x169: {  	[tilespmem:s16+$0xFFFFFCE0] =	vst v0  }
0x16a: {  	[tilespmem:s16+$0xFFFFFC60] =	vst v0  }
0x16b: {  	v0 =	vld [tilespmem:s17+$0x6E0];
	_ =	sdelay $0x4  }
0x16c: {  	[tilespmem:s16+$0xFFFFFFF0] =	vst v0  }
0x16d: {  	[tilespmem:s16+$0xFFFFFF70] =	vst v0  }
0x16e: {  	[tilespmem:s16+$0xFFFFFEF0] =	vst v0  }
0x16f: {  	[tilespmem:s16+$0xFFFFFE70] =	vst v0  }
0x170: {  	[tilespmem:s16+$0xFFFFFCF0] =	vst v0  }
0x171: {  	[tilespmem:s16+$0xFFFFFD70] =	vst v0  }
0x172: {  	[tilespmem:s16+$0xFFFFFC70] =	vst v0  }
0x173: {  	[tilespmem:s16+$0xFFFFFDF0] =	vst v0  }
0x174: {  	v0 =	vld [tilespmem:s17+$0x6F0];
	_ =	sdelay $0x4  }
0x175: {  	[tilespmem:s16+$0xFFFFFC80] =	vst v0  }
0x176: {  	[tilespmem:s16+$0xFFFFFD80] =	vst v0  }
0x177: {  	[tilespmem:s16+$0x0] =	vst v0  }
0x178: {  	[tilespmem:s16+$0xFFFFFE80] =	vst v0  }
0x179: {  	[tilespmem:s16+$0xFFFFFF00] =	vst v0  }
0x17a: {  	[tilespmem:s16+$0xFFFFFD00] =	vst v0  }
0x17b: {  	[tilespmem:s16+$0xFFFFFF80] =	vst v0  }
0x17c: {  	s18 =	rddreg [dreg:$0xb];
	[tilespmem:s16+$0xFFFFFE00] =	vst v0  }
0x17d: {  	[hbm4b:s18+s8] =	stream.strided.scatter [tilespmem:s11], [sflag:$0x2], $0x3400, s9, s8, $0x38;
	[tilespmem:$0xE400] =	vst v63  }
0x17e: {  	s19 =	rddreg [dreg:$0xc]  }
0x17f: {  	[hbm4b:s19+s8] =	stream.strided.scatter [tilespmem:s11], [sflag:$0x2], $0x3400, s9, s8, $0x38;
	[tilespmem:$0xE400] =	vst v63  }
0x180: {  	s20 =	rddreg [dreg:$0xd];
	s17 =	simm.s32 @!p1 $0x19000  }
0x181: {  	[hbm4b:s20+s8] =	stream.strided.scatter [tilespmem:s11], [sflag:$0x2], $0x3400, s9, s8, $0x38;
	[tilespmem:$0xE400] =	vst v63  }
0x182: {  	s16 =	simm.s32 @!p1 $0x400;
	s18 =	simm.s32 @!p1 $0x5000;
	s19 =	rddreg [dreg:$0xe]  }
0x183: {  	[hbm4b:s19+s16] =	stream.strided.scatter @!p1 [tilespmem:s18], [sflag:$0x2], $0x3400, s17, s16, $0x38;
	[tilespmem:$0xE400] =	vst v63  }
0x184: {  	s16 =	simm.s32 @!p1 $0x2  }
0x185: {  	_ =	swait.ge @!p1 [sflag:s16], $0x3400  }
0x186: {  	[sflag:s16] =	ssyncset.done @!p1 $0x0  }
0x187: {  	s17 =	simm.s32 $0xD70;
	[sflag:s16] =	ssyncadd.s32 @!p1 $0xFFFFCC00  }
0x188: {  	v0 =	vld [tilespmem:s17+$0xFFFFFF90];
	_ =	sdelay $0x3  }
0x189: {  	s16 =	simm.s32 $0x0  }
0x18a: {  	[tilespmem:s16+$0x8780] =	vst v0  }
0x18b: {  	[tilespmem:s16+$0x8700] =	vst v0  }
0x18c: {  	[tilespmem:s16+$0x8680] =	vst v0  }
0x18d: {  	[tilespmem:s16+$0x8600] =	vst v0  }
0x18e: {  	[tilespmem:s16+$0x8580] =	vst v0  }
0x18f: {  	[tilespmem:s16+$0x8500] =	vst v0  }
0x190: {  	[tilespmem:s16+$0x8400] =	vst v0  }
0x191: {  	[tilespmem:s16+$0x8480] =	vst v0  }
0x192: {  	v0 =	vld [tilespmem:s17+$0xFFFFFFA0];
	_ =	sdelay $0x4  }
0x193: {  	[tilespmem:s16+$0x8790] =	vst v0  }
0x194: {  	[tilespmem:s16+$0x8710] =	vst v0  }
0x195: {  	[tilespmem:s16+$0x8510] =	vst v0  }
0x196: {  	[tilespmem:s16+$0x8490] =	vst v0  }
0x197: {  	[tilespmem:s16+$0x8610] =	vst v0  }
0x198: {  	[tilespmem:s16+$0x8590] =	vst v0  }
0x199: {  	[tilespmem:s16+$0x8690] =	vst v0  }
0x19a: {  	[tilespmem:s16+$0x8410] =	vst v0  }
0x19b: {  	v0 =	vld [tilespmem:s17+$0xFFFFFFB0];
	_ =	sdelay $0x4  }
0x19c: {  	[tilespmem:s16+$0x87A0] =	vst v0  }
0x19d: {  	[tilespmem:s16+$0x8720] =	vst v0  }
0x19e: {  	[tilespmem:s16+$0x8520] =	vst v0  }
0x19f: {  	[tilespmem:s16+$0x85A0] =	vst v0  }
0x1a0: {  	[tilespmem:s16+$0x8620] =	vst v0  }
0x1a1: {  	[tilespmem:s16+$0x84A0] =	vst v0  }
0x1a2: {  	[tilespmem:s16+$0x86A0] =	vst v0  }
0x1a3: {  	[tilespmem:s16+$0x8420] =	vst v0  }
0x1a4: {  	v0 =	vld [tilespmem:s17+$0xFFFFFFC0];
	_ =	sdelay $0x4  }
0x1a5: {  	[tilespmem:s16+$0x8730] =	vst v0  }
0x1a6: {  	[tilespmem:s16+$0x87B0] =	vst v0  }
0x1a7: {  	s19 =	simm.s32 $0x1000;
	s18 =	simm.s32 $0xD70;
	[tilespmem:s16+$0x86B0] =	vst v0  }
.LBB2_17:
0x1a8: {  	p2 =	sne.s32 s19, $0xB000  }
0x1a9: {  	[tilespmem:s16+$0x8630] =	vst v0;
	s17 =	sadd.s32 $0x80, s17;
	s20 =	smov.u32 s19;
	s19 =	sadd.s32 $0x1000, s19  }
0x1aa: {  	[tilespmem:s16+$0x84B0] =	vst v0  }
0x1ab: {  	[tilespmem:s16+$0x8530] =	vst v0  }
0x1ac: {  	[tilespmem:s16+$0x85B0] =	vst v0  }
0x1ad: {  	[tilespmem:s16+$0x8430] =	vst v0  }
0x1ae: {  	v0 =	vld [tilespmem:s18+$0xFFFFFFD0];
	_ =	sdelay $0x4  }
0x1af: {  	[tilespmem:s16+$0x87C0] =	vst v0  }
0x1b0: {  	[tilespmem:s16+$0x8740] =	vst v0  }
0x1b1: {  	[tilespmem:s16+$0x86C0] =	vst v0  }
0x1b2: {  	[tilespmem:s16+$0x8640] =	vst v0  }
0x1b3: {  	[tilespmem:s16+$0x8540] =	vst v0  }
0x1b4: {  	[tilespmem:s16+$0x85C0] =	vst v0  }
0x1b5: {  	[tilespmem:s16+$0x8440] =	vst v0  }
0x1b6: {  	[tilespmem:s16+$0x84C0] =	vst v0  }
0x1b7: {  	v0 =	vld [tilespmem:s18+$0xFFFFFFE0];
	_ =	sdelay $0x4  }
0x1b8: {  	[tilespmem:s16+$0x87D0] =	vst v0  }
0x1b9: {  	[tilespmem:s16+$0x8750] =	vst v0  }
0x1ba: {  	[tilespmem:s16+$0x85D0] =	vst v0  }
0x1bb: {  	[tilespmem:s16+$0x84D0] =	vst v0  }
0x1bc: {  	[tilespmem:s16+$0x8550] =	vst v0  }
0x1bd: {  	[tilespmem:s16+$0x86D0] =	vst v0  }
0x1be: {  	[tilespmem:s16+$0x8650] =	vst v0  }
0x1bf: {  	[tilespmem:s16+$0x8450] =	vst v0  }
0x1c0: {  	v0 =	vld [tilespmem:s18+$0xFFFFFFF0];
	_ =	sdelay $0x4  }
0x1c1: {  	[tilespmem:s16+$0x87E0] =	vst v0  }
0x1c2: {  	[tilespmem:s16+$0x84E0] =	vst v0  }
0x1c3: {  	[tilespmem:s16+$0x8560] =	vst v0  }
0x1c4: {  	[tilespmem:s16+$0x8760] =	vst v0  }
0x1c5: {  	[tilespmem:s16+$0x86E0] =	vst v0  }
0x1c6: {  	[tilespmem:s16+$0x85E0] =	vst v0  }
0x1c7: {  	[tilespmem:s16+$0x8660] =	vst v0  }
0x1c8: {  	[tilespmem:s16+$0x8460] =	vst v0  }
0x1c9: {  	v0 =	vld [tilespmem:s18+$0x0];
	s18 =	smov.u32 s17;
	_ =	sdelay $0x4  }
0x1ca: {  	[tilespmem:s16+$0x8470] =	vst v0  }
0x1cb: {  	[tilespmem:s16+$0x8570] =	vst v0  }
0x1cc: {  	[tilespmem:s16+$0x87F0] =	vst v0  }
0x1cd: {  	[tilespmem:s16+$0x8770] =	vst v0  }
0x1ce: {  	[tilespmem:s16+$0x8670] =	vst v0  }
0x1cf: {  	[tilespmem:s16+$0x86F0] =	vst v0  }
0x1d0: {  	[tilespmem:s16+$0x84F0] =	vst v0  }
0x1d1: {  	[tilespmem:s16+$0x85F0] =	vst v0  }
0x1d2: {  	v0 =	vld [tilespmem:s17+$0xFFFFFF90];
	_ =	sdelay $0x3  }
0x1d3: {  	s16 =	sshra.s32 s20, $0x2  }
0x1d4: {  	[tilespmem:s16+$0x8780] =	vst v0  }
0x1d5: {  	[tilespmem:s16+$0x8700] =	vst v0  }
0x1d6: {  	[tilespmem:s16+$0x8680] =	vst v0  }
0x1d7: {  	[tilespmem:s16+$0x8600] =	vst v0  }
0x1d8: {  	[tilespmem:s16+$0x8580] =	vst v0  }
0x1d9: {  	[tilespmem:s16+$0x8500] =	vst v0  }
0x1da: {  	[tilespmem:s16+$0x8400] =	vst v0  }
0x1db: {  	[tilespmem:s16+$0x8480] =	vst v0  }
0x1dc: {  	v0 =	vld [tilespmem:s17+$0xFFFFFFA0];
	_ =	sdelay $0x4  }
0x1dd: {  	[tilespmem:s16+$0x8790] =	vst v0  }
0x1de: {  	[tilespmem:s16+$0x8710] =	vst v0  }
0x1df: {  	[tilespmem:s16+$0x8510] =	vst v0  }
0x1e0: {  	[tilespmem:s16+$0x8490] =	vst v0  }
0x1e1: {  	[tilespmem:s16+$0x8610] =	vst v0  }
0x1e2: {  	[tilespmem:s16+$0x8590] =	vst v0  }
0x1e3: {  	[tilespmem:s16+$0x8690] =	vst v0  }
0x1e4: {  	[tilespmem:s16+$0x8410] =	vst v0  }
0x1e5: {  	v0 =	vld [tilespmem:s17+$0xFFFFFFB0];
	_ =	sdelay $0x4  }
0x1e6: {  	[tilespmem:s16+$0x87A0] =	vst v0  }
0x1e7: {  	[tilespmem:s16+$0x8720] =	vst v0  }
0x1e8: {  	[tilespmem:s16+$0x8520] =	vst v0  }
0x1e9: {  	[tilespmem:s16+$0x85A0] =	vst v0  }
0x1ea: {  	[tilespmem:s16+$0x8620] =	vst v0  }
0x1eb: {  	[tilespmem:s16+$0x84A0] =	vst v0  }
0x1ec: {  	[tilespmem:s16+$0x86A0] =	vst v0  }
0x1ed: {  	[tilespmem:s16+$0x8420] =	vst v0  }
0x1ee: {  	v0 =	vld [tilespmem:s17+$0xFFFFFFC0];
	_ =	sdelay $0x2  }
.Ltmp5:
0x1ef: {  	(pc) =	sbr.rel @p2 .LBB2_17-.Ltmp5, $4  }
0x1f0: {  	_ = 	snop  }
0x1f1: {  	[tilespmem:s16+$0x8730] =	vst v0  }
0x1f2: {  	[tilespmem:s16+$0x87B0] =	vst v0  }
0x1f3: {  	[tilespmem:s16+$0x86B0] =	vst v0  }
0x1f4: {  	[tilespmem:s16+$0x8630] =	vst v0  }
0x1f5: {  	[tilespmem:s16+$0x84B0] =	vst v0  }
0x1f6: {  	[tilespmem:s16+$0x8530] =	vst v0  }
0x1f7: {  	[tilespmem:s16+$0x85B0] =	vst v0  }
0x1f8: {  	[tilespmem:s16+$0x8430] =	vst v0  }
0x1f9: {  	v0 =	vld [tilespmem:s18+$0xFFFFFFD0];
	_ =	sdelay $0x4  }
0x1fa: {  	[tilespmem:s16+$0x87C0] =	vst v0  }
0x1fb: {  	[tilespmem:s16+$0x8740] =	vst v0  }
0x1fc: {  	[tilespmem:s16+$0x86C0] =	vst v0  }
0x1fd: {  	[tilespmem:s16+$0x8640] =	vst v0  }
0x1fe: {  	[tilespmem:s16+$0x8540] =	vst v0  }
0x1ff: {  	[tilespmem:s16+$0x85C0] =	vst v0  }
0x200: {  	[tilespmem:s16+$0x8440] =	vst v0  }
0x201: {  	[tilespmem:s16+$0x84C0] =	vst v0  }
0x202: {  	v0 =	vld [tilespmem:s18+$0xFFFFFFE0];
	_ =	sdelay $0x4  }
0x203: {  	[tilespmem:s16+$0x87D0] =	vst v0  }
0x204: {  	[tilespmem:s16+$0x8750] =	vst v0  }
0x205: {  	[tilespmem:s16+$0x85D0] =	vst v0  }
0x206: {  	[tilespmem:s16+$0x84D0] =	vst v0  }
0x207: {  	[tilespmem:s16+$0x8550] =	vst v0  }
0x208: {  	[tilespmem:s16+$0x86D0] =	vst v0  }
0x209: {  	[tilespmem:s16+$0x8650] =	vst v0  }
0x20a: {  	[tilespmem:s16+$0x8450] =	vst v0  }
0x20b: {  	v0 =	vld [tilespmem:s18+$0xFFFFFFF0];
	_ =	sdelay $0x4  }
0x20c: {  	[tilespmem:s16+$0x87E0] =	vst v0  }
0x20d: {  	[tilespmem:s16+$0x84E0] =	vst v0  }
0x20e: {  	[tilespmem:s16+$0x8560] =	vst v0  }
0x20f: {  	[tilespmem:s16+$0x8760] =	vst v0  }
0x210: {  	[tilespmem:s16+$0x86E0] =	vst v0  }
0x211: {  	[tilespmem:s16+$0x85E0] =	vst v0  }
0x212: {  	[tilespmem:s16+$0x8660] =	vst v0  }
0x213: {  	[tilespmem:s16+$0x8460] =	vst v0  }
0x214: {  	v0 =	vld [tilespmem:s18+$0x0];
	_ =	sdelay $0x4  }
0x215: {  	[tilespmem:s16+$0x8470] =	vst v0  }
0x216: {  	[tilespmem:s16+$0x8570] =	vst v0  }
0x217: {  	[tilespmem:s16+$0x87F0] =	vst v0  }
0x218: {  	[tilespmem:s16+$0x8770] =	vst v0  }
0x219: {  	[tilespmem:s16+$0x8670] =	vst v0  }
0x21a: {  	[tilespmem:s16+$0x86F0] =	vst v0  }
0x21b: {  	[tilespmem:s16+$0x84F0] =	vst v0  }
0x21c: {  	s18 =	rddreg [dreg:$0xf];
	[tilespmem:s16+$0x85F0] =	vst v0  }
0x21d: {  	[hbm4b:s18+s8] =	stream.strided.scatter [tilespmem:s12], [sflag:$0x2], $0x3000, s9, s8, $0x38;
	[tilespmem:$0xE400] =	vst v63  }
0x21e: {  	s19 =	rddreg [dreg:$0x10]  }
0x21f: {  	[hbm4b:s19+s8] =	stream.strided.scatter [tilespmem:s12], [sflag:$0x2], $0x3000, s9, s8, $0x38;
	[tilespmem:$0xE400] =	vst v63  }
0x220: {  	s20 =	rddreg [dreg:$0x11];
	s17 =	simm.s32 @!p1 $0x19000  }
0x221: {  	[hbm4b:s20+s8] =	stream.strided.scatter [tilespmem:s12], [sflag:$0x2], $0x3000, s9, s8, $0x38;
	[tilespmem:$0xE400] =	vst v63  }
0x222: {  	s16 =	simm.s32 @!p1 $0x400;
	s18 =	simm.s32 @!p1 $0x8400;
	s19 =	rddreg [dreg:$0x12]  }
0x223: {  	[hbm4b:s19+s16] =	stream.strided.scatter @!p1 [tilespmem:s18], [sflag:$0x2], $0x3000, s17, s16, $0x38;
	[tilespmem:$0xE400] =	vst v63  }
0x224: {  	s16 =	simm.s32 @!p1 $0x2  }
0x225: {  	_ =	swait.ge @!p1 [sflag:s16], $0x3000  }
0x226: {  	[sflag:s16] =	ssyncset.done @!p1 $0x0  }
0x227: {  	s17 =	simm.s32 $0x1370;
	[sflag:s16] =	ssyncadd.s32 @!p1 $0xFFFFD000  }
0x228: {  	v0 =	vld [tilespmem:s17+$0xFFFFFF90];
	_ =	sdelay $0x3  }
0x229: {  	s16 =	simm.s32 $0x0  }
0x22a: {  	[tilespmem:s16+$0xB780] =	vst v0  }
0x22b: {  	[tilespmem:s16+$0xB700] =	vst v0  }
0x22c: {  	[tilespmem:s16+$0xB680] =	vst v0  }
0x22d: {  	[tilespmem:s16+$0xB600] =	vst v0  }
0x22e: {  	[tilespmem:s16+$0xB580] =	vst v0  }
0x22f: {  	[tilespmem:s16+$0xB500] =	vst v0  }
0x230: {  	[tilespmem:s16+$0xB400] =	vst v0  }
0x231: {  	[tilespmem:s16+$0xB480] =	vst v0  }
0x232: {  	v0 =	vld [tilespmem:s17+$0xFFFFFFA0];
	_ =	sdelay $0x4  }
0x233: {  	[tilespmem:s16+$0xB790] =	vst v0  }
0x234: {  	[tilespmem:s16+$0xB710] =	vst v0  }
0x235: {  	[tilespmem:s16+$0xB510] =	vst v0  }
0x236: {  	[tilespmem:s16+$0xB490] =	vst v0  }
0x237: {  	[tilespmem:s16+$0xB610] =	vst v0  }
0x238: {  	[tilespmem:s16+$0xB590] =	vst v0  }
0x239: {  	[tilespmem:s16+$0xB690] =	vst v0  }
0x23a: {  	[tilespmem:s16+$0xB410] =	vst v0  }
0x23b: {  	v0 =	vld [tilespmem:s17+$0xFFFFFFB0];
	_ =	sdelay $0x4  }
0x23c: {  	[tilespmem:s16+$0xB7A0] =	vst v0  }
0x23d: {  	[tilespmem:s16+$0xB720] =	vst v0  }
0x23e: {  	[tilespmem:s16+$0xB520] =	vst v0  }
0x23f: {  	[tilespmem:s16+$0xB5A0] =	vst v0  }
0x240: {  	[tilespmem:s16+$0xB620] =	vst v0  }
0x241: {  	[tilespmem:s16+$0xB4A0] =	vst v0  }
0x242: {  	[tilespmem:s16+$0xB6A0] =	vst v0  }
0x243: {  	[tilespmem:s16+$0xB420] =	vst v0  }
0x244: {  	v0 =	vld [tilespmem:s17+$0xFFFFFFC0];
	_ =	sdelay $0x4  }
0x245: {  	[tilespmem:s16+$0xB730] =	vst v0  }
0x246: {  	[tilespmem:s16+$0xB7B0] =	vst v0  }
0x247: {  	s19 =	simm.s32 $0x1000;
	s18 =	simm.s32 $0x1370;
	[tilespmem:s16+$0xB6B0] =	vst v0  }
.LBB2_19:
0x248: {  	p2 =	sne.s32 s19, $0xB000  }
0x249: {  	[tilespmem:s16+$0xB630] =	vst v0;
	s17 =	sadd.s32 $0x80, s17;
	s20 =	smov.u32 s19;
	s19 =	sadd.s32 $0x1000, s19  }
0x24a: {  	[tilespmem:s16+$0xB4B0] =	vst v0  }
0x24b: {  	[tilespmem:s16+$0xB530] =	vst v0  }
0x24c: {  	[tilespmem:s16+$0xB5B0] =	vst v0  }
0x24d: {  	[tilespmem:s16+$0xB430] =	vst v0  }
0x24e: {  	v0 =	vld [tilespmem:s18+$0xFFFFFFD0];
	_ =	sdelay $0x4  }
0x24f: {  	[tilespmem:s16+$0xB7C0] =	vst v0  }
0x250: {  	[tilespmem:s16+$0xB740] =	vst v0  }
0x251: {  	[tilespmem:s16+$0xB6C0] =	vst v0  }
0x252: {  	[tilespmem:s16+$0xB640] =	vst v0  }
0x253: {  	[tilespmem:s16+$0xB540] =	vst v0  }
0x254: {  	[tilespmem:s16+$0xB5C0] =	vst v0  }
0x255: {  	[tilespmem:s16+$0xB440] =	vst v0  }
0x256: {  	[tilespmem:s16+$0xB4C0] =	vst v0  }
0x257: {  	v0 =	vld [tilespmem:s18+$0xFFFFFFE0];
	_ =	sdelay $0x4  }
0x258: {  	[tilespmem:s16+$0xB7D0] =	vst v0  }
0x259: {  	[tilespmem:s16+$0xB750] =	vst v0  }
0x25a: {  	[tilespmem:s16+$0xB5D0] =	vst v0  }
0x25b: {  	[tilespmem:s16+$0xB4D0] =	vst v0  }
0x25c: {  	[tilespmem:s16+$0xB550] =	vst v0  }
0x25d: {  	[tilespmem:s16+$0xB6D0] =	vst v0  }
0x25e: {  	[tilespmem:s16+$0xB650] =	vst v0  }
0x25f: {  	[tilespmem:s16+$0xB450] =	vst v0  }
0x260: {  	v0 =	vld [tilespmem:s18+$0xFFFFFFF0];
	_ =	sdelay $0x4  }
0x261: {  	[tilespmem:s16+$0xB7E0] =	vst v0  }
0x262: {  	[tilespmem:s16+$0xB4E0] =	vst v0  }
0x263: {  	[tilespmem:s16+$0xB560] =	vst v0  }
0x264: {  	[tilespmem:s16+$0xB760] =	vst v0  }
0x265: {  	[tilespmem:s16+$0xB6E0] =	vst v0  }
0x266: {  	[tilespmem:s16+$0xB5E0] =	vst v0  }
0x267: {  	[tilespmem:s16+$0xB660] =	vst v0  }
0x268: {  	[tilespmem:s16+$0xB460] =	vst v0  }
0x269: {  	v0 =	vld [tilespmem:s18+$0x0];
	s18 =	smov.u32 s17;
	_ =	sdelay $0x4  }
0x26a: {  	[tilespmem:s16+$0xB470] =	vst v0  }
0x26b: {  	[tilespmem:s16+$0xB570] =	vst v0  }
0x26c: {  	[tilespmem:s16+$0xB7F0] =	vst v0  }
0x26d: {  	[tilespmem:s16+$0xB770] =	vst v0  }
0x26e: {  	[tilespmem:s16+$0xB670] =	vst v0  }
0x26f: {  	[tilespmem:s16+$0xB6F0] =	vst v0  }
0x270: {  	[tilespmem:s16+$0xB4F0] =	vst v0  }
0x271: {  	[tilespmem:s16+$0xB5F0] =	vst v0  }
0x272: {  	v0 =	vld [tilespmem:s17+$0xFFFFFF90];
	_ =	sdelay $0x3  }
0x273: {  	s16 =	sshra.s32 s20, $0x2  }
0x274: {  	[tilespmem:s16+$0xB780] =	vst v0  }
0x275: {  	[tilespmem:s16+$0xB700] =	vst v0  }
0x276: {  	[tilespmem:s16+$0xB680] =	vst v0  }
0x277: {  	[tilespmem:s16+$0xB600] =	vst v0  }
0x278: {  	[tilespmem:s16+$0xB580] =	vst v0  }
0x279: {  	[tilespmem:s16+$0xB500] =	vst v0  }
0x27a: {  	[tilespmem:s16+$0xB400] =	vst v0  }
0x27b: {  	[tilespmem:s16+$0xB480] =	vst v0  }
0x27c: {  	v0 =	vld [tilespmem:s17+$0xFFFFFFA0];
	_ =	sdelay $0x4  }
0x27d: {  	[tilespmem:s16+$0xB790] =	vst v0  }
0x27e: {  	[tilespmem:s16+$0xB710] =	vst v0  }
0x27f: {  	[tilespmem:s16+$0xB510] =	vst v0  }
0x280: {  	[tilespmem:s16+$0xB490] =	vst v0  }
0x281: {  	[tilespmem:s16+$0xB610] =	vst v0  }
0x282: {  	[tilespmem:s16+$0xB590] =	vst v0  }
0x283: {  	[tilespmem:s16+$0xB690] =	vst v0  }
0x284: {  	[tilespmem:s16+$0xB410] =	vst v0  }
0x285: {  	v0 =	vld [tilespmem:s17+$0xFFFFFFB0];
	_ =	sdelay $0x4  }
0x286: {  	[tilespmem:s16+$0xB7A0] =	vst v0  }
0x287: {  	[tilespmem:s16+$0xB720] =	vst v0  }
0x288: {  	[tilespmem:s16+$0xB520] =	vst v0  }
0x289: {  	[tilespmem:s16+$0xB5A0] =	vst v0  }
0x28a: {  	[tilespmem:s16+$0xB620] =	vst v0  }
0x28b: {  	[tilespmem:s16+$0xB4A0] =	vst v0  }
0x28c: {  	[tilespmem:s16+$0xB6A0] =	vst v0  }
0x28d: {  	[tilespmem:s16+$0xB420] =	vst v0  }
0x28e: {  	v0 =	vld [tilespmem:s17+$0xFFFFFFC0];
	_ =	sdelay $0x2  }
.Ltmp6:
0x28f: {  	(pc) =	sbr.rel @p2 .LBB2_19-.Ltmp6, $4  }
0x290: {  	_ = 	snop  }
0x291: {  	[tilespmem:s16+$0xB730] =	vst v0  }
0x292: {  	[tilespmem:s16+$0xB7B0] =	vst v0  }
0x293: {  	[tilespmem:s16+$0xB6B0] =	vst v0  }
0x294: {  	[tilespmem:s16+$0xB630] =	vst v0  }
0x295: {  	[tilespmem:s16+$0xB4B0] =	vst v0  }
0x296: {  	[tilespmem:s16+$0xB530] =	vst v0  }
0x297: {  	[tilespmem:s16+$0xB5B0] =	vst v0  }
0x298: {  	[tilespmem:s16+$0xB430] =	vst v0  }
0x299: {  	v0 =	vld [tilespmem:s18+$0xFFFFFFD0];
	_ =	sdelay $0x4  }
0x29a: {  	[tilespmem:s16+$0xB7C0] =	vst v0  }
0x29b: {  	[tilespmem:s16+$0xB740] =	vst v0  }
0x29c: {  	[tilespmem:s16+$0xB6C0] =	vst v0  }
0x29d: {  	[tilespmem:s16+$0xB640] =	vst v0  }
0x29e: {  	[tilespmem:s16+$0xB540] =	vst v0  }
0x29f: {  	[tilespmem:s16+$0xB5C0] =	vst v0  }
0x2a0: {  	[tilespmem:s16+$0xB440] =	vst v0  }
0x2a1: {  	[tilespmem:s16+$0xB4C0] =	vst v0  }
0x2a2: {  	v0 =	vld [tilespmem:s18+$0xFFFFFFE0];
	_ =	sdelay $0x4  }
0x2a3: {  	[tilespmem:s16+$0xB7D0] =	vst v0  }
0x2a4: {  	[tilespmem:s16+$0xB750] =	vst v0  }
0x2a5: {  	[tilespmem:s16+$0xB5D0] =	vst v0  }
0x2a6: {  	[tilespmem:s16+$0xB4D0] =	vst v0  }
0x2a7: {  	[tilespmem:s16+$0xB550] =	vst v0  }
0x2a8: {  	[tilespmem:s16+$0xB6D0] =	vst v0  }
0x2a9: {  	[tilespmem:s16+$0xB650] =	vst v0  }
0x2aa: {  	[tilespmem:s16+$0xB450] =	vst v0  }
0x2ab: {  	v0 =	vld [tilespmem:s18+$0xFFFFFFF0];
	_ =	sdelay $0x4  }
0x2ac: {  	[tilespmem:s16+$0xB7E0] =	vst v0  }
0x2ad: {  	[tilespmem:s16+$0xB4E0] =	vst v0  }
0x2ae: {  	[tilespmem:s16+$0xB560] =	vst v0  }
0x2af: {  	[tilespmem:s16+$0xB760] =	vst v0  }
0x2b0: {  	[tilespmem:s16+$0xB6E0] =	vst v0  }
0x2b1: {  	[tilespmem:s16+$0xB5E0] =	vst v0  }
0x2b2: {  	[tilespmem:s16+$0xB660] =	vst v0  }
0x2b3: {  	[tilespmem:s16+$0xB460] =	vst v0  }
0x2b4: {  	v0 =	vld [tilespmem:s18+$0x0];
	_ =	sdelay $0x4  }
0x2b5: {  	[tilespmem:s16+$0xB470] =	vst v0  }
0x2b6: {  	[tilespmem:s16+$0xB570] =	vst v0  }
0x2b7: {  	[tilespmem:s16+$0xB7F0] =	vst v0  }
0x2b8: {  	[tilespmem:s16+$0xB770] =	vst v0  }
0x2b9: {  	[tilespmem:s16+$0xB670] =	vst v0  }
0x2ba: {  	[tilespmem:s16+$0xB6F0] =	vst v0  }
0x2bb: {  	[tilespmem:s16+$0xB4F0] =	vst v0  }
0x2bc: {  	[tilespmem:s16+$0xB5F0] =	vst v0  }
0x2bd: {  	[hbm4b:s21+s8] =	stream.strided.scatter [tilespmem:s13], [sflag:$0x2], $0x3000, s9, s8, $0x38;
	[tilespmem:$0xE400] =	vst v63  }
.Ltmp7:
0x2be: {  	_ = 	snop;
	(pc) =	sbr.rel @p1 .LBB2_23-.Ltmp7, $4  }
0x2bf: {  	_ = 	snop  }
0x2c0: {  	[hbm4b:s22+s8] =	stream.strided.scatter [tilespmem:s13], [sflag:$0x2], $0x3000, s9, s8, $0x38;
	[tilespmem:$0xE400] =	vst v63  }
0x2c1: {  	_ = 	snop  }
0x2c2: {  	[hbm4b:s23+s8] =	stream.strided.scatter [tilespmem:s13], [sflag:$0x2], $0x3000, s9, s8, $0x38;
	[tilespmem:$0xE400] =	vst v63  }
.Ltmp8:
0x2c3: {  	(pc) =	sbr.rel .LBB2_22-.Ltmp8, $3  }
0x2c4: {  	_ =	sdelay $0x1  }
0x2c5: {  	s16 =	rddreg [dreg:$0x13]  }
0x2c6: {  	[hbm4b:s16+s8] =	stream.strided.scatter [tilespmem:s13], [sflag:$0x2], $0x3000, s9, s8, $0x38;
	[tilespmem:$0xE400] =	vst v63  }
.LBB2_2:
0x2c7: {  	s17 =	rddreg [dreg:$0x0]  }
0x2c8: {  	[tilespmem:s16], [sflag:$0x1] =	stream.linear.gather [hbm4b:s17+s16], $0x1900, $0x38;
	[tilespmem:$0xE400] =	vst v63  }
0x2c9: {  	_ =	swait.ge [sflag:s7], $0x1900  }
0x2ca: {  	[sflag:s7] =	ssyncset.done $0x0  }
0x2cb: {  	s17 =	simm.s32 $0x0;
	[sflag:s7] =	ssyncadd.s32 $0xFFFFE700  }
0x2cc: {  	v0 =	vld [tilespmem:s17+$0x0];
	_ =	sdelay $0x3  }
0x2cd: {  	s16 =	simm.s32 $0x1E00  }
0x2ce: {  	[tilespmem:s16+$0x180] =	vst v0  }
0x2cf: {  	[tilespmem:s16+$0x100] =	vst v0  }
0x2d0: {  	[tilespmem:s16+$0x80] =	vst v0  }
0x2d1: {  	[tilespmem:s16+$0x0] =	vst v0  }
0x2d2: {  	[tilespmem:s16+$0xFFFFFF80] =	vst v0  }
0x2d3: {  	[tilespmem:s16+$0xFFFFFF00] =	vst v0  }
0x2d4: {  	[tilespmem:s16+$0xFFFFFE00] =	vst v0  }
0x2d5: {  	[tilespmem:s16+$0xFFFFFE80] =	vst v0  }
0x2d6: {  	v0 =	vld [tilespmem:s17+$0x10];
	_ =	sdelay $0x4  }
0x2d7: {  	[tilespmem:s16+$0x190] =	vst v0  }
0x2d8: {  	[tilespmem:s16+$0x110] =	vst v0  }
0x2d9: {  	[tilespmem:s16+$0xFFFFFE90] =	vst v0  }
0x2da: {  	[tilespmem:s16+$0x90] =	vst v0  }
0x2db: {  	[tilespmem:s16+$0x10] =	vst v0  }
0x2dc: {  	[tilespmem:s16+$0xFFFFFF10] =	vst v0  }
0x2dd: {  	[tilespmem:s16+$0xFFFFFF90] =	vst v0  }
0x2de: {  	[tilespmem:s16+$0xFFFFFE10] =	vst v0  }
0x2df: {  	v0 =	vld [tilespmem:s17+$0x20];
	_ =	sdelay $0x4  }
0x2e0: {  	[tilespmem:s16+$0x1A0] =	vst v0  }
0x2e1: {  	[tilespmem:s16+$0x120] =	vst v0  }
0x2e2: {  	[tilespmem:s16+$0xFFFFFEA0] =	vst v0  }
0x2e3: {  	[tilespmem:s16+$0xFFFFFF20] =	vst v0  }
0x2e4: {  	[tilespmem:s16+$0xFFFFFFA0] =	vst v0  }
0x2e5: {  	[tilespmem:s16+$0xA0] =	vst v0  }
0x2e6: {  	[tilespmem:s16+$0xFFFFFE20] =	vst v0  }
0x2e7: {  	[tilespmem:s16+$0x20] =	vst v0  }
0x2e8: {  	v0 =	vld [tilespmem:s17+$0x30];
	_ =	sdelay $0x4  }
0x2e9: {  	[tilespmem:s16+$0x1B0] =	vst v0  }
0x2ea: {  	[tilespmem:s16+$0x130] =	vst v0  }
0x2eb: {  	s18 =	simm.s32 $0x200;
	s19 =	simm.s32 $0x1E00;
	[tilespmem:s16+$0xFFFFFF30] =	vst v0  }
.LBB2_3:
0x2ec: {  	p2 =	sne.s32 s18, $0x1800  }
0x2ed: {  	[tilespmem:s16+$0xB0] =	vst v0;
	s19 =	sadd.s32 $0x400, s19;
	s20 =	smov.u32 s18;
	s18 =	sadd.s32 $0x200, s18  }
0x2ee: {  	[tilespmem:s16+$0xFFFFFFB0] =	vst v0  }
0x2ef: {  	[tilespmem:s16+$0xFFFFFEB0] =	vst v0  }
0x2f0: {  	[tilespmem:s16+$0x30] =	vst v0  }
0x2f1: {  	[tilespmem:s16+$0xFFFFFE30] =	vst v0  }
0x2f2: {  	v0 =	vld [tilespmem:s17+$0x40];
	_ =	sdelay $0x4  }
0x2f3: {  	[tilespmem:s16+$0x1C0] =	vst v0  }
0x2f4: {  	[tilespmem:s16+$0x140] =	vst v0  }
0x2f5: {  	[tilespmem:s16+$0xFFFFFF40] =	vst v0  }
0x2f6: {  	[tilespmem:s16+$0xFFFFFEC0] =	vst v0  }
0x2f7: {  	[tilespmem:s16+$0xFFFFFFC0] =	vst v0  }
0x2f8: {  	[tilespmem:s16+$0xC0] =	vst v0  }
0x2f9: {  	[tilespmem:s16+$0xFFFFFE40] =	vst v0  }
0x2fa: {  	[tilespmem:s16+$0x40] =	vst v0  }
0x2fb: {  	v0 =	vld [tilespmem:s17+$0x50];
	_ =	sdelay $0x4  }
0x2fc: {  	[tilespmem:s16+$0x1D0] =	vst v0  }
0x2fd: {  	[tilespmem:s16+$0xD0] =	vst v0  }
0x2fe: {  	[tilespmem:s16+$0x150] =	vst v0  }
0x2ff: {  	[tilespmem:s16+$0xFFFFFF50] =	vst v0  }
0x300: {  	[tilespmem:s16+$0x50] =	vst v0  }
0x301: {  	[tilespmem:s16+$0xFFFFFFD0] =	vst v0  }
0x302: {  	[tilespmem:s16+$0xFFFFFED0] =	vst v0  }
0x303: {  	[tilespmem:s16+$0xFFFFFE50] =	vst v0  }
0x304: {  	v0 =	vld [tilespmem:s17+$0x60];
	_ =	sdelay $0x4  }
0x305: {  	[tilespmem:s16+$0x1E0] =	vst v0  }
0x306: {  	[tilespmem:s16+$0x160] =	vst v0  }
0x307: {  	[tilespmem:s16+$0xE0] =	vst v0  }
0x308: {  	[tilespmem:s16+$0x60] =	vst v0  }
0x309: {  	[tilespmem:s16+$0xFFFFFEE0] =	vst v0  }
0x30a: {  	[tilespmem:s16+$0xFFFFFF60] =	vst v0  }
0x30b: {  	[tilespmem:s16+$0xFFFFFE60] =	vst v0  }
0x30c: {  	[tilespmem:s16+$0xFFFFFFE0] =	vst v0  }
0x30d: {  	v0 =	vld [tilespmem:s17+$0x70];
	_ =	sdelay $0x4  }
0x30e: {  	[tilespmem:s16+$0xFFFFFE70] =	vst v0  }
0x30f: {  	[tilespmem:s16+$0xFFFFFF70] =	vst v0  }
0x310: {  	[tilespmem:s16+$0x1F0] =	vst v0  }
0x311: {  	[tilespmem:s16+$0x70] =	vst v0  }
0x312: {  	[tilespmem:s16+$0xF0] =	vst v0  }
0x313: {  	[tilespmem:s16+$0xFFFFFEF0] =	vst v0  }
0x314: {  	[tilespmem:s16+$0x170] =	vst v0  }
0x315: {  	s17 =	sshra.s32 s20, $0x2;
	[tilespmem:s16+$0xFFFFFFF0] =	vst v0;
	s16 =	smov.u32 s19  }
0x316: {  	v0 =	vld [tilespmem:s17+$0x0];
	_ =	sdelay $0x4  }
0x317: {  	[tilespmem:s19+$0x180] =	vst v0  }
0x318: {  	[tilespmem:s19+$0x100] =	vst v0  }
0x319: {  	[tilespmem:s19+$0x80] =	vst v0  }
0x31a: {  	[tilespmem:s19+$0x0] =	vst v0  }
0x31b: {  	[tilespmem:s19+$0xFFFFFF80] =	vst v0  }
0x31c: {  	[tilespmem:s19+$0xFFFFFF00] =	vst v0  }
0x31d: {  	[tilespmem:s19+$0xFFFFFE00] =	vst v0  }
0x31e: {  	[tilespmem:s19+$0xFFFFFE80] =	vst v0  }
0x31f: {  	v0 =	vld [tilespmem:s17+$0x10];
	_ =	sdelay $0x4  }
0x320: {  	[tilespmem:s19+$0x190] =	vst v0  }
0x321: {  	[tilespmem:s19+$0x110] =	vst v0  }
0x322: {  	[tilespmem:s19+$0xFFFFFE90] =	vst v0  }
0x323: {  	[tilespmem:s19+$0x90] =	vst v0  }
0x324: {  	[tilespmem:s19+$0x10] =	vst v0  }
0x325: {  	[tilespmem:s19+$0xFFFFFF10] =	vst v0  }
0x326: {  	[tilespmem:s19+$0xFFFFFF90] =	vst v0  }
0x327: {  	[tilespmem:s19+$0xFFFFFE10] =	vst v0  }
0x328: {  	v0 =	vld [tilespmem:s17+$0x20];
	_ =	sdelay $0x4  }
0x329: {  	[tilespmem:s19+$0x1A0] =	vst v0  }
0x32a: {  	[tilespmem:s19+$0x120] =	vst v0  }
0x32b: {  	[tilespmem:s19+$0xFFFFFEA0] =	vst v0  }
0x32c: {  	[tilespmem:s19+$0xFFFFFF20] =	vst v0  }
0x32d: {  	[tilespmem:s19+$0xFFFFFFA0] =	vst v0  }
0x32e: {  	[tilespmem:s19+$0xA0] =	vst v0  }
0x32f: {  	[tilespmem:s19+$0xFFFFFE20] =	vst v0  }
0x330: {  	[tilespmem:s19+$0x20] =	vst v0  }
0x331: {  	v0 =	vld [tilespmem:s17+$0x30];
	_ =	sdelay $0x2  }
.Ltmp9:
0x332: {  	(pc) =	sbr.rel @p2 .LBB2_3-.Ltmp9, $4  }
0x333: {  	_ = 	snop  }
0x334: {  	[tilespmem:s19+$0x1B0] =	vst v0  }
0x335: {  	[tilespmem:s19+$0x130] =	vst v0  }
0x336: {  	[tilespmem:s19+$0xFFFFFF30] =	vst v0  }
0x337: {  	[tilespmem:s16+$0xB0] =	vst v0  }
0x338: {  	[tilespmem:s16+$0xFFFFFFB0] =	vst v0  }
0x339: {  	[tilespmem:s16+$0xFFFFFEB0] =	vst v0  }
0x33a: {  	[tilespmem:s16+$0x30] =	vst v0  }
0x33b: {  	[tilespmem:s16+$0xFFFFFE30] =	vst v0  }
0x33c: {  	v0 =	vld [tilespmem:s17+$0x40];
	_ =	sdelay $0x4  }
0x33d: {  	[tilespmem:s16+$0x1C0] =	vst v0  }
0x33e: {  	[tilespmem:s16+$0x140] =	vst v0  }
0x33f: {  	[tilespmem:s16+$0xFFFFFF40] =	vst v0  }
0x340: {  	[tilespmem:s16+$0xFFFFFEC0] =	vst v0  }
0x341: {  	[tilespmem:s16+$0xFFFFFFC0] =	vst v0  }
0x342: {  	[tilespmem:s16+$0xC0] =	vst v0  }
0x343: {  	[tilespmem:s16+$0xFFFFFE40] =	vst v0  }
0x344: {  	[tilespmem:s16+$0x40] =	vst v0  }
0x345: {  	v0 =	vld [tilespmem:s17+$0x50];
	_ =	sdelay $0x4  }
0x346: {  	[tilespmem:s16+$0x1D0] =	vst v0  }
0x347: {  	[tilespmem:s16+$0xD0] =	vst v0  }
0x348: {  	[tilespmem:s16+$0x150] =	vst v0  }
0x349: {  	[tilespmem:s16+$0xFFFFFF50] =	vst v0  }
0x34a: {  	[tilespmem:s16+$0x50] =	vst v0  }
0x34b: {  	[tilespmem:s16+$0xFFFFFFD0] =	vst v0  }
0x34c: {  	[tilespmem:s16+$0xFFFFFED0] =	vst v0  }
0x34d: {  	[tilespmem:s16+$0xFFFFFE50] =	vst v0  }
0x34e: {  	v0 =	vld [tilespmem:s17+$0x60];
	_ =	sdelay $0x4  }
0x34f: {  	[tilespmem:s16+$0x1E0] =	vst v0  }
0x350: {  	[tilespmem:s16+$0x160] =	vst v0  }
0x351: {  	[tilespmem:s16+$0xE0] =	vst v0  }
0x352: {  	[tilespmem:s16+$0x60] =	vst v0  }
0x353: {  	[tilespmem:s16+$0xFFFFFEE0] =	vst v0  }
0x354: {  	[tilespmem:s16+$0xFFFFFF60] =	vst v0  }
0x355: {  	[tilespmem:s16+$0xFFFFFE60] =	vst v0  }
0x356: {  	[tilespmem:s16+$0xFFFFFFE0] =	vst v0  }
0x357: {  	v0 =	vld [tilespmem:s17+$0x70];
	_ =	sdelay $0x4  }
0x358: {  	[tilespmem:s16+$0xFFFFFE70] =	vst v0  }
0x359: {  	[tilespmem:s16+$0xFFFFFF70] =	vst v0  }
0x35a: {  	[tilespmem:s16+$0x1F0] =	vst v0  }
0x35b: {  	[tilespmem:s16+$0x70] =	vst v0  }
0x35c: {  	[tilespmem:s16+$0xF0] =	vst v0  }
0x35d: {  	[tilespmem:s16+$0xFFFFFEF0] =	vst v0  }
0x35e: {  	[tilespmem:s16+$0x170] =	vst v0  }
0x35f: {  	[tilespmem:s16+$0xFFFFFFF0] =	vst v0  }
0x360: {  	[hbm4b:s5+s8] =	stream.strided.scatter [tilespmem:s10], [sflag:$0x2], $0x3400, s15, s8, $0x38;
	[tilespmem:$0xE400] =	vst v63  }
0x361: {  	s19 =	rddreg [dreg:$0x4]  }
0x362: {  	[hbm4b:s19+s8] =	stream.strided.scatter [tilespmem:s10], [sflag:$0x2], $0x3400, s15, s8, $0x38;
	[tilespmem:$0xE400] =	vst v63  }
0x363: {  	s20 =	rddreg [dreg:$0x5];
	s18 =	simm.s32 @!p1 $0x1C00  }
0x364: {  	[hbm4b:s20+s8] =	stream.strided.scatter [tilespmem:s10], [sflag:$0x2], $0x3400, s15, s8, $0x38;
	[tilespmem:$0xE400] =	vst v63  }
0x365: {  	s17 =	simm.s32 @!p1 $0x800;
	s16 =	simm.s32 @!p1 $0x400;
	s19 =	rddreg [dreg:$0x6]  }
0x366: {  	[hbm4b:s19+s16] =	stream.strided.scatter @!p1 [tilespmem:s18], [sflag:$0x2], $0x3400, s17, s16, $0x38;
	[tilespmem:$0xE400] =	vst v63  }
0x367: {  	s16 =	simm.s32 @!p1 $0x2  }
0x368: {  	_ =	swait.ge @!p1 [sflag:s16], $0x3400  }
0x369: {  	[sflag:s16] =	ssyncset.done @!p1 $0x0  }
0x36a: {  	s17 =	simm.s32 $0x0;
	[sflag:s16] =	ssyncadd.s32 @!p1 $0xFFFFCC00  }
0x36b: {  	v0 =	vld [tilespmem:s17+$0x680];
	_ =	sdelay $0x3  }
0x36c: {  	s16 =	simm.s32 $0x53F0  }
0x36d: {  	[tilespmem:s16+$0xFFFFFF90] =	vst v0  }
0x36e: {  	[tilespmem:s16+$0xFFFFFF10] =	vst v0  }
0x36f: {  	[tilespmem:s16+$0xFFFFFE90] =	vst v0  }
0x370: {  	[tilespmem:s16+$0xFFFFFE10] =	vst v0  }
0x371: {  	[tilespmem:s16+$0xFFFFFD90] =	vst v0  }
0x372: {  	[tilespmem:s16+$0xFFFFFD10] =	vst v0  }
0x373: {  	[tilespmem:s16+$0xFFFFFC10] =	vst v0  }
0x374: {  	[tilespmem:s16+$0xFFFFFC90] =	vst v0  }
0x375: {  	v0 =	vld [tilespmem:s17+$0x690];
	_ =	sdelay $0x4  }
0x376: {  	[tilespmem:s16+$0xFFFFFFA0] =	vst v0  }
0x377: {  	[tilespmem:s16+$0xFFFFFF20] =	vst v0  }
0x378: {  	[tilespmem:s16+$0xFFFFFCA0] =	vst v0  }
0x379: {  	[tilespmem:s16+$0xFFFFFEA0] =	vst v0  }
0x37a: {  	[tilespmem:s16+$0xFFFFFE20] =	vst v0  }
0x37b: {  	[tilespmem:s16+$0xFFFFFD20] =	vst v0  }
0x37c: {  	[tilespmem:s16+$0xFFFFFDA0] =	vst v0  }
0x37d: {  	[tilespmem:s16+$0xFFFFFC20] =	vst v0  }
0x37e: {  	v0 =	vld [tilespmem:s17+$0x6A0];
	_ =	sdelay $0x4  }
0x37f: {  	[tilespmem:s16+$0xFFFFFFB0] =	vst v0  }
0x380: {  	[tilespmem:s16+$0xFFFFFF30] =	vst v0  }
0x381: {  	[tilespmem:s16+$0xFFFFFCB0] =	vst v0  }
0x382: {  	[tilespmem:s16+$0xFFFFFD30] =	vst v0  }
0x383: {  	[tilespmem:s16+$0xFFFFFDB0] =	vst v0  }
0x384: {  	[tilespmem:s16+$0xFFFFFEB0] =	vst v0  }
0x385: {  	[tilespmem:s16+$0xFFFFFC30] =	vst v0  }
0x386: {  	[tilespmem:s16+$0xFFFFFE30] =	vst v0  }
0x387: {  	v0 =	vld [tilespmem:s17+$0x6B0];
	_ =	sdelay $0x4  }
0x388: {  	[tilespmem:s16+$0xFFFFFFC0] =	vst v0  }
0x389: {  	[tilespmem:s16+$0xFFFFFF40] =	vst v0  }
0x38a: {  	s18 =	simm.s32 $0x200;
	s19 =	simm.s32 $0x53F0;
	[tilespmem:s16+$0xFFFFFD40] =	vst v0  }
.LBB2_5:
0x38b: {  	p2 =	sne.s32 s18, $0x1800  }
0x38c: {  	[tilespmem:s16+$0xFFFFFEC0] =	vst v0;
	s19 =	sadd.s32 $0x400, s19;
	s20 =	smov.u32 s18;
	s18 =	sadd.s32 $0x200, s18  }
0x38d: {  	[tilespmem:s16+$0xFFFFFDC0] =	vst v0  }
0x38e: {  	[tilespmem:s16+$0xFFFFFCC0] =	vst v0  }
0x38f: {  	[tilespmem:s16+$0xFFFFFE40] =	vst v0  }
0x390: {  	[tilespmem:s16+$0xFFFFFC40] =	vst v0  }
0x391: {  	v0 =	vld [tilespmem:s17+$0x6C0];
	_ =	sdelay $0x4  }
0x392: {  	[tilespmem:s16+$0xFFFFFFD0] =	vst v0  }
0x393: {  	[tilespmem:s16+$0xFFFFFF50] =	vst v0  }
0x394: {  	[tilespmem:s16+$0xFFFFFD50] =	vst v0  }
0x395: {  	[tilespmem:s16+$0xFFFFFCD0] =	vst v0  }
0x396: {  	[tilespmem:s16+$0xFFFFFDD0] =	vst v0  }
0x397: {  	[tilespmem:s16+$0xFFFFFED0] =	vst v0  }
0x398: {  	[tilespmem:s16+$0xFFFFFC50] =	vst v0  }
0x399: {  	[tilespmem:s16+$0xFFFFFE50] =	vst v0  }
0x39a: {  	v0 =	vld [tilespmem:s17+$0x6D0];
	_ =	sdelay $0x4  }
0x39b: {  	[tilespmem:s16+$0xFFFFFFE0] =	vst v0  }
0x39c: {  	[tilespmem:s16+$0xFFFFFEE0] =	vst v0  }
0x39d: {  	[tilespmem:s16+$0xFFFFFF60] =	vst v0  }
0x39e: {  	[tilespmem:s16+$0xFFFFFD60] =	vst v0  }
0x39f: {  	[tilespmem:s16+$0xFFFFFE60] =	vst v0  }
0x3a0: {  	[tilespmem:s16+$0xFFFFFDE0] =	vst v0  }
0x3a1: {  	[tilespmem:s16+$0xFFFFFCE0] =	vst v0  }
0x3a2: {  	[tilespmem:s16+$0xFFFFFC60] =	vst v0  }
0x3a3: {  	v0 =	vld [tilespmem:s17+$0x6E0];
	_ =	sdelay $0x4  }
0x3a4: {  	[tilespmem:s16+$0xFFFFFFF0] =	vst v0  }
0x3a5: {  	[tilespmem:s16+$0xFFFFFF70] =	vst v0  }
0x3a6: {  	[tilespmem:s16+$0xFFFFFEF0] =	vst v0  }
0x3a7: {  	[tilespmem:s16+$0xFFFFFE70] =	vst v0  }
0x3a8: {  	[tilespmem:s16+$0xFFFFFCF0] =	vst v0  }
0x3a9: {  	[tilespmem:s16+$0xFFFFFD70] =	vst v0  }
0x3aa: {  	[tilespmem:s16+$0xFFFFFC70] =	vst v0  }
0x3ab: {  	[tilespmem:s16+$0xFFFFFDF0] =	vst v0  }
0x3ac: {  	v0 =	vld [tilespmem:s17+$0x6F0];
	_ =	sdelay $0x4  }
0x3ad: {  	[tilespmem:s16+$0xFFFFFC80] =	vst v0  }
0x3ae: {  	[tilespmem:s16+$0xFFFFFD80] =	vst v0  }
0x3af: {  	[tilespmem:s16+$0x0] =	vst v0  }
0x3b0: {  	[tilespmem:s16+$0xFFFFFE80] =	vst v0  }
0x3b1: {  	[tilespmem:s16+$0xFFFFFF00] =	vst v0  }
0x3b2: {  	[tilespmem:s16+$0xFFFFFD00] =	vst v0  }
0x3b3: {  	[tilespmem:s16+$0xFFFFFF80] =	vst v0  }
0x3b4: {  	s17 =	sshra.s32 s20, $0x2;
	[tilespmem:s16+$0xFFFFFE00] =	vst v0;
	s16 =	smov.u32 s19  }
0x3b5: {  	v0 =	vld [tilespmem:s17+$0x680];
	_ =	sdelay $0x4  }
0x3b6: {  	[tilespmem:s19+$0xFFFFFF90] =	vst v0  }
0x3b7: {  	[tilespmem:s19+$0xFFFFFF10] =	vst v0  }
0x3b8: {  	[tilespmem:s19+$0xFFFFFE90] =	vst v0  }
0x3b9: {  	[tilespmem:s19+$0xFFFFFE10] =	vst v0  }
0x3ba: {  	[tilespmem:s19+$0xFFFFFD90] =	vst v0  }
0x3bb: {  	[tilespmem:s19+$0xFFFFFD10] =	vst v0  }
0x3bc: {  	[tilespmem:s19+$0xFFFFFC10] =	vst v0  }
0x3bd: {  	[tilespmem:s19+$0xFFFFFC90] =	vst v0  }
0x3be: {  	v0 =	vld [tilespmem:s17+$0x690];
	_ =	sdelay $0x4  }
0x3bf: {  	[tilespmem:s19+$0xFFFFFFA0] =	vst v0  }
0x3c0: {  	[tilespmem:s19+$0xFFFFFF20] =	vst v0  }
0x3c1: {  	[tilespmem:s19+$0xFFFFFCA0] =	vst v0  }
0x3c2: {  	[tilespmem:s19+$0xFFFFFEA0] =	vst v0  }
0x3c3: {  	[tilespmem:s19+$0xFFFFFE20] =	vst v0  }
0x3c4: {  	[tilespmem:s19+$0xFFFFFD20] =	vst v0  }
0x3c5: {  	[tilespmem:s19+$0xFFFFFDA0] =	vst v0  }
0x3c6: {  	[tilespmem:s19+$0xFFFFFC20] =	vst v0  }
0x3c7: {  	v0 =	vld [tilespmem:s17+$0x6A0];
	_ =	sdelay $0x4  }
0x3c8: {  	[tilespmem:s19+$0xFFFFFFB0] =	vst v0  }
0x3c9: {  	[tilespmem:s19+$0xFFFFFF30] =	vst v0  }
0x3ca: {  	[tilespmem:s19+$0xFFFFFCB0] =	vst v0  }
0x3cb: {  	[tilespmem:s19+$0xFFFFFD30] =	vst v0  }
0x3cc: {  	[tilespmem:s19+$0xFFFFFDB0] =	vst v0  }
0x3cd: {  	[tilespmem:s19+$0xFFFFFEB0] =	vst v0  }
0x3ce: {  	[tilespmem:s19+$0xFFFFFC30] =	vst v0  }
0x3cf: {  	[tilespmem:s19+$0xFFFFFE30] =	vst v0  }
0x3d0: {  	v0 =	vld [tilespmem:s17+$0x6B0];
	_ =	sdelay $0x2  }
.Ltmp10:
0x3d1: {  	(pc) =	sbr.rel @p2 .LBB2_5-.Ltmp10, $4  }
0x3d2: {  	_ = 	snop  }
0x3d3: {  	[tilespmem:s19+$0xFFFFFFC0] =	vst v0  }
0x3d4: {  	[tilespmem:s19+$0xFFFFFF40] =	vst v0  }
0x3d5: {  	[tilespmem:s19+$0xFFFFFD40] =	vst v0  }
0x3d6: {  	[tilespmem:s16+$0xFFFFFEC0] =	vst v0  }
0x3d7: {  	[tilespmem:s16+$0xFFFFFDC0] =	vst v0  }
0x3d8: {  	[tilespmem:s16+$0xFFFFFCC0] =	vst v0  }
0x3d9: {  	[tilespmem:s16+$0xFFFFFE40] =	vst v0  }
0x3da: {  	[tilespmem:s16+$0xFFFFFC40] =	vst v0  }
0x3db: {  	v0 =	vld [tilespmem:s17+$0x6C0];
	_ =	sdelay $0x4  }
0x3dc: {  	[tilespmem:s16+$0xFFFFFFD0] =	vst v0  }
0x3dd: {  	[tilespmem:s16+$0xFFFFFF50] =	vst v0  }
0x3de: {  	[tilespmem:s16+$0xFFFFFD50] =	vst v0  }
0x3df: {  	[tilespmem:s16+$0xFFFFFCD0] =	vst v0  }
0x3e0: {  	[tilespmem:s16+$0xFFFFFDD0] =	vst v0  }
0x3e1: {  	[tilespmem:s16+$0xFFFFFED0] =	vst v0  }
0x3e2: {  	[tilespmem:s16+$0xFFFFFC50] =	vst v0  }
0x3e3: {  	[tilespmem:s16+$0xFFFFFE50] =	vst v0  }
0x3e4: {  	v0 =	vld [tilespmem:s17+$0x6D0];
	_ =	sdelay $0x4  }
0x3e5: {  	[tilespmem:s16+$0xFFFFFFE0] =	vst v0  }
0x3e6: {  	[tilespmem:s16+$0xFFFFFEE0] =	vst v0  }
0x3e7: {  	[tilespmem:s16+$0xFFFFFF60] =	vst v0  }
0x3e8: {  	[tilespmem:s16+$0xFFFFFD60] =	vst v0  }
0x3e9: {  	[tilespmem:s16+$0xFFFFFE60] =	vst v0  }
0x3ea: {  	[tilespmem:s16+$0xFFFFFDE0] =	vst v0  }
0x3eb: {  	[tilespmem:s16+$0xFFFFFCE0] =	vst v0  }
0x3ec: {  	[tilespmem:s16+$0xFFFFFC60] =	vst v0  }
0x3ed: {  	v0 =	vld [tilespmem:s17+$0x6E0];
	_ =	sdelay $0x4  }
0x3ee: {  	[tilespmem:s16+$0xFFFFFFF0] =	vst v0  }
0x3ef: {  	[tilespmem:s16+$0xFFFFFF70] =	vst v0  }
0x3f0: {  	[tilespmem:s16+$0xFFFFFEF0] =	vst v0  }
0x3f1: {  	[tilespmem:s16+$0xFFFFFE70] =	vst v0  }
0x3f2: {  	[tilespmem:s16+$0xFFFFFCF0] =	vst v0  }
0x3f3: {  	[tilespmem:s16+$0xFFFFFD70] =	vst v0  }
0x3f4: {  	[tilespmem:s16+$0xFFFFFC70] =	vst v0  }
0x3f5: {  	[tilespmem:s16+$0xFFFFFDF0] =	vst v0  }
0x3f6: {  	v0 =	vld [tilespmem:s17+$0x6F0];
	_ =	sdelay $0x4  }
0x3f7: {  	[tilespmem:s16+$0xFFFFFC80] =	vst v0  }
0x3f8: {  	[tilespmem:s16+$0xFFFFFD80] =	vst v0  }
0x3f9: {  	[tilespmem:s16+$0x0] =	vst v0  }
0x3fa: {  	[tilespmem:s16+$0xFFFFFE80] =	vst v0  }
0x3fb: {  	[tilespmem:s16+$0xFFFFFF00] =	vst v0  }
0x3fc: {  	[tilespmem:s16+$0xFFFFFD00] =	vst v0  }
0x3fd: {  	[tilespmem:s16+$0xFFFFFF80] =	vst v0  }
0x3fe: {  	[tilespmem:s16+$0xFFFFFE00] =	vst v0  }
0x3ff: {  	[hbm4b:s26+s8] =	stream.strided.scatter [tilespmem:s11], [sflag:$0x2], $0x3400, s15, s8, $0x38;
	[tilespmem:$0xE400] =	vst v63  }
0x400: {  	_ = 	snop  }
0x401: {  	[hbm4b:s28+s8] =	stream.strided.scatter [tilespmem:s11], [sflag:$0x2], $0x3400, s15, s8, $0x38;
	[tilespmem:$0xE400] =	vst v63  }
0x402: {  	_ = 	snop  }
0x403: {  	[hbm4b:s29+s8] =	stream.strided.scatter [tilespmem:s11], [sflag:$0x2], $0x3400, s15, s8, $0x38;
	[tilespmem:$0xE400] =	vst v63  }
0x404: {  	s18 =	simm.s32 @!p1 $0x5000;
	s17 =	simm.s32 @!p1 $0x800;
	s16 =	simm.s32 @!p1 $0x400  }
0x405: {  	[hbm4b:s30+s16] =	stream.strided.scatter @!p1 [tilespmem:s18], [sflag:$0x2], $0x3400, s17, s16, $0x38;
	[tilespmem:$0xE400] =	vst v63  }
0x406: {  	s16 =	simm.s32 @!p1 $0x2  }
0x407: {  	_ =	swait.ge @!p1 [sflag:s16], $0x3400  }
0x408: {  	[sflag:s16] =	ssyncset.done @!p1 $0x0  }
0x409: {  	s17 =	simm.s32 $0xD70;
	[sflag:s16] =	ssyncadd.s32 @!p1 $0xFFFFCC00  }
0x40a: {  	v0 =	vld [tilespmem:s17+$0xFFFFFF90];
	_ =	sdelay $0x3  }
0x40b: {  	s16 =	simm.s32 $0x0  }
0x40c: {  	[tilespmem:s16+$0x8780] =	vst v0  }
0x40d: {  	[tilespmem:s16+$0x8700] =	vst v0  }
0x40e: {  	[tilespmem:s16+$0x8680] =	vst v0  }
0x40f: {  	[tilespmem:s16+$0x8600] =	vst v0  }
0x410: {  	[tilespmem:s16+$0x8580] =	vst v0  }
0x411: {  	[tilespmem:s16+$0x8500] =	vst v0  }
0x412: {  	[tilespmem:s16+$0x8400] =	vst v0  }
0x413: {  	[tilespmem:s16+$0x8480] =	vst v0  }
0x414: {  	v0 =	vld [tilespmem:s17+$0xFFFFFFA0];
	_ =	sdelay $0x4  }
0x415: {  	[tilespmem:s16+$0x8790] =	vst v0  }
0x416: {  	[tilespmem:s16+$0x8710] =	vst v0  }
0x417: {  	[tilespmem:s16+$0x8510] =	vst v0  }
0x418: {  	[tilespmem:s16+$0x8490] =	vst v0  }
0x419: {  	[tilespmem:s16+$0x8610] =	vst v0  }
0x41a: {  	[tilespmem:s16+$0x8590] =	vst v0  }
0x41b: {  	[tilespmem:s16+$0x8690] =	vst v0  }
0x41c: {  	[tilespmem:s16+$0x8410] =	vst v0  }
0x41d: {  	v0 =	vld [tilespmem:s17+$0xFFFFFFB0];
	_ =	sdelay $0x4  }
0x41e: {  	[tilespmem:s16+$0x87A0] =	vst v0  }
0x41f: {  	[tilespmem:s16+$0x8720] =	vst v0  }
0x420: {  	[tilespmem:s16+$0x8520] =	vst v0  }
0x421: {  	[tilespmem:s16+$0x85A0] =	vst v0  }
0x422: {  	[tilespmem:s16+$0x8620] =	vst v0  }
0x423: {  	[tilespmem:s16+$0x84A0] =	vst v0  }
0x424: {  	[tilespmem:s16+$0x86A0] =	vst v0  }
0x425: {  	[tilespmem:s16+$0x8420] =	vst v0  }
0x426: {  	v0 =	vld [tilespmem:s17+$0xFFFFFFC0];
	_ =	sdelay $0x4  }
0x427: {  	[tilespmem:s16+$0x8730] =	vst v0  }
0x428: {  	[tilespmem:s16+$0x87B0] =	vst v0  }
0x429: {  	s19 =	simm.s32 $0x1000;
	s18 =	simm.s32 $0xD70;
	[tilespmem:s16+$0x86B0] =	vst v0  }
.LBB2_7:
0x42a: {  	p2 =	sne.s32 s19, $0xB000  }
0x42b: {  	[tilespmem:s16+$0x8630] =	vst v0;
	s17 =	sadd.s32 $0x80, s17;
	s20 =	smov.u32 s19;
	s19 =	sadd.s32 $0x1000, s19  }
0x42c: {  	[tilespmem:s16+$0x84B0] =	vst v0  }
0x42d: {  	[tilespmem:s16+$0x8530] =	vst v0  }
0x42e: {  	[tilespmem:s16+$0x85B0] =	vst v0  }
0x42f: {  	[tilespmem:s16+$0x8430] =	vst v0  }
0x430: {  	v0 =	vld [tilespmem:s18+$0xFFFFFFD0];
	_ =	sdelay $0x4  }
0x431: {  	[tilespmem:s16+$0x87C0] =	vst v0  }
0x432: {  	[tilespmem:s16+$0x8740] =	vst v0  }
0x433: {  	[tilespmem:s16+$0x86C0] =	vst v0  }
0x434: {  	[tilespmem:s16+$0x8640] =	vst v0  }
0x435: {  	[tilespmem:s16+$0x8540] =	vst v0  }
0x436: {  	[tilespmem:s16+$0x85C0] =	vst v0  }
0x437: {  	[tilespmem:s16+$0x8440] =	vst v0  }
0x438: {  	[tilespmem:s16+$0x84C0] =	vst v0  }
0x439: {  	v0 =	vld [tilespmem:s18+$0xFFFFFFE0];
	_ =	sdelay $0x4  }
0x43a: {  	[tilespmem:s16+$0x87D0] =	vst v0  }
0x43b: {  	[tilespmem:s16+$0x8750] =	vst v0  }
0x43c: {  	[tilespmem:s16+$0x85D0] =	vst v0  }
0x43d: {  	[tilespmem:s16+$0x84D0] =	vst v0  }
0x43e: {  	[tilespmem:s16+$0x8550] =	vst v0  }
0x43f: {  	[tilespmem:s16+$0x86D0] =	vst v0  }
0x440: {  	[tilespmem:s16+$0x8650] =	vst v0  }
0x441: {  	[tilespmem:s16+$0x8450] =	vst v0  }
0x442: {  	v0 =	vld [tilespmem:s18+$0xFFFFFFF0];
	_ =	sdelay $0x4  }
0x443: {  	[tilespmem:s16+$0x87E0] =	vst v0  }
0x444: {  	[tilespmem:s16+$0x84E0] =	vst v0  }
0x445: {  	[tilespmem:s16+$0x8560] =	vst v0  }
0x446: {  	[tilespmem:s16+$0x8760] =	vst v0  }
0x447: {  	[tilespmem:s16+$0x86E0] =	vst v0  }
0x448: {  	[tilespmem:s16+$0x85E0] =	vst v0  }
0x449: {  	[tilespmem:s16+$0x8660] =	vst v0  }
0x44a: {  	[tilespmem:s16+$0x8460] =	vst v0  }
0x44b: {  	v0 =	vld [tilespmem:s18+$0x0];
	s18 =	smov.u32 s17;
	_ =	sdelay $0x4  }
0x44c: {  	[tilespmem:s16+$0x8470] =	vst v0  }
0x44d: {  	[tilespmem:s16+$0x8570] =	vst v0  }
0x44e: {  	[tilespmem:s16+$0x87F0] =	vst v0  }
0x44f: {  	[tilespmem:s16+$0x8770] =	vst v0  }
0x450: {  	[tilespmem:s16+$0x8670] =	vst v0  }
0x451: {  	[tilespmem:s16+$0x86F0] =	vst v0  }
0x452: {  	[tilespmem:s16+$0x84F0] =	vst v0  }
0x453: {  	[tilespmem:s16+$0x85F0] =	vst v0  }
0x454: {  	v0 =	vld [tilespmem:s17+$0xFFFFFF90];
	_ =	sdelay $0x3  }
0x455: {  	s16 =	sshra.s32 s20, $0x2  }
0x456: {  	[tilespmem:s16+$0x8780] =	vst v0  }
0x457: {  	[tilespmem:s16+$0x8700] =	vst v0  }
0x458: {  	[tilespmem:s16+$0x8680] =	vst v0  }
0x459: {  	[tilespmem:s16+$0x8600] =	vst v0  }
0x45a: {  	[tilespmem:s16+$0x8580] =	vst v0  }
0x45b: {  	[tilespmem:s16+$0x8500] =	vst v0  }
0x45c: {  	[tilespmem:s16+$0x8400] =	vst v0  }
0x45d: {  	[tilespmem:s16+$0x8480] =	vst v0  }
0x45e: {  	v0 =	vld [tilespmem:s17+$0xFFFFFFA0];
	_ =	sdelay $0x4  }
0x45f: {  	[tilespmem:s16+$0x8790] =	vst v0  }
0x460: {  	[tilespmem:s16+$0x8710] =	vst v0  }
0x461: {  	[tilespmem:s16+$0x8510] =	vst v0  }
0x462: {  	[tilespmem:s16+$0x8490] =	vst v0  }
0x463: {  	[tilespmem:s16+$0x8610] =	vst v0  }
0x464: {  	[tilespmem:s16+$0x8590] =	vst v0  }
0x465: {  	[tilespmem:s16+$0x8690] =	vst v0  }
0x466: {  	[tilespmem:s16+$0x8410] =	vst v0  }
0x467: {  	v0 =	vld [tilespmem:s17+$0xFFFFFFB0];
	_ =	sdelay $0x4  }
0x468: {  	[tilespmem:s16+$0x87A0] =	vst v0  }
0x469: {  	[tilespmem:s16+$0x8720] =	vst v0  }
0x46a: {  	[tilespmem:s16+$0x8520] =	vst v0  }
0x46b: {  	[tilespmem:s16+$0x85A0] =	vst v0  }
0x46c: {  	[tilespmem:s16+$0x8620] =	vst v0  }
0x46d: {  	[tilespmem:s16+$0x84A0] =	vst v0  }
0x46e: {  	[tilespmem:s16+$0x86A0] =	vst v0  }
0x46f: {  	[tilespmem:s16+$0x8420] =	vst v0  }
0x470: {  	v0 =	vld [tilespmem:s17+$0xFFFFFFC0];
	_ =	sdelay $0x2  }
.Ltmp11:
0x471: {  	(pc) =	sbr.rel @p2 .LBB2_7-.Ltmp11, $4  }
0x472: {  	_ = 	snop  }
0x473: {  	[tilespmem:s16+$0x8730] =	vst v0  }
0x474: {  	[tilespmem:s16+$0x87B0] =	vst v0  }
0x475: {  	[tilespmem:s16+$0x86B0] =	vst v0  }
0x476: {  	[tilespmem:s16+$0x8630] =	vst v0  }
0x477: {  	[tilespmem:s16+$0x84B0] =	vst v0  }
0x478: {  	[tilespmem:s16+$0x8530] =	vst v0  }
0x479: {  	[tilespmem:s16+$0x85B0] =	vst v0  }
0x47a: {  	[tilespmem:s16+$0x8430] =	vst v0  }
0x47b: {  	v0 =	vld [tilespmem:s18+$0xFFFFFFD0];
	_ =	sdelay $0x4  }
0x47c: {  	[tilespmem:s16+$0x87C0] =	vst v0  }
0x47d: {  	[tilespmem:s16+$0x8740] =	vst v0  }
0x47e: {  	[tilespmem:s16+$0x86C0] =	vst v0  }
0x47f: {  	[tilespmem:s16+$0x8640] =	vst v0  }
0x480: {  	[tilespmem:s16+$0x8540] =	vst v0  }
0x481: {  	[tilespmem:s16+$0x85C0] =	vst v0  }
0x482: {  	[tilespmem:s16+$0x8440] =	vst v0  }
0x483: {  	[tilespmem:s16+$0x84C0] =	vst v0  }
0x484: {  	v0 =	vld [tilespmem:s18+$0xFFFFFFE0];
	_ =	sdelay $0x4  }
0x485: {  	[tilespmem:s16+$0x87D0] =	vst v0  }
0x486: {  	[tilespmem:s16+$0x8750] =	vst v0  }
0x487: {  	[tilespmem:s16+$0x85D0] =	vst v0  }
0x488: {  	[tilespmem:s16+$0x84D0] =	vst v0  }
0x489: {  	[tilespmem:s16+$0x8550] =	vst v0  }
0x48a: {  	[tilespmem:s16+$0x86D0] =	vst v0  }
0x48b: {  	[tilespmem:s16+$0x8650] =	vst v0  }
0x48c: {  	[tilespmem:s16+$0x8450] =	vst v0  }
0x48d: {  	v0 =	vld [tilespmem:s18+$0xFFFFFFF0];
	_ =	sdelay $0x4  }
0x48e: {  	[tilespmem:s16+$0x87E0] =	vst v0  }
0x48f: {  	[tilespmem:s16+$0x84E0] =	vst v0  }
0x490: {  	[tilespmem:s16+$0x8560] =	vst v0  }
0x491: {  	[tilespmem:s16+$0x8760] =	vst v0  }
0x492: {  	[tilespmem:s16+$0x86E0] =	vst v0  }
0x493: {  	[tilespmem:s16+$0x85E0] =	vst v0  }
0x494: {  	[tilespmem:s16+$0x8660] =	vst v0  }
0x495: {  	[tilespmem:s16+$0x8460] =	vst v0  }
0x496: {  	v0 =	vld [tilespmem:s18+$0x0];
	_ =	sdelay $0x4  }
0x497: {  	[tilespmem:s16+$0x8470] =	vst v0  }
0x498: {  	[tilespmem:s16+$0x8570] =	vst v0  }
0x499: {  	[tilespmem:s16+$0x87F0] =	vst v0  }
0x49a: {  	[tilespmem:s16+$0x8770] =	vst v0  }
0x49b: {  	[tilespmem:s16+$0x8670] =	vst v0  }
0x49c: {  	[tilespmem:s16+$0x86F0] =	vst v0  }
0x49d: {  	[tilespmem:s16+$0x84F0] =	vst v0  }
0x49e: {  	[tilespmem:s16+$0x85F0] =	vst v0  }
0x49f: {  	[hbm4b:s31+s8] =	stream.strided.scatter [tilespmem:s12], [sflag:$0x2], $0x3000, s15, s8, $0x38;
	[tilespmem:$0xE400] =	vst v63  }
0x4a0: {  	_ = 	snop  }
0x4a1: {  	[hbm4b:s2+s8] =	stream.strided.scatter [tilespmem:s12], [sflag:$0x2], $0x3000, s15, s8, $0x38;
	[tilespmem:$0xE400] =	vst v63  }
0x4a2: {  	_ = 	snop  }
0x4a3: {  	[hbm4b:s0+s8] =	stream.strided.scatter [tilespmem:s12], [sflag:$0x2], $0x3000, s15, s8, $0x38;
	[tilespmem:$0xE400] =	vst v63  }
0x4a4: {  	s17 =	simm.s32 @!p1 $0x800;
	s18 =	simm.s32 @!p1 $0x8400;
	s16 =	simm.s32 @!p1 $0x400  }
0x4a5: {  	[hbm4b:s1+s16] =	stream.strided.scatter @!p1 [tilespmem:s18], [sflag:$0x2], $0x3000, s17, s16, $0x38;
	[tilespmem:$0xE400] =	vst v63  }
0x4a6: {  	s16 =	simm.s32 @!p1 $0x2  }
0x4a7: {  	_ =	swait.ge @!p1 [sflag:s16], $0x3000  }
0x4a8: {  	[sflag:s16] =	ssyncset.done @!p1 $0x0  }
0x4a9: {  	s17 =	simm.s32 $0x1370;
	[sflag:s16] =	ssyncadd.s32 @!p1 $0xFFFFD000  }
0x4aa: {  	v0 =	vld [tilespmem:s17+$0xFFFFFF90];
	_ =	sdelay $0x3  }
0x4ab: {  	s16 =	simm.s32 $0x0  }
0x4ac: {  	[tilespmem:s16+$0xB780] =	vst v0  }
0x4ad: {  	[tilespmem:s16+$0xB700] =	vst v0  }
0x4ae: {  	[tilespmem:s16+$0xB680] =	vst v0  }
0x4af: {  	[tilespmem:s16+$0xB600] =	vst v0  }
0x4b0: {  	[tilespmem:s16+$0xB580] =	vst v0  }
0x4b1: {  	[tilespmem:s16+$0xB500] =	vst v0  }
0x4b2: {  	[tilespmem:s16+$0xB400] =	vst v0  }
0x4b3: {  	[tilespmem:s16+$0xB480] =	vst v0  }
0x4b4: {  	v0 =	vld [tilespmem:s17+$0xFFFFFFA0];
	_ =	sdelay $0x4  }
0x4b5: {  	[tilespmem:s16+$0xB790] =	vst v0  }
0x4b6: {  	[tilespmem:s16+$0xB710] =	vst v0  }
0x4b7: {  	[tilespmem:s16+$0xB510] =	vst v0  }
0x4b8: {  	[tilespmem:s16+$0xB490] =	vst v0  }
0x4b9: {  	[tilespmem:s16+$0xB610] =	vst v0  }
0x4ba: {  	[tilespmem:s16+$0xB590] =	vst v0  }
0x4bb: {  	[tilespmem:s16+$0xB690] =	vst v0  }
0x4bc: {  	[tilespmem:s16+$0xB410] =	vst v0  }
0x4bd: {  	v0 =	vld [tilespmem:s17+$0xFFFFFFB0];
	_ =	sdelay $0x4  }
0x4be: {  	[tilespmem:s16+$0xB7A0] =	vst v0  }
0x4bf: {  	[tilespmem:s16+$0xB720] =	vst v0  }
0x4c0: {  	[tilespmem:s16+$0xB520] =	vst v0  }
0x4c1: {  	[tilespmem:s16+$0xB5A0] =	vst v0  }
0x4c2: {  	[tilespmem:s16+$0xB620] =	vst v0  }
0x4c3: {  	[tilespmem:s16+$0xB4A0] =	vst v0  }
0x4c4: {  	[tilespmem:s16+$0xB6A0] =	vst v0  }
0x4c5: {  	[tilespmem:s16+$0xB420] =	vst v0  }
0x4c6: {  	v0 =	vld [tilespmem:s17+$0xFFFFFFC0];
	_ =	sdelay $0x4  }
0x4c7: {  	[tilespmem:s16+$0xB730] =	vst v0  }
0x4c8: {  	[tilespmem:s16+$0xB7B0] =	vst v0  }
0x4c9: {  	s19 =	simm.s32 $0x1000;
	s18 =	simm.s32 $0x1370;
	[tilespmem:s16+$0xB6B0] =	vst v0  }
.LBB2_9:
0x4ca: {  	p2 =	sne.s32 s19, $0xB000  }
0x4cb: {  	[tilespmem:s16+$0xB630] =	vst v0;
	s17 =	sadd.s32 $0x80, s17;
	s20 =	smov.u32 s19;
	s19 =	sadd.s32 $0x1000, s19  }
0x4cc: {  	[tilespmem:s16+$0xB4B0] =	vst v0  }
0x4cd: {  	[tilespmem:s16+$0xB530] =	vst v0  }
0x4ce: {  	[tilespmem:s16+$0xB5B0] =	vst v0  }
0x4cf: {  	[tilespmem:s16+$0xB430] =	vst v0  }
0x4d0: {  	v0 =	vld [tilespmem:s18+$0xFFFFFFD0];
	_ =	sdelay $0x4  }
0x4d1: {  	[tilespmem:s16+$0xB7C0] =	vst v0  }
0x4d2: {  	[tilespmem:s16+$0xB740] =	vst v0  }
0x4d3: {  	[tilespmem:s16+$0xB6C0] =	vst v0  }
0x4d4: {  	[tilespmem:s16+$0xB640] =	vst v0  }
0x4d5: {  	[tilespmem:s16+$0xB540] =	vst v0  }
0x4d6: {  	[tilespmem:s16+$0xB5C0] =	vst v0  }
0x4d7: {  	[tilespmem:s16+$0xB440] =	vst v0  }
0x4d8: {  	[tilespmem:s16+$0xB4C0] =	vst v0  }
0x4d9: {  	v0 =	vld [tilespmem:s18+$0xFFFFFFE0];
	_ =	sdelay $0x4  }
0x4da: {  	[tilespmem:s16+$0xB7D0] =	vst v0  }
0x4db: {  	[tilespmem:s16+$0xB750] =	vst v0  }
0x4dc: {  	[tilespmem:s16+$0xB5D0] =	vst v0  }
0x4dd: {  	[tilespmem:s16+$0xB4D0] =	vst v0  }
0x4de: {  	[tilespmem:s16+$0xB550] =	vst v0  }
0x4df: {  	[tilespmem:s16+$0xB6D0] =	vst v0  }
0x4e0: {  	[tilespmem:s16+$0xB650] =	vst v0  }
0x4e1: {  	[tilespmem:s16+$0xB450] =	vst v0  }
0x4e2: {  	v0 =	vld [tilespmem:s18+$0xFFFFFFF0];
	_ =	sdelay $0x4  }
0x4e3: {  	[tilespmem:s16+$0xB7E0] =	vst v0  }
0x4e4: {  	[tilespmem:s16+$0xB4E0] =	vst v0  }
0x4e5: {  	[tilespmem:s16+$0xB560] =	vst v0  }
0x4e6: {  	[tilespmem:s16+$0xB760] =	vst v0  }
0x4e7: {  	[tilespmem:s16+$0xB6E0] =	vst v0  }
0x4e8: {  	[tilespmem:s16+$0xB5E0] =	vst v0  }
0x4e9: {  	[tilespmem:s16+$0xB660] =	vst v0  }
0x4ea: {  	[tilespmem:s16+$0xB460] =	vst v0  }
0x4eb: {  	v0 =	vld [tilespmem:s18+$0x0];
	s18 =	smov.u32 s17;
	_ =	sdelay $0x4  }
0x4ec: {  	[tilespmem:s16+$0xB470] =	vst v0  }
0x4ed: {  	[tilespmem:s16+$0xB570] =	vst v0  }
0x4ee: {  	[tilespmem:s16+$0xB7F0] =	vst v0  }
0x4ef: {  	[tilespmem:s16+$0xB770] =	vst v0  }
0x4f0: {  	[tilespmem:s16+$0xB670] =	vst v0  }
0x4f1: {  	[tilespmem:s16+$0xB6F0] =	vst v0  }
0x4f2: {  	[tilespmem:s16+$0xB4F0] =	vst v0  }
0x4f3: {  	[tilespmem:s16+$0xB5F0] =	vst v0  }
0x4f4: {  	v0 =	vld [tilespmem:s17+$0xFFFFFF90];
	_ =	sdelay $0x3  }
0x4f5: {  	s16 =	sshra.s32 s20, $0x2  }
0x4f6: {  	[tilespmem:s16+$0xB780] =	vst v0  }
0x4f7: {  	[tilespmem:s16+$0xB700] =	vst v0  }
0x4f8: {  	[tilespmem:s16+$0xB680] =	vst v0  }
0x4f9: {  	[tilespmem:s16+$0xB600] =	vst v0  }
0x4fa: {  	[tilespmem:s16+$0xB580] =	vst v0  }
0x4fb: {  	[tilespmem:s16+$0xB500] =	vst v0  }
0x4fc: {  	[tilespmem:s16+$0xB400] =	vst v0  }
0x4fd: {  	[tilespmem:s16+$0xB480] =	vst v0  }
0x4fe: {  	v0 =	vld [tilespmem:s17+$0xFFFFFFA0];
	_ =	sdelay $0x4  }
0x4ff: {  	[tilespmem:s16+$0xB790] =	vst v0  }
0x500: {  	[tilespmem:s16+$0xB710] =	vst v0  }
0x501: {  	[tilespmem:s16+$0xB510] =	vst v0  }
0x502: {  	[tilespmem:s16+$0xB490] =	vst v0  }
0x503: {  	[tilespmem:s16+$0xB610] =	vst v0  }
0x504: {  	[tilespmem:s16+$0xB590] =	vst v0  }
0x505: {  	[tilespmem:s16+$0xB690] =	vst v0  }
0x506: {  	[tilespmem:s16+$0xB410] =	vst v0  }
0x507: {  	v0 =	vld [tilespmem:s17+$0xFFFFFFB0];
	_ =	sdelay $0x4  }
0x508: {  	[tilespmem:s16+$0xB7A0] =	vst v0  }
0x509: {  	[tilespmem:s16+$0xB720] =	vst v0  }
0x50a: {  	[tilespmem:s16+$0xB520] =	vst v0  }
0x50b: {  	[tilespmem:s16+$0xB5A0] =	vst v0  }
0x50c: {  	[tilespmem:s16+$0xB620] =	vst v0  }
0x50d: {  	[tilespmem:s16+$0xB4A0] =	vst v0  }
0x50e: {  	[tilespmem:s16+$0xB6A0] =	vst v0  }
0x50f: {  	[tilespmem:s16+$0xB420] =	vst v0  }
0x510: {  	v0 =	vld [tilespmem:s17+$0xFFFFFFC0];
	_ =	sdelay $0x2  }
.Ltmp12:
0x511: {  	(pc) =	sbr.rel @p2 .LBB2_9-.Ltmp12, $4  }
0x512: {  	_ = 	snop  }
0x513: {  	[tilespmem:s16+$0xB730] =	vst v0  }
0x514: {  	[tilespmem:s16+$0xB7B0] =	vst v0  }
0x515: {  	[tilespmem:s16+$0xB6B0] =	vst v0  }
0x516: {  	[tilespmem:s16+$0xB630] =	vst v0  }
0x517: {  	[tilespmem:s16+$0xB4B0] =	vst v0  }
0x518: {  	[tilespmem:s16+$0xB530] =	vst v0  }
0x519: {  	[tilespmem:s16+$0xB5B0] =	vst v0  }
0x51a: {  	[tilespmem:s16+$0xB430] =	vst v0  }
0x51b: {  	v0 =	vld [tilespmem:s18+$0xFFFFFFD0];
	_ =	sdelay $0x4  }
0x51c: {  	[tilespmem:s16+$0xB7C0] =	vst v0  }
0x51d: {  	[tilespmem:s16+$0xB740] =	vst v0  }
0x51e: {  	[tilespmem:s16+$0xB6C0] =	vst v0  }
0x51f: {  	[tilespmem:s16+$0xB640] =	vst v0  }
0x520: {  	[tilespmem:s16+$0xB540] =	vst v0  }
0x521: {  	[tilespmem:s16+$0xB5C0] =	vst v0  }
0x522: {  	[tilespmem:s16+$0xB440] =	vst v0  }
0x523: {  	[tilespmem:s16+$0xB4C0] =	vst v0  }
0x524: {  	v0 =	vld [tilespmem:s18+$0xFFFFFFE0];
	_ =	sdelay $0x4  }
0x525: {  	[tilespmem:s16+$0xB7D0] =	vst v0  }
0x526: {  	[tilespmem:s16+$0xB750] =	vst v0  }
0x527: {  	[tilespmem:s16+$0xB5D0] =	vst v0  }
0x528: {  	[tilespmem:s16+$0xB4D0] =	vst v0  }
0x529: {  	[tilespmem:s16+$0xB550] =	vst v0  }
0x52a: {  	[tilespmem:s16+$0xB6D0] =	vst v0  }
0x52b: {  	[tilespmem:s16+$0xB650] =	vst v0  }
0x52c: {  	[tilespmem:s16+$0xB450] =	vst v0  }
0x52d: {  	v0 =	vld [tilespmem:s18+$0xFFFFFFF0];
	_ =	sdelay $0x4  }
0x52e: {  	[tilespmem:s16+$0xB7E0] =	vst v0  }
0x52f: {  	[tilespmem:s16+$0xB4E0] =	vst v0  }
0x530: {  	[tilespmem:s16+$0xB560] =	vst v0  }
0x531: {  	[tilespmem:s16+$0xB760] =	vst v0  }
0x532: {  	[tilespmem:s16+$0xB6E0] =	vst v0  }
0x533: {  	[tilespmem:s16+$0xB5E0] =	vst v0  }
0x534: {  	[tilespmem:s16+$0xB660] =	vst v0  }
0x535: {  	[tilespmem:s16+$0xB460] =	vst v0  }
0x536: {  	v0 =	vld [tilespmem:s18+$0x0];
	_ =	sdelay $0x4  }
0x537: {  	[tilespmem:s16+$0xB470] =	vst v0  }
0x538: {  	[tilespmem:s16+$0xB570] =	vst v0  }
0x539: {  	[tilespmem:s16+$0xB7F0] =	vst v0  }
0x53a: {  	[tilespmem:s16+$0xB770] =	vst v0  }
0x53b: {  	[tilespmem:s16+$0xB670] =	vst v0  }
0x53c: {  	[tilespmem:s16+$0xB6F0] =	vst v0  }
0x53d: {  	[tilespmem:s16+$0xB4F0] =	vst v0  }
0x53e: {  	[tilespmem:s16+$0xB5F0] =	vst v0  }
0x53f: {  	[hbm4b:s3+s8] =	stream.strided.scatter [tilespmem:s13], [sflag:$0x2], $0x3000, s15, s8, $0x38;
	[tilespmem:$0xE400] =	vst v63  }
.Ltmp13:
0x540: {  	_ = 	snop;
	(pc) =	sbr.rel @p1 .LBB2_23-.Ltmp13, $4  }
0x541: {  	_ = 	snop  }
0x542: {  	[hbm4b:s24+s8] =	stream.strided.scatter [tilespmem:s13], [sflag:$0x2], $0x3000, s15, s8, $0x38;
	[tilespmem:$0xE400] =	vst v63  }
0x543: {  	_ = 	snop  }
0x544: {  	[hbm4b:s6+s8] =	stream.strided.scatter [tilespmem:s13], [sflag:$0x2], $0x3000, s15, s8, $0x38;
	[tilespmem:$0xE400] =	vst v63  }
.Ltmp14:
0x545: {  	(pc) =	sbr.rel .LBB2_22-.Ltmp14, $3  }
0x546: {  	_ =	sdelay $0x1  }
0x547: {  	s16 =	rddreg [dreg:$0x14]  }
0x548: {  	[hbm4b:s16+s8] =	stream.strided.scatter [tilespmem:s13], [sflag:$0x2], $0x3000, s15, s8, $0x38;
	[tilespmem:$0xE400] =	vst v63  }
.LBB2_24:
0x549: {  	_ =	sfence.sel $0x180000  }
0x54a: {  	[bflag:$0x0] =	sbarrier.arrive $0xFFFF  }
0x54b: {  	_ =	strace $0x90000047  }
0x54c: {  	s0 =	stileid.u32;
	[bflag:$0x2] =	sbarrier.arrive $0xFFFF  }
0x54d: {  	p0 =	sne.s32 s0, $0x0;
	s0 =	rddreg [dreg:$0x3]  }
0x54e: {  	s0 =	sadd.s32 @!p0 $0x100000, s0  }
0x54f: {  	[sflag:s0] =	ssyncadd.tile.s32 @!p0 $0x1;
	_ =	shalt  }
.Lfunc_end2:
_tile_overlayer_lowered:
.L_overlay_start_2:
0x550: {  	(tag) =	ssettag $0x2  }
0x551: {  	s0 =	rddreg [dreg:$0x0];
	s2 =	stileid.u32  }
0x552: {  	s1 =	rddreg [dreg:$0x1];
	p0 =	sne.s32 s2, $0x0  }
0x553: {  	s3 =	rddreg [dreg:$0x2];
	[bflag:$0x3] =	sbarrier.arrive $0xFFFF;
	s2 =	simm.s32 @!p0 $0x1C03  }
0x554: {  	[timem:s3], [sflag:s2] =	dma.local @!p0 [hbm:s0], s1  }
0x555: {  	s0 =	simm.s32 @!p0 $0x3  }
0x556: {  	_ =	swait.ge @!p0 [sflag:s0], s1  }
0x557: {  	s1 =	ssub.s32 @!p0 $0x0, s1;
	[sflag:s0] =	ssyncset.done @!p0 $0x0  }
0x558: {  	[sflag:s0] =	ssyncadd.s32 @!p0 s1  }
0x559: {  	[bflag:$0x3] =	sbarrier.arrive $0xFFFF  }
0x55a: {  	_ =	shalt  }

</sc_bundles>
